<compile_context>
chip_gen: v7x
topology: tpu7x:2x2x1
jax: 0.10.2.dev20260603
libtpu: 0.0.44.dev20260713+nightly
codegen_flags: <defaults>
</compile_context>

<pallas_src>
import functools

import jax
import jax.numpy as jnp
from jax import lax
from jax.experimental import pallas as pl
from jax.experimental.pallas import tpu as pltpu
from jax.experimental.pallas import tpu_sc as plsc

_N = 10000
_E = 320000
_DH = 128
_CW = 16
_NC = 2
_NS = 16
_NW = _NC * _NS
_CHUNK = 80
_NCHUNK = 126
_EPW = _NCHUNK * _CHUNK
_EPAD = _NW * _EPW
_NA = _N + 16
_RPT = _N // _NS


def _sc_agg_body(with_cnt, h_hbm, edges_hbm, zsum_hbm, zcnt_hbm, ones_hbm,
                 sum_out, cnt_out, acc, cnt, idxb, rows0, rows1, rows2,
                 ones_v, g0, g1, g2, s0, s1, s2, r0s, r1s, r2s):
    cid = lax.axis_index("c")
    sid = lax.axis_index("s")
    wid = sid * _NC + cid
    row0 = sid * _RPT
    rows = (rows0, rows1, rows2)
    gsem = (g0, g1, g2)
    ssem = (s0, s1, s2)
    rsem = (r0s, r1s, r2s)
    T = _NCHUNK // 3

    def srow(tb, j):
        return idxb.at[tb, 0, j]

    def drow(tb, j):
        return idxb.at[tb, 1, j]

    def refill_start(t, tb):
        pltpu.make_async_copy(edges_hbm.at[0, wid, pl.ds(3 * t, 3)],
                              idxb.at[tb, 0], rsem[tb]).start()
        pltpu.make_async_copy(edges_hbm.at[1, wid, pl.ds(3 * t, 3)],
                              idxb.at[tb, 1], rsem[tb]).start()

    def refill_wait(t, tb):
        pltpu.make_async_copy(edges_hbm.at[0, wid, pl.ds(3 * t, 3)],
                              idxb.at[tb, 0], rsem[tb]).wait()
        pltpu.make_async_copy(edges_hbm.at[1, wid, pl.ds(3 * t, 3)],
                              idxb.at[tb, 1], rsem[tb]).wait()

    def step(buf, gw_row, sc_row, nx_row, first=False):
        pltpu.make_async_copy(h_hbm.at[gw_row], rows[buf], gsem[buf]).wait()
        pltpu.make_async_copy(rows[buf], acc.at[sc_row],
                              ssem[buf]).start(add=True)
        if with_cnt:
            pltpu.make_async_copy(ones_v, cnt.at[sc_row],
                                  ssem[buf]).start(add=True)
        pbuf = (buf - 1) % 3
        if not first:
            pltpu.make_async_copy(rows[pbuf], acc.at[sc_row],
                                  ssem[pbuf]).wait()
            if with_cnt:
                pltpu.make_async_copy(ones_v, cnt.at[sc_row],
                                      ssem[pbuf]).wait()
        if nx_row is not None:
            pltpu.make_async_copy(h_hbm.at[nx_row], rows[pbuf],
                                  gsem[pbuf]).start()

    pltpu.sync_copy(zsum_hbm.at[pl.ds(row0, _RPT)],
                    acc.at[pl.ds(row0, _RPT)])
    if with_cnt:
        pltpu.sync_copy(zcnt_hbm.at[pl.ds(row0, _RPT)],
                        cnt.at[pl.ds(row0, _RPT)])
        pltpu.sync_copy(ones_hbm, ones_v)
    for a in range(2):
        pltpu.sync_copy(edges_hbm.at[a, wid, pl.ds(0, 3)], idxb.at[0, a])
        pltpu.sync_copy(edges_hbm.at[a, wid, pl.ds(3, 3)], idxb.at[1, a])
    refill_start(2, 2)
    pltpu.async_copy(h_hbm.at[srow(0, 0)], rows0, g0)
    pltpu.async_copy(h_hbm.at[srow(0, 1)], rows1, g1)
    plsc.subcore_barrier()

    step(0, srow(0, 0), drow(0, 0), srow(0, 2), first=True)
    step(1, srow(0, 1), drow(0, 1), srow(1, 0))
    step(2, srow(0, 2), drow(0, 2), srow(1, 1))

    def triple(t, tb):
        nb = (tb + 1) % 3
        fb = (tb + 2) % 3
        refill_wait(t + 1, nb)
        step(0, srow(tb, 0), drow(tb, 0), srow(tb, 2))
        refill_start(t + 2, fb)
        step(1, srow(tb, 1), drow(tb, 1), srow(nb, 0))
        step(2, srow(tb, 2), drow(tb, 2), srow(nb, 1))

    @pl.loop(1, T - 2, step=3)
    def _(t):
        triple(t, 1)
        triple(t + 1, 2)
        triple(t + 2, 0)

    tb = (T - 2) % 3
    nb = (T - 1) % 3
    refill_wait(T - 1, nb)
    step(0, srow(tb, 0), drow(tb, 0), srow(tb, 2))
    step(1, srow(tb, 1), drow(tb, 1), srow(nb, 0))
    step(2, srow(tb, 2), drow(tb, 2), srow(nb, 1))
    step(0, srow(nb, 0), drow(nb, 0), srow(nb, 2))
    step(1, srow(nb, 1), drow(nb, 1), None)
    step(2, srow(nb, 2), drow(nb, 2), None)
    pltpu.make_async_copy(rows2, acc.at[drow(nb, 2)], ssem[2]).wait()
    if with_cnt:
        pltpu.make_async_copy(ones_v, cnt.at[drow(nb, 2)], ssem[2]).wait()

    plsc.subcore_barrier()
    pltpu.sync_copy(acc.at[pl.ds(row0, _RPT)],
                    sum_out.at[cid, pl.ds(row0, _RPT)])
    if with_cnt:
        pltpu.sync_copy(cnt.at[pl.ds(row0, _RPT)],
                        cnt_out.at[cid, pl.ds(row0, _RPT)])


def _sc_aggregate(h, edges, with_cnt):
    mesh = plsc.VectorSubcoreMesh(core_axis_name="c", subcore_axis_name="s")
    zsum = jnp.zeros((_N, _DH), jnp.float32)
    zcnt = jnp.zeros((_N, _CW), jnp.float32)
    ones = jnp.ones((_CHUNK, _CW), jnp.float32)
    k = pl.kernel(
        functools.partial(_sc_agg_body, with_cnt),
        out_type=(jax.ShapeDtypeStruct((_NC, _N, _DH), jnp.float32),
                  jax.ShapeDtypeStruct((_NC, _N, _CW), jnp.float32)),
        mesh=mesh,
        scratch_types=[
            pltpu.VMEM_SHARED((_NA, _DH), jnp.float32),
            pltpu.VMEM_SHARED((_NA, _CW) if with_cnt else (8, _CW),
                              jnp.float32),
            pltpu.VMEM((3, 2, 3, _CHUNK), jnp.int32),
            pltpu.VMEM((_CHUNK, _DH), jnp.float32),
            pltpu.VMEM((_CHUNK, _DH), jnp.float32),
            pltpu.VMEM((_CHUNK, _DH), jnp.float32),
            pltpu.VMEM((_CHUNK, _CW), jnp.float32),
            pltpu.SemaphoreType.DMA,
            pltpu.SemaphoreType.DMA,
            pltpu.SemaphoreType.DMA,
            pltpu.SemaphoreType.DMA,
            pltpu.SemaphoreType.DMA,
            pltpu.SemaphoreType.DMA,
            pltpu.SemaphoreType.DMA,
            pltpu.SemaphoreType.DMA,
            pltpu.SemaphoreType.DMA,
        ],
        compiler_params=pltpu.CompilerParams(use_tc_tiling_on_sc=False),
    )
    return k(h, edges, zsum, zcnt, ones)


def _encode_body(x_ref, wi_ref, bi_ref, q_ref, wq_ref, bq_ref, o_ref):
    q = jnp.dot(q_ref[...], wq_ref[...],
                preferred_element_type=jnp.float32) + bq_ref[...]
    o_ref[...] = jnp.dot(x_ref[...], wi_ref[...],
                         preferred_element_type=jnp.float32) + bi_ref[...] + q


def _norm_residual(h, mean, wl_ref, bl_ref, wr_ref, g_ref, be_ref):
    hout = (jnp.dot(mean, wl_ref[...], preferred_element_type=jnp.float32)
            + bl_ref[...]
            + jnp.dot(h, wr_ref[...], preferred_element_type=jnp.float32))
    m = jnp.mean(hout, axis=-1, keepdims=True)
    d = hout - m
    var = jnp.mean(d * d, axis=-1, keepdims=True)
    y = d * lax.rsqrt(var + 1e-5) * g_ref[...] + be_ref[...]
    return h + y


def _layer0_body(h_ref, s_ref, cn_ref, wl_ref, bl_ref, wr_ref, g_ref,
                 be_ref, o_ref, c_ref):
    cnt = jnp.maximum((cn_ref[0] + cn_ref[1])[:, :1], 1.0)
    mean = (s_ref[0] + s_ref[1]) / cnt
    hn = _norm_residual(h_ref[...], mean, wl_ref, bl_ref, wr_ref, g_ref,
                        be_ref)
    o_ref[...] = jnp.maximum(hn, 0.0)
    c_ref[...] = cnt


def _final_body(h_ref, s_ref, c_ref, wl_ref, bl_ref, wr_ref, g_ref,
                be_ref, watt_ref, batt_ref, o_ref, a_ref):
    mean = (s_ref[0] + s_ref[1]) / c_ref[...]
    hn = _norm_residual(h_ref[...], mean, wl_ref, bl_ref, wr_ref, g_ref,
                        be_ref)
    o_ref[...] = hn
    logits = jnp.dot(hn, watt_ref[...],
                     preferred_element_type=jnp.float32) + batt_ref[...]
    z = logits - jnp.max(logits, axis=0, keepdims=True)
    e = jnp.exp(z)
    a_ref[...] = e / jnp.sum(e, axis=0, keepdims=True)


def kernel(x, edge_index, edge_attr, query_embedding, W_in, b_in, W_q, b_q,
           Wl0, bl0, Wr0, g0, be0, Wl1, bl1, Wr1, g1, be1, W_att, b_att):
    del edge_attr
    f32 = jnp.float32
    i32 = jnp.int32
    sds = jax.ShapeDtypeStruct

    npad = _EPAD - _E
    iota = jnp.arange(npad, dtype=i32)
    pad = jnp.concatenate(
        [(iota * 37 % _N)[None], (_N + iota % (_NA - _N))[None]], axis=0)
    edges = jnp.concatenate([edge_index, pad],
                            axis=1).reshape(2, _NW, _NCHUNK, _CHUNK)

    h0 = pl.pallas_call(
        _encode_body, out_shape=sds((_N, _DH), f32))(
            x, W_in, b_in.reshape(1, _DH), query_embedding.reshape(1, -1),
            W_q, b_q.reshape(1, _DH))

    sums0, cnts = _sc_aggregate(h0, edges, with_cnt=True)

    h1, cnt = pl.pallas_call(
        _layer0_body, out_shape=(sds((_N, _DH), f32), sds((_N, 1), f32)))(
            h0, sums0, cnts, Wl0, bl0.reshape(1, -1), Wr0,
            g0.reshape(1, -1), be0.reshape(1, -1))

    sums1, _ = _sc_aggregate(h1, edges, with_cnt=False)

    h2, attn = pl.pallas_call(
        _final_body, out_shape=(sds((_N, _DH), f32), sds((_N, 1), f32)))(
            h1, sums1, cnt, Wl1, bl1.reshape(1, -1), Wr1,
            g1.reshape(1, -1), be1.reshape(1, -1), W_att,
            b_att.reshape(1, 1))

    return h2, attn.reshape(-1)

# --- scband reference (transcript-rebuilt; emitter-appended) ---
"""Pipeline reference for scband-graph-sageencoder-33285996544640 (READ-ONLY COPY).

The authoritative reference and input builder live on the scoring server;
editing this copy changes nothing except your own understanding.
"""

import jax, jax.numpy as jnp
import numpy as np

N = 10000
E = 320000
DIN = 384
DH = 128
DE = 16


def setup_inputs(seed: int = 0) -> dict:
    key = jax.random.key(seed)
    ks = jax.random.split(key, 24)
    s = 0.05
    inp = {
        "x": jax.random.normal(ks[0], (N, DIN), dtype=jnp.float32),
        "edge_index": jax.random.randint(ks[1], (2, E), 0, N, dtype=jnp.int32),
        "edge_attr": jax.random.normal(ks[2], (E, DE), dtype=jnp.float32),
        "query_embedding": jax.random.normal(ks[3], (DIN,), dtype=jnp.float32),
        "W_in": jax.random.normal(ks[4], (DIN, DH), dtype=jnp.float32) * s,
        "b_in": jnp.zeros((DH,), dtype=jnp.float32),
        "W_q": jax.random.normal(ks[5], (DIN, DH), dtype=jnp.float32) * s,
        "b_q": jnp.zeros((DH,), dtype=jnp.float32),
        "Wl0": jax.random.normal(ks[6], (DH, DH), dtype=jnp.float32) * s,
        "bl0": jnp.zeros((DH,), dtype=jnp.float32),
        "Wr0": jax.random.normal(ks[7], (DH, DH), dtype=jnp.float32) * s,
        "g0": jnp.ones((DH,), dtype=jnp.float32),
        "be0": jnp.zeros((DH,), dtype=jnp.float32),
        "Wl1": jax.random.normal(ks[8], (DH, DH), dtype=jnp.float32) * s,
        "bl1": jnp.zeros((DH,), dtype=jnp.float32),
        "Wr1": jax.random.normal(ks[9], (DH, DH), dtype=jnp.float32) * s,
        "g1": jnp.ones((DH,), dtype=jnp.float32),
        "be1": jnp.zeros((DH,), dtype=jnp.float32),
        "W_att": jax.random.normal(ks[10], (DH, 1), dtype=jnp.float32) * s,
        "b_att": jnp.zeros((1,), dtype=jnp.float32),
    }
    return inp


def _layer_norm(v, g, b):
    m = v.mean(axis=-1, keepdims=True)
    var = v.var(axis=-1, keepdims=True)
    return (v - m) / jnp.sqrt(var + 1e-5) * g + b


def reference(x, edge_index, edge_attr, query_embedding,
              W_in, b_in, W_q, b_q,
              Wl0, bl0, Wr0, g0, be0,
              Wl1, bl1, Wr1, g1, be1,
              W_att, b_att):
    src = edge_index[0]
    dst = edge_index[1]
    h = x @ W_in + b_in
    q = query_embedding.reshape(-1) @ W_q + b_q
    h = h + q[None, :]
    layers = ((Wl0, bl0, Wr0, g0, be0), (Wl1, bl1, Wr1, g1, be1))
    num_layers = len(layers)
    for i, (Wl, bl, Wr, g, b) in enumerate(layers):
        h_in = h
        # SAGEConv mean aggregation: gather messages from src, scatter-mean to dst
        msg = h[src]
        summed = jax.ops.segment_sum(msg, dst, num_segments=N)
        cnt = jax.ops.segment_sum(jnp.ones((E,), dtype=jnp.float32), dst, num_segments=N)
        mean = summed / jnp.clip(cnt, 1.0)[:, None]
        h_out = mean @ Wl + bl + h @ Wr
        # dropout p=0.0 (eval) -> identity
        h_out = _layer_norm(h_out, g, b)
        h = h_in + h_out
        if i < num_layers - 1:
            h = jax.nn.relu(h)
    attention_logits = (h @ W_att + b_att).squeeze(-1)
    attention_weights = jax.nn.softmax(attention_logits, axis=0)
    return (h, attention_weights)

if __name__ == "__main__":
    import jax
    _d = setup_inputs()
    print(jax.jit(kernel)(*tuple(_d.values())))

</pallas_src>

<mosaic_0001>
#map = affine_map<(d0, d1) -> (0, 0)>
#map1 = affine_map<(d0, d1) -> (0, 0, 0, 0)>
#map2 = affine_map<(d0, d1) -> (0, 0, 0)>
module attributes {stable_mosaic.version = 14 : i64} {
  func.func @_sc_agg_body(%arg0: i32, %arg1: i32, %arg2: memref<10000x128xf32, #tpu.memory_space<hbm>>, %arg3: memref<2x32x126x80xi32, #tpu.memory_space<hbm>>, %arg4: memref<10000x128xf32, #tpu.memory_space<hbm>>, %arg5: memref<10000x16xf32, #tpu.memory_space<hbm>>, %arg6: memref<80x16xf32, #tpu.memory_space<hbm>>, %arg7: memref<2x10000x128xf32, #tpu.memory_space<hbm>>, %arg8: memref<2x10000x16xf32, #tpu.memory_space<hbm>>, %arg9: memref<10016x128xf32, #tpu.memory_space<vmem_shared>>, %arg10: memref<8x16xf32, #tpu.memory_space<vmem_shared>>, %arg11: memref<3x2x3x80xi32, #tpu.memory_space<vmem>>, %arg12: memref<80x128xf32, #tpu.memory_space<vmem>>, %arg13: memref<80x128xf32, #tpu.memory_space<vmem>>, %arg14: memref<80x128xf32, #tpu.memory_space<vmem>>, %arg15: memref<80x16xf32, #tpu.memory_space<vmem>>, %arg16: memref<!tpu.dma_semaphore, #tpu.memory_space<semaphore_mem>>, %arg17: memref<!tpu.dma_semaphore, #tpu.memory_space<semaphore_mem>>, %arg18: memref<!tpu.dma_semaphore, #tpu.memory_space<semaphore_mem>>, %arg19: memref<!tpu.dma_semaphore, #tpu.memory_space<semaphore_mem>>, %arg20: memref<!tpu.dma_semaphore, #tpu.memory_space<semaphore_mem>>, %arg21: memref<!tpu.dma_semaphore, #tpu.memory_space<semaphore_mem>>, %arg22: memref<!tpu.dma_semaphore, #tpu.memory_space<semaphore_mem>>, %arg23: memref<!tpu.dma_semaphore, #tpu.memory_space<semaphore_mem>>, %arg24: memref<!tpu.dma_semaphore, #tpu.memory_space<semaphore_mem>>) attributes {dimension_semantics = [#tpu.dimension_semantics<core_parallel>, #tpu.dimension_semantics<subcore_parallel>], iteration_bounds = array<i64: 2, 16>, scalar_prefetch = 0 : i64, scratch_operands = 16 : i64, tpu.core_type = #tpu.core_type<sc_vector_subcore>, window_params = [{transform_indices = #map}, {transform_indices = #map1}, {transform_indices = #map}, {transform_indices = #map}, {transform_indices = #map}, {transform_indices = #map2}, {transform_indices = #map2}]} {
    %mul3A = arith.constant 2 : i32
    %mul3A_0 = arith.muli %arg1, %mul3A : i32
    %add3A = arith.addi %mul3A_0, %arg0 : i32
    %mul3A_1 = arith.constant 625 : i32
    %mul3A_2 = arith.muli %arg1, %mul3A_1 : i32
    "tpu.region"() ({
      %run_scoped3A_417 = tpu.sem_alloc : memref<!tpu.dma_semaphore, #tpu.memory_space<semaphore_mem>>
      %dma_start3A_418 = arith.constant 0 : i32
      %dma_start3A_419 = tpu.memref_slice %arg9[%mul3A_2, %dma_start3A_418] : memref<10016x128xf32, #tpu.memory_space<vmem_shared>> -> memref<625x128xf32, #tpu.memory_space<vmem_shared>>
      %dma_start3A_420 = arith.constant 0 : i32
      %dma_start3A_421 = tpu.memref_slice %arg4[%mul3A_2, %dma_start3A_420] : memref<10000x128xf32, #tpu.memory_space<hbm>> -> memref<625x128xf32, #tpu.memory_space<hbm>>
      tpu.enqueue_dma source(%dma_start3A_421 : memref<625x128xf32, #tpu.memory_space<hbm>>) target(%dma_start3A_419 : memref<625x128xf32, #tpu.memory_space<vmem_shared>>) target_semaphore(%run_scoped3A_417 : memref<!tpu.dma_semaphore, #tpu.memory_space<semaphore_mem>>)
      %dma_wait3A_422 = arith.constant 0 : i32
      %dma_wait3A_423 = tpu.memref_slice %arg9[%mul3A_2, %dma_wait3A_422] : memref<10016x128xf32, #tpu.memory_space<vmem_shared>> -> memref<625x128xf32, #tpu.memory_space<vmem_shared>>
      %dma_wait3A_424 = arith.constant 0 : i32
      %dma_wait3A_425 = tpu.memref_slice %arg4[%mul3A_2, %dma_wait3A_424] : memref<10000x128xf32, #tpu.memory_space<hbm>> -> memref<625x128xf32, #tpu.memory_space<hbm>>
      tpu.wait_dma2 semaphore(%run_scoped3A_417 : memref<!tpu.dma_semaphore, #tpu.memory_space<semaphore_mem>>) src(%dma_wait3A_425 : memref<625x128xf32, #tpu.memory_space<hbm>>) dst(%dma_wait3A_423 : memref<625x128xf32, #tpu.memory_space<vmem_shared>>)
      tpu.yield
    }) : () -> ()
    %run_scoped3A = arith.constant 0 : i32
    %run_scoped3A_3 = arith.constant 0 : i32
    %run_scoped3A_4 = arith.constant 0 : i32
    "tpu.region"() ({
      %run_scoped3A_417 = tpu.sem_alloc : memref<!tpu.dma_semaphore, #tpu.memory_space<semaphore_mem>>
      %dma_start3A_418 = arith.constant 0 : i32
      %dma_start3A_419 = arith.constant 0 : i32
      %dma_start3A_420 = tpu.memref_slice %arg11[%run_scoped3A_3, %run_scoped3A_4, %dma_start3A_418, %dma_start3A_419] : memref<3x2x3x80xi32, #tpu.memory_space<vmem>> -> memref<1x1x3x80xi32, #tpu.memory_space<vmem>>
      %dma_start3A_421 = tpu.memref_squeeze %dma_start3A_420 : memref<1x1x3x80xi32, #tpu.memory_space<vmem>> -> memref<3x80xi32, #tpu.memory_space<vmem>>
      %dma_start3A_422 = arith.constant 0 : i32
      %dma_start3A_423 = arith.constant 0 : i32
      %dma_start3A_424 = tpu.memref_slice %arg3[%run_scoped3A, %add3A, %dma_start3A_422, %dma_start3A_423] : memref<2x32x126x80xi32, #tpu.memory_space<hbm>> -> memref<1x1x3x80xi32, #tpu.memory_space<hbm>>
      %dma_start3A_425 = tpu.memref_squeeze %dma_start3A_424 : memref<1x1x3x80xi32, #tpu.memory_space<hbm>> -> memref<3x80xi32, #tpu.memory_space<hbm>>
      %dma_start3A_426 = arith.constant 0 : i32
      %dma_start3A_427 = arith.constant 0 : i32
      %dma_start3A_428 = tpu.memref_slice %arg11[%run_scoped3A_3, %run_scoped3A_4, %dma_start3A_426, %dma_start3A_427] : memref<3x2x3x80xi32, #tpu.memory_space<vmem>> -> memref<1x1x3x80xi32, #tpu.memory_space<vmem>>
      %dma_start3A_429 = tpu.memref_squeeze %dma_start3A_428 : memref<1x1x3x80xi32, #tpu.memory_space<vmem>> -> memref<3x80xi32, #tpu.memory_space<vmem>>
      %dma_start3A_430 = arith.constant 0 : i32
      %dma_start3A_431 = arith.constant 0 : i32
      %dma_start3A_432 = tpu.memref_slice %arg3[%run_scoped3A, %add3A, %dma_start3A_430, %dma_start3A_431] : memref<2x32x126x80xi32, #tpu.memory_space<hbm>> -> memref<1x1x3x80xi32, #tpu.memory_space<hbm>>
      %dma_start3A_433 = tpu.memref_squeeze %dma_start3A_432 : memref<1x1x3x80xi32, #tpu.memory_space<hbm>> -> memref<3x80xi32, #tpu.memory_space<hbm>>
      tpu.enqueue_dma source(%dma_start3A_433 : memref<3x80xi32, #tpu.memory_space<hbm>>) target(%dma_start3A_429 : memref<3x80xi32, #tpu.memory_space<vmem>>) target_semaphore(%run_scoped3A_417 : memref<!tpu.dma_semaphore, #tpu.memory_space<semaphore_mem>>)
      %dma_wait3A_434 = arith.constant 0 : i32
      %dma_wait3A_435 = arith.constant 0 : i32
      %dma_wait3A_436 = tpu.memref_slice %arg11[%run_scoped3A_3, %run_scoped3A_4, %dma_wait3A_434, %dma_wait3A_435] : memref<3x2x3x80xi32, #tpu.memory_space<vmem>> -> memref<1x1x3x80xi32, #tpu.memory_space<vmem>>
      %dma_wait3A_437 = tpu.memref_squeeze %dma_wait3A_436 : memref<1x1x3x80xi32, #tpu.memory_space<vmem>> -> memref<3x80xi32, #tpu.memory_space<vmem>>
      %dma_wait3A_438 = arith.constant 0 : i32
      %dma_wait3A_439 = arith.constant 0 : i32
      %dma_wait3A_440 = tpu.memref_slice %arg3[%run_scoped3A, %add3A, %dma_wait3A_438, %dma_wait3A_439] : memref<2x32x126x80xi32, #tpu.memory_space<hbm>> -> memref<1x1x3x80xi32, #tpu.memory_space<hbm>>
      %dma_wait3A_441 = tpu.memref_squeeze %dma_wait3A_440 : memref<1x1x3x80xi32, #tpu.memory_space<hbm>> -> memref<3x80xi32, #tpu.memory_space<hbm>>
      %dma_wait3A_442 = arith.constant 0 : i32
      %dma_wait3A_443 = arith.constant 0 : i32
      %dma_wait3A_444 = tpu.memref_slice %arg11[%run_scoped3A_3, %run_scoped3A_4, %dma_wait3A_442, %dma_wait3A_443] : memref<3x2x3x80xi32, #tpu.memory_space<vmem>> -> memref<1x1x3x80xi32, #tpu.memory_space<vmem>>
      %dma_wait3A_445 = tpu.memref_squeeze %dma_wait3A_444 : memref<1x1x3x80xi32, #tpu.memory_space<vmem>> -> memref<3x80xi32, #tpu.memory_space<vmem>>
      %dma_wait3A_446 = arith.constant 0 : i32
      %dma_wait3A_447 = arith.constant 0 : i32
      %dma_wait3A_448 = tpu.memref_slice %arg3[%run_scoped3A, %add3A, %dma_wait3A_446, %dma_wait3A_447] : memref<2x32x126x80xi32, #tpu.memory_space<hbm>> -> memref<1x1x3x80xi32, #tpu.memory_space<hbm>>
      %dma_wait3A_449 = tpu.memref_squeeze %dma_wait3A_448 : memref<1x1x3x80xi32, #tpu.memory_space<hbm>> -> memref<3x80xi32, #tpu.memory_space<hbm>>
      tpu.wait_dma2 semaphore(%run_scoped3A_417 : memref<!tpu.dma_semaphore, #tpu.memory_space<semaphore_mem>>) src(%dma_wait3A_449 : memref<3x80xi32, #tpu.memory_space<hbm>>) dst(%dma_wait3A_445 : memref<3x80xi32, #tpu.memory_space<vmem>>)
      tpu.yield
    }) : () -> ()
    %run_scoped3A_5 = arith.constant 0 : i32
    %run_scoped3A_6 = arith.constant 1 : i32
    %run_scoped3A_7 = arith.constant 0 : i32
    "tpu.region"() ({
      %run_scoped3A_417 = tpu.sem_alloc : memref<!tpu.dma_semaphore, #tpu.memory_space<semaphore_mem>>
      %dma_start3A_418 = arith.constant 0 : i32
      %dma_start3A_419 = arith.constant 0 : i32
      %dma_start3A_420 = tpu.memref_slice %arg11[%run_scoped3A_6, %run_scoped3A_7, %dma_start3A_418, %dma_start3A_419] : memref<3x2x3x80xi32, #tpu.memory_space<vmem>> -> memref<1x1x3x80xi32, #tpu.memory_space<vmem>>
      %dma_start3A_421 = tpu.memref_squeeze %dma_start3A_420 : memref<1x1x3x80xi32, #tpu.memory_space<vmem>> -> memref<3x80xi32, #tpu.memory_space<vmem>>
      %dma_start3A_422 = arith.constant 3 : i32
      %dma_start3A_423 = arith.constant 0 : i32
      %dma_start3A_424 = tpu.memref_slice %arg3[%run_scoped3A_5, %add3A, %dma_start3A_422, %dma_start3A_423] : memref<2x32x126x80xi32, #tpu.memory_space<hbm>> -> memref<1x1x3x80xi32, #tpu.memory_space<hbm>>
      %dma_start3A_425 = tpu.memref_squeeze %dma_start3A_424 : memref<1x1x3x80xi32, #tpu.memory_space<hbm>> -> memref<3x80xi32, #tpu.memory_space<hbm>>
      %dma_start3A_426 = arith.constant 0 : i32
      %dma_start3A_427 = arith.constant 0 : i32
      %dma_start3A_428 = tpu.memref_slice %arg11[%run_scoped3A_6, %run_scoped3A_7, %dma_start3A_426, %dma_start3A_427] : memref<3x2x3x80xi32, #tpu.memory_space<vmem>> -> memref<1x1x3x80xi32, #tpu.memory_space<vmem>>
      %dma_start3A_429 = tpu.memref_squeeze %dma_start3A_428 : memref<1x1x3x80xi32, #tpu.memory_space<vmem>> -> memref<3x80xi32, #tpu.memory_space<vmem>>
      %dma_start3A_430 = arith.constant 3 : i32
      %dma_start3A_431 = arith.constant 0 : i32
      %dma_start3A_432 = tpu.memref_slice %arg3[%run_scoped3A_5, %add3A, %dma_start3A_430, %dma_start3A_431] : memref<2x32x126x80xi32, #tpu.memory_space<hbm>> -> memref<1x1x3x80xi32, #tpu.memory_space<hbm>>
      %dma_start3A_433 = tpu.memref_squeeze %dma_start3A_432 : memref<1x1x3x80xi32, #tpu.memory_space<hbm>> -> memref<3x80xi32, #tpu.memory_space<hbm>>
      tpu.enqueue_dma source(%dma_start3A_433 : memref<3x80xi32, #tpu.memory_space<hbm>>) target(%dma_start3A_429 : memref<3x80xi32, #tpu.memory_space<vmem>>) target_semaphore(%run_scoped3A_417 : memref<!tpu.dma_semaphore, #tpu.memory_space<semaphore_mem>>)
      %dma_wait3A_434 = arith.constant 0 : i32
      %dma_wait3A_435 = arith.constant 0 : i32
      %dma_wait3A_436 = tpu.memref_slice %arg11[%run_scoped3A_6, %run_scoped3A_7, %dma_wait3A_434, %dma_wait3A_435] : memref<3x2x3x80xi32, #tpu.memory_space<vmem>> -> memref<1x1x3x80xi32, #tpu.memory_space<vmem>>
      %dma_wait3A_437 = tpu.memref_squeeze %dma_wait3A_436 : memref<1x1x3x80xi32, #tpu.memory_space<vmem>> -> memref<3x80xi32, #tpu.memory_space<vmem>>
      %dma_wait3A_438 = arith.constant 3 : i32
      %dma_wait3A_439 = arith.constant 0 : i32
      %dma_wait3A_440 = tpu.memref_slice %arg3[%run_scoped3A_5, %add3A, %dma_wait3A_438, %dma_wait3A_439] : memref<2x32x126x80xi32, #tpu.memory_space<hbm>> -> memref<1x1x3x80xi32, #tpu.memory_space<hbm>>
      %dma_wait3A_441 = tpu.memref_squeeze %dma_wait3A_440 : memref<1x1x3x80xi32, #tpu.memory_space<hbm>> -> memref<3x80xi32, #tpu.memory_space<hbm>>
      %dma_wait3A_442 = arith.constant 0 : i32
      %dma_wait3A_443 = arith.constant 0 : i32
      %dma_wait3A_444 = tpu.memref_slice %arg11[%run_scoped3A_6, %run_scoped3A_7, %dma_wait3A_442, %dma_wait3A_443] : memref<3x2x3x80xi32, #tpu.memory_space<vmem>> -> memref<1x1x3x80xi32, #tpu.memory_space<vmem>>
      %dma_wait3A_445 = tpu.memref_squeeze %dma_wait3A_444 : memref<1x1x3x80xi32, #tpu.memory_space<vmem>> -> memref<3x80xi32, #tpu.memory_space<vmem>>
      %dma_wait3A_446 = arith.constant 3 : i32
      %dma_wait3A_447 = arith.constant 0 : i32
      %dma_wait3A_448 = tpu.memref_slice %arg3[%run_scoped3A_5, %add3A, %dma_wait3A_446, %dma_wait3A_447] : memref<2x32x126x80xi32, #tpu.memory_space<hbm>> -> memref<1x1x3x80xi32, #tpu.memory_space<hbm>>
      %dma_wait3A_449 = tpu.memref_squeeze %dma_wait3A_448 : memref<1x1x3x80xi32, #tpu.memory_space<hbm>> -> memref<3x80xi32, #tpu.memory_space<hbm>>
      tpu.wait_dma2 semaphore(%run_scoped3A_417 : memref<!tpu.dma_semaphore, #tpu.memory_space<semaphore_mem>>) src(%dma_wait3A_449 : memref<3x80xi32, #tpu.memory_space<hbm>>) dst(%dma_wait3A_445 : memref<3x80xi32, #tpu.memory_space<vmem>>)
      tpu.yield
    }) : () -> ()
    %run_scoped3A_8 = arith.constant 1 : i32
    %run_scoped3A_9 = arith.constant 0 : i32
    %run_scoped3A_10 = arith.constant 1 : i32
    "tpu.region"() ({
      %run_scoped3A_417 = tpu.sem_alloc : memref<!tpu.dma_semaphore, #tpu.memory_space<semaphore_mem>>
      %dma_start3A_418 = arith.constant 0 : i32
      %dma_start3A_419 = arith.constant 0 : i32
      %dma_start3A_420 = tpu.memref_slice %arg11[%run_scoped3A_9, %run_scoped3A_10, %dma_start3A_418, %dma_start3A_419] : memref<3x2x3x80xi32, #tpu.memory_space<vmem>> -> memref<1x1x3x80xi32, #tpu.memory_space<vmem>>
      %dma_start3A_421 = tpu.memref_squeeze %dma_start3A_420 : memref<1x1x3x80xi32, #tpu.memory_space<vmem>> -> memref<3x80xi32, #tpu.memory_space<vmem>>
      %dma_start3A_422 = arith.constant 0 : i32
      %dma_start3A_423 = arith.constant 0 : i32
      %dma_start3A_424 = tpu.memref_slice %arg3[%run_scoped3A_8, %add3A, %dma_start3A_422, %dma_start3A_423] : memref<2x32x126x80xi32, #tpu.memory_space<hbm>> -> memref<1x1x3x80xi32, #tpu.memory_space<hbm>>
      %dma_start3A_425 = tpu.memref_squeeze %dma_start3A_424 : memref<1x1x3x80xi32, #tpu.memory_space<hbm>> -> memref<3x80xi32, #tpu.memory_space<hbm>>
      %dma_start3A_426 = arith.constant 0 : i32
      %dma_start3A_427 = arith.constant 0 : i32
      %dma_start3A_428 = tpu.memref_slice %arg11[%run_scoped3A_9, %run_scoped3A_10, %dma_start3A_426, %dma_start3A_427] : memref<3x2x3x80xi32, #tpu.memory_space<vmem>> -> memref<1x1x3x80xi32, #tpu.memory_space<vmem>>
      %dma_start3A_429 = tpu.memref_squeeze %dma_start3A_428 : memref<1x1x3x80xi32, #tpu.memory_space<vmem>> -> memref<3x80xi32, #tpu.memory_space<vmem>>
      %dma_start3A_430 = arith.constant 0 : i32
      %dma_start3A_431 = arith.constant 0 : i32
      %dma_start3A_432 = tpu.memref_slice %arg3[%run_scoped3A_8, %add3A, %dma_start3A_430, %dma_start3A_431] : memref<2x32x126x80xi32, #tpu.memory_space<hbm>> -> memref<1x1x3x80xi32, #tpu.memory_space<hbm>>
      %dma_start3A_433 = tpu.memref_squeeze %dma_start3A_432 : memref<1x1x3x80xi32, #tpu.memory_space<hbm>> -> memref<3x80xi32, #tpu.memory_space<hbm>>
      tpu.enqueue_dma source(%dma_start3A_433 : memref<3x80xi32, #tpu.memory_space<hbm>>) target(%dma_start3A_429 : memref<3x80xi32, #tpu.memory_space<vmem>>) target_semaphore(%run_scoped3A_417 : memref<!tpu.dma_semaphore, #tpu.memory_space<semaphore_mem>>)
      %dma_wait3A_434 = arith.constant 0 : i32
      %dma_wait3A_435 = arith.constant 0 : i32
      %dma_wait3A_436 = tpu.memref_slice %arg11[%run_scoped3A_9, %run_scoped3A_10, %dma_wait3A_434, %dma_wait3A_435] : memref<3x2x3x80xi32, #tpu.memory_space<vmem>> -> memref<1x1x3x80xi32, #tpu.memory_space<vmem>>
      %dma_wait3A_437 = tpu.memref_squeeze %dma_wait3A_436 : memref<1x1x3x80xi32, #tpu.memory_space<vmem>> -> memref<3x80xi32, #tpu.memory_space<vmem>>
      %dma_wait3A_438 = arith.constant 0 : i32
      %dma_wait3A_439 = arith.constant 0 : i32
      %dma_wait3A_440 = tpu.memref_slice %arg3[%run_scoped3A_8, %add3A, %dma_wait3A_438, %dma_wait3A_439] : memref<2x32x126x80xi32, #tpu.memory_space<hbm>> -> memref<1x1x3x80xi32, #tpu.memory_space<hbm>>
      %dma_wait3A_441 = tpu.memref_squeeze %dma_wait3A_440 : memref<1x1x3x80xi32, #tpu.memory_space<hbm>> -> memref<3x80xi32, #tpu.memory_space<hbm>>
      %dma_wait3A_442 = arith.constant 0 : i32
      %dma_wait3A_443 = arith.constant 0 : i32
      %dma_wait3A_444 = tpu.memref_slice %arg11[%run_scoped3A_9, %run_scoped3A_10, %dma_wait3A_442, %dma_wait3A_443] : memref<3x2x3x80xi32, #tpu.memory_space<vmem>> -> memref<1x1x3x80xi32, #tpu.memory_space<vmem>>
      %dma_wait3A_445 = tpu.memref_squeeze %dma_wait3A_444 : memref<1x1x3x80xi32, #tpu.memory_space<vmem>> -> memref<3x80xi32, #tpu.memory_space<vmem>>
      %dma_wait3A_446 = arith.constant 0 : i32
      %dma_wait3A_447 = arith.constant 0 : i32
      %dma_wait3A_448 = tpu.memref_slice %arg3[%run_scoped3A_8, %add3A, %dma_wait3A_446, %dma_wait3A_447] : memref<2x32x126x80xi32, #tpu.memory_space<hbm>> -> memref<1x1x3x80xi32, #tpu.memory_space<hbm>>
      %dma_wait3A_449 = tpu.memref_squeeze %dma_wait3A_448 : memref<1x1x3x80xi32, #tpu.memory_space<hbm>> -> memref<3x80xi32, #tpu.memory_space<hbm>>
      tpu.wait_dma2 semaphore(%run_scoped3A_417 : memref<!tpu.dma_semaphore, #tpu.memory_space<semaphore_mem>>) src(%dma_wait3A_449 : memref<3x80xi32, #tpu.memory_space<hbm>>) dst(%dma_wait3A_445 : memref<3x80xi32, #tpu.memory_space<vmem>>)
      tpu.yield
    }) : () -> ()
    %run_scoped3A_11 = arith.constant 1 : i32
    %run_scoped3A_12 = arith.constant 1 : i32
    %run_scoped3A_13 = arith.constant 1 : i32
    "tpu.region"() ({
      %run_scoped3A_417 = tpu.sem_alloc : memref<!tpu.dma_semaphore, #tpu.memory_space<semaphore_mem>>
      %dma_start3A_418 = arith.constant 0 : i32
      %dma_start3A_419 = arith.constant 0 : i32
      %dma_start3A_420 = tpu.memref_slice %arg11[%run_scoped3A_12, %run_scoped3A_13, %dma_start3A_418, %dma_start3A_419] : memref<3x2x3x80xi32, #tpu.memory_space<vmem>> -> memref<1x1x3x80xi32, #tpu.memory_space<vmem>>
      %dma_start3A_421 = tpu.memref_squeeze %dma_start3A_420 : memref<1x1x3x80xi32, #tpu.memory_space<vmem>> -> memref<3x80xi32, #tpu.memory_space<vmem>>
      %dma_start3A_422 = arith.constant 3 : i32
      %dma_start3A_423 = arith.constant 0 : i32
      %dma_start3A_424 = tpu.memref_slice %arg3[%run_scoped3A_11, %add3A, %dma_start3A_422, %dma_start3A_423] : memref<2x32x126x80xi32, #tpu.memory_space<hbm>> -> memref<1x1x3x80xi32, #tpu.memory_space<hbm>>
      %dma_start3A_425 = tpu.memref_squeeze %dma_start3A_424 : memref<1x1x3x80xi32, #tpu.memory_space<hbm>> -> memref<3x80xi32, #tpu.memory_space<hbm>>
      %dma_start3A_426 = arith.constant 0 : i32
      %dma_start3A_427 = arith.constant 0 : i32
      %dma_start3A_428 = tpu.memref_slice %arg11[%run_scoped3A_12, %run_scoped3A_13, %dma_start3A_426, %dma_start3A_427] : memref<3x2x3x80xi32, #tpu.memory_space<vmem>> -> memref<1x1x3x80xi32, #tpu.memory_space<vmem>>
      %dma_start3A_429 = tpu.memref_squeeze %dma_start3A_428 : memref<1x1x3x80xi32, #tpu.memory_space<vmem>> -> memref<3x80xi32, #tpu.memory_space<vmem>>
      %dma_start3A_430 = arith.constant 3 : i32
      %dma_start3A_431 = arith.constant 0 : i32
      %dma_start3A_432 = tpu.memref_slice %arg3[%run_scoped3A_11, %add3A, %dma_start3A_430, %dma_start3A_431] : memref<2x32x126x80xi32, #tpu.memory_space<hbm>> -> memref<1x1x3x80xi32, #tpu.memory_space<hbm>>
      %dma_start3A_433 = tpu.memref_squeeze %dma_start3A_432 : memref<1x1x3x80xi32, #tpu.memory_space<hbm>> -> memref<3x80xi32, #tpu.memory_space<hbm>>
      tpu.enqueue_dma source(%dma_start3A_433 : memref<3x80xi32, #tpu.memory_space<hbm>>) target(%dma_start3A_429 : memref<3x80xi32, #tpu.memory_space<vmem>>) target_semaphore(%run_scoped3A_417 : memref<!tpu.dma_semaphore, #tpu.memory_space<semaphore_mem>>)
      %dma_wait3A_434 = arith.constant 0 : i32
      %dma_wait3A_435 = arith.constant 0 : i32
      %dma_wait3A_436 = tpu.memref_slice %arg11[%run_scoped3A_12, %run_scoped3A_13, %dma_wait3A_434, %dma_wait3A_435] : memref<3x2x3x80xi32, #tpu.memory_space<vmem>> -> memref<1x1x3x80xi32, #tpu.memory_space<vmem>>
      %dma_wait3A_437 = tpu.memref_squeeze %dma_wait3A_436 : memref<1x1x3x80xi32, #tpu.memory_space<vmem>> -> memref<3x80xi32, #tpu.memory_space<vmem>>
      %dma_wait3A_438 = arith.constant 3 : i32
      %dma_wait3A_439 = arith.constant 0 : i32
      %dma_wait3A_440 = tpu.memref_slice %arg3[%run_scoped3A_11, %add3A, %dma_wait3A_438, %dma_wait3A_439] : memref<2x32x126x80xi32, #tpu.memory_space<hbm>> -> memref<1x1x3x80xi32, #tpu.memory_space<hbm>>
      %dma_wait3A_441 = tpu.memref_squeeze %dma_wait3A_440 : memref<1x1x3x80xi32, #tpu.memory_space<hbm>> -> memref<3x80xi32, #tpu.memory_space<hbm>>
      %dma_wait3A_442 = arith.constant 0 : i32
      %dma_wait3A_443 = arith.constant 0 : i32
      %dma_wait3A_444 = tpu.memref_slice %arg11[%run_scoped3A_12, %run_scoped3A_13, %dma_wait3A_442, %dma_wait3A_443] : memref<3x2x3x80xi32, #tpu.memory_space<vmem>> -> memref<1x1x3x80xi32, #tpu.memory_space<vmem>>
      %dma_wait3A_445 = tpu.memref_squeeze %dma_wait3A_444 : memref<1x1x3x80xi32, #tpu.memory_space<vmem>> -> memref<3x80xi32, #tpu.memory_space<vmem>>
      %dma_wait3A_446 = arith.constant 3 : i32
      %dma_wait3A_447 = arith.constant 0 : i32
      %dma_wait3A_448 = tpu.memref_slice %arg3[%run_scoped3A_11, %add3A, %dma_wait3A_446, %dma_wait3A_447] : memref<2x32x126x80xi32, #tpu.memory_space<hbm>> -> memref<1x1x3x80xi32, #tpu.memory_space<hbm>>
      %dma_wait3A_449 = tpu.memref_squeeze %dma_wait3A_448 : memref<1x1x3x80xi32, #tpu.memory_space<hbm>> -> memref<3x80xi32, #tpu.memory_space<hbm>>
      tpu.wait_dma2 semaphore(%run_scoped3A_417 : memref<!tpu.dma_semaphore, #tpu.memory_space<semaphore_mem>>) src(%dma_wait3A_449 : memref<3x80xi32, #tpu.memory_space<hbm>>) dst(%dma_wait3A_445 : memref<3x80xi32, #tpu.memory_space<vmem>>)
      tpu.yield
    }) : () -> ()
    %dma_start3A = arith.constant 0 : i32
    %dma_start3A_14 = arith.constant 2 : i32
    %dma_start3A_15 = arith.constant 0 : i32
    %dma_start3A_16 = arith.constant 0 : i32
    %dma_start3A_17 = arith.constant 0 : i32
    %dma_start3A_18 = tpu.memref_slice %arg11[%dma_start3A_14, %dma_start3A_15, %dma_start3A_16, %dma_start3A_17] : memref<3x2x3x80xi32, #tpu.memory_space<vmem>> -> memref<1x1x3x80xi32, #tpu.memory_space<vmem>>
    %dma_start3A_19 = tpu.memref_squeeze %dma_start3A_18 : memref<1x1x3x80xi32, #tpu.memory_space<vmem>> -> memref<3x80xi32, #tpu.memory_space<vmem>>
    %dma_start3A_20 = arith.constant 6 : i32
    %dma_start3A_21 = arith.constant 0 : i32
    %dma_start3A_22 = tpu.memref_slice %arg3[%dma_start3A, %add3A, %dma_start3A_20, %dma_start3A_21] : memref<2x32x126x80xi32, #tpu.memory_space<hbm>> -> memref<1x1x3x80xi32, #tpu.memory_space<hbm>>
    %dma_start3A_23 = tpu.memref_squeeze %dma_start3A_22 : memref<1x1x3x80xi32, #tpu.memory_space<hbm>> -> memref<3x80xi32, #tpu.memory_space<hbm>>
    %dma_start3A_24 = arith.constant 0 : i32
    %dma_start3A_25 = arith.constant 0 : i32
    %dma_start3A_26 = tpu.memref_slice %arg11[%dma_start3A_14, %dma_start3A_15, %dma_start3A_24, %dma_start3A_25] : memref<3x2x3x80xi32, #tpu.memory_space<vmem>> -> memref<1x1x3x80xi32, #tpu.memory_space<vmem>>
    %dma_start3A_27 = tpu.memref_squeeze %dma_start3A_26 : memref<1x1x3x80xi32, #tpu.memory_space<vmem>> -> memref<3x80xi32, #tpu.memory_space<vmem>>
    %dma_start3A_28 = arith.constant 6 : i32
    %dma_start3A_29 = arith.constant 0 : i32
    %dma_start3A_30 = tpu.memref_slice %arg3[%dma_start3A, %add3A, %dma_start3A_28, %dma_start3A_29] : memref<2x32x126x80xi32, #tpu.memory_space<hbm>> -> memref<1x1x3x80xi32, #tpu.memory_space<hbm>>
    %dma_start3A_31 = tpu.memref_squeeze %dma_start3A_30 : memref<1x1x3x80xi32, #tpu.memory_space<hbm>> -> memref<3x80xi32, #tpu.memory_space<hbm>>
    tpu.enqueue_dma source(%dma_start3A_31 : memref<3x80xi32, #tpu.memory_space<hbm>>) target(%dma_start3A_27 : memref<3x80xi32, #tpu.memory_space<vmem>>) target_semaphore(%arg24 : memref<!tpu.dma_semaphore, #tpu.memory_space<semaphore_mem>>)
    %dma_start3A_32 = arith.constant 1 : i32
    %dma_start3A_33 = arith.constant 2 : i32
    %dma_start3A_34 = arith.constant 1 : i32
    %dma_start3A_35 = arith.constant 0 : i32
    %dma_start3A_36 = arith.constant 0 : i32
    %dma_start3A_37 = tpu.memref_slice %arg11[%dma_start3A_33, %dma_start3A_34, %dma_start3A_35, %dma_start3A_36] : memref<3x2x3x80xi32, #tpu.memory_space<vmem>> -> memref<1x1x3x80xi32, #tpu.memory_space<vmem>>
    %dma_start3A_38 = tpu.memref_squeeze %dma_start3A_37 : memref<1x1x3x80xi32, #tpu.memory_space<vmem>> -> memref<3x80xi32, #tpu.memory_space<vmem>>
    %dma_start3A_39 = arith.constant 6 : i32
    %dma_start3A_40 = arith.constant 0 : i32
    %dma_start3A_41 = tpu.memref_slice %arg3[%dma_start3A_32, %add3A, %dma_start3A_39, %dma_start3A_40] : memref<2x32x126x80xi32, #tpu.memory_space<hbm>> -> memref<1x1x3x80xi32, #tpu.memory_space<hbm>>
    %dma_start3A_42 = tpu.memref_squeeze %dma_start3A_41 : memref<1x1x3x80xi32, #tpu.memory_space<hbm>> -> memref<3x80xi32, #tpu.memory_space<hbm>>
    %dma_start3A_43 = arith.constant 0 : i32
    %dma_start3A_44 = arith.constant 0 : i32
    %dma_start3A_45 = tpu.memref_slice %arg11[%dma_start3A_33, %dma_start3A_34, %dma_start3A_43, %dma_start3A_44] : memref<3x2x3x80xi32, #tpu.memory_space<vmem>> -> memref<1x1x3x80xi32, #tpu.memory_space<vmem>>
    %dma_start3A_46 = tpu.memref_squeeze %dma_start3A_45 : memref<1x1x3x80xi32, #tpu.memory_space<vmem>> -> memref<3x80xi32, #tpu.memory_space<vmem>>
    %dma_start3A_47 = arith.constant 6 : i32
    %dma_start3A_48 = arith.constant 0 : i32
    %dma_start3A_49 = tpu.memref_slice %arg3[%dma_start3A_32, %add3A, %dma_start3A_47, %dma_start3A_48] : memref<2x32x126x80xi32, #tpu.memory_space<hbm>> -> memref<1x1x3x80xi32, #tpu.memory_space<hbm>>
    %dma_start3A_50 = tpu.memref_squeeze %dma_start3A_49 : memref<1x1x3x80xi32, #tpu.memory_space<hbm>> -> memref<3x80xi32, #tpu.memory_space<hbm>>
    tpu.enqueue_dma source(%dma_start3A_50 : memref<3x80xi32, #tpu.memory_space<hbm>>) target(%dma_start3A_46 : memref<3x80xi32, #tpu.memory_space<vmem>>) target_semaphore(%arg24 : memref<!tpu.dma_semaphore, #tpu.memory_space<semaphore_mem>>)
    %dma_start3A_51 = arith.constant 0 : i32
    %dma_start3A_52 = arith.constant 0 : i32
    %dma_start3A_53 = arith.constant 0 : i32
    %dma_start3A_54 = arith.constant 0 : i32
    %dma_start3A_55 = tpu.memref_slice %arg11[%dma_start3A_51, %dma_start3A_52, %dma_start3A_53, %dma_start3A_54] : memref<3x2x3x80xi32, #tpu.memory_space<vmem>> -> memref<1x1x1x80xi32, #tpu.memory_space<vmem>>
    %dma_start3A_56 = tpu.memref_squeeze %dma_start3A_55 : memref<1x1x1x80xi32, #tpu.memory_space<vmem>> -> memref<80xi32, #tpu.memory_space<vmem>>
    %dma_start3A_57 = arith.constant 0 : i32
    %dma_start3A_58 = arith.constant 0 : i32
    %dma_start3A_59 = tpu.memref_slice %arg2[%dma_start3A_57, %dma_start3A_58] : memref<10000x128xf32, #tpu.memory_space<hbm>> -> memref<10000x128xf32, #tpu.memory_space<hbm>>
    tpu.enqueue_indirect_dma source(%dma_start3A_59 : memref<10000x128xf32, #tpu.memory_space<hbm>>) target(%arg12 : memref<80x128xf32, #tpu.memory_space<vmem>>) offsets(%dma_start3A_56 : memref<80xi32, #tpu.memory_space<vmem>>) semaphore(%arg16 : memref<!tpu.dma_semaphore, #tpu.memory_space<semaphore_mem>>)
    %dma_start3A_60 = arith.constant 0 : i32
    %dma_start3A_61 = arith.constant 0 : i32
    %dma_start3A_62 = arith.constant 1 : i32
    %dma_start3A_63 = arith.constant 0 : i32
    %dma_start3A_64 = tpu.memref_slice %arg11[%dma_start3A_60, %dma_start3A_61, %dma_start3A_62, %dma_start3A_63] : memref<3x2x3x80xi32, #tpu.memory_space<vmem>> -> memref<1x1x1x80xi32, #tpu.memory_space<vmem>>
    %dma_start3A_65 = tpu.memref_squeeze %dma_start3A_64 : memref<1x1x1x80xi32, #tpu.memory_space<vmem>> -> memref<80xi32, #tpu.memory_space<vmem>>
    %dma_start3A_66 = arith.constant 0 : i32
    %dma_start3A_67 = arith.constant 0 : i32
    %dma_start3A_68 = tpu.memref_slice %arg2[%dma_start3A_66, %dma_start3A_67] : memref<10000x128xf32, #tpu.memory_space<hbm>> -> memref<10000x128xf32, #tpu.memory_space<hbm>>
    tpu.enqueue_indirect_dma source(%dma_start3A_68 : memref<10000x128xf32, #tpu.memory_space<hbm>>) target(%arg13 : memref<80x128xf32, #tpu.memory_space<vmem>>) offsets(%dma_start3A_65 : memref<80xi32, #tpu.memory_space<vmem>>) semaphore(%arg17 : memref<!tpu.dma_semaphore, #tpu.memory_space<semaphore_mem>>)
    %barrier3A = arith.constant 0 : index
    tpu.barrier barrier_id(%barrier3A)
    %dma_wait3A = arith.constant 0 : i32
    %dma_wait3A_69 = arith.constant 0 : i32
    %dma_wait3A_70 = arith.constant 0 : i32
    %dma_wait3A_71 = arith.constant 0 : i32
    %dma_wait3A_72 = tpu.memref_slice %arg11[%dma_wait3A, %dma_wait3A_69, %dma_wait3A_70, %dma_wait3A_71] : memref<3x2x3x80xi32, #tpu.memory_space<vmem>> -> memref<1x1x1x80xi32, #tpu.memory_space<vmem>>
    %dma_wait3A_73 = tpu.memref_squeeze %dma_wait3A_72 : memref<1x1x1x80xi32, #tpu.memory_space<vmem>> -> memref<80xi32, #tpu.memory_space<vmem>>
    %dma_wait3A_74 = arith.constant 0 : i32
    %dma_wait3A_75 = arith.constant 0 : i32
    %dma_wait3A_76 = tpu.memref_slice %arg2[%dma_wait3A_74, %dma_wait3A_75] : memref<10000x128xf32, #tpu.memory_space<hbm>> -> memref<10000x128xf32, #tpu.memory_space<hbm>>
    tpu.wait_indirect_dma semaphore(%arg16 : memref<!tpu.dma_semaphore, #tpu.memory_space<semaphore_mem>>) src(%dma_wait3A_76 : memref<10000x128xf32, #tpu.memory_space<hbm>>) dst(%arg12 : memref<80x128xf32, #tpu.memory_space<vmem>>)
    %dma_start3A_77 = arith.constant 0 : i32
    %dma_start3A_78 = arith.constant 1 : i32
    %dma_start3A_79 = arith.constant 0 : i32
    %dma_start3A_80 = arith.constant 0 : i32
    %dma_start3A_81 = tpu.memref_slice %arg11[%dma_start3A_77, %dma_start3A_78, %dma_start3A_79, %dma_start3A_80] : memref<3x2x3x80xi32, #tpu.memory_space<vmem>> -> memref<1x1x1x80xi32, #tpu.memory_space<vmem>>
    %dma_start3A_82 = tpu.memref_squeeze %dma_start3A_81 : memref<1x1x1x80xi32, #tpu.memory_space<vmem>> -> memref<80xi32, #tpu.memory_space<vmem>>
    %dma_start3A_83 = arith.constant 0 : i32
    %dma_start3A_84 = arith.constant 0 : i32
    %dma_start3A_85 = tpu.memref_slice %arg9[%dma_start3A_83, %dma_start3A_84] : memref<10016x128xf32, #tpu.memory_space<vmem_shared>> -> memref<10016x128xf32, #tpu.memory_space<vmem_shared>>
    tpu.enqueue_indirect_dma source(%arg12 : memref<80x128xf32, #tpu.memory_space<vmem>>) target(%dma_start3A_85 : memref<10016x128xf32, #tpu.memory_space<vmem_shared>>) offsets(%dma_start3A_82 : memref<80xi32, #tpu.memory_space<vmem>>) semaphore(%arg19 : memref<!tpu.dma_semaphore, #tpu.memory_space<semaphore_mem>>) {add = true}
    %dma_start3A_86 = arith.constant 0 : i32
    %dma_start3A_87 = arith.constant 0 : i32
    %dma_start3A_88 = arith.constant 2 : i32
    %dma_start3A_89 = arith.constant 0 : i32
    %dma_start3A_90 = tpu.memref_slice %arg11[%dma_start3A_86, %dma_start3A_87, %dma_start3A_88, %dma_start3A_89] : memref<3x2x3x80xi32, #tpu.memory_space<vmem>> -> memref<1x1x1x80xi32, #tpu.memory_space<vmem>>
    %dma_start3A_91 = tpu.memref_squeeze %dma_start3A_90 : memref<1x1x1x80xi32, #tpu.memory_space<vmem>> -> memref<80xi32, #tpu.memory_space<vmem>>
    %dma_start3A_92 = arith.constant 0 : i32
    %dma_start3A_93 = arith.constant 0 : i32
    %dma_start3A_94 = tpu.memref_slice %arg2[%dma_start3A_92, %dma_start3A_93] : memref<10000x128xf32, #tpu.memory_space<hbm>> -> memref<10000x128xf32, #tpu.memory_space<hbm>>
    tpu.enqueue_indirect_dma source(%dma_start3A_94 : memref<10000x128xf32, #tpu.memory_space<hbm>>) target(%arg14 : memref<80x128xf32, #tpu.memory_space<vmem>>) offsets(%dma_start3A_91 : memref<80xi32, #tpu.memory_space<vmem>>) semaphore(%arg18 : memref<!tpu.dma_semaphore, #tpu.memory_space<semaphore_mem>>)
    %dma_wait3A_95 = arith.constant 0 : i32
    %dma_wait3A_96 = arith.constant 0 : i32
    %dma_wait3A_97 = arith.constant 1 : i32
    %dma_wait3A_98 = arith.constant 0 : i32
    %dma_wait3A_99 = tpu.memref_slice %arg11[%dma_wait3A_95, %dma_wait3A_96, %dma_wait3A_97, %dma_wait3A_98] : memref<3x2x3x80xi32, #tpu.memory_space<vmem>> -> memref<1x1x1x80xi32, #tpu.memory_space<vmem>>
    %dma_wait3A_100 = tpu.memref_squeeze %dma_wait3A_99 : memref<1x1x1x80xi32, #tpu.memory_space<vmem>> -> memref<80xi32, #tpu.memory_space<vmem>>
    %dma_wait3A_101 = arith.constant 0 : i32
    %dma_wait3A_102 = arith.constant 0 : i32
    %dma_wait3A_103 = tpu.memref_slice %arg2[%dma_wait3A_101, %dma_wait3A_102] : memref<10000x128xf32, #tpu.memory_space<hbm>> -> memref<10000x128xf32, #tpu.memory_space<hbm>>
    tpu.wait_indirect_dma semaphore(%arg17 : memref<!tpu.dma_semaphore, #tpu.memory_space<semaphore_mem>>) src(%dma_wait3A_103 : memref<10000x128xf32, #tpu.memory_space<hbm>>) dst(%arg13 : memref<80x128xf32, #tpu.memory_space<vmem>>)
    %dma_start3A_104 = arith.constant 0 : i32
    %dma_start3A_105 = arith.constant 1 : i32
    %dma_start3A_106 = arith.constant 1 : i32
    %dma_start3A_107 = arith.constant 0 : i32
    %dma_start3A_108 = tpu.memref_slice %arg11[%dma_start3A_104, %dma_start3A_105, %dma_start3A_106, %dma_start3A_107] : memref<3x2x3x80xi32, #tpu.memory_space<vmem>> -> memref<1x1x1x80xi32, #tpu.memory_space<vmem>>
    %dma_start3A_109 = tpu.memref_squeeze %dma_start3A_108 : memref<1x1x1x80xi32, #tpu.memory_space<vmem>> -> memref<80xi32, #tpu.memory_space<vmem>>
    %dma_start3A_110 = arith.constant 0 : i32
    %dma_start3A_111 = arith.constant 0 : i32
    %dma_start3A_112 = tpu.memref_slice %arg9[%dma_start3A_110, %dma_start3A_111] : memref<10016x128xf32, #tpu.memory_space<vmem_shared>> -> memref<10016x128xf32, #tpu.memory_space<vmem_shared>>
    tpu.enqueue_indirect_dma source(%arg13 : memref<80x128xf32, #tpu.memory_space<vmem>>) target(%dma_start3A_112 : memref<10016x128xf32, #tpu.memory_space<vmem_shared>>) offsets(%dma_start3A_109 : memref<80xi32, #tpu.memory_space<vmem>>) semaphore(%arg20 : memref<!tpu.dma_semaphore, #tpu.memory_space<semaphore_mem>>) {add = true}
    %dma_wait3A_113 = arith.constant 0 : i32
    %dma_wait3A_114 = arith.constant 1 : i32
    %dma_wait3A_115 = arith.constant 1 : i32
    %dma_wait3A_116 = arith.constant 0 : i32
    %dma_wait3A_117 = tpu.memref_slice %arg11[%dma_wait3A_113, %dma_wait3A_114, %dma_wait3A_115, %dma_wait3A_116] : memref<3x2x3x80xi32, #tpu.memory_space<vmem>> -> memref<1x1x1x80xi32, #tpu.memory_space<vmem>>
    %dma_wait3A_118 = tpu.memref_squeeze %dma_wait3A_117 : memref<1x1x1x80xi32, #tpu.memory_space<vmem>> -> memref<80xi32, #tpu.memory_space<vmem>>
    %dma_wait3A_119 = arith.constant 0 : i32
    %dma_wait3A_120 = arith.constant 0 : i32
    %dma_wait3A_121 = tpu.memref_slice %arg9[%dma_wait3A_119, %dma_wait3A_120] : memref<10016x128xf32, #tpu.memory_space<vmem_shared>> -> memref<10016x128xf32, #tpu.memory_space<vmem_shared>>
    tpu.wait_indirect_dma semaphore(%arg19 : memref<!tpu.dma_semaphore, #tpu.memory_space<semaphore_mem>>) src(%arg12 : memref<80x128xf32, #tpu.memory_space<vmem>>) dst(%dma_wait3A_121 : memref<10016x128xf32, #tpu.memory_space<vmem_shared>>)
    %dma_start3A_122 = arith.constant 1 : i32
    %dma_start3A_123 = arith.constant 0 : i32
    %dma_start3A_124 = arith.constant 0 : i32
    %dma_start3A_125 = arith.constant 0 : i32
    %dma_start3A_126 = tpu.memref_slice %arg11[%dma_start3A_122, %dma_start3A_123, %dma_start3A_124, %dma_start3A_125] : memref<3x2x3x80xi32, #tpu.memory_space<vmem>> -> memref<1x1x1x80xi32, #tpu.memory_space<vmem>>
    %dma_start3A_127 = tpu.memref_squeeze %dma_start3A_126 : memref<1x1x1x80xi32, #tpu.memory_space<vmem>> -> memref<80xi32, #tpu.memory_space<vmem>>
    %dma_start3A_128 = arith.constant 0 : i32
    %dma_start3A_129 = arith.constant 0 : i32
    %dma_start3A_130 = tpu.memref_slice %arg2[%dma_start3A_128, %dma_start3A_129] : memref<10000x128xf32, #tpu.memory_space<hbm>> -> memref<10000x128xf32, #tpu.memory_space<hbm>>
    tpu.enqueue_indirect_dma source(%dma_start3A_130 : memref<10000x128xf32, #tpu.memory_space<hbm>>) target(%arg12 : memref<80x128xf32, #tpu.memory_space<vmem>>) offsets(%dma_start3A_127 : memref<80xi32, #tpu.memory_space<vmem>>) semaphore(%arg16 : memref<!tpu.dma_semaphore, #tpu.memory_space<semaphore_mem>>)
    %dma_wait3A_131 = arith.constant 0 : i32
    %dma_wait3A_132 = arith.constant 0 : i32
    %dma_wait3A_133 = arith.constant 2 : i32
    %dma_wait3A_134 = arith.constant 0 : i32
    %dma_wait3A_135 = tpu.memref_slice %arg11[%dma_wait3A_131, %dma_wait3A_132, %dma_wait3A_133, %dma_wait3A_134] : memref<3x2x3x80xi32, #tpu.memory_space<vmem>> -> memref<1x1x1x80xi32, #tpu.memory_space<vmem>>
    %dma_wait3A_136 = tpu.memref_squeeze %dma_wait3A_135 : memref<1x1x1x80xi32, #tpu.memory_space<vmem>> -> memref<80xi32, #tpu.memory_space<vmem>>
    %dma_wait3A_137 = arith.constant 0 : i32
    %dma_wait3A_138 = arith.constant 0 : i32
    %dma_wait3A_139 = tpu.memref_slice %arg2[%dma_wait3A_137, %dma_wait3A_138] : memref<10000x128xf32, #tpu.memory_space<hbm>> -> memref<10000x128xf32, #tpu.memory_space<hbm>>
    tpu.wait_indirect_dma semaphore(%arg18 : memref<!tpu.dma_semaphore, #tpu.memory_space<semaphore_mem>>) src(%dma_wait3A_139 : memref<10000x128xf32, #tpu.memory_space<hbm>>) dst(%arg14 : memref<80x128xf32, #tpu.memory_space<vmem>>)
    %dma_start3A_140 = arith.constant 0 : i32
    %dma_start3A_141 = arith.constant 1 : i32
    %dma_start3A_142 = arith.constant 2 : i32
    %dma_start3A_143 = arith.constant 0 : i32
    %dma_start3A_144 = tpu.memref_slice %arg11[%dma_start3A_140, %dma_start3A_141, %dma_start3A_142, %dma_start3A_143] : memref<3x2x3x80xi32, #tpu.memory_space<vmem>> -> memref<1x1x1x80xi32, #tpu.memory_space<vmem>>
    %dma_start3A_145 = tpu.memref_squeeze %dma_start3A_144 : memref<1x1x1x80xi32, #tpu.memory_space<vmem>> -> memref<80xi32, #tpu.memory_space<vmem>>
    %dma_start3A_146 = arith.constant 0 : i32
    %dma_start3A_147 = arith.constant 0 : i32
    %dma_start3A_148 = tpu.memref_slice %arg9[%dma_start3A_146, %dma_start3A_147] : memref<10016x128xf32, #tpu.memory_space<vmem_shared>> -> memref<10016x128xf32, #tpu.memory_space<vmem_shared>>
    tpu.enqueue_indirect_dma source(%arg14 : memref<80x128xf32, #tpu.memory_space<vmem>>) target(%dma_start3A_148 : memref<10016x128xf32, #tpu.memory_space<vmem_shared>>) offsets(%dma_start3A_145 : memref<80xi32, #tpu.memory_space<vmem>>) semaphore(%arg21 : memref<!tpu.dma_semaphore, #tpu.memory_space<semaphore_mem>>) {add = true}
    %dma_wait3A_149 = arith.constant 0 : i32
    %dma_wait3A_150 = arith.constant 1 : i32
    %dma_wait3A_151 = arith.constant 2 : i32
    %dma_wait3A_152 = arith.constant 0 : i32
    %dma_wait3A_153 = tpu.memref_slice %arg11[%dma_wait3A_149, %dma_wait3A_150, %dma_wait3A_151, %dma_wait3A_152] : memref<3x2x3x80xi32, #tpu.memory_space<vmem>> -> memref<1x1x1x80xi32, #tpu.memory_space<vmem>>
    %dma_wait3A_154 = tpu.memref_squeeze %dma_wait3A_153 : memref<1x1x1x80xi32, #tpu.memory_space<vmem>> -> memref<80xi32, #tpu.memory_space<vmem>>
    %dma_wait3A_155 = arith.constant 0 : i32
    %dma_wait3A_156 = arith.constant 0 : i32
    %dma_wait3A_157 = tpu.memref_slice %arg9[%dma_wait3A_155, %dma_wait3A_156] : memref<10016x128xf32, #tpu.memory_space<vmem_shared>> -> memref<10016x128xf32, #tpu.memory_space<vmem_shared>>
    tpu.wait_indirect_dma semaphore(%arg20 : memref<!tpu.dma_semaphore, #tpu.memory_space<semaphore_mem>>) src(%arg13 : memref<80x128xf32, #tpu.memory_space<vmem>>) dst(%dma_wait3A_157 : memref<10016x128xf32, #tpu.memory_space<vmem_shared>>)
    %dma_start3A_158 = arith.constant 1 : i32
    %dma_start3A_159 = arith.constant 0 : i32
    %dma_start3A_160 = arith.constant 1 : i32
    %dma_start3A_161 = arith.constant 0 : i32
    %dma_start3A_162 = tpu.memref_slice %arg11[%dma_start3A_158, %dma_start3A_159, %dma_start3A_160, %dma_start3A_161] : memref<3x2x3x80xi32, #tpu.memory_space<vmem>> -> memref<1x1x1x80xi32, #tpu.memory_space<vmem>>
    %dma_start3A_163 = tpu.memref_squeeze %dma_start3A_162 : memref<1x1x1x80xi32, #tpu.memory_space<vmem>> -> memref<80xi32, #tpu.memory_space<vmem>>
    %dma_start3A_164 = arith.constant 0 : i32
    %dma_start3A_165 = arith.constant 0 : i32
    %dma_start3A_166 = tpu.memref_slice %arg2[%dma_start3A_164, %dma_start3A_165] : memref<10000x128xf32, #tpu.memory_space<hbm>> -> memref<10000x128xf32, #tpu.memory_space<hbm>>
    tpu.enqueue_indirect_dma source(%dma_start3A_166 : memref<10000x128xf32, #tpu.memory_space<hbm>>) target(%arg13 : memref<80x128xf32, #tpu.memory_space<vmem>>) offsets(%dma_start3A_163 : memref<80xi32, #tpu.memory_space<vmem>>) semaphore(%arg17 : memref<!tpu.dma_semaphore, #tpu.memory_space<semaphore_mem>>)
    %scan3A = arith.constant 0 : i32
    %scan3A_167 = arith.constant 13 : i32
    %scan3A_168 = arith.addi %scan3A, %scan3A_167 : i32
    %scan3A_169 = arith.constant 1 : i32
    scf.for %scan3A_417 = %scan3A to %scan3A_168 step %scan3A_169  : i32 {
      %mul3A_418 = arith.constant 3 : i32
      %mul3A_419 = arith.muli %scan3A_417, %mul3A_418 : i32
      %add3A_420 = arith.constant 1 : i32
      %add3A_421 = arith.addi %add3A_420, %mul3A_419 : i32
      %add3A_422 = arith.constant 1 : i32
      %add3A_423 = arith.addi %add3A_421, %add3A_422 : i32
      %mul3A_424 = arith.constant 3 : i32
      %mul3A_425 = arith.muli %mul3A_424, %add3A_423 : i32
      %dma_wait3A_426 = arith.constant 0 : i32
      %dma_wait3A_427 = arith.constant 2 : i32
      %dma_wait3A_428 = arith.constant 0 : i32
      %dma_wait3A_429 = arith.constant 0 : i32
      %dma_wait3A_430 = arith.constant 0 : i32
      %dma_wait3A_431 = tpu.memref_slice %arg11[%dma_wait3A_427, %dma_wait3A_428, %dma_wait3A_429, %dma_wait3A_430] : memref<3x2x3x80xi32, #tpu.memory_space<vmem>> -> memref<1x1x3x80xi32, #tpu.memory_space<vmem>>
      %dma_wait3A_432 = tpu.memref_squeeze %dma_wait3A_431 : memref<1x1x3x80xi32, #tpu.memory_space<vmem>> -> memref<3x80xi32, #tpu.memory_space<vmem>>
      %dma_wait3A_433 = arith.constant 0 : i32
      %dma_wait3A_434 = tpu.memref_slice %arg3[%dma_wait3A_426, %add3A, %mul3A_425, %dma_wait3A_433] : memref<2x32x126x80xi32, #tpu.memory_space<hbm>> -> memref<1x1x3x80xi32, #tpu.memory_space<hbm>>
      %dma_wait3A_435 = tpu.memref_squeeze %dma_wait3A_434 : memref<1x1x3x80xi32, #tpu.memory_space<hbm>> -> memref<3x80xi32, #tpu.memory_space<hbm>>
      %dma_wait3A_436 = arith.constant 0 : i32
      %dma_wait3A_437 = arith.constant 0 : i32
      %dma_wait3A_438 = tpu.memref_slice %arg11[%dma_wait3A_427, %dma_wait3A_428, %dma_wait3A_436, %dma_wait3A_437] : memref<3x2x3x80xi32, #tpu.memory_space<vmem>> -> memref<1x1x3x80xi32, #tpu.memory_space<vmem>>
      %dma_wait3A_439 = tpu.memref_squeeze %dma_wait3A_438 : memref<1x1x3x80xi32, #tpu.memory_space<vmem>> -> memref<3x80xi32, #tpu.memory_space<vmem>>
      %dma_wait3A_440 = arith.constant 0 : i32
      %dma_wait3A_441 = tpu.memref_slice %arg3[%dma_wait3A_426, %add3A, %mul3A_425, %dma_wait3A_440] : memref<2x32x126x80xi32, #tpu.memory_space<hbm>> -> memref<1x1x3x80xi32, #tpu.memory_space<hbm>>
      %dma_wait3A_442 = tpu.memref_squeeze %dma_wait3A_441 : memref<1x1x3x80xi32, #tpu.memory_space<hbm>> -> memref<3x80xi32, #tpu.memory_space<hbm>>
      tpu.wait_dma2 semaphore(%arg24 : memref<!tpu.dma_semaphore, #tpu.memory_space<semaphore_mem>>) src(%dma_wait3A_442 : memref<3x80xi32, #tpu.memory_space<hbm>>) dst(%dma_wait3A_439 : memref<3x80xi32, #tpu.memory_space<vmem>>)
      %mul3A_443 = arith.constant 3 : i32
      %mul3A_444 = arith.muli %mul3A_443, %add3A_423 : i32
      %dma_wait3A_445 = arith.constant 1 : i32
      %dma_wait3A_446 = arith.constant 2 : i32
      %dma_wait3A_447 = arith.constant 1 : i32
      %dma_wait3A_448 = arith.constant 0 : i32
      %dma_wait3A_449 = arith.constant 0 : i32
      %dma_wait3A_450 = tpu.memref_slice %arg11[%dma_wait3A_446, %dma_wait3A_447, %dma_wait3A_448, %dma_wait3A_449] : memref<3x2x3x80xi32, #tpu.memory_space<vmem>> -> memref<1x1x3x80xi32, #tpu.memory_space<vmem>>
      %dma_wait3A_451 = tpu.memref_squeeze %dma_wait3A_450 : memref<1x1x3x80xi32, #tpu.memory_space<vmem>> -> memref<3x80xi32, #tpu.memory_space<vmem>>
      %dma_wait3A_452 = arith.constant 0 : i32
      %dma_wait3A_453 = tpu.memref_slice %arg3[%dma_wait3A_445, %add3A, %mul3A_444, %dma_wait3A_452] : memref<2x32x126x80xi32, #tpu.memory_space<hbm>> -> memref<1x1x3x80xi32, #tpu.memory_space<hbm>>
      %dma_wait3A_454 = tpu.memref_squeeze %dma_wait3A_453 : memref<1x1x3x80xi32, #tpu.memory_space<hbm>> -> memref<3x80xi32, #tpu.memory_space<hbm>>
      %dma_wait3A_455 = arith.constant 0 : i32
      %dma_wait3A_456 = arith.constant 0 : i32
      %dma_wait3A_457 = tpu.memref_slice %arg11[%dma_wait3A_446, %dma_wait3A_447, %dma_wait3A_455, %dma_wait3A_456] : memref<3x2x3x80xi32, #tpu.memory_space<vmem>> -> memref<1x1x3x80xi32, #tpu.memory_space<vmem>>
      %dma_wait3A_458 = tpu.memref_squeeze %dma_wait3A_457 : memref<1x1x3x80xi32, #tpu.memory_space<vmem>> -> memref<3x80xi32, #tpu.memory_space<vmem>>
      %dma_wait3A_459 = arith.constant 0 : i32
      %dma_wait3A_460 = tpu.memref_slice %arg3[%dma_wait3A_445, %add3A, %mul3A_444, %dma_wait3A_459] : memref<2x32x126x80xi32, #tpu.memory_space<hbm>> -> memref<1x1x3x80xi32, #tpu.memory_space<hbm>>
      %dma_wait3A_461 = tpu.memref_squeeze %dma_wait3A_460 : memref<1x1x3x80xi32, #tpu.memory_space<hbm>> -> memref<3x80xi32, #tpu.memory_space<hbm>>
      tpu.wait_dma2 semaphore(%arg24 : memref<!tpu.dma_semaphore, #tpu.memory_space<semaphore_mem>>) src(%dma_wait3A_461 : memref<3x80xi32, #tpu.memory_space<hbm>>) dst(%dma_wait3A_458 : memref<3x80xi32, #tpu.memory_space<vmem>>)
      %dma_wait3A_462 = arith.constant 1 : i32
      %dma_wait3A_463 = arith.constant 0 : i32
      %dma_wait3A_464 = arith.constant 0 : i32
      %dma_wait3A_465 = arith.constant 0 : i32
      %dma_wait3A_466 = tpu.memref_slice %arg11[%dma_wait3A_462, %dma_wait3A_463, %dma_wait3A_464, %dma_wait3A_465] : memref<3x2x3x80xi32, #tpu.memory_space<vmem>> -> memref<1x1x1x80xi32, #tpu.memory_space<vmem>>
      %dma_wait3A_467 = tpu.memref_squeeze %dma_wait3A_466 : memref<1x1x1x80xi32, #tpu.memory_space<vmem>> -> memref<80xi32, #tpu.memory_space<vmem>>
      %dma_wait3A_468 = arith.constant 0 : i32
      %dma_wait3A_469 = arith.constant 0 : i32
      %dma_wait3A_470 = tpu.memref_slice %arg2[%dma_wait3A_468, %dma_wait3A_469] : memref<10000x128xf32, #tpu.memory_space<hbm>> -> memref<10000x128xf32, #tpu.memory_space<hbm>>
      tpu.wait_indirect_dma semaphore(%arg16 : memref<!tpu.dma_semaphore, #tpu.memory_space<semaphore_mem>>) src(%dma_wait3A_470 : memref<10000x128xf32, #tpu.memory_space<hbm>>) dst(%arg12 : memref<80x128xf32, #tpu.memory_space<vmem>>)
      %dma_start3A_471 = arith.constant 1 : i32
      %dma_start3A_472 = arith.constant 1 : i32
      %dma_start3A_473 = arith.constant 0 : i32
      %dma_start3A_474 = arith.constant 0 : i32
      %dma_start3A_475 = tpu.memref_slice %arg11[%dma_start3A_471, %dma_start3A_472, %dma_start3A_473, %dma_start3A_474] : memref<3x2x3x80xi32, #tpu.memory_space<vmem>> -> memref<1x1x1x80xi32, #tpu.memory_space<vmem>>
      %dma_start3A_476 = tpu.memref_squeeze %dma_start3A_475 : memref<1x1x1x80xi32, #tpu.memory_space<vmem>> -> memref<80xi32, #tpu.memory_space<vmem>>
      %dma_start3A_477 = arith.constant 0 : i32
      %dma_start3A_478 = arith.constant 0 : i32
      %dma_start3A_479 = tpu.memref_slice %arg9[%dma_start3A_477, %dma_start3A_478] : memref<10016x128xf32, #tpu.memory_space<vmem_shared>> -> memref<10016x128xf32, #tpu.memory_space<vmem_shared>>
      tpu.enqueue_indirect_dma source(%arg12 : memref<80x128xf32, #tpu.memory_space<vmem>>) target(%dma_start3A_479 : memref<10016x128xf32, #tpu.memory_space<vmem_shared>>) offsets(%dma_start3A_476 : memref<80xi32, #tpu.memory_space<vmem>>) semaphore(%arg19 : memref<!tpu.dma_semaphore, #tpu.memory_space<semaphore_mem>>) {add = true}
      %dma_wait3A_480 = arith.constant 1 : i32
      %dma_wait3A_481 = arith.constant 1 : i32
      %dma_wait3A_482 = arith.constant 0 : i32
      %dma_wait3A_483 = arith.constant 0 : i32
      %dma_wait3A_484 = tpu.memref_slice %arg11[%dma_wait3A_480, %dma_wait3A_481, %dma_wait3A_482, %dma_wait3A_483] : memref<3x2x3x80xi32, #tpu.memory_space<vmem>> -> memref<1x1x1x80xi32, #tpu.memory_space<vmem>>
      %dma_wait3A_485 = tpu.memref_squeeze %dma_wait3A_484 : memref<1x1x1x80xi32, #tpu.memory_space<vmem>> -> memref<80xi32, #tpu.memory_space<vmem>>
      %dma_wait3A_486 = arith.constant 0 : i32
      %dma_wait3A_487 = arith.constant 0 : i32
      %dma_wait3A_488 = tpu.memref_slice %arg9[%dma_wait3A_486, %dma_wait3A_487] : memref<10016x128xf32, #tpu.memory_space<vmem_shared>> -> memref<10016x128xf32, #tpu.memory_space<vmem_shared>>
      tpu.wait_indirect_dma semaphore(%arg21 : memref<!tpu.dma_semaphore, #tpu.memory_space<semaphore_mem>>) src(%arg14 : memref<80x128xf32, #tpu.memory_space<vmem>>) dst(%dma_wait3A_488 : memref<10016x128xf32, #tpu.memory_space<vmem_shared>>)
      %dma_start3A_489 = arith.constant 1 : i32
      %dma_start3A_490 = arith.constant 0 : i32
      %dma_start3A_491 = arith.constant 2 : i32
      %dma_start3A_492 = arith.constant 0 : i32
      %dma_start3A_493 = tpu.memref_slice %arg11[%dma_start3A_489, %dma_start3A_490, %dma_start3A_491, %dma_start3A_492] : memref<3x2x3x80xi32, #tpu.memory_space<vmem>> -> memref<1x1x1x80xi32, #tpu.memory_space<vmem>>
      %dma_start3A_494 = tpu.memref_squeeze %dma_start3A_493 : memref<1x1x1x80xi32, #tpu.memory_space<vmem>> -> memref<80xi32, #tpu.memory_space<vmem>>
      %dma_start3A_495 = arith.constant 0 : i32
      %dma_start3A_496 = arith.constant 0 : i32
      %dma_start3A_497 = tpu.memref_slice %arg2[%dma_start3A_495, %dma_start3A_496] : memref<10000x128xf32, #tpu.memory_space<hbm>> -> memref<10000x128xf32, #tpu.memory_space<hbm>>
      tpu.enqueue_indirect_dma source(%dma_start3A_497 : memref<10000x128xf32, #tpu.memory_space<hbm>>) target(%arg14 : memref<80x128xf32, #tpu.memory_space<vmem>>) offsets(%dma_start3A_494 : memref<80xi32, #tpu.memory_space<vmem>>) semaphore(%arg18 : memref<!tpu.dma_semaphore, #tpu.memory_space<semaphore_mem>>)
      %add3A_498 = arith.constant 2 : i32
      %add3A_499 = arith.addi %add3A_421, %add3A_498 : i32
      %mul3A_500 = arith.constant 3 : i32
      %mul3A_501 = arith.muli %mul3A_500, %add3A_499 : i32
      %dma_start3A_502 = arith.constant 0 : i32
      %dma_start3A_503 = arith.constant 0 : i32
      %dma_start3A_504 = arith.constant 0 : i32
      %dma_start3A_505 = arith.constant 0 : i32
      %dma_start3A_506 = arith.constant 0 : i32
      %dma_start3A_507 = tpu.memref_slice %arg11[%dma_start3A_503, %dma_start3A_504, %dma_start3A_505, %dma_start3A_506] : memref<3x2x3x80xi32, #tpu.memory_space<vmem>> -> memref<1x1x3x80xi32, #tpu.memory_space<vmem>>
      %dma_start3A_508 = tpu.memref_squeeze %dma_start3A_507 : memref<1x1x3x80xi32, #tpu.memory_space<vmem>> -> memref<3x80xi32, #tpu.memory_space<vmem>>
      %dma_start3A_509 = arith.constant 0 : i32
      %dma_start3A_510 = tpu.memref_slice %arg3[%dma_start3A_502, %add3A, %mul3A_501, %dma_start3A_509] : memref<2x32x126x80xi32, #tpu.memory_space<hbm>> -> memref<1x1x3x80xi32, #tpu.memory_space<hbm>>
      %dma_start3A_511 = tpu.memref_squeeze %dma_start3A_510 : memref<1x1x3x80xi32, #tpu.memory_space<hbm>> -> memref<3x80xi32, #tpu.memory_space<hbm>>
      %dma_start3A_512 = arith.constant 0 : i32
      %dma_start3A_513 = arith.constant 0 : i32
      %dma_start3A_514 = tpu.memref_slice %arg11[%dma_start3A_503, %dma_start3A_504, %dma_start3A_512, %dma_start3A_513] : memref<3x2x3x80xi32, #tpu.memory_space<vmem>> -> memref<1x1x3x80xi32, #tpu.memory_space<vmem>>
      %dma_start3A_515 = tpu.memref_squeeze %dma_start3A_514 : memref<1x1x3x80xi32, #tpu.memory_space<vmem>> -> memref<3x80xi32, #tpu.memory_space<vmem>>
      %dma_start3A_516 = arith.constant 0 : i32
      %dma_start3A_517 = tpu.memref_slice %arg3[%dma_start3A_502, %add3A, %mul3A_501, %dma_start3A_516] : memref<2x32x126x80xi32, #tpu.memory_space<hbm>> -> memref<1x1x3x80xi32, #tpu.memory_space<hbm>>
      %dma_start3A_518 = tpu.memref_squeeze %dma_start3A_517 : memref<1x1x3x80xi32, #tpu.memory_space<hbm>> -> memref<3x80xi32, #tpu.memory_space<hbm>>
      tpu.enqueue_dma source(%dma_start3A_518 : memref<3x80xi32, #tpu.memory_space<hbm>>) target(%dma_start3A_515 : memref<3x80xi32, #tpu.memory_space<vmem>>) target_semaphore(%arg22 : memref<!tpu.dma_semaphore, #tpu.memory_space<semaphore_mem>>)
      %mul3A_519 = arith.constant 3 : i32
      %mul3A_520 = arith.muli %mul3A_519, %add3A_499 : i32
      %dma_start3A_521 = arith.constant 1 : i32
      %dma_start3A_522 = arith.constant 0 : i32
      %dma_start3A_523 = arith.constant 1 : i32
      %dma_start3A_524 = arith.constant 0 : i32
      %dma_start3A_525 = arith.constant 0 : i32
      %dma_start3A_526 = tpu.memref_slice %arg11[%dma_start3A_522, %dma_start3A_523, %dma_start3A_524, %dma_start3A_525] : memref<3x2x3x80xi32, #tpu.memory_space<vmem>> -> memref<1x1x3x80xi32, #tpu.memory_space<vmem>>
      %dma_start3A_527 = tpu.memref_squeeze %dma_start3A_526 : memref<1x1x3x80xi32, #tpu.memory_space<vmem>> -> memref<3x80xi32, #tpu.memory_space<vmem>>
      %dma_start3A_528 = arith.constant 0 : i32
      %dma_start3A_529 = tpu.memref_slice %arg3[%dma_start3A_521, %add3A, %mul3A_520, %dma_start3A_528] : memref<2x32x126x80xi32, #tpu.memory_space<hbm>> -> memref<1x1x3x80xi32, #tpu.memory_space<hbm>>
      %dma_start3A_530 = tpu.memref_squeeze %dma_start3A_529 : memref<1x1x3x80xi32, #tpu.memory_space<hbm>> -> memref<3x80xi32, #tpu.memory_space<hbm>>
      %dma_start3A_531 = arith.constant 0 : i32
      %dma_start3A_532 = arith.constant 0 : i32
      %dma_start3A_533 = tpu.memref_slice %arg11[%dma_start3A_522, %dma_start3A_523, %dma_start3A_531, %dma_start3A_532] : memref<3x2x3x80xi32, #tpu.memory_space<vmem>> -> memref<1x1x3x80xi32, #tpu.memory_space<vmem>>
      %dma_start3A_534 = tpu.memref_squeeze %dma_start3A_533 : memref<1x1x3x80xi32, #tpu.memory_space<vmem>> -> memref<3x80xi32, #tpu.memory_space<vmem>>
      %dma_start3A_535 = arith.constant 0 : i32
      %dma_start3A_536 = tpu.memref_slice %arg3[%dma_start3A_521, %add3A, %mul3A_520, %dma_start3A_535] : memref<2x32x126x80xi32, #tpu.memory_space<hbm>> -> memref<1x1x3x80xi32, #tpu.memory_space<hbm>>
      %dma_start3A_537 = tpu.memref_squeeze %dma_start3A_536 : memref<1x1x3x80xi32, #tpu.memory_space<hbm>> -> memref<3x80xi32, #tpu.memory_space<hbm>>
      tpu.enqueue_dma source(%dma_start3A_537 : memref<3x80xi32, #tpu.memory_space<hbm>>) target(%dma_start3A_534 : memref<3x80xi32, #tpu.memory_space<vmem>>) target_semaphore(%arg22 : memref<!tpu.dma_semaphore, #tpu.memory_space<semaphore_mem>>)
      %dma_wait3A_538 = arith.constant 1 : i32
      %dma_wait3A_539 = arith.constant 0 : i32
      %dma_wait3A_540 = arith.constant 1 : i32
      %dma_wait3A_541 = arith.constant 0 : i32
      %dma_wait3A_542 = tpu.memref_slice %arg11[%dma_wait3A_538, %dma_wait3A_539, %dma_wait3A_540, %dma_wait3A_541] : memref<3x2x3x80xi32, #tpu.memory_space<vmem>> -> memref<1x1x1x80xi32, #tpu.memory_space<vmem>>
      %dma_wait3A_543 = tpu.memref_squeeze %dma_wait3A_542 : memref<1x1x1x80xi32, #tpu.memory_space<vmem>> -> memref<80xi32, #tpu.memory_space<vmem>>
      %dma_wait3A_544 = arith.constant 0 : i32
      %dma_wait3A_545 = arith.constant 0 : i32
      %dma_wait3A_546 = tpu.memref_slice %arg2[%dma_wait3A_544, %dma_wait3A_545] : memref<10000x128xf32, #tpu.memory_space<hbm>> -> memref<10000x128xf32, #tpu.memory_space<hbm>>
      tpu.wait_indirect_dma semaphore(%arg17 : memref<!tpu.dma_semaphore, #tpu.memory_space<semaphore_mem>>) src(%dma_wait3A_546 : memref<10000x128xf32, #tpu.memory_space<hbm>>) dst(%arg13 : memref<80x128xf32, #tpu.memory_space<vmem>>)
      %dma_start3A_547 = arith.constant 1 : i32
      %dma_start3A_548 = arith.constant 1 : i32
      %dma_start3A_549 = arith.constant 1 : i32
      %dma_start3A_550 = arith.constant 0 : i32
      %dma_start3A_551 = tpu.memref_slice %arg11[%dma_start3A_547, %dma_start3A_548, %dma_start3A_549, %dma_start3A_550] : memref<3x2x3x80xi32, #tpu.memory_space<vmem>> -> memref<1x1x1x80xi32, #tpu.memory_space<vmem>>
      %dma_start3A_552 = tpu.memref_squeeze %dma_start3A_551 : memref<1x1x1x80xi32, #tpu.memory_space<vmem>> -> memref<80xi32, #tpu.memory_space<vmem>>
      %dma_start3A_553 = arith.constant 0 : i32
      %dma_start3A_554 = arith.constant 0 : i32
      %dma_start3A_555 = tpu.memref_slice %arg9[%dma_start3A_553, %dma_start3A_554] : memref<10016x128xf32, #tpu.memory_space<vmem_shared>> -> memref<10016x128xf32, #tpu.memory_space<vmem_shared>>
      tpu.enqueue_indirect_dma source(%arg13 : memref<80x128xf32, #tpu.memory_space<vmem>>) target(%dma_start3A_555 : memref<10016x128xf32, #tpu.memory_space<vmem_shared>>) offsets(%dma_start3A_552 : memref<80xi32, #tpu.memory_space<vmem>>) semaphore(%arg20 : memref<!tpu.dma_semaphore, #tpu.memory_space<semaphore_mem>>) {add = true}
      %dma_wait3A_556 = arith.constant 1 : i32
      %dma_wait3A_557 = arith.constant 1 : i32
      %dma_wait3A_558 = arith.constant 1 : i32
      %dma_wait3A_559 = arith.constant 0 : i32
      %dma_wait3A_560 = tpu.memref_slice %arg11[%dma_wait3A_556, %dma_wait3A_557, %dma_wait3A_558, %dma_wait3A_559] : memref<3x2x3x80xi32, #tpu.memory_space<vmem>> -> memref<1x1x1x80xi32, #tpu.memory_space<vmem>>
      %dma_wait3A_561 = tpu.memref_squeeze %dma_wait3A_560 : memref<1x1x1x80xi32, #tpu.memory_space<vmem>> -> memref<80xi32, #tpu.memory_space<vmem>>
      %dma_wait3A_562 = arith.constant 0 : i32
      %dma_wait3A_563 = arith.constant 0 : i32
      %dma_wait3A_564 = tpu.memref_slice %arg9[%dma_wait3A_562, %dma_wait3A_563] : memref<10016x128xf32, #tpu.memory_space<vmem_shared>> -> memref<10016x128xf32, #tpu.memory_space<vmem_shared>>
      tpu.wait_indirect_dma semaphore(%arg19 : memref<!tpu.dma_semaphore, #tpu.memory_space<semaphore_mem>>) src(%arg12 : memref<80x128xf32, #tpu.memory_space<vmem>>) dst(%dma_wait3A_564 : memref<10016x128xf32, #tpu.memory_space<vmem_shared>>)
      %dma_start3A_565 = arith.constant 2 : i32
      %dma_start3A_566 = arith.constant 0 : i32
      %dma_start3A_567 = arith.constant 0 : i32
      %dma_start3A_568 = arith.constant 0 : i32
      %dma_start3A_569 = tpu.memref_slice %arg11[%dma_start3A_565, %dma_start3A_566, %dma_start3A_567, %dma_start3A_568] : memref<3x2x3x80xi32, #tpu.memory_space<vmem>> -> memref<1x1x1x80xi32, #tpu.memory_space<vmem>>
      %dma_start3A_570 = tpu.memref_squeeze %dma_start3A_569 : memref<1x1x1x80xi32, #tpu.memory_space<vmem>> -> memref<80xi32, #tpu.memory_space<vmem>>
      %dma_start3A_571 = arith.constant 0 : i32
      %dma_start3A_572 = arith.constant 0 : i32
      %dma_start3A_573 = tpu.memref_slice %arg2[%dma_start3A_571, %dma_start3A_572] : memref<10000x128xf32, #tpu.memory_space<hbm>> -> memref<10000x128xf32, #tpu.memory_space<hbm>>
      tpu.enqueue_indirect_dma source(%dma_start3A_573 : memref<10000x128xf32, #tpu.memory_space<hbm>>) target(%arg12 : memref<80x128xf32, #tpu.memory_space<vmem>>) offsets(%dma_start3A_570 : memref<80xi32, #tpu.memory_space<vmem>>) semaphore(%arg16 : memref<!tpu.dma_semaphore, #tpu.memory_space<semaphore_mem>>)
      %dma_wait3A_574 = arith.constant 1 : i32
      %dma_wait3A_575 = arith.constant 0 : i32
      %dma_wait3A_576 = arith.constant 2 : i32
      %dma_wait3A_577 = arith.constant 0 : i32
      %dma_wait3A_578 = tpu.memref_slice %arg11[%dma_wait3A_574, %dma_wait3A_575, %dma_wait3A_576, %dma_wait3A_577] : memref<3x2x3x80xi32, #tpu.memory_space<vmem>> -> memref<1x1x1x80xi32, #tpu.memory_space<vmem>>
      %dma_wait3A_579 = tpu.memref_squeeze %dma_wait3A_578 : memref<1x1x1x80xi32, #tpu.memory_space<vmem>> -> memref<80xi32, #tpu.memory_space<vmem>>
      %dma_wait3A_580 = arith.constant 0 : i32
      %dma_wait3A_581 = arith.constant 0 : i32
      %dma_wait3A_582 = tpu.memref_slice %arg2[%dma_wait3A_580, %dma_wait3A_581] : memref<10000x128xf32, #tpu.memory_space<hbm>> -> memref<10000x128xf32, #tpu.memory_space<hbm>>
      tpu.wait_indirect_dma semaphore(%arg18 : memref<!tpu.dma_semaphore, #tpu.memory_space<semaphore_mem>>) src(%dma_wait3A_582 : memref<10000x128xf32, #tpu.memory_space<hbm>>) dst(%arg14 : memref<80x128xf32, #tpu.memory_space<vmem>>)
      %dma_start3A_583 = arith.constant 1 : i32
      %dma_start3A_584 = arith.constant 1 : i32
      %dma_start3A_585 = arith.constant 2 : i32
      %dma_start3A_586 = arith.constant 0 : i32
      %dma_start3A_587 = tpu.memref_slice %arg11[%dma_start3A_583, %dma_start3A_584, %dma_start3A_585, %dma_start3A_586] : memref<3x2x3x80xi32, #tpu.memory_space<vmem>> -> memref<1x1x1x80xi32, #tpu.memory_space<vmem>>
      %dma_start3A_588 = tpu.memref_squeeze %dma_start3A_587 : memref<1x1x1x80xi32, #tpu.memory_space<vmem>> -> memref<80xi32, #tpu.memory_space<vmem>>
      %dma_start3A_589 = arith.constant 0 : i32
      %dma_start3A_590 = arith.constant 0 : i32
      %dma_start3A_591 = tpu.memref_slice %arg9[%dma_start3A_589, %dma_start3A_590] : memref<10016x128xf32, #tpu.memory_space<vmem_shared>> -> memref<10016x128xf32, #tpu.memory_space<vmem_shared>>
      tpu.enqueue_indirect_dma source(%arg14 : memref<80x128xf32, #tpu.memory_space<vmem>>) target(%dma_start3A_591 : memref<10016x128xf32, #tpu.memory_space<vmem_shared>>) offsets(%dma_start3A_588 : memref<80xi32, #tpu.memory_space<vmem>>) semaphore(%arg21 : memref<!tpu.dma_semaphore, #tpu.memory_space<semaphore_mem>>) {add = true}
      %dma_wait3A_592 = arith.constant 1 : i32
      %dma_wait3A_593 = arith.constant 1 : i32
      %dma_wait3A_594 = arith.constant 2 : i32
      %dma_wait3A_595 = arith.constant 0 : i32
      %dma_wait3A_596 = tpu.memref_slice %arg11[%dma_wait3A_592, %dma_wait3A_593, %dma_wait3A_594, %dma_wait3A_595] : memref<3x2x3x80xi32, #tpu.memory_space<vmem>> -> memref<1x1x1x80xi32, #tpu.memory_space<vmem>>
      %dma_wait3A_597 = tpu.memref_squeeze %dma_wait3A_596 : memref<1x1x1x80xi32, #tpu.memory_space<vmem>> -> memref<80xi32, #tpu.memory_space<vmem>>
      %dma_wait3A_598 = arith.constant 0 : i32
      %dma_wait3A_599 = arith.constant 0 : i32
      %dma_wait3A_600 = tpu.memref_slice %arg9[%dma_wait3A_598, %dma_wait3A_599] : memref<10016x128xf32, #tpu.memory_space<vmem_shared>> -> memref<10016x128xf32, #tpu.memory_space<vmem_shared>>
      tpu.wait_indirect_dma semaphore(%arg20 : memref<!tpu.dma_semaphore, #tpu.memory_space<semaphore_mem>>) src(%arg13 : memref<80x128xf32, #tpu.memory_space<vmem>>) dst(%dma_wait3A_600 : memref<10016x128xf32, #tpu.memory_space<vmem_shared>>)
      %dma_start3A_601 = arith.constant 2 : i32
      %dma_start3A_602 = arith.constant 0 : i32
      %dma_start3A_603 = arith.constant 1 : i32
      %dma_start3A_604 = arith.constant 0 : i32
      %dma_start3A_605 = tpu.memref_slice %arg11[%dma_start3A_601, %dma_start3A_602, %dma_start3A_603, %dma_start3A_604] : memref<3x2x3x80xi32, #tpu.memory_space<vmem>> -> memref<1x1x1x80xi32, #tpu.memory_space<vmem>>
      %dma_start3A_606 = tpu.memref_squeeze %dma_start3A_605 : memref<1x1x1x80xi32, #tpu.memory_space<vmem>> -> memref<80xi32, #tpu.memory_space<vmem>>
      %dma_start3A_607 = arith.constant 0 : i32
      %dma_start3A_608 = arith.constant 0 : i32
      %dma_start3A_609 = tpu.memref_slice %arg2[%dma_start3A_607, %dma_start3A_608] : memref<10000x128xf32, #tpu.memory_space<hbm>> -> memref<10000x128xf32, #tpu.memory_space<hbm>>
      tpu.enqueue_indirect_dma source(%dma_start3A_609 : memref<10000x128xf32, #tpu.memory_space<hbm>>) target(%arg13 : memref<80x128xf32, #tpu.memory_space<vmem>>) offsets(%dma_start3A_606 : memref<80xi32, #tpu.memory_space<vmem>>) semaphore(%arg17 : memref<!tpu.dma_semaphore, #tpu.memory_space<semaphore_mem>>)
      %add3A_610 = arith.constant 1 : i32
      %add3A_611 = arith.addi %add3A_421, %add3A_610 : i32
      %add3A_612 = arith.constant 1 : i32
      %add3A_613 = arith.addi %add3A_611, %add3A_612 : i32
      %mul3A_614 = arith.constant 3 : i32
      %mul3A_615 = arith.muli %mul3A_614, %add3A_613 : i32
      %dma_wait3A_616 = arith.constant 0 : i32
      %dma_wait3A_617 = arith.constant 0 : i32
      %dma_wait3A_618 = arith.constant 0 : i32
      %dma_wait3A_619 = arith.constant 0 : i32
      %dma_wait3A_620 = arith.constant 0 : i32
      %dma_wait3A_621 = tpu.memref_slice %arg11[%dma_wait3A_617, %dma_wait3A_618, %dma_wait3A_619, %dma_wait3A_620] : memref<3x2x3x80xi32, #tpu.memory_space<vmem>> -> memref<1x1x3x80xi32, #tpu.memory_space<vmem>>
      %dma_wait3A_622 = tpu.memref_squeeze %dma_wait3A_621 : memref<1x1x3x80xi32, #tpu.memory_space<vmem>> -> memref<3x80xi32, #tpu.memory_space<vmem>>
      %dma_wait3A_623 = arith.constant 0 : i32
      %dma_wait3A_624 = tpu.memref_slice %arg3[%dma_wait3A_616, %add3A, %mul3A_615, %dma_wait3A_623] : memref<2x32x126x80xi32, #tpu.memory_space<hbm>> -> memref<1x1x3x80xi32, #tpu.memory_space<hbm>>
      %dma_wait3A_625 = tpu.memref_squeeze %dma_wait3A_624 : memref<1x1x3x80xi32, #tpu.memory_space<hbm>> -> memref<3x80xi32, #tpu.memory_space<hbm>>
      %dma_wait3A_626 = arith.constant 0 : i32
      %dma_wait3A_627 = arith.constant 0 : i32
      %dma_wait3A_628 = tpu.memref_slice %arg11[%dma_wait3A_617, %dma_wait3A_618, %dma_wait3A_626, %dma_wait3A_627] : memref<3x2x3x80xi32, #tpu.memory_space<vmem>> -> memref<1x1x3x80xi32, #tpu.memory_space<vmem>>
      %dma_wait3A_629 = tpu.memref_squeeze %dma_wait3A_628 : memref<1x1x3x80xi32, #tpu.memory_space<vmem>> -> memref<3x80xi32, #tpu.memory_space<vmem>>
      %dma_wait3A_630 = arith.constant 0 : i32
      %dma_wait3A_631 = tpu.memref_slice %arg3[%dma_wait3A_616, %add3A, %mul3A_615, %dma_wait3A_630] : memref<2x32x126x80xi32, #tpu.memory_space<hbm>> -> memref<1x1x3x80xi32, #tpu.memory_space<hbm>>
      %dma_wait3A_632 = tpu.memref_squeeze %dma_wait3A_631 : memref<1x1x3x80xi32, #tpu.memory_space<hbm>> -> memref<3x80xi32, #tpu.memory_space<hbm>>
      tpu.wait_dma2 semaphore(%arg22 : memref<!tpu.dma_semaphore, #tpu.memory_space<semaphore_mem>>) src(%dma_wait3A_632 : memref<3x80xi32, #tpu.memory_space<hbm>>) dst(%dma_wait3A_629 : memref<3x80xi32, #tpu.memory_space<vmem>>)
      %mul3A_633 = arith.constant 3 : i32
      %mul3A_634 = arith.muli %mul3A_633, %add3A_613 : i32
      %dma_wait3A_635 = arith.constant 1 : i32
      %dma_wait3A_636 = arith.constant 0 : i32
      %dma_wait3A_637 = arith.constant 1 : i32
      %dma_wait3A_638 = arith.constant 0 : i32
      %dma_wait3A_639 = arith.constant 0 : i32
      %dma_wait3A_640 = tpu.memref_slice %arg11[%dma_wait3A_636, %dma_wait3A_637, %dma_wait3A_638, %dma_wait3A_639] : memref<3x2x3x80xi32, #tpu.memory_space<vmem>> -> memref<1x1x3x80xi32, #tpu.memory_space<vmem>>
      %dma_wait3A_641 = tpu.memref_squeeze %dma_wait3A_640 : memref<1x1x3x80xi32, #tpu.memory_space<vmem>> -> memref<3x80xi32, #tpu.memory_space<vmem>>
      %dma_wait3A_642 = arith.constant 0 : i32
      %dma_wait3A_643 = tpu.memref_slice %arg3[%dma_wait3A_635, %add3A, %mul3A_634, %dma_wait3A_642] : memref<2x32x126x80xi32, #tpu.memory_space<hbm>> -> memref<1x1x3x80xi32, #tpu.memory_space<hbm>>
      %dma_wait3A_644 = tpu.memref_squeeze %dma_wait3A_643 : memref<1x1x3x80xi32, #tpu.memory_space<hbm>> -> memref<3x80xi32, #tpu.memory_space<hbm>>
      %dma_wait3A_645 = arith.constant 0 : i32
      %dma_wait3A_646 = arith.constant 0 : i32
      %dma_wait3A_647 = tpu.memref_slice %arg11[%dma_wait3A_636, %dma_wait3A_637, %dma_wait3A_645, %dma_wait3A_646] : memref<3x2x3x80xi32, #tpu.memory_space<vmem>> -> memref<1x1x3x80xi32, #tpu.memory_space<vmem>>
      %dma_wait3A_648 = tpu.memref_squeeze %dma_wait3A_647 : memref<1x1x3x80xi32, #tpu.memory_space<vmem>> -> memref<3x80xi32, #tpu.memory_space<vmem>>
      %dma_wait3A_649 = arith.constant 0 : i32
      %dma_wait3A_650 = tpu.memref_slice %arg3[%dma_wait3A_635, %add3A, %mul3A_634, %dma_wait3A_649] : memref<2x32x126x80xi32, #tpu.memory_space<hbm>> -> memref<1x1x3x80xi32, #tpu.memory_space<hbm>>
      %dma_wait3A_651 = tpu.memref_squeeze %dma_wait3A_650 : memref<1x1x3x80xi32, #tpu.memory_space<hbm>> -> memref<3x80xi32, #tpu.memory_space<hbm>>
      tpu.wait_dma2 semaphore(%arg22 : memref<!tpu.dma_semaphore, #tpu.memory_space<semaphore_mem>>) src(%dma_wait3A_651 : memref<3x80xi32, #tpu.memory_space<hbm>>) dst(%dma_wait3A_648 : memref<3x80xi32, #tpu.memory_space<vmem>>)
      %dma_wait3A_652 = arith.constant 2 : i32
      %dma_wait3A_653 = arith.constant 0 : i32
      %dma_wait3A_654 = arith.constant 0 : i32
      %dma_wait3A_655 = arith.constant 0 : i32
      %dma_wait3A_656 = tpu.memref_slice %arg11[%dma_wait3A_652, %dma_wait3A_653, %dma_wait3A_654, %dma_wait3A_655] : memref<3x2x3x80xi32, #tpu.memory_space<vmem>> -> memref<1x1x1x80xi32, #tpu.memory_space<vmem>>
      %dma_wait3A_657 = tpu.memref_squeeze %dma_wait3A_656 : memref<1x1x1x80xi32, #tpu.memory_space<vmem>> -> memref<80xi32, #tpu.memory_space<vmem>>
      %dma_wait3A_658 = arith.constant 0 : i32
      %dma_wait3A_659 = arith.constant 0 : i32
      %dma_wait3A_660 = tpu.memref_slice %arg2[%dma_wait3A_658, %dma_wait3A_659] : memref<10000x128xf32, #tpu.memory_space<hbm>> -> memref<10000x128xf32, #tpu.memory_space<hbm>>
      tpu.wait_indirect_dma semaphore(%arg16 : memref<!tpu.dma_semaphore, #tpu.memory_space<semaphore_mem>>) src(%dma_wait3A_660 : memref<10000x128xf32, #tpu.memory_space<hbm>>) dst(%arg12 : memref<80x128xf32, #tpu.memory_space<vmem>>)
      %dma_start3A_661 = arith.constant 2 : i32
      %dma_start3A_662 = arith.constant 1 : i32
      %dma_start3A_663 = arith.constant 0 : i32
      %dma_start3A_664 = arith.constant 0 : i32
      %dma_start3A_665 = tpu.memref_slice %arg11[%dma_start3A_661, %dma_start3A_662, %dma_start3A_663, %dma_start3A_664] : memref<3x2x3x80xi32, #tpu.memory_space<vmem>> -> memref<1x1x1x80xi32, #tpu.memory_space<vmem>>
      %dma_start3A_666 = tpu.memref_squeeze %dma_start3A_665 : memref<1x1x1x80xi32, #tpu.memory_space<vmem>> -> memref<80xi32, #tpu.memory_space<vmem>>
      %dma_start3A_667 = arith.constant 0 : i32
      %dma_start3A_668 = arith.constant 0 : i32
      %dma_start3A_669 = tpu.memref_slice %arg9[%dma_start3A_667, %dma_start3A_668] : memref<10016x128xf32, #tpu.memory_space<vmem_shared>> -> memref<10016x128xf32, #tpu.memory_space<vmem_shared>>
      tpu.enqueue_indirect_dma source(%arg12 : memref<80x128xf32, #tpu.memory_space<vmem>>) target(%dma_start3A_669 : memref<10016x128xf32, #tpu.memory_space<vmem_shared>>) offsets(%dma_start3A_666 : memref<80xi32, #tpu.memory_space<vmem>>) semaphore(%arg19 : memref<!tpu.dma_semaphore, #tpu.memory_space<semaphore_mem>>) {add = true}
      %dma_wait3A_670 = arith.constant 2 : i32
      %dma_wait3A_671 = arith.constant 1 : i32
      %dma_wait3A_672 = arith.constant 0 : i32
      %dma_wait3A_673 = arith.constant 0 : i32
      %dma_wait3A_674 = tpu.memref_slice %arg11[%dma_wait3A_670, %dma_wait3A_671, %dma_wait3A_672, %dma_wait3A_673] : memref<3x2x3x80xi32, #tpu.memory_space<vmem>> -> memref<1x1x1x80xi32, #tpu.memory_space<vmem>>
      %dma_wait3A_675 = tpu.memref_squeeze %dma_wait3A_674 : memref<1x1x1x80xi32, #tpu.memory_space<vmem>> -> memref<80xi32, #tpu.memory_space<vmem>>
      %dma_wait3A_676 = arith.constant 0 : i32
      %dma_wait3A_677 = arith.constant 0 : i32
      %dma_wait3A_678 = tpu.memref_slice %arg9[%dma_wait3A_676, %dma_wait3A_677] : memref<10016x128xf32, #tpu.memory_space<vmem_shared>> -> memref<10016x128xf32, #tpu.memory_space<vmem_shared>>
      tpu.wait_indirect_dma semaphore(%arg21 : memref<!tpu.dma_semaphore, #tpu.memory_space<semaphore_mem>>) src(%arg14 : memref<80x128xf32, #tpu.memory_space<vmem>>) dst(%dma_wait3A_678 : memref<10016x128xf32, #tpu.memory_space<vmem_shared>>)
      %dma_start3A_679 = arith.constant 2 : i32
      %dma_start3A_680 = arith.constant 0 : i32
      %dma_start3A_681 = arith.constant 2 : i32
      %dma_start3A_682 = arith.constant 0 : i32
      %dma_start3A_683 = tpu.memref_slice %arg11[%dma_start3A_679, %dma_start3A_680, %dma_start3A_681, %dma_start3A_682] : memref<3x2x3x80xi32, #tpu.memory_space<vmem>> -> memref<1x1x1x80xi32, #tpu.memory_space<vmem>>
      %dma_start3A_684 = tpu.memref_squeeze %dma_start3A_683 : memref<1x1x1x80xi32, #tpu.memory_space<vmem>> -> memref<80xi32, #tpu.memory_space<vmem>>
      %dma_start3A_685 = arith.constant 0 : i32
      %dma_start3A_686 = arith.constant 0 : i32
      %dma_start3A_687 = tpu.memref_slice %arg2[%dma_start3A_685, %dma_start3A_686] : memref<10000x128xf32, #tpu.memory_space<hbm>> -> memref<10000x128xf32, #tpu.memory_space<hbm>>
      tpu.enqueue_indirect_dma source(%dma_start3A_687 : memref<10000x128xf32, #tpu.memory_space<hbm>>) target(%arg14 : memref<80x128xf32, #tpu.memory_space<vmem>>) offsets(%dma_start3A_684 : memref<80xi32, #tpu.memory_space<vmem>>) semaphore(%arg18 : memref<!tpu.dma_semaphore, #tpu.memory_space<semaphore_mem>>)
      %add3A_688 = arith.constant 2 : i32
      %add3A_689 = arith.addi %add3A_611, %add3A_688 : i32
      %mul3A_690 = arith.constant 3 : i32
      %mul3A_691 = arith.muli %mul3A_690, %add3A_689 : i32
      %dma_start3A_692 = arith.constant 0 : i32
      %dma_start3A_693 = arith.constant 1 : i32
      %dma_start3A_694 = arith.constant 0 : i32
      %dma_start3A_695 = arith.constant 0 : i32
      %dma_start3A_696 = arith.constant 0 : i32
      %dma_start3A_697 = tpu.memref_slice %arg11[%dma_start3A_693, %dma_start3A_694, %dma_start3A_695, %dma_start3A_696] : memref<3x2x3x80xi32, #tpu.memory_space<vmem>> -> memref<1x1x3x80xi32, #tpu.memory_space<vmem>>
      %dma_start3A_698 = tpu.memref_squeeze %dma_start3A_697 : memref<1x1x3x80xi32, #tpu.memory_space<vmem>> -> memref<3x80xi32, #tpu.memory_space<vmem>>
      %dma_start3A_699 = arith.constant 0 : i32
      %dma_start3A_700 = tpu.memref_slice %arg3[%dma_start3A_692, %add3A, %mul3A_691, %dma_start3A_699] : memref<2x32x126x80xi32, #tpu.memory_space<hbm>> -> memref<1x1x3x80xi32, #tpu.memory_space<hbm>>
      %dma_start3A_701 = tpu.memref_squeeze %dma_start3A_700 : memref<1x1x3x80xi32, #tpu.memory_space<hbm>> -> memref<3x80xi32, #tpu.memory_space<hbm>>
      %dma_start3A_702 = arith.constant 0 : i32
      %dma_start3A_703 = arith.constant 0 : i32
      %dma_start3A_704 = tpu.memref_slice %arg11[%dma_start3A_693, %dma_start3A_694, %dma_start3A_702, %dma_start3A_703] : memref<3x2x3x80xi32, #tpu.memory_space<vmem>> -> memref<1x1x3x80xi32, #tpu.memory_space<vmem>>
      %dma_start3A_705 = tpu.memref_squeeze %dma_start3A_704 : memref<1x1x3x80xi32, #tpu.memory_space<vmem>> -> memref<3x80xi32, #tpu.memory_space<vmem>>
      %dma_start3A_706 = arith.constant 0 : i32
      %dma_start3A_707 = tpu.memref_slice %arg3[%dma_start3A_692, %add3A, %mul3A_691, %dma_start3A_706] : memref<2x32x126x80xi32, #tpu.memory_space<hbm>> -> memref<1x1x3x80xi32, #tpu.memory_space<hbm>>
      %dma_start3A_708 = tpu.memref_squeeze %dma_start3A_707 : memref<1x1x3x80xi32, #tpu.memory_space<hbm>> -> memref<3x80xi32, #tpu.memory_space<hbm>>
      tpu.enqueue_dma source(%dma_start3A_708 : memref<3x80xi32, #tpu.memory_space<hbm>>) target(%dma_start3A_705 : memref<3x80xi32, #tpu.memory_space<vmem>>) target_semaphore(%arg23 : memref<!tpu.dma_semaphore, #tpu.memory_space<semaphore_mem>>)
      %mul3A_709 = arith.constant 3 : i32
      %mul3A_710 = arith.muli %mul3A_709, %add3A_689 : i32
      %dma_start3A_711 = arith.constant 1 : i32
      %dma_start3A_712 = arith.constant 1 : i32
      %dma_start3A_713 = arith.constant 1 : i32
      %dma_start3A_714 = arith.constant 0 : i32
      %dma_start3A_715 = arith.constant 0 : i32
      %dma_start3A_716 = tpu.memref_slice %arg11[%dma_start3A_712, %dma_start3A_713, %dma_start3A_714, %dma_start3A_715] : memref<3x2x3x80xi32, #tpu.memory_space<vmem>> -> memref<1x1x3x80xi32, #tpu.memory_space<vmem>>
      %dma_start3A_717 = tpu.memref_squeeze %dma_start3A_716 : memref<1x1x3x80xi32, #tpu.memory_space<vmem>> -> memref<3x80xi32, #tpu.memory_space<vmem>>
      %dma_start3A_718 = arith.constant 0 : i32
      %dma_start3A_719 = tpu.memref_slice %arg3[%dma_start3A_711, %add3A, %mul3A_710, %dma_start3A_718] : memref<2x32x126x80xi32, #tpu.memory_space<hbm>> -> memref<1x1x3x80xi32, #tpu.memory_space<hbm>>
      %dma_start3A_720 = tpu.memref_squeeze %dma_start3A_719 : memref<1x1x3x80xi32, #tpu.memory_space<hbm>> -> memref<3x80xi32, #tpu.memory_space<hbm>>
      %dma_start3A_721 = arith.constant 0 : i32
      %dma_start3A_722 = arith.constant 0 : i32
      %dma_start3A_723 = tpu.memref_slice %arg11[%dma_start3A_712, %dma_start3A_713, %dma_start3A_721, %dma_start3A_722] : memref<3x2x3x80xi32, #tpu.memory_space<vmem>> -> memref<1x1x3x80xi32, #tpu.memory_space<vmem>>
      %dma_start3A_724 = tpu.memref_squeeze %dma_start3A_723 : memref<1x1x3x80xi32, #tpu.memory_space<vmem>> -> memref<3x80xi32, #tpu.memory_space<vmem>>
      %dma_start3A_725 = arith.constant 0 : i32
      %dma_start3A_726 = tpu.memref_slice %arg3[%dma_start3A_711, %add3A, %mul3A_710, %dma_start3A_725] : memref<2x32x126x80xi32, #tpu.memory_space<hbm>> -> memref<1x1x3x80xi32, #tpu.memory_space<hbm>>
      %dma_start3A_727 = tpu.memref_squeeze %dma_start3A_726 : memref<1x1x3x80xi32, #tpu.memory_space<hbm>> -> memref<3x80xi32, #tpu.memory_space<hbm>>
      tpu.enqueue_dma source(%dma_start3A_727 : memref<3x80xi32, #tpu.memory_space<hbm>>) target(%dma_start3A_724 : memref<3x80xi32, #tpu.memory_space<vmem>>) target_semaphore(%arg23 : memref<!tpu.dma_semaphore, #tpu.memory_space<semaphore_mem>>)
      %dma_wait3A_728 = arith.constant 2 : i32
      %dma_wait3A_729 = arith.constant 0 : i32
      %dma_wait3A_730 = arith.constant 1 : i32
      %dma_wait3A_731 = arith.constant 0 : i32
      %dma_wait3A_732 = tpu.memref_slice %arg11[%dma_wait3A_728, %dma_wait3A_729, %dma_wait3A_730, %dma_wait3A_731] : memref<3x2x3x80xi32, #tpu.memory_space<vmem>> -> memref<1x1x1x80xi32, #tpu.memory_space<vmem>>
      %dma_wait3A_733 = tpu.memref_squeeze %dma_wait3A_732 : memref<1x1x1x80xi32, #tpu.memory_space<vmem>> -> memref<80xi32, #tpu.memory_space<vmem>>
      %dma_wait3A_734 = arith.constant 0 : i32
      %dma_wait3A_735 = arith.constant 0 : i32
      %dma_wait3A_736 = tpu.memref_slice %arg2[%dma_wait3A_734, %dma_wait3A_735] : memref<10000x128xf32, #tpu.memory_space<hbm>> -> memref<10000x128xf32, #tpu.memory_space<hbm>>
      tpu.wait_indirect_dma semaphore(%arg17 : memref<!tpu.dma_semaphore, #tpu.memory_space<semaphore_mem>>) src(%dma_wait3A_736 : memref<10000x128xf32, #tpu.memory_space<hbm>>) dst(%arg13 : memref<80x128xf32, #tpu.memory_space<vmem>>)
      %dma_start3A_737 = arith.constant 2 : i32
      %dma_start3A_738 = arith.constant 1 : i32
      %dma_start3A_739 = arith.constant 1 : i32
      %dma_start3A_740 = arith.constant 0 : i32
      %dma_start3A_741 = tpu.memref_slice %arg11[%dma_start3A_737, %dma_start3A_738, %dma_start3A_739, %dma_start3A_740] : memref<3x2x3x80xi32, #tpu.memory_space<vmem>> -> memref<1x1x1x80xi32, #tpu.memory_space<vmem>>
      %dma_start3A_742 = tpu.memref_squeeze %dma_start3A_741 : memref<1x1x1x80xi32, #tpu.memory_space<vmem>> -> memref<80xi32, #tpu.memory_space<vmem>>
      %dma_start3A_743 = arith.constant 0 : i32
      %dma_start3A_744 = arith.constant 0 : i32
      %dma_start3A_745 = tpu.memref_slice %arg9[%dma_start3A_743, %dma_start3A_744] : memref<10016x128xf32, #tpu.memory_space<vmem_shared>> -> memref<10016x128xf32, #tpu.memory_space<vmem_shared>>
      tpu.enqueue_indirect_dma source(%arg13 : memref<80x128xf32, #tpu.memory_space<vmem>>) target(%dma_start3A_745 : memref<10016x128xf32, #tpu.memory_space<vmem_shared>>) offsets(%dma_start3A_742 : memref<80xi32, #tpu.memory_space<vmem>>) semaphore(%arg20 : memref<!tpu.dma_semaphore, #tpu.memory_space<semaphore_mem>>) {add = true}
      %dma_wait3A_746 = arith.constant 2 : i32
      %dma_wait3A_747 = arith.constant 1 : i32
      %dma_wait3A_748 = arith.constant 1 : i32
      %dma_wait3A_749 = arith.constant 0 : i32
      %dma_wait3A_750 = tpu.memref_slice %arg11[%dma_wait3A_746, %dma_wait3A_747, %dma_wait3A_748, %dma_wait3A_749] : memref<3x2x3x80xi32, #tpu.memory_space<vmem>> -> memref<1x1x1x80xi32, #tpu.memory_space<vmem>>
      %dma_wait3A_751 = tpu.memref_squeeze %dma_wait3A_750 : memref<1x1x1x80xi32, #tpu.memory_space<vmem>> -> memref<80xi32, #tpu.memory_space<vmem>>
      %dma_wait3A_752 = arith.constant 0 : i32
      %dma_wait3A_753 = arith.constant 0 : i32
      %dma_wait3A_754 = tpu.memref_slice %arg9[%dma_wait3A_752, %dma_wait3A_753] : memref<10016x128xf32, #tpu.memory_space<vmem_shared>> -> memref<10016x128xf32, #tpu.memory_space<vmem_shared>>
      tpu.wait_indirect_dma semaphore(%arg19 : memref<!tpu.dma_semaphore, #tpu.memory_space<semaphore_mem>>) src(%arg12 : memref<80x128xf32, #tpu.memory_space<vmem>>) dst(%dma_wait3A_754 : memref<10016x128xf32, #tpu.memory_space<vmem_shared>>)
      %dma_start3A_755 = arith.constant 0 : i32
      %dma_start3A_756 = arith.constant 0 : i32
      %dma_start3A_757 = arith.constant 0 : i32
      %dma_start3A_758 = arith.constant 0 : i32
      %dma_start3A_759 = tpu.memref_slice %arg11[%dma_start3A_755, %dma_start3A_756, %dma_start3A_757, %dma_start3A_758] : memref<3x2x3x80xi32, #tpu.memory_space<vmem>> -> memref<1x1x1x80xi32, #tpu.memory_space<vmem>>
      %dma_start3A_760 = tpu.memref_squeeze %dma_start3A_759 : memref<1x1x1x80xi32, #tpu.memory_space<vmem>> -> memref<80xi32, #tpu.memory_space<vmem>>
      %dma_start3A_761 = arith.constant 0 : i32
      %dma_start3A_762 = arith.constant 0 : i32
      %dma_start3A_763 = tpu.memref_slice %arg2[%dma_start3A_761, %dma_start3A_762] : memref<10000x128xf32, #tpu.memory_space<hbm>> -> memref<10000x128xf32, #tpu.memory_space<hbm>>
      tpu.enqueue_indirect_dma source(%dma_start3A_763 : memref<10000x128xf32, #tpu.memory_space<hbm>>) target(%arg12 : memref<80x128xf32, #tpu.memory_space<vmem>>) offsets(%dma_start3A_760 : memref<80xi32, #tpu.memory_space<vmem>>) semaphore(%arg16 : memref<!tpu.dma_semaphore, #tpu.memory_space<semaphore_mem>>)
      %dma_wait3A_764 = arith.constant 2 : i32
      %dma_wait3A_765 = arith.constant 0 : i32
      %dma_wait3A_766 = arith.constant 2 : i32
      %dma_wait3A_767 = arith.constant 0 : i32
      %dma_wait3A_768 = tpu.memref_slice %arg11[%dma_wait3A_764, %dma_wait3A_765, %dma_wait3A_766, %dma_wait3A_767] : memref<3x2x3x80xi32, #tpu.memory_space<vmem>> -> memref<1x1x1x80xi32, #tpu.memory_space<vmem>>
      %dma_wait3A_769 = tpu.memref_squeeze %dma_wait3A_768 : memref<1x1x1x80xi32, #tpu.memory_space<vmem>> -> memref<80xi32, #tpu.memory_space<vmem>>
      %dma_wait3A_770 = arith.constant 0 : i32
      %dma_wait3A_771 = arith.constant 0 : i32
      %dma_wait3A_772 = tpu.memref_slice %arg2[%dma_wait3A_770, %dma_wait3A_771] : memref<10000x128xf32, #tpu.memory_space<hbm>> -> memref<10000x128xf32, #tpu.memory_space<hbm>>
      tpu.wait_indirect_dma semaphore(%arg18 : memref<!tpu.dma_semaphore, #tpu.memory_space<semaphore_mem>>) src(%dma_wait3A_772 : memref<10000x128xf32, #tpu.memory_space<hbm>>) dst(%arg14 : memref<80x128xf32, #tpu.memory_space<vmem>>)
      %dma_start3A_773 = arith.constant 2 : i32
      %dma_start3A_774 = arith.constant 1 : i32
      %dma_start3A_775 = arith.constant 2 : i32
      %dma_start3A_776 = arith.constant 0 : i32
      %dma_start3A_777 = tpu.memref_slice %arg11[%dma_start3A_773, %dma_start3A_774, %dma_start3A_775, %dma_start3A_776] : memref<3x2x3x80xi32, #tpu.memory_space<vmem>> -> memref<1x1x1x80xi32, #tpu.memory_space<vmem>>
      %dma_start3A_778 = tpu.memref_squeeze %dma_start3A_777 : memref<1x1x1x80xi32, #tpu.memory_space<vmem>> -> memref<80xi32, #tpu.memory_space<vmem>>
      %dma_start3A_779 = arith.constant 0 : i32
      %dma_start3A_780 = arith.constant 0 : i32
      %dma_start3A_781 = tpu.memref_slice %arg9[%dma_start3A_779, %dma_start3A_780] : memref<10016x128xf32, #tpu.memory_space<vmem_shared>> -> memref<10016x128xf32, #tpu.memory_space<vmem_shared>>
      tpu.enqueue_indirect_dma source(%arg14 : memref<80x128xf32, #tpu.memory_space<vmem>>) target(%dma_start3A_781 : memref<10016x128xf32, #tpu.memory_space<vmem_shared>>) offsets(%dma_start3A_778 : memref<80xi32, #tpu.memory_space<vmem>>) semaphore(%arg21 : memref<!tpu.dma_semaphore, #tpu.memory_space<semaphore_mem>>) {add = true}
      %dma_wait3A_782 = arith.constant 2 : i32
      %dma_wait3A_783 = arith.constant 1 : i32
      %dma_wait3A_784 = arith.constant 2 : i32
      %dma_wait3A_785 = arith.constant 0 : i32
      %dma_wait3A_786 = tpu.memref_slice %arg11[%dma_wait3A_782, %dma_wait3A_783, %dma_wait3A_784, %dma_wait3A_785] : memref<3x2x3x80xi32, #tpu.memory_space<vmem>> -> memref<1x1x1x80xi32, #tpu.memory_space<vmem>>
      %dma_wait3A_787 = tpu.memref_squeeze %dma_wait3A_786 : memref<1x1x1x80xi32, #tpu.memory_space<vmem>> -> memref<80xi32, #tpu.memory_space<vmem>>
      %dma_wait3A_788 = arith.constant 0 : i32
      %dma_wait3A_789 = arith.constant 0 : i32
      %dma_wait3A_790 = tpu.memref_slice %arg9[%dma_wait3A_788, %dma_wait3A_789] : memref<10016x128xf32, #tpu.memory_space<vmem_shared>> -> memref<10016x128xf32, #tpu.memory_space<vmem_shared>>
      tpu.wait_indirect_dma semaphore(%arg20 : memref<!tpu.dma_semaphore, #tpu.memory_space<semaphore_mem>>) src(%arg13 : memref<80x128xf32, #tpu.memory_space<vmem>>) dst(%dma_wait3A_790 : memref<10016x128xf32, #tpu.memory_space<vmem_shared>>)
      %dma_start3A_791 = arith.constant 0 : i32
      %dma_start3A_792 = arith.constant 0 : i32
      %dma_start3A_793 = arith.constant 1 : i32
      %dma_start3A_794 = arith.constant 0 : i32
      %dma_start3A_795 = tpu.memref_slice %arg11[%dma_start3A_791, %dma_start3A_792, %dma_start3A_793, %dma_start3A_794] : memref<3x2x3x80xi32, #tpu.memory_space<vmem>> -> memref<1x1x1x80xi32, #tpu.memory_space<vmem>>
      %dma_start3A_796 = tpu.memref_squeeze %dma_start3A_795 : memref<1x1x1x80xi32, #tpu.memory_space<vmem>> -> memref<80xi32, #tpu.memory_space<vmem>>
      %dma_start3A_797 = arith.constant 0 : i32
      %dma_start3A_798 = arith.constant 0 : i32
      %dma_start3A_799 = tpu.memref_slice %arg2[%dma_start3A_797, %dma_start3A_798] : memref<10000x128xf32, #tpu.memory_space<hbm>> -> memref<10000x128xf32, #tpu.memory_space<hbm>>
      tpu.enqueue_indirect_dma source(%dma_start3A_799 : memref<10000x128xf32, #tpu.memory_space<hbm>>) target(%arg13 : memref<80x128xf32, #tpu.memory_space<vmem>>) offsets(%dma_start3A_796 : memref<80xi32, #tpu.memory_space<vmem>>) semaphore(%arg17 : memref<!tpu.dma_semaphore, #tpu.memory_space<semaphore_mem>>)
      %add3A_800 = arith.constant 2 : i32
      %add3A_801 = arith.addi %add3A_421, %add3A_800 : i32
      %add3A_802 = arith.constant 1 : i32
      %add3A_803 = arith.addi %add3A_801, %add3A_802 : i32
      %mul3A_804 = arith.constant 3 : i32
      %mul3A_805 = arith.muli %mul3A_804, %add3A_803 : i32
      %dma_wait3A_806 = arith.constant 0 : i32
      %dma_wait3A_807 = arith.constant 1 : i32
      %dma_wait3A_808 = arith.constant 0 : i32
      %dma_wait3A_809 = arith.constant 0 : i32
      %dma_wait3A_810 = arith.constant 0 : i32
      %dma_wait3A_811 = tpu.memref_slice %arg11[%dma_wait3A_807, %dma_wait3A_808, %dma_wait3A_809, %dma_wait3A_810] : memref<3x2x3x80xi32, #tpu.memory_space<vmem>> -> memref<1x1x3x80xi32, #tpu.memory_space<vmem>>
      %dma_wait3A_812 = tpu.memref_squeeze %dma_wait3A_811 : memref<1x1x3x80xi32, #tpu.memory_space<vmem>> -> memref<3x80xi32, #tpu.memory_space<vmem>>
      %dma_wait3A_813 = arith.constant 0 : i32
      %dma_wait3A_814 = tpu.memref_slice %arg3[%dma_wait3A_806, %add3A, %mul3A_805, %dma_wait3A_813] : memref<2x32x126x80xi32, #tpu.memory_space<hbm>> -> memref<1x1x3x80xi32, #tpu.memory_space<hbm>>
      %dma_wait3A_815 = tpu.memref_squeeze %dma_wait3A_814 : memref<1x1x3x80xi32, #tpu.memory_space<hbm>> -> memref<3x80xi32, #tpu.memory_space<hbm>>
      %dma_wait3A_816 = arith.constant 0 : i32
      %dma_wait3A_817 = arith.constant 0 : i32
      %dma_wait3A_818 = tpu.memref_slice %arg11[%dma_wait3A_807, %dma_wait3A_808, %dma_wait3A_816, %dma_wait3A_817] : memref<3x2x3x80xi32, #tpu.memory_space<vmem>> -> memref<1x1x3x80xi32, #tpu.memory_space<vmem>>
      %dma_wait3A_819 = tpu.memref_squeeze %dma_wait3A_818 : memref<1x1x3x80xi32, #tpu.memory_space<vmem>> -> memref<3x80xi32, #tpu.memory_space<vmem>>
      %dma_wait3A_820 = arith.constant 0 : i32
      %dma_wait3A_821 = tpu.memref_slice %arg3[%dma_wait3A_806, %add3A, %mul3A_805, %dma_wait3A_820] : memref<2x32x126x80xi32, #tpu.memory_space<hbm>> -> memref<1x1x3x80xi32, #tpu.memory_space<hbm>>
      %dma_wait3A_822 = tpu.memref_squeeze %dma_wait3A_821 : memref<1x1x3x80xi32, #tpu.memory_space<hbm>> -> memref<3x80xi32, #tpu.memory_space<hbm>>
      tpu.wait_dma2 semaphore(%arg23 : memref<!tpu.dma_semaphore, #tpu.memory_space<semaphore_mem>>) src(%dma_wait3A_822 : memref<3x80xi32, #tpu.memory_space<hbm>>) dst(%dma_wait3A_819 : memref<3x80xi32, #tpu.memory_space<vmem>>)
      %mul3A_823 = arith.constant 3 : i32
      %mul3A_824 = arith.muli %mul3A_823, %add3A_803 : i32
      %dma_wait3A_825 = arith.constant 1 : i32
      %dma_wait3A_826 = arith.constant 1 : i32
      %dma_wait3A_827 = arith.constant 1 : i32
      %dma_wait3A_828 = arith.constant 0 : i32
      %dma_wait3A_829 = arith.constant 0 : i32
      %dma_wait3A_830 = tpu.memref_slice %arg11[%dma_wait3A_826, %dma_wait3A_827, %dma_wait3A_828, %dma_wait3A_829] : memref<3x2x3x80xi32, #tpu.memory_space<vmem>> -> memref<1x1x3x80xi32, #tpu.memory_space<vmem>>
      %dma_wait3A_831 = tpu.memref_squeeze %dma_wait3A_830 : memref<1x1x3x80xi32, #tpu.memory_space<vmem>> -> memref<3x80xi32, #tpu.memory_space<vmem>>
      %dma_wait3A_832 = arith.constant 0 : i32
      %dma_wait3A_833 = tpu.memref_slice %arg3[%dma_wait3A_825, %add3A, %mul3A_824, %dma_wait3A_832] : memref<2x32x126x80xi32, #tpu.memory_space<hbm>> -> memref<1x1x3x80xi32, #tpu.memory_space<hbm>>
      %dma_wait3A_834 = tpu.memref_squeeze %dma_wait3A_833 : memref<1x1x3x80xi32, #tpu.memory_space<hbm>> -> memref<3x80xi32, #tpu.memory_space<hbm>>
      %dma_wait3A_835 = arith.constant 0 : i32
      %dma_wait3A_836 = arith.constant 0 : i32
      %dma_wait3A_837 = tpu.memref_slice %arg11[%dma_wait3A_826, %dma_wait3A_827, %dma_wait3A_835, %dma_wait3A_836] : memref<3x2x3x80xi32, #tpu.memory_space<vmem>> -> memref<1x1x3x80xi32, #tpu.memory_space<vmem>>
      %dma_wait3A_838 = tpu.memref_squeeze %dma_wait3A_837 : memref<1x1x3x80xi32, #tpu.memory_space<vmem>> -> memref<3x80xi32, #tpu.memory_space<vmem>>
      %dma_wait3A_839 = arith.constant 0 : i32
      %dma_wait3A_840 = tpu.memref_slice %arg3[%dma_wait3A_825, %add3A, %mul3A_824, %dma_wait3A_839] : memref<2x32x126x80xi32, #tpu.memory_space<hbm>> -> memref<1x1x3x80xi32, #tpu.memory_space<hbm>>
      %dma_wait3A_841 = tpu.memref_squeeze %dma_wait3A_840 : memref<1x1x3x80xi32, #tpu.memory_space<hbm>> -> memref<3x80xi32, #tpu.memory_space<hbm>>
      tpu.wait_dma2 semaphore(%arg23 : memref<!tpu.dma_semaphore, #tpu.memory_space<semaphore_mem>>) src(%dma_wait3A_841 : memref<3x80xi32, #tpu.memory_space<hbm>>) dst(%dma_wait3A_838 : memref<3x80xi32, #tpu.memory_space<vmem>>)
      %dma_wait3A_842 = arith.constant 0 : i32
      %dma_wait3A_843 = arith.constant 0 : i32
      %dma_wait3A_844 = arith.constant 0 : i32
      %dma_wait3A_845 = arith.constant 0 : i32
      %dma_wait3A_846 = tpu.memref_slice %arg11[%dma_wait3A_842, %dma_wait3A_843, %dma_wait3A_844, %dma_wait3A_845] : memref<3x2x3x80xi32, #tpu.memory_space<vmem>> -> memref<1x1x1x80xi32, #tpu.memory_space<vmem>>
      %dma_wait3A_847 = tpu.memref_squeeze %dma_wait3A_846 : memref<1x1x1x80xi32, #tpu.memory_space<vmem>> -> memref<80xi32, #tpu.memory_space<vmem>>
      %dma_wait3A_848 = arith.constant 0 : i32
      %dma_wait3A_849 = arith.constant 0 : i32
      %dma_wait3A_850 = tpu.memref_slice %arg2[%dma_wait3A_848, %dma_wait3A_849] : memref<10000x128xf32, #tpu.memory_space<hbm>> -> memref<10000x128xf32, #tpu.memory_space<hbm>>
      tpu.wait_indirect_dma semaphore(%arg16 : memref<!tpu.dma_semaphore, #tpu.memory_space<semaphore_mem>>) src(%dma_wait3A_850 : memref<10000x128xf32, #tpu.memory_space<hbm>>) dst(%arg12 : memref<80x128xf32, #tpu.memory_space<vmem>>)
      %dma_start3A_851 = arith.constant 0 : i32
      %dma_start3A_852 = arith.constant 1 : i32
      %dma_start3A_853 = arith.constant 0 : i32
      %dma_start3A_854 = arith.constant 0 : i32
      %dma_start3A_855 = tpu.memref_slice %arg11[%dma_start3A_851, %dma_start3A_852, %dma_start3A_853, %dma_start3A_854] : memref<3x2x3x80xi32, #tpu.memory_space<vmem>> -> memref<1x1x1x80xi32, #tpu.memory_space<vmem>>
      %dma_start3A_856 = tpu.memref_squeeze %dma_start3A_855 : memref<1x1x1x80xi32, #tpu.memory_space<vmem>> -> memref<80xi32, #tpu.memory_space<vmem>>
      %dma_start3A_857 = arith.constant 0 : i32
      %dma_start3A_858 = arith.constant 0 : i32
      %dma_start3A_859 = tpu.memref_slice %arg9[%dma_start3A_857, %dma_start3A_858] : memref<10016x128xf32, #tpu.memory_space<vmem_shared>> -> memref<10016x128xf32, #tpu.memory_space<vmem_shared>>
      tpu.enqueue_indirect_dma source(%arg12 : memref<80x128xf32, #tpu.memory_space<vmem>>) target(%dma_start3A_859 : memref<10016x128xf32, #tpu.memory_space<vmem_shared>>) offsets(%dma_start3A_856 : memref<80xi32, #tpu.memory_space<vmem>>) semaphore(%arg19 : memref<!tpu.dma_semaphore, #tpu.memory_space<semaphore_mem>>) {add = true}
      %dma_wait3A_860 = arith.constant 0 : i32
      %dma_wait3A_861 = arith.constant 1 : i32
      %dma_wait3A_862 = arith.constant 0 : i32
      %dma_wait3A_863 = arith.constant 0 : i32
      %dma_wait3A_864 = tpu.memref_slice %arg11[%dma_wait3A_860, %dma_wait3A_861, %dma_wait3A_862, %dma_wait3A_863] : memref<3x2x3x80xi32, #tpu.memory_space<vmem>> -> memref<1x1x1x80xi32, #tpu.memory_space<vmem>>
      %dma_wait3A_865 = tpu.memref_squeeze %dma_wait3A_864 : memref<1x1x1x80xi32, #tpu.memory_space<vmem>> -> memref<80xi32, #tpu.memory_space<vmem>>
      %dma_wait3A_866 = arith.constant 0 : i32
      %dma_wait3A_867 = arith.constant 0 : i32
      %dma_wait3A_868 = tpu.memref_slice %arg9[%dma_wait3A_866, %dma_wait3A_867] : memref<10016x128xf32, #tpu.memory_space<vmem_shared>> -> memref<10016x128xf32, #tpu.memory_space<vmem_shared>>
      tpu.wait_indirect_dma semaphore(%arg21 : memref<!tpu.dma_semaphore, #tpu.memory_space<semaphore_mem>>) src(%arg14 : memref<80x128xf32, #tpu.memory_space<vmem>>) dst(%dma_wait3A_868 : memref<10016x128xf32, #tpu.memory_space<vmem_shared>>)
      %dma_start3A_869 = arith.constant 0 : i32
      %dma_start3A_870 = arith.constant 0 : i32
      %dma_start3A_871 = arith.constant 2 : i32
      %dma_start3A_872 = arith.constant 0 : i32
      %dma_start3A_873 = tpu.memref_slice %arg11[%dma_start3A_869, %dma_start3A_870, %dma_start3A_871, %dma_start3A_872] : memref<3x2x3x80xi32, #tpu.memory_space<vmem>> -> memref<1x1x1x80xi32, #tpu.memory_space<vmem>>
      %dma_start3A_874 = tpu.memref_squeeze %dma_start3A_873 : memref<1x1x1x80xi32, #tpu.memory_space<vmem>> -> memref<80xi32, #tpu.memory_space<vmem>>
      %dma_start3A_875 = arith.constant 0 : i32
      %dma_start3A_876 = arith.constant 0 : i32
      %dma_start3A_877 = tpu.memref_slice %arg2[%dma_start3A_875, %dma_start3A_876] : memref<10000x128xf32, #tpu.memory_space<hbm>> -> memref<10000x128xf32, #tpu.memory_space<hbm>>
      tpu.enqueue_indirect_dma source(%dma_start3A_877 : memref<10000x128xf32, #tpu.memory_space<hbm>>) target(%arg14 : memref<80x128xf32, #tpu.memory_space<vmem>>) offsets(%dma_start3A_874 : memref<80xi32, #tpu.memory_space<vmem>>) semaphore(%arg18 : memref<!tpu.dma_semaphore, #tpu.memory_space<semaphore_mem>>)
      %add3A_878 = arith.constant 2 : i32
      %add3A_879 = arith.addi %add3A_801, %add3A_878 : i32
      %mul3A_880 = arith.constant 3 : i32
      %mul3A_881 = arith.muli %mul3A_880, %add3A_879 : i32
      %dma_start3A_882 = arith.constant 0 : i32
      %dma_start3A_883 = arith.constant 2 : i32
      %dma_start3A_884 = arith.constant 0 : i32
      %dma_start3A_885 = arith.constant 0 : i32
      %dma_start3A_886 = arith.constant 0 : i32
      %dma_start3A_887 = tpu.memref_slice %arg11[%dma_start3A_883, %dma_start3A_884, %dma_start3A_885, %dma_start3A_886] : memref<3x2x3x80xi32, #tpu.memory_space<vmem>> -> memref<1x1x3x80xi32, #tpu.memory_space<vmem>>
      %dma_start3A_888 = tpu.memref_squeeze %dma_start3A_887 : memref<1x1x3x80xi32, #tpu.memory_space<vmem>> -> memref<3x80xi32, #tpu.memory_space<vmem>>
      %dma_start3A_889 = arith.constant 0 : i32
      %dma_start3A_890 = tpu.memref_slice %arg3[%dma_start3A_882, %add3A, %mul3A_881, %dma_start3A_889] : memref<2x32x126x80xi32, #tpu.memory_space<hbm>> -> memref<1x1x3x80xi32, #tpu.memory_space<hbm>>
      %dma_start3A_891 = tpu.memref_squeeze %dma_start3A_890 : memref<1x1x3x80xi32, #tpu.memory_space<hbm>> -> memref<3x80xi32, #tpu.memory_space<hbm>>
      %dma_start3A_892 = arith.constant 0 : i32
      %dma_start3A_893 = arith.constant 0 : i32
      %dma_start3A_894 = tpu.memref_slice %arg11[%dma_start3A_883, %dma_start3A_884, %dma_start3A_892, %dma_start3A_893] : memref<3x2x3x80xi32, #tpu.memory_space<vmem>> -> memref<1x1x3x80xi32, #tpu.memory_space<vmem>>
      %dma_start3A_895 = tpu.memref_squeeze %dma_start3A_894 : memref<1x1x3x80xi32, #tpu.memory_space<vmem>> -> memref<3x80xi32, #tpu.memory_space<vmem>>
      %dma_start3A_896 = arith.constant 0 : i32
      %dma_start3A_897 = tpu.memref_slice %arg3[%dma_start3A_882, %add3A, %mul3A_881, %dma_start3A_896] : memref<2x32x126x80xi32, #tpu.memory_space<hbm>> -> memref<1x1x3x80xi32, #tpu.memory_space<hbm>>
      %dma_start3A_898 = tpu.memref_squeeze %dma_start3A_897 : memref<1x1x3x80xi32, #tpu.memory_space<hbm>> -> memref<3x80xi32, #tpu.memory_space<hbm>>
      tpu.enqueue_dma source(%dma_start3A_898 : memref<3x80xi32, #tpu.memory_space<hbm>>) target(%dma_start3A_895 : memref<3x80xi32, #tpu.memory_space<vmem>>) target_semaphore(%arg24 : memref<!tpu.dma_semaphore, #tpu.memory_space<semaphore_mem>>)
      %mul3A_899 = arith.constant 3 : i32
      %mul3A_900 = arith.muli %mul3A_899, %add3A_879 : i32
      %dma_start3A_901 = arith.constant 1 : i32
      %dma_start3A_902 = arith.constant 2 : i32
      %dma_start3A_903 = arith.constant 1 : i32
      %dma_start3A_904 = arith.constant 0 : i32
      %dma_start3A_905 = arith.constant 0 : i32
      %dma_start3A_906 = tpu.memref_slice %arg11[%dma_start3A_902, %dma_start3A_903, %dma_start3A_904, %dma_start3A_905] : memref<3x2x3x80xi32, #tpu.memory_space<vmem>> -> memref<1x1x3x80xi32, #tpu.memory_space<vmem>>
      %dma_start3A_907 = tpu.memref_squeeze %dma_start3A_906 : memref<1x1x3x80xi32, #tpu.memory_space<vmem>> -> memref<3x80xi32, #tpu.memory_space<vmem>>
      %dma_start3A_908 = arith.constant 0 : i32
      %dma_start3A_909 = tpu.memref_slice %arg3[%dma_start3A_901, %add3A, %mul3A_900, %dma_start3A_908] : memref<2x32x126x80xi32, #tpu.memory_space<hbm>> -> memref<1x1x3x80xi32, #tpu.memory_space<hbm>>
      %dma_start3A_910 = tpu.memref_squeeze %dma_start3A_909 : memref<1x1x3x80xi32, #tpu.memory_space<hbm>> -> memref<3x80xi32, #tpu.memory_space<hbm>>
      %dma_start3A_911 = arith.constant 0 : i32
      %dma_start3A_912 = arith.constant 0 : i32
      %dma_start3A_913 = tpu.memref_slice %arg11[%dma_start3A_902, %dma_start3A_903, %dma_start3A_911, %dma_start3A_912] : memref<3x2x3x80xi32, #tpu.memory_space<vmem>> -> memref<1x1x3x80xi32, #tpu.memory_space<vmem>>
      %dma_start3A_914 = tpu.memref_squeeze %dma_start3A_913 : memref<1x1x3x80xi32, #tpu.memory_space<vmem>> -> memref<3x80xi32, #tpu.memory_space<vmem>>
      %dma_start3A_915 = arith.constant 0 : i32
      %dma_start3A_916 = tpu.memref_slice %arg3[%dma_start3A_901, %add3A, %mul3A_900, %dma_start3A_915] : memref<2x32x126x80xi32, #tpu.memory_space<hbm>> -> memref<1x1x3x80xi32, #tpu.memory_space<hbm>>
      %dma_start3A_917 = tpu.memref_squeeze %dma_start3A_916 : memref<1x1x3x80xi32, #tpu.memory_space<hbm>> -> memref<3x80xi32, #tpu.memory_space<hbm>>
      tpu.enqueue_dma source(%dma_start3A_917 : memref<3x80xi32, #tpu.memory_space<hbm>>) target(%dma_start3A_914 : memref<3x80xi32, #tpu.memory_space<vmem>>) target_semaphore(%arg24 : memref<!tpu.dma_semaphore, #tpu.memory_space<semaphore_mem>>)
      %dma_wait3A_918 = arith.constant 0 : i32
      %dma_wait3A_919 = arith.constant 0 : i32
      %dma_wait3A_920 = arith.constant 1 : i32
      %dma_wait3A_921 = arith.constant 0 : i32
      %dma_wait3A_922 = tpu.memref_slice %arg11[%dma_wait3A_918, %dma_wait3A_919, %dma_wait3A_920, %dma_wait3A_921] : memref<3x2x3x80xi32, #tpu.memory_space<vmem>> -> memref<1x1x1x80xi32, #tpu.memory_space<vmem>>
      %dma_wait3A_923 = tpu.memref_squeeze %dma_wait3A_922 : memref<1x1x1x80xi32, #tpu.memory_space<vmem>> -> memref<80xi32, #tpu.memory_space<vmem>>
      %dma_wait3A_924 = arith.constant 0 : i32
      %dma_wait3A_925 = arith.constant 0 : i32
      %dma_wait3A_926 = tpu.memref_slice %arg2[%dma_wait3A_924, %dma_wait3A_925] : memref<10000x128xf32, #tpu.memory_space<hbm>> -> memref<10000x128xf32, #tpu.memory_space<hbm>>
      tpu.wait_indirect_dma semaphore(%arg17 : memref<!tpu.dma_semaphore, #tpu.memory_space<semaphore_mem>>) src(%dma_wait3A_926 : memref<10000x128xf32, #tpu.memory_space<hbm>>) dst(%arg13 : memref<80x128xf32, #tpu.memory_space<vmem>>)
      %dma_start3A_927 = arith.constant 0 : i32
      %dma_start3A_928 = arith.constant 1 : i32
      %dma_start3A_929 = arith.constant 1 : i32
      %dma_start3A_930 = arith.constant 0 : i32
      %dma_start3A_931 = tpu.memref_slice %arg11[%dma_start3A_927, %dma_start3A_928, %dma_start3A_929, %dma_start3A_930] : memref<3x2x3x80xi32, #tpu.memory_space<vmem>> -> memref<1x1x1x80xi32, #tpu.memory_space<vmem>>
      %dma_start3A_932 = tpu.memref_squeeze %dma_start3A_931 : memref<1x1x1x80xi32, #tpu.memory_space<vmem>> -> memref<80xi32, #tpu.memory_space<vmem>>
      %dma_start3A_933 = arith.constant 0 : i32
      %dma_start3A_934 = arith.constant 0 : i32
      %dma_start3A_935 = tpu.memref_slice %arg9[%dma_start3A_933, %dma_start3A_934] : memref<10016x128xf32, #tpu.memory_space<vmem_shared>> -> memref<10016x128xf32, #tpu.memory_space<vmem_shared>>
      tpu.enqueue_indirect_dma source(%arg13 : memref<80x128xf32, #tpu.memory_space<vmem>>) target(%dma_start3A_935 : memref<10016x128xf32, #tpu.memory_space<vmem_shared>>) offsets(%dma_start3A_932 : memref<80xi32, #tpu.memory_space<vmem>>) semaphore(%arg20 : memref<!tpu.dma_semaphore, #tpu.memory_space<semaphore_mem>>) {add = true}
      %dma_wait3A_936 = arith.constant 0 : i32
      %dma_wait3A_937 = arith.constant 1 : i32
      %dma_wait3A_938 = arith.constant 1 : i32
      %dma_wait3A_939 = arith.constant 0 : i32
      %dma_wait3A_940 = tpu.memref_slice %arg11[%dma_wait3A_936, %dma_wait3A_937, %dma_wait3A_938, %dma_wait3A_939] : memref<3x2x3x80xi32, #tpu.memory_space<vmem>> -> memref<1x1x1x80xi32, #tpu.memory_space<vmem>>
      %dma_wait3A_941 = tpu.memref_squeeze %dma_wait3A_940 : memref<1x1x1x80xi32, #tpu.memory_space<vmem>> -> memref<80xi32, #tpu.memory_space<vmem>>
      %dma_wait3A_942 = arith.constant 0 : i32
      %dma_wait3A_943 = arith.constant 0 : i32
      %dma_wait3A_944 = tpu.memref_slice %arg9[%dma_wait3A_942, %dma_wait3A_943] : memref<10016x128xf32, #tpu.memory_space<vmem_shared>> -> memref<10016x128xf32, #tpu.memory_space<vmem_shared>>
      tpu.wait_indirect_dma semaphore(%arg19 : memref<!tpu.dma_semaphore, #tpu.memory_space<semaphore_mem>>) src(%arg12 : memref<80x128xf32, #tpu.memory_space<vmem>>) dst(%dma_wait3A_944 : memref<10016x128xf32, #tpu.memory_space<vmem_shared>>)
      %dma_start3A_945 = arith.constant 1 : i32
      %dma_start3A_946 = arith.constant 0 : i32
      %dma_start3A_947 = arith.constant 0 : i32
      %dma_start3A_948 = arith.constant 0 : i32
      %dma_start3A_949 = tpu.memref_slice %arg11[%dma_start3A_945, %dma_start3A_946, %dma_start3A_947, %dma_start3A_948] : memref<3x2x3x80xi32, #tpu.memory_space<vmem>> -> memref<1x1x1x80xi32, #tpu.memory_space<vmem>>
      %dma_start3A_950 = tpu.memref_squeeze %dma_start3A_949 : memref<1x1x1x80xi32, #tpu.memory_space<vmem>> -> memref<80xi32, #tpu.memory_space<vmem>>
      %dma_start3A_951 = arith.constant 0 : i32
      %dma_start3A_952 = arith.constant 0 : i32
      %dma_start3A_953 = tpu.memref_slice %arg2[%dma_start3A_951, %dma_start3A_952] : memref<10000x128xf32, #tpu.memory_space<hbm>> -> memref<10000x128xf32, #tpu.memory_space<hbm>>
      tpu.enqueue_indirect_dma source(%dma_start3A_953 : memref<10000x128xf32, #tpu.memory_space<hbm>>) target(%arg12 : memref<80x128xf32, #tpu.memory_space<vmem>>) offsets(%dma_start3A_950 : memref<80xi32, #tpu.memory_space<vmem>>) semaphore(%arg16 : memref<!tpu.dma_semaphore, #tpu.memory_space<semaphore_mem>>)
      %dma_wait3A_954 = arith.constant 0 : i32
      %dma_wait3A_955 = arith.constant 0 : i32
      %dma_wait3A_956 = arith.constant 2 : i32
      %dma_wait3A_957 = arith.constant 0 : i32
      %dma_wait3A_958 = tpu.memref_slice %arg11[%dma_wait3A_954, %dma_wait3A_955, %dma_wait3A_956, %dma_wait3A_957] : memref<3x2x3x80xi32, #tpu.memory_space<vmem>> -> memref<1x1x1x80xi32, #tpu.memory_space<vmem>>
      %dma_wait3A_959 = tpu.memref_squeeze %dma_wait3A_958 : memref<1x1x1x80xi32, #tpu.memory_space<vmem>> -> memref<80xi32, #tpu.memory_space<vmem>>
      %dma_wait3A_960 = arith.constant 0 : i32
      %dma_wait3A_961 = arith.constant 0 : i32
      %dma_wait3A_962 = tpu.memref_slice %arg2[%dma_wait3A_960, %dma_wait3A_961] : memref<10000x128xf32, #tpu.memory_space<hbm>> -> memref<10000x128xf32, #tpu.memory_space<hbm>>
      tpu.wait_indirect_dma semaphore(%arg18 : memref<!tpu.dma_semaphore, #tpu.memory_space<semaphore_mem>>) src(%dma_wait3A_962 : memref<10000x128xf32, #tpu.memory_space<hbm>>) dst(%arg14 : memref<80x128xf32, #tpu.memory_space<vmem>>)
      %dma_start3A_963 = arith.constant 0 : i32
      %dma_start3A_964 = arith.constant 1 : i32
      %dma_start3A_965 = arith.constant 2 : i32
      %dma_start3A_966 = arith.constant 0 : i32
      %dma_start3A_967 = tpu.memref_slice %arg11[%dma_start3A_963, %dma_start3A_964, %dma_start3A_965, %dma_start3A_966] : memref<3x2x3x80xi32, #tpu.memory_space<vmem>> -> memref<1x1x1x80xi32, #tpu.memory_space<vmem>>
      %dma_start3A_968 = tpu.memref_squeeze %dma_start3A_967 : memref<1x1x1x80xi32, #tpu.memory_space<vmem>> -> memref<80xi32, #tpu.memory_space<vmem>>
      %dma_start3A_969 = arith.constant 0 : i32
      %dma_start3A_970 = arith.constant 0 : i32
      %dma_start3A_971 = tpu.memref_slice %arg9[%dma_start3A_969, %dma_start3A_970] : memref<10016x128xf32, #tpu.memory_space<vmem_shared>> -> memref<10016x128xf32, #tpu.memory_space<vmem_shared>>
      tpu.enqueue_indirect_dma source(%arg14 : memref<80x128xf32, #tpu.memory_space<vmem>>) target(%dma_start3A_971 : memref<10016x128xf32, #tpu.memory_space<vmem_shared>>) offsets(%dma_start3A_968 : memref<80xi32, #tpu.memory_space<vmem>>) semaphore(%arg21 : memref<!tpu.dma_semaphore, #tpu.memory_space<semaphore_mem>>) {add = true}
      %dma_wait3A_972 = arith.constant 0 : i32
      %dma_wait3A_973 = arith.constant 1 : i32
      %dma_wait3A_974 = arith.constant 2 : i32
      %dma_wait3A_975 = arith.constant 0 : i32
      %dma_wait3A_976 = tpu.memref_slice %arg11[%dma_wait3A_972, %dma_wait3A_973, %dma_wait3A_974, %dma_wait3A_975] : memref<3x2x3x80xi32, #tpu.memory_space<vmem>> -> memref<1x1x1x80xi32, #tpu.memory_space<vmem>>
      %dma_wait3A_977 = tpu.memref_squeeze %dma_wait3A_976 : memref<1x1x1x80xi32, #tpu.memory_space<vmem>> -> memref<80xi32, #tpu.memory_space<vmem>>
      %dma_wait3A_978 = arith.constant 0 : i32
      %dma_wait3A_979 = arith.constant 0 : i32
      %dma_wait3A_980 = tpu.memref_slice %arg9[%dma_wait3A_978, %dma_wait3A_979] : memref<10016x128xf32, #tpu.memory_space<vmem_shared>> -> memref<10016x128xf32, #tpu.memory_space<vmem_shared>>
      tpu.wait_indirect_dma semaphore(%arg20 : memref<!tpu.dma_semaphore, #tpu.memory_space<semaphore_mem>>) src(%arg13 : memref<80x128xf32, #tpu.memory_space<vmem>>) dst(%dma_wait3A_980 : memref<10016x128xf32, #tpu.memory_space<vmem_shared>>)
      %dma_start3A_981 = arith.constant 1 : i32
      %dma_start3A_982 = arith.constant 0 : i32
      %dma_start3A_983 = arith.constant 1 : i32
      %dma_start3A_984 = arith.constant 0 : i32
      %dma_start3A_985 = tpu.memref_slice %arg11[%dma_start3A_981, %dma_start3A_982, %dma_start3A_983, %dma_start3A_984] : memref<3x2x3x80xi32, #tpu.memory_space<vmem>> -> memref<1x1x1x80xi32, #tpu.memory_space<vmem>>
      %dma_start3A_986 = tpu.memref_squeeze %dma_start3A_985 : memref<1x1x1x80xi32, #tpu.memory_space<vmem>> -> memref<80xi32, #tpu.memory_space<vmem>>
      %dma_start3A_987 = arith.constant 0 : i32
      %dma_start3A_988 = arith.constant 0 : i32
      %dma_start3A_989 = tpu.memref_slice %arg2[%dma_start3A_987, %dma_start3A_988] : memref<10000x128xf32, #tpu.memory_space<hbm>> -> memref<10000x128xf32, #tpu.memory_space<hbm>>
      tpu.enqueue_indirect_dma source(%dma_start3A_989 : memref<10000x128xf32, #tpu.memory_space<hbm>>) target(%arg13 : memref<80x128xf32, #tpu.memory_space<vmem>>) offsets(%dma_start3A_986 : memref<80xi32, #tpu.memory_space<vmem>>) semaphore(%arg17 : memref<!tpu.dma_semaphore, #tpu.memory_space<semaphore_mem>>)
    }
    %scan3A_170 = arith.constant 13 : i32
    %dma_wait3A_171 = arith.constant 0 : i32
    %dma_wait3A_172 = arith.constant 2 : i32
    %dma_wait3A_173 = arith.constant 0 : i32
    %dma_wait3A_174 = arith.constant 0 : i32
    %dma_wait3A_175 = arith.constant 0 : i32
    %dma_wait3A_176 = tpu.memref_slice %arg11[%dma_wait3A_172, %dma_wait3A_173, %dma_wait3A_174, %dma_wait3A_175] : memref<3x2x3x80xi32, #tpu.memory_space<vmem>> -> memref<1x1x3x80xi32, #tpu.memory_space<vmem>>
    %dma_wait3A_177 = tpu.memref_squeeze %dma_wait3A_176 : memref<1x1x3x80xi32, #tpu.memory_space<vmem>> -> memref<3x80xi32, #tpu.memory_space<vmem>>
    %dma_wait3A_178 = arith.constant 123 : i32
    %dma_wait3A_179 = arith.constant 0 : i32
    %dma_wait3A_180 = tpu.memref_slice %arg3[%dma_wait3A_171, %add3A, %dma_wait3A_178, %dma_wait3A_179] : memref<2x32x126x80xi32, #tpu.memory_space<hbm>> -> memref<1x1x3x80xi32, #tpu.memory_space<hbm>>
    %dma_wait3A_181 = tpu.memref_squeeze %dma_wait3A_180 : memref<1x1x3x80xi32, #tpu.memory_space<hbm>> -> memref<3x80xi32, #tpu.memory_space<hbm>>
    %dma_wait3A_182 = arith.constant 0 : i32
    %dma_wait3A_183 = arith.constant 0 : i32
    %dma_wait3A_184 = tpu.memref_slice %arg11[%dma_wait3A_172, %dma_wait3A_173, %dma_wait3A_182, %dma_wait3A_183] : memref<3x2x3x80xi32, #tpu.memory_space<vmem>> -> memref<1x1x3x80xi32, #tpu.memory_space<vmem>>
    %dma_wait3A_185 = tpu.memref_squeeze %dma_wait3A_184 : memref<1x1x3x80xi32, #tpu.memory_space<vmem>> -> memref<3x80xi32, #tpu.memory_space<vmem>>
    %dma_wait3A_186 = arith.constant 123 : i32
    %dma_wait3A_187 = arith.constant 0 : i32
    %dma_wait3A_188 = tpu.memref_slice %arg3[%dma_wait3A_171, %add3A, %dma_wait3A_186, %dma_wait3A_187] : memref<2x32x126x80xi32, #tpu.memory_space<hbm>> -> memref<1x1x3x80xi32, #tpu.memory_space<hbm>>
    %dma_wait3A_189 = tpu.memref_squeeze %dma_wait3A_188 : memref<1x1x3x80xi32, #tpu.memory_space<hbm>> -> memref<3x80xi32, #tpu.memory_space<hbm>>
    tpu.wait_dma2 semaphore(%arg24 : memref<!tpu.dma_semaphore, #tpu.memory_space<semaphore_mem>>) src(%dma_wait3A_189 : memref<3x80xi32, #tpu.memory_space<hbm>>) dst(%dma_wait3A_185 : memref<3x80xi32, #tpu.memory_space<vmem>>)
    %dma_wait3A_190 = arith.constant 1 : i32
    %dma_wait3A_191 = arith.constant 2 : i32
    %dma_wait3A_192 = arith.constant 1 : i32
    %dma_wait3A_193 = arith.constant 0 : i32
    %dma_wait3A_194 = arith.constant 0 : i32
    %dma_wait3A_195 = tpu.memref_slice %arg11[%dma_wait3A_191, %dma_wait3A_192, %dma_wait3A_193, %dma_wait3A_194] : memref<3x2x3x80xi32, #tpu.memory_space<vmem>> -> memref<1x1x3x80xi32, #tpu.memory_space<vmem>>
    %dma_wait3A_196 = tpu.memref_squeeze %dma_wait3A_195 : memref<1x1x3x80xi32, #tpu.memory_space<vmem>> -> memref<3x80xi32, #tpu.memory_space<vmem>>
    %dma_wait3A_197 = arith.constant 123 : i32
    %dma_wait3A_198 = arith.constant 0 : i32
    %dma_wait3A_199 = tpu.memref_slice %arg3[%dma_wait3A_190, %add3A, %dma_wait3A_197, %dma_wait3A_198] : memref<2x32x126x80xi32, #tpu.memory_space<hbm>> -> memref<1x1x3x80xi32, #tpu.memory_space<hbm>>
    %dma_wait3A_200 = tpu.memref_squeeze %dma_wait3A_199 : memref<1x1x3x80xi32, #tpu.memory_space<hbm>> -> memref<3x80xi32, #tpu.memory_space<hbm>>
    %dma_wait3A_201 = arith.constant 0 : i32
    %dma_wait3A_202 = arith.constant 0 : i32
    %dma_wait3A_203 = tpu.memref_slice %arg11[%dma_wait3A_191, %dma_wait3A_192, %dma_wait3A_201, %dma_wait3A_202] : memref<3x2x3x80xi32, #tpu.memory_space<vmem>> -> memref<1x1x3x80xi32, #tpu.memory_space<vmem>>
    %dma_wait3A_204 = tpu.memref_squeeze %dma_wait3A_203 : memref<1x1x3x80xi32, #tpu.memory_space<vmem>> -> memref<3x80xi32, #tpu.memory_space<vmem>>
    %dma_wait3A_205 = arith.constant 123 : i32
    %dma_wait3A_206 = arith.constant 0 : i32
    %dma_wait3A_207 = tpu.memref_slice %arg3[%dma_wait3A_190, %add3A, %dma_wait3A_205, %dma_wait3A_206] : memref<2x32x126x80xi32, #tpu.memory_space<hbm>> -> memref<1x1x3x80xi32, #tpu.memory_space<hbm>>
    %dma_wait3A_208 = tpu.memref_squeeze %dma_wait3A_207 : memref<1x1x3x80xi32, #tpu.memory_space<hbm>> -> memref<3x80xi32, #tpu.memory_space<hbm>>
    tpu.wait_dma2 semaphore(%arg24 : memref<!tpu.dma_semaphore, #tpu.memory_space<semaphore_mem>>) src(%dma_wait3A_208 : memref<3x80xi32, #tpu.memory_space<hbm>>) dst(%dma_wait3A_204 : memref<3x80xi32, #tpu.memory_space<vmem>>)
    %dma_wait3A_209 = arith.constant 1 : i32
    %dma_wait3A_210 = arith.constant 0 : i32
    %dma_wait3A_211 = arith.constant 0 : i32
    %dma_wait3A_212 = arith.constant 0 : i32
    %dma_wait3A_213 = tpu.memref_slice %arg11[%dma_wait3A_209, %dma_wait3A_210, %dma_wait3A_211, %dma_wait3A_212] : memref<3x2x3x80xi32, #tpu.memory_space<vmem>> -> memref<1x1x1x80xi32, #tpu.memory_space<vmem>>
    %dma_wait3A_214 = tpu.memref_squeeze %dma_wait3A_213 : memref<1x1x1x80xi32, #tpu.memory_space<vmem>> -> memref<80xi32, #tpu.memory_space<vmem>>
    %dma_wait3A_215 = arith.constant 0 : i32
    %dma_wait3A_216 = arith.constant 0 : i32
    %dma_wait3A_217 = tpu.memref_slice %arg2[%dma_wait3A_215, %dma_wait3A_216] : memref<10000x128xf32, #tpu.memory_space<hbm>> -> memref<10000x128xf32, #tpu.memory_space<hbm>>
    tpu.wait_indirect_dma semaphore(%arg16 : memref<!tpu.dma_semaphore, #tpu.memory_space<semaphore_mem>>) src(%dma_wait3A_217 : memref<10000x128xf32, #tpu.memory_space<hbm>>) dst(%arg12 : memref<80x128xf32, #tpu.memory_space<vmem>>)
    %dma_start3A_218 = arith.constant 1 : i32
    %dma_start3A_219 = arith.constant 1 : i32
    %dma_start3A_220 = arith.constant 0 : i32
    %dma_start3A_221 = arith.constant 0 : i32
    %dma_start3A_222 = tpu.memref_slice %arg11[%dma_start3A_218, %dma_start3A_219, %dma_start3A_220, %dma_start3A_221] : memref<3x2x3x80xi32, #tpu.memory_space<vmem>> -> memref<1x1x1x80xi32, #tpu.memory_space<vmem>>
    %dma_start3A_223 = tpu.memref_squeeze %dma_start3A_222 : memref<1x1x1x80xi32, #tpu.memory_space<vmem>> -> memref<80xi32, #tpu.memory_space<vmem>>
    %dma_start3A_224 = arith.constant 0 : i32
    %dma_start3A_225 = arith.constant 0 : i32
    %dma_start3A_226 = tpu.memref_slice %arg9[%dma_start3A_224, %dma_start3A_225] : memref<10016x128xf32, #tpu.memory_space<vmem_shared>> -> memref<10016x128xf32, #tpu.memory_space<vmem_shared>>
    tpu.enqueue_indirect_dma source(%arg12 : memref<80x128xf32, #tpu.memory_space<vmem>>) target(%dma_start3A_226 : memref<10016x128xf32, #tpu.memory_space<vmem_shared>>) offsets(%dma_start3A_223 : memref<80xi32, #tpu.memory_space<vmem>>) semaphore(%arg19 : memref<!tpu.dma_semaphore, #tpu.memory_space<semaphore_mem>>) {add = true}
    %dma_wait3A_227 = arith.constant 1 : i32
    %dma_wait3A_228 = arith.constant 1 : i32
    %dma_wait3A_229 = arith.constant 0 : i32
    %dma_wait3A_230 = arith.constant 0 : i32
    %dma_wait3A_231 = tpu.memref_slice %arg11[%dma_wait3A_227, %dma_wait3A_228, %dma_wait3A_229, %dma_wait3A_230] : memref<3x2x3x80xi32, #tpu.memory_space<vmem>> -> memref<1x1x1x80xi32, #tpu.memory_space<vmem>>
    %dma_wait3A_232 = tpu.memref_squeeze %dma_wait3A_231 : memref<1x1x1x80xi32, #tpu.memory_space<vmem>> -> memref<80xi32, #tpu.memory_space<vmem>>
    %dma_wait3A_233 = arith.constant 0 : i32
    %dma_wait3A_234 = arith.constant 0 : i32
    %dma_wait3A_235 = tpu.memref_slice %arg9[%dma_wait3A_233, %dma_wait3A_234] : memref<10016x128xf32, #tpu.memory_space<vmem_shared>> -> memref<10016x128xf32, #tpu.memory_space<vmem_shared>>
    tpu.wait_indirect_dma semaphore(%arg21 : memref<!tpu.dma_semaphore, #tpu.memory_space<semaphore_mem>>) src(%arg14 : memref<80x128xf32, #tpu.memory_space<vmem>>) dst(%dma_wait3A_235 : memref<10016x128xf32, #tpu.memory_space<vmem_shared>>)
    %dma_start3A_236 = arith.constant 1 : i32
    %dma_start3A_237 = arith.constant 0 : i32
    %dma_start3A_238 = arith.constant 2 : i32
    %dma_start3A_239 = arith.constant 0 : i32
    %dma_start3A_240 = tpu.memref_slice %arg11[%dma_start3A_236, %dma_start3A_237, %dma_start3A_238, %dma_start3A_239] : memref<3x2x3x80xi32, #tpu.memory_space<vmem>> -> memref<1x1x1x80xi32, #tpu.memory_space<vmem>>
    %dma_start3A_241 = tpu.memref_squeeze %dma_start3A_240 : memref<1x1x1x80xi32, #tpu.memory_space<vmem>> -> memref<80xi32, #tpu.memory_space<vmem>>
    %dma_start3A_242 = arith.constant 0 : i32
    %dma_start3A_243 = arith.constant 0 : i32
    %dma_start3A_244 = tpu.memref_slice %arg2[%dma_start3A_242, %dma_start3A_243] : memref<10000x128xf32, #tpu.memory_space<hbm>> -> memref<10000x128xf32, #tpu.memory_space<hbm>>
    tpu.enqueue_indirect_dma source(%dma_start3A_244 : memref<10000x128xf32, #tpu.memory_space<hbm>>) target(%arg14 : memref<80x128xf32, #tpu.memory_space<vmem>>) offsets(%dma_start3A_241 : memref<80xi32, #tpu.memory_space<vmem>>) semaphore(%arg18 : memref<!tpu.dma_semaphore, #tpu.memory_space<semaphore_mem>>)
    %dma_wait3A_245 = arith.constant 1 : i32
    %dma_wait3A_246 = arith.constant 0 : i32
    %dma_wait3A_247 = arith.constant 1 : i32
    %dma_wait3A_248 = arith.constant 0 : i32
    %dma_wait3A_249 = tpu.memref_slice %arg11[%dma_wait3A_245, %dma_wait3A_246, %dma_wait3A_247, %dma_wait3A_248] : memref<3x2x3x80xi32, #tpu.memory_space<vmem>> -> memref<1x1x1x80xi32, #tpu.memory_space<vmem>>
    %dma_wait3A_250 = tpu.memref_squeeze %dma_wait3A_249 : memref<1x1x1x80xi32, #tpu.memory_space<vmem>> -> memref<80xi32, #tpu.memory_space<vmem>>
    %dma_wait3A_251 = arith.constant 0 : i32
    %dma_wait3A_252 = arith.constant 0 : i32
    %dma_wait3A_253 = tpu.memref_slice %arg2[%dma_wait3A_251, %dma_wait3A_252] : memref<10000x128xf32, #tpu.memory_space<hbm>> -> memref<10000x128xf32, #tpu.memory_space<hbm>>
    tpu.wait_indirect_dma semaphore(%arg17 : memref<!tpu.dma_semaphore, #tpu.memory_space<semaphore_mem>>) src(%dma_wait3A_253 : memref<10000x128xf32, #tpu.memory_space<hbm>>) dst(%arg13 : memref<80x128xf32, #tpu.memory_space<vmem>>)
    %dma_start3A_254 = arith.constant 1 : i32
    %dma_start3A_255 = arith.constant 1 : i32
    %dma_start3A_256 = arith.constant 1 : i32
    %dma_start3A_257 = arith.constant 0 : i32
    %dma_start3A_258 = tpu.memref_slice %arg11[%dma_start3A_254, %dma_start3A_255, %dma_start3A_256, %dma_start3A_257] : memref<3x2x3x80xi32, #tpu.memory_space<vmem>> -> memref<1x1x1x80xi32, #tpu.memory_space<vmem>>
    %dma_start3A_259 = tpu.memref_squeeze %dma_start3A_258 : memref<1x1x1x80xi32, #tpu.memory_space<vmem>> -> memref<80xi32, #tpu.memory_space<vmem>>
    %dma_start3A_260 = arith.constant 0 : i32
    %dma_start3A_261 = arith.constant 0 : i32
    %dma_start3A_262 = tpu.memref_slice %arg9[%dma_start3A_260, %dma_start3A_261] : memref<10016x128xf32, #tpu.memory_space<vmem_shared>> -> memref<10016x128xf32, #tpu.memory_space<vmem_shared>>
    tpu.enqueue_indirect_dma source(%arg13 : memref<80x128xf32, #tpu.memory_space<vmem>>) target(%dma_start3A_262 : memref<10016x128xf32, #tpu.memory_space<vmem_shared>>) offsets(%dma_start3A_259 : memref<80xi32, #tpu.memory_space<vmem>>) semaphore(%arg20 : memref<!tpu.dma_semaphore, #tpu.memory_space<semaphore_mem>>) {add = true}
    %dma_wait3A_263 = arith.constant 1 : i32
    %dma_wait3A_264 = arith.constant 1 : i32
    %dma_wait3A_265 = arith.constant 1 : i32
    %dma_wait3A_266 = arith.constant 0 : i32
    %dma_wait3A_267 = tpu.memref_slice %arg11[%dma_wait3A_263, %dma_wait3A_264, %dma_wait3A_265, %dma_wait3A_266] : memref<3x2x3x80xi32, #tpu.memory_space<vmem>> -> memref<1x1x1x80xi32, #tpu.memory_space<vmem>>
    %dma_wait3A_268 = tpu.memref_squeeze %dma_wait3A_267 : memref<1x1x1x80xi32, #tpu.memory_space<vmem>> -> memref<80xi32, #tpu.memory_space<vmem>>
    %dma_wait3A_269 = arith.constant 0 : i32
    %dma_wait3A_270 = arith.constant 0 : i32
    %dma_wait3A_271 = tpu.memref_slice %arg9[%dma_wait3A_269, %dma_wait3A_270] : memref<10016x128xf32, #tpu.memory_space<vmem_shared>> -> memref<10016x128xf32, #tpu.memory_space<vmem_shared>>
    tpu.wait_indirect_dma semaphore(%arg19 : memref<!tpu.dma_semaphore, #tpu.memory_space<semaphore_mem>>) src(%arg12 : memref<80x128xf32, #tpu.memory_space<vmem>>) dst(%dma_wait3A_271 : memref<10016x128xf32, #tpu.memory_space<vmem_shared>>)
    %dma_start3A_272 = arith.constant 2 : i32
    %dma_start3A_273 = arith.constant 0 : i32
    %dma_start3A_274 = arith.constant 0 : i32
    %dma_start3A_275 = arith.constant 0 : i32
    %dma_start3A_276 = tpu.memref_slice %arg11[%dma_start3A_272, %dma_start3A_273, %dma_start3A_274, %dma_start3A_275] : memref<3x2x3x80xi32, #tpu.memory_space<vmem>> -> memref<1x1x1x80xi32, #tpu.memory_space<vmem>>
    %dma_start3A_277 = tpu.memref_squeeze %dma_start3A_276 : memref<1x1x1x80xi32, #tpu.memory_space<vmem>> -> memref<80xi32, #tpu.memory_space<vmem>>
    %dma_start3A_278 = arith.constant 0 : i32
    %dma_start3A_279 = arith.constant 0 : i32
    %dma_start3A_280 = tpu.memref_slice %arg2[%dma_start3A_278, %dma_start3A_279] : memref<10000x128xf32, #tpu.memory_space<hbm>> -> memref<10000x128xf32, #tpu.memory_space<hbm>>
    tpu.enqueue_indirect_dma source(%dma_start3A_280 : memref<10000x128xf32, #tpu.memory_space<hbm>>) target(%arg12 : memref<80x128xf32, #tpu.memory_space<vmem>>) offsets(%dma_start3A_277 : memref<80xi32, #tpu.memory_space<vmem>>) semaphore(%arg16 : memref<!tpu.dma_semaphore, #tpu.memory_space<semaphore_mem>>)
    %dma_wait3A_281 = arith.constant 1 : i32
    %dma_wait3A_282 = arith.constant 0 : i32
    %dma_wait3A_283 = arith.constant 2 : i32
    %dma_wait3A_284 = arith.constant 0 : i32
    %dma_wait3A_285 = tpu.memref_slice %arg11[%dma_wait3A_281, %dma_wait3A_282, %dma_wait3A_283, %dma_wait3A_284] : memref<3x2x3x80xi32, #tpu.memory_space<vmem>> -> memref<1x1x1x80xi32, #tpu.memory_space<vmem>>
    %dma_wait3A_286 = tpu.memref_squeeze %dma_wait3A_285 : memref<1x1x1x80xi32, #tpu.memory_space<vmem>> -> memref<80xi32, #tpu.memory_space<vmem>>
    %dma_wait3A_287 = arith.constant 0 : i32
    %dma_wait3A_288 = arith.constant 0 : i32
    %dma_wait3A_289 = tpu.memref_slice %arg2[%dma_wait3A_287, %dma_wait3A_288] : memref<10000x128xf32, #tpu.memory_space<hbm>> -> memref<10000x128xf32, #tpu.memory_space<hbm>>
    tpu.wait_indirect_dma semaphore(%arg18 : memref<!tpu.dma_semaphore, #tpu.memory_space<semaphore_mem>>) src(%dma_wait3A_289 : memref<10000x128xf32, #tpu.memory_space<hbm>>) dst(%arg14 : memref<80x128xf32, #tpu.memory_space<vmem>>)
    %dma_start3A_290 = arith.constant 1 : i32
    %dma_start3A_291 = arith.constant 1 : i32
    %dma_start3A_292 = arith.constant 2 : i32
    %dma_start3A_293 = arith.constant 0 : i32
    %dma_start3A_294 = tpu.memref_slice %arg11[%dma_start3A_290, %dma_start3A_291, %dma_start3A_292, %dma_start3A_293] : memref<3x2x3x80xi32, #tpu.memory_space<vmem>> -> memref<1x1x1x80xi32, #tpu.memory_space<vmem>>
    %dma_start3A_295 = tpu.memref_squeeze %dma_start3A_294 : memref<1x1x1x80xi32, #tpu.memory_space<vmem>> -> memref<80xi32, #tpu.memory_space<vmem>>
    %dma_start3A_296 = arith.constant 0 : i32
    %dma_start3A_297 = arith.constant 0 : i32
    %dma_start3A_298 = tpu.memref_slice %arg9[%dma_start3A_296, %dma_start3A_297] : memref<10016x128xf32, #tpu.memory_space<vmem_shared>> -> memref<10016x128xf32, #tpu.memory_space<vmem_shared>>
    tpu.enqueue_indirect_dma source(%arg14 : memref<80x128xf32, #tpu.memory_space<vmem>>) target(%dma_start3A_298 : memref<10016x128xf32, #tpu.memory_space<vmem_shared>>) offsets(%dma_start3A_295 : memref<80xi32, #tpu.memory_space<vmem>>) semaphore(%arg21 : memref<!tpu.dma_semaphore, #tpu.memory_space<semaphore_mem>>) {add = true}
    %dma_wait3A_299 = arith.constant 1 : i32
    %dma_wait3A_300 = arith.constant 1 : i32
    %dma_wait3A_301 = arith.constant 2 : i32
    %dma_wait3A_302 = arith.constant 0 : i32
    %dma_wait3A_303 = tpu.memref_slice %arg11[%dma_wait3A_299, %dma_wait3A_300, %dma_wait3A_301, %dma_wait3A_302] : memref<3x2x3x80xi32, #tpu.memory_space<vmem>> -> memref<1x1x1x80xi32, #tpu.memory_space<vmem>>
    %dma_wait3A_304 = tpu.memref_squeeze %dma_wait3A_303 : memref<1x1x1x80xi32, #tpu.memory_space<vmem>> -> memref<80xi32, #tpu.memory_space<vmem>>
    %dma_wait3A_305 = arith.constant 0 : i32
    %dma_wait3A_306 = arith.constant 0 : i32
    %dma_wait3A_307 = tpu.memref_slice %arg9[%dma_wait3A_305, %dma_wait3A_306] : memref<10016x128xf32, #tpu.memory_space<vmem_shared>> -> memref<10016x128xf32, #tpu.memory_space<vmem_shared>>
    tpu.wait_indirect_dma semaphore(%arg20 : memref<!tpu.dma_semaphore, #tpu.memory_space<semaphore_mem>>) src(%arg13 : memref<80x128xf32, #tpu.memory_space<vmem>>) dst(%dma_wait3A_307 : memref<10016x128xf32, #tpu.memory_space<vmem_shared>>)
    %dma_start3A_308 = arith.constant 2 : i32
    %dma_start3A_309 = arith.constant 0 : i32
    %dma_start3A_310 = arith.constant 1 : i32
    %dma_start3A_311 = arith.constant 0 : i32
    %dma_start3A_312 = tpu.memref_slice %arg11[%dma_start3A_308, %dma_start3A_309, %dma_start3A_310, %dma_start3A_311] : memref<3x2x3x80xi32, #tpu.memory_space<vmem>> -> memref<1x1x1x80xi32, #tpu.memory_space<vmem>>
    %dma_start3A_313 = tpu.memref_squeeze %dma_start3A_312 : memref<1x1x1x80xi32, #tpu.memory_space<vmem>> -> memref<80xi32, #tpu.memory_space<vmem>>
    %dma_start3A_314 = arith.constant 0 : i32
    %dma_start3A_315 = arith.constant 0 : i32
    %dma_start3A_316 = tpu.memref_slice %arg2[%dma_start3A_314, %dma_start3A_315] : memref<10000x128xf32, #tpu.memory_space<hbm>> -> memref<10000x128xf32, #tpu.memory_space<hbm>>
    tpu.enqueue_indirect_dma source(%dma_start3A_316 : memref<10000x128xf32, #tpu.memory_space<hbm>>) target(%arg13 : memref<80x128xf32, #tpu.memory_space<vmem>>) offsets(%dma_start3A_313 : memref<80xi32, #tpu.memory_space<vmem>>) semaphore(%arg17 : memref<!tpu.dma_semaphore, #tpu.memory_space<semaphore_mem>>)
    %dma_wait3A_317 = arith.constant 2 : i32
    %dma_wait3A_318 = arith.constant 0 : i32
    %dma_wait3A_319 = arith.constant 0 : i32
    %dma_wait3A_320 = arith.constant 0 : i32
    %dma_wait3A_321 = tpu.memref_slice %arg11[%dma_wait3A_317, %dma_wait3A_318, %dma_wait3A_319, %dma_wait3A_320] : memref<3x2x3x80xi32, #tpu.memory_space<vmem>> -> memref<1x1x1x80xi32, #tpu.memory_space<vmem>>
    %dma_wait3A_322 = tpu.memref_squeeze %dma_wait3A_321 : memref<1x1x1x80xi32, #tpu.memory_space<vmem>> -> memref<80xi32, #tpu.memory_space<vmem>>
    %dma_wait3A_323 = arith.constant 0 : i32
    %dma_wait3A_324 = arith.constant 0 : i32
    %dma_wait3A_325 = tpu.memref_slice %arg2[%dma_wait3A_323, %dma_wait3A_324] : memref<10000x128xf32, #tpu.memory_space<hbm>> -> memref<10000x128xf32, #tpu.memory_space<hbm>>
    tpu.wait_indirect_dma semaphore(%arg16 : memref<!tpu.dma_semaphore, #tpu.memory_space<semaphore_mem>>) src(%dma_wait3A_325 : memref<10000x128xf32, #tpu.memory_space<hbm>>) dst(%arg12 : memref<80x128xf32, #tpu.memory_space<vmem>>)
    %dma_start3A_326 = arith.constant 2 : i32
    %dma_start3A_327 = arith.constant 1 : i32
    %dma_start3A_328 = arith.constant 0 : i32
    %dma_start3A_329 = arith.constant 0 : i32
    %dma_start3A_330 = tpu.memref_slice %arg11[%dma_start3A_326, %dma_start3A_327, %dma_start3A_328, %dma_start3A_329] : memref<3x2x3x80xi32, #tpu.memory_space<vmem>> -> memref<1x1x1x80xi32, #tpu.memory_space<vmem>>
    %dma_start3A_331 = tpu.memref_squeeze %dma_start3A_330 : memref<1x1x1x80xi32, #tpu.memory_space<vmem>> -> memref<80xi32, #tpu.memory_space<vmem>>
    %dma_start3A_332 = arith.constant 0 : i32
    %dma_start3A_333 = arith.constant 0 : i32
    %dma_start3A_334 = tpu.memref_slice %arg9[%dma_start3A_332, %dma_start3A_333] : memref<10016x128xf32, #tpu.memory_space<vmem_shared>> -> memref<10016x128xf32, #tpu.memory_space<vmem_shared>>
    tpu.enqueue_indirect_dma source(%arg12 : memref<80x128xf32, #tpu.memory_space<vmem>>) target(%dma_start3A_334 : memref<10016x128xf32, #tpu.memory_space<vmem_shared>>) offsets(%dma_start3A_331 : memref<80xi32, #tpu.memory_space<vmem>>) semaphore(%arg19 : memref<!tpu.dma_semaphore, #tpu.memory_space<semaphore_mem>>) {add = true}
    %dma_wait3A_335 = arith.constant 2 : i32
    %dma_wait3A_336 = arith.constant 1 : i32
    %dma_wait3A_337 = arith.constant 0 : i32
    %dma_wait3A_338 = arith.constant 0 : i32
    %dma_wait3A_339 = tpu.memref_slice %arg11[%dma_wait3A_335, %dma_wait3A_336, %dma_wait3A_337, %dma_wait3A_338] : memref<3x2x3x80xi32, #tpu.memory_space<vmem>> -> memref<1x1x1x80xi32, #tpu.memory_space<vmem>>
    %dma_wait3A_340 = tpu.memref_squeeze %dma_wait3A_339 : memref<1x1x1x80xi32, #tpu.memory_space<vmem>> -> memref<80xi32, #tpu.memory_space<vmem>>
    %dma_wait3A_341 = arith.constant 0 : i32
    %dma_wait3A_342 = arith.constant 0 : i32
    %dma_wait3A_343 = tpu.memref_slice %arg9[%dma_wait3A_341, %dma_wait3A_342] : memref<10016x128xf32, #tpu.memory_space<vmem_shared>> -> memref<10016x128xf32, #tpu.memory_space<vmem_shared>>
    tpu.wait_indirect_dma semaphore(%arg21 : memref<!tpu.dma_semaphore, #tpu.memory_space<semaphore_mem>>) src(%arg14 : memref<80x128xf32, #tpu.memory_space<vmem>>) dst(%dma_wait3A_343 : memref<10016x128xf32, #tpu.memory_space<vmem_shared>>)
    %dma_start3A_344 = arith.constant 2 : i32
    %dma_start3A_345 = arith.constant 0 : i32
    %dma_start3A_346 = arith.constant 2 : i32
    %dma_start3A_347 = arith.constant 0 : i32
    %dma_start3A_348 = tpu.memref_slice %arg11[%dma_start3A_344, %dma_start3A_345, %dma_start3A_346, %dma_start3A_347] : memref<3x2x3x80xi32, #tpu.memory_space<vmem>> -> memref<1x1x1x80xi32, #tpu.memory_space<vmem>>
    %dma_start3A_349 = tpu.memref_squeeze %dma_start3A_348 : memref<1x1x1x80xi32, #tpu.memory_space<vmem>> -> memref<80xi32, #tpu.memory_space<vmem>>
    %dma_start3A_350 = arith.constant 0 : i32
    %dma_start3A_351 = arith.constant 0 : i32
    %dma_start3A_352 = tpu.memref_slice %arg2[%dma_start3A_350, %dma_start3A_351] : memref<10000x128xf32, #tpu.memory_space<hbm>> -> memref<10000x128xf32, #tpu.memory_space<hbm>>
    tpu.enqueue_indirect_dma source(%dma_start3A_352 : memref<10000x128xf32, #tpu.memory_space<hbm>>) target(%arg14 : memref<80x128xf32, #tpu.memory_space<vmem>>) offsets(%dma_start3A_349 : memref<80xi32, #tpu.memory_space<vmem>>) semaphore(%arg18 : memref<!tpu.dma_semaphore, #tpu.memory_space<semaphore_mem>>)
    %dma_wait3A_353 = arith.constant 2 : i32
    %dma_wait3A_354 = arith.constant 0 : i32
    %dma_wait3A_355 = arith.constant 1 : i32
    %dma_wait3A_356 = arith.constant 0 : i32
    %dma_wait3A_357 = tpu.memref_slice %arg11[%dma_wait3A_353, %dma_wait3A_354, %dma_wait3A_355, %dma_wait3A_356] : memref<3x2x3x80xi32, #tpu.memory_space<vmem>> -> memref<1x1x1x80xi32, #tpu.memory_space<vmem>>
    %dma_wait3A_358 = tpu.memref_squeeze %dma_wait3A_357 : memref<1x1x1x80xi32, #tpu.memory_space<vmem>> -> memref<80xi32, #tpu.memory_space<vmem>>
    %dma_wait3A_359 = arith.constant 0 : i32
    %dma_wait3A_360 = arith.constant 0 : i32
    %dma_wait3A_361 = tpu.memref_slice %arg2[%dma_wait3A_359, %dma_wait3A_360] : memref<10000x128xf32, #tpu.memory_space<hbm>> -> memref<10000x128xf32, #tpu.memory_space<hbm>>
    tpu.wait_indirect_dma semaphore(%arg17 : memref<!tpu.dma_semaphore, #tpu.memory_space<semaphore_mem>>) src(%dma_wait3A_361 : memref<10000x128xf32, #tpu.memory_space<hbm>>) dst(%arg13 : memref<80x128xf32, #tpu.memory_space<vmem>>)
    %dma_start3A_362 = arith.constant 2 : i32
    %dma_start3A_363 = arith.constant 1 : i32
    %dma_start3A_364 = arith.constant 1 : i32
    %dma_start3A_365 = arith.constant 0 : i32
    %dma_start3A_366 = tpu.memref_slice %arg11[%dma_start3A_362, %dma_start3A_363, %dma_start3A_364, %dma_start3A_365] : memref<3x2x3x80xi32, #tpu.memory_space<vmem>> -> memref<1x1x1x80xi32, #tpu.memory_space<vmem>>
    %dma_start3A_367 = tpu.memref_squeeze %dma_start3A_366 : memref<1x1x1x80xi32, #tpu.memory_space<vmem>> -> memref<80xi32, #tpu.memory_space<vmem>>
    %dma_start3A_368 = arith.constant 0 : i32
    %dma_start3A_369 = arith.constant 0 : i32
    %dma_start3A_370 = tpu.memref_slice %arg9[%dma_start3A_368, %dma_start3A_369] : memref<10016x128xf32, #tpu.memory_space<vmem_shared>> -> memref<10016x128xf32, #tpu.memory_space<vmem_shared>>
    tpu.enqueue_indirect_dma source(%arg13 : memref<80x128xf32, #tpu.memory_space<vmem>>) target(%dma_start3A_370 : memref<10016x128xf32, #tpu.memory_space<vmem_shared>>) offsets(%dma_start3A_367 : memref<80xi32, #tpu.memory_space<vmem>>) semaphore(%arg20 : memref<!tpu.dma_semaphore, #tpu.memory_space<semaphore_mem>>) {add = true}
    %dma_wait3A_371 = arith.constant 2 : i32
    %dma_wait3A_372 = arith.constant 1 : i32
    %dma_wait3A_373 = arith.constant 1 : i32
    %dma_wait3A_374 = arith.constant 0 : i32
    %dma_wait3A_375 = tpu.memref_slice %arg11[%dma_wait3A_371, %dma_wait3A_372, %dma_wait3A_373, %dma_wait3A_374] : memref<3x2x3x80xi32, #tpu.memory_space<vmem>> -> memref<1x1x1x80xi32, #tpu.memory_space<vmem>>
    %dma_wait3A_376 = tpu.memref_squeeze %dma_wait3A_375 : memref<1x1x1x80xi32, #tpu.memory_space<vmem>> -> memref<80xi32, #tpu.memory_space<vmem>>
    %dma_wait3A_377 = arith.constant 0 : i32
    %dma_wait3A_378 = arith.constant 0 : i32
    %dma_wait3A_379 = tpu.memref_slice %arg9[%dma_wait3A_377, %dma_wait3A_378] : memref<10016x128xf32, #tpu.memory_space<vmem_shared>> -> memref<10016x128xf32, #tpu.memory_space<vmem_shared>>
    tpu.wait_indirect_dma semaphore(%arg19 : memref<!tpu.dma_semaphore, #tpu.memory_space<semaphore_mem>>) src(%arg12 : memref<80x128xf32, #tpu.memory_space<vmem>>) dst(%dma_wait3A_379 : memref<10016x128xf32, #tpu.memory_space<vmem_shared>>)
    %dma_wait3A_380 = arith.constant 2 : i32
    %dma_wait3A_381 = arith.constant 0 : i32
    %dma_wait3A_382 = arith.constant 2 : i32
    %dma_wait3A_383 = arith.constant 0 : i32
    %dma_wait3A_384 = tpu.memref_slice %arg11[%dma_wait3A_380, %dma_wait3A_381, %dma_wait3A_382, %dma_wait3A_383] : memref<3x2x3x80xi32, #tpu.memory_space<vmem>> -> memref<1x1x1x80xi32, #tpu.memory_space<vmem>>
    %dma_wait3A_385 = tpu.memref_squeeze %dma_wait3A_384 : memref<1x1x1x80xi32, #tpu.memory_space<vmem>> -> memref<80xi32, #tpu.memory_space<vmem>>
    %dma_wait3A_386 = arith.constant 0 : i32
    %dma_wait3A_387 = arith.constant 0 : i32
    %dma_wait3A_388 = tpu.memref_slice %arg2[%dma_wait3A_386, %dma_wait3A_387] : memref<10000x128xf32, #tpu.memory_space<hbm>> -> memref<10000x128xf32, #tpu.memory_space<hbm>>
    tpu.wait_indirect_dma semaphore(%arg18 : memref<!tpu.dma_semaphore, #tpu.memory_space<semaphore_mem>>) src(%dma_wait3A_388 : memref<10000x128xf32, #tpu.memory_space<hbm>>) dst(%arg14 : memref<80x128xf32, #tpu.memory_space<vmem>>)
    %dma_start3A_389 = arith.constant 2 : i32
    %dma_start3A_390 = arith.constant 1 : i32
    %dma_start3A_391 = arith.constant 2 : i32
    %dma_start3A_392 = arith.constant 0 : i32
    %dma_start3A_393 = tpu.memref_slice %arg11[%dma_start3A_389, %dma_start3A_390, %dma_start3A_391, %dma_start3A_392] : memref<3x2x3x80xi32, #tpu.memory_space<vmem>> -> memref<1x1x1x80xi32, #tpu.memory_space<vmem>>
    %dma_start3A_394 = tpu.memref_squeeze %dma_start3A_393 : memref<1x1x1x80xi32, #tpu.memory_space<vmem>> -> memref<80xi32, #tpu.memory_space<vmem>>
    %dma_start3A_395 = arith.constant 0 : i32
    %dma_start3A_396 = arith.constant 0 : i32
    %dma_start3A_397 = tpu.memref_slice %arg9[%dma_start3A_395, %dma_start3A_396] : memref<10016x128xf32, #tpu.memory_space<vmem_shared>> -> memref<10016x128xf32, #tpu.memory_space<vmem_shared>>
    tpu.enqueue_indirect_dma source(%arg14 : memref<80x128xf32, #tpu.memory_space<vmem>>) target(%dma_start3A_397 : memref<10016x128xf32, #tpu.memory_space<vmem_shared>>) offsets(%dma_start3A_394 : memref<80xi32, #tpu.memory_space<vmem>>) semaphore(%arg21 : memref<!tpu.dma_semaphore, #tpu.memory_space<semaphore_mem>>) {add = true}
    %dma_wait3A_398 = arith.constant 2 : i32
    %dma_wait3A_399 = arith.constant 1 : i32
    %dma_wait3A_400 = arith.constant 2 : i32
    %dma_wait3A_401 = arith.constant 0 : i32
    %dma_wait3A_402 = tpu.memref_slice %arg11[%dma_wait3A_398, %dma_wait3A_399, %dma_wait3A_400, %dma_wait3A_401] : memref<3x2x3x80xi32, #tpu.memory_space<vmem>> -> memref<1x1x1x80xi32, #tpu.memory_space<vmem>>
    %dma_wait3A_403 = tpu.memref_squeeze %dma_wait3A_402 : memref<1x1x1x80xi32, #tpu.memory_space<vmem>> -> memref<80xi32, #tpu.memory_space<vmem>>
    %dma_wait3A_404 = arith.constant 0 : i32
    %dma_wait3A_405 = arith.constant 0 : i32
    %dma_wait3A_406 = tpu.memref_slice %arg9[%dma_wait3A_404, %dma_wait3A_405] : memref<10016x128xf32, #tpu.memory_space<vmem_shared>> -> memref<10016x128xf32, #tpu.memory_space<vmem_shared>>
    tpu.wait_indirect_dma semaphore(%arg20 : memref<!tpu.dma_semaphore, #tpu.memory_space<semaphore_mem>>) src(%arg13 : memref<80x128xf32, #tpu.memory_space<vmem>>) dst(%dma_wait3A_406 : memref<10016x128xf32, #tpu.memory_space<vmem_shared>>)
    %dma_wait3A_407 = arith.constant 2 : i32
    %dma_wait3A_408 = arith.constant 1 : i32
    %dma_wait3A_409 = arith.constant 2 : i32
    %dma_wait3A_410 = arith.constant 0 : i32
    %dma_wait3A_411 = tpu.memref_slice %arg11[%dma_wait3A_407, %dma_wait3A_408, %dma_wait3A_409, %dma_wait3A_410] : memref<3x2x3x80xi32, #tpu.memory_space<vmem>> -> memref<1x1x1x80xi32, #tpu.memory_space<vmem>>
    %dma_wait3A_412 = tpu.memref_squeeze %dma_wait3A_411 : memref<1x1x1x80xi32, #tpu.memory_space<vmem>> -> memref<80xi32, #tpu.memory_space<vmem>>
    %dma_wait3A_413 = arith.constant 0 : i32
    %dma_wait3A_414 = arith.constant 0 : i32
    %dma_wait3A_415 = tpu.memref_slice %arg9[%dma_wait3A_413, %dma_wait3A_414] : memref<10016x128xf32, #tpu.memory_space<vmem_shared>> -> memref<10016x128xf32, #tpu.memory_space<vmem_shared>>
    tpu.wait_indirect_dma semaphore(%arg21 : memref<!tpu.dma_semaphore, #tpu.memory_space<semaphore_mem>>) src(%arg14 : memref<80x128xf32, #tpu.memory_space<vmem>>) dst(%dma_wait3A_415 : memref<10016x128xf32, #tpu.memory_space<vmem_shared>>)
    %barrier3A_416 = arith.constant 0 : index
    tpu.barrier barrier_id(%barrier3A_416)
    "tpu.region"() ({
      %run_scoped3A_417 = tpu.sem_alloc : memref<!tpu.dma_semaphore, #tpu.memory_space<semaphore_mem>>
      %dma_start3A_418 = arith.constant 0 : i32
      %dma_start3A_419 = tpu.memref_slice %arg7[%arg0, %mul3A_2, %dma_start3A_418] : memref<2x10000x128xf32, #tpu.memory_space<hbm>> -> memref<1x625x128xf32, #tpu.memory_space<hbm>>
      %dma_start3A_420 = tpu.memref_squeeze %dma_start3A_419 : memref<1x625x128xf32, #tpu.memory_space<hbm>> -> memref<625x128xf32, #tpu.memory_space<hbm>>
      %dma_start3A_421 = arith.constant 0 : i32
      %dma_start3A_422 = tpu.memref_slice %arg9[%mul3A_2, %dma_start3A_421] : memref<10016x128xf32, #tpu.memory_space<vmem_shared>> -> memref<625x128xf32, #tpu.memory_space<vmem_shared>>
      tpu.enqueue_dma source(%dma_start3A_422 : memref<625x128xf32, #tpu.memory_space<vmem_shared>>) target(%dma_start3A_420 : memref<625x128xf32, #tpu.memory_space<hbm>>) target_semaphore(%run_scoped3A_417 : memref<!tpu.dma_semaphore, #tpu.memory_space<semaphore_mem>>)
      %dma_wait3A_423 = arith.constant 0 : i32
      %dma_wait3A_424 = tpu.memref_slice %arg7[%arg0, %mul3A_2, %dma_wait3A_423] : memref<2x10000x128xf32, #tpu.memory_space<hbm>> -> memref<1x625x128xf32, #tpu.memory_space<hbm>>
      %dma_wait3A_425 = tpu.memref_squeeze %dma_wait3A_424 : memref<1x625x128xf32, #tpu.memory_space<hbm>> -> memref<625x128xf32, #tpu.memory_space<hbm>>
      %dma_wait3A_426 = arith.constant 0 : i32
      %dma_wait3A_427 = tpu.memref_slice %arg9[%mul3A_2, %dma_wait3A_426] : memref<10016x128xf32, #tpu.memory_space<vmem_shared>> -> memref<625x128xf32, #tpu.memory_space<vmem_shared>>
      tpu.wait_dma2 semaphore(%run_scoped3A_417 : memref<!tpu.dma_semaphore, #tpu.memory_space<semaphore_mem>>) src(%dma_wait3A_427 : memref<625x128xf32, #tpu.memory_space<vmem_shared>>) dst(%dma_wait3A_425 : memref<625x128xf32, #tpu.memory_space<hbm>>)
      tpu.yield
    }) : () -> ()
    return
  }
}

#map = affine_map<(d0, d1) -> (0, 0)>
#map1 = affine_map<(d0, d1) -> (0, 0, 0, 0)>
#map2 = affine_map<(d0, d1) -> (0, 0, 0)>
module attributes {stable_mosaic.version = 14 : i64} {
  func.func @_sc_agg_body(%arg0: i32, %arg1: i32, %arg2: memref<10000x128xf32, #tpu.memory_space<hbm>>, %arg3: memref<2x32x126x80xi32, #tpu.memory_space<hbm>>, %arg4: memref<10000x128xf32, #tpu.memory_space<hbm>>, %arg5: memref<10000x16xf32, #tpu.memory_space<hbm>>, %arg6: memref<80x16xf32, #tpu.memory_space<hbm>>, %arg7: memref<2x10000x128xf32, #tpu.memory_space<hbm>>, %arg8: memref<2x10000x16xf32, #tpu.memory_space<hbm>>, %arg9: memref<10016x128xf32, #tpu.memory_space<vmem_shared>>, %arg10: memref<10016x16xf32, #tpu.memory_space<vmem_shared>>, %arg11: memref<3x2x3x80xi32, #tpu.memory_space<vmem>>, %arg12: memref<80x128xf32, #tpu.memory_space<vmem>>, %arg13: memref<80x128xf32, #tpu.memory_space<vmem>>, %arg14: memref<80x128xf32, #tpu.memory_space<vmem>>, %arg15: memref<80x16xf32, #tpu.memory_space<vmem>>, %arg16: memref<!tpu.dma_semaphore, #tpu.memory_space<semaphore_mem>>, %arg17: memref<!tpu.dma_semaphore, #tpu.memory_space<semaphore_mem>>, %arg18: memref<!tpu.dma_semaphore, #tpu.memory_space<semaphore_mem>>, %arg19: memref<!tpu.dma_semaphore, #tpu.memory_space<semaphore_mem>>, %arg20: memref<!tpu.dma_semaphore, #tpu.memory_space<semaphore_mem>>, %arg21: memref<!tpu.dma_semaphore, #tpu.memory_space<semaphore_mem>>, %arg22: memref<!tpu.dma_semaphore, #tpu.memory_space<semaphore_mem>>, %arg23: memref<!tpu.dma_semaphore, #tpu.memory_space<semaphore_mem>>, %arg24: memref<!tpu.dma_semaphore, #tpu.memory_space<semaphore_mem>>) attributes {dimension_semantics = [#tpu.dimension_semantics<core_parallel>, #tpu.dimension_semantics<subcore_parallel>], iteration_bounds = array<i64: 2, 16>, scalar_prefetch = 0 : i64, scratch_operands = 16 : i64, tpu.core_type = #tpu.core_type<sc_vector_subcore>, window_params = [{transform_indices = #map}, {transform_indices = #map1}, {transform_indices = #map}, {transform_indices = #map}, {transform_indices = #map}, {transform_indices = #map2}, {transform_indices = #map2}]} {
    %mul3A = arith.constant 2 : i32
    %mul3A_0 = arith.muli %arg1, %mul3A : i32
    %add3A = arith.addi %mul3A_0, %arg0 : i32
    %mul3A_1 = arith.constant 625 : i32
    %mul3A_2 = arith.muli %arg1, %mul3A_1 : i32
    "tpu.region"() ({
      %run_scoped3A_579 = tpu.sem_alloc : memref<!tpu.dma_semaphore, #tpu.memory_space<semaphore_mem>>
      %dma_start3A_580 = arith.constant 0 : i32
      %dma_start3A_581 = tpu.memref_slice %arg9[%mul3A_2, %dma_start3A_580] : memref<10016x128xf32, #tpu.memory_space<vmem_shared>> -> memref<625x128xf32, #tpu.memory_space<vmem_shared>>
      %dma_start3A_582 = arith.constant 0 : i32
      %dma_start3A_583 = tpu.memref_slice %arg4[%mul3A_2, %dma_start3A_582] : memref<10000x128xf32, #tpu.memory_space<hbm>> -> memref<625x128xf32, #tpu.memory_space<hbm>>
      tpu.enqueue_dma source(%dma_start3A_583 : memref<625x128xf32, #tpu.memory_space<hbm>>) target(%dma_start3A_581 : memref<625x128xf32, #tpu.memory_space<vmem_shared>>) target_semaphore(%run_scoped3A_579 : memref<!tpu.dma_semaphore, #tpu.memory_space<semaphore_mem>>)
      %dma_wait3A_584 = arith.constant 0 : i32
      %dma_wait3A_585 = tpu.memref_slice %arg9[%mul3A_2, %dma_wait3A_584] : memref<10016x128xf32, #tpu.memory_space<vmem_shared>> -> memref<625x128xf32, #tpu.memory_space<vmem_shared>>
      %dma_wait3A_586 = arith.constant 0 : i32
      %dma_wait3A_587 = tpu.memref_slice %arg4[%mul3A_2, %dma_wait3A_586] : memref<10000x128xf32, #tpu.memory_space<hbm>> -> memref<625x128xf32, #tpu.memory_space<hbm>>
      tpu.wait_dma2 semaphore(%run_scoped3A_579 : memref<!tpu.dma_semaphore, #tpu.memory_space<semaphore_mem>>) src(%dma_wait3A_587 : memref<625x128xf32, #tpu.memory_space<hbm>>) dst(%dma_wait3A_585 : memref<625x128xf32, #tpu.memory_space<vmem_shared>>)
      tpu.yield
    }) : () -> ()
    "tpu.region"() ({
      %run_scoped3A_579 = tpu.sem_alloc : memref<!tpu.dma_semaphore, #tpu.memory_space<semaphore_mem>>
      %dma_start3A_580 = arith.constant 0 : i32
      %dma_start3A_581 = tpu.memref_slice %arg10[%mul3A_2, %dma_start3A_580] : memref<10016x16xf32, #tpu.memory_space<vmem_shared>> -> memref<625x16xf32, #tpu.memory_space<vmem_shared>>
      %dma_start3A_582 = arith.constant 0 : i32
      %dma_start3A_583 = tpu.memref_slice %arg5[%mul3A_2, %dma_start3A_582] : memref<10000x16xf32, #tpu.memory_space<hbm>> -> memref<625x16xf32, #tpu.memory_space<hbm>>
      tpu.enqueue_dma source(%dma_start3A_583 : memref<625x16xf32, #tpu.memory_space<hbm>>) target(%dma_start3A_581 : memref<625x16xf32, #tpu.memory_space<vmem_shared>>) target_semaphore(%run_scoped3A_579 : memref<!tpu.dma_semaphore, #tpu.memory_space<semaphore_mem>>)
      %dma_wait3A_584 = arith.constant 0 : i32
      %dma_wait3A_585 = tpu.memref_slice %arg10[%mul3A_2, %dma_wait3A_584] : memref<10016x16xf32, #tpu.memory_space<vmem_shared>> -> memref<625x16xf32, #tpu.memory_space<vmem_shared>>
      %dma_wait3A_586 = arith.constant 0 : i32
      %dma_wait3A_587 = tpu.memref_slice %arg5[%mul3A_2, %dma_wait3A_586] : memref<10000x16xf32, #tpu.memory_space<hbm>> -> memref<625x16xf32, #tpu.memory_space<hbm>>
      tpu.wait_dma2 semaphore(%run_scoped3A_579 : memref<!tpu.dma_semaphore, #tpu.memory_space<semaphore_mem>>) src(%dma_wait3A_587 : memref<625x16xf32, #tpu.memory_space<hbm>>) dst(%dma_wait3A_585 : memref<625x16xf32, #tpu.memory_space<vmem_shared>>)
      tpu.yield
    }) : () -> ()
    "tpu.region"() ({
      %run_scoped3A_579 = tpu.sem_alloc : memref<!tpu.dma_semaphore, #tpu.memory_space<semaphore_mem>>
      tpu.enqueue_dma source(%arg6 : memref<80x16xf32, #tpu.memory_space<hbm>>) target(%arg15 : memref<80x16xf32, #tpu.memory_space<vmem>>) target_semaphore(%run_scoped3A_579 : memref<!tpu.dma_semaphore, #tpu.memory_space<semaphore_mem>>)
      tpu.wait_dma2 semaphore(%run_scoped3A_579 : memref<!tpu.dma_semaphore, #tpu.memory_space<semaphore_mem>>) src(%arg6 : memref<80x16xf32, #tpu.memory_space<hbm>>) dst(%arg15 : memref<80x16xf32, #tpu.memory_space<vmem>>)
      tpu.yield
    }) : () -> ()
    %run_scoped3A = arith.constant 0 : i32
    %run_scoped3A_3 = arith.constant 0 : i32
    %run_scoped3A_4 = arith.constant 0 : i32
    "tpu.region"() ({
      %run_scoped3A_579 = tpu.sem_alloc : memref<!tpu.dma_semaphore, #tpu.memory_space<semaphore_mem>>
      %dma_start3A_580 = arith.constant 0 : i32
      %dma_start3A_581 = arith.constant 0 : i32
      %dma_start3A_582 = tpu.memref_slice %arg11[%run_scoped3A_3, %run_scoped3A_4, %dma_start3A_580, %dma_start3A_581] : memref<3x2x3x80xi32, #tpu.memory_space<vmem>> -> memref<1x1x3x80xi32, #tpu.memory_space<vmem>>
      %dma_start3A_583 = tpu.memref_squeeze %dma_start3A_582 : memref<1x1x3x80xi32, #tpu.memory_space<vmem>> -> memref<3x80xi32, #tpu.memory_space<vmem>>
      %dma_start3A_584 = arith.constant 0 : i32
      %dma_start3A_585 = arith.constant 0 : i32
      %dma_start3A_586 = tpu.memref_slice %arg3[%run_scoped3A, %add3A, %dma_start3A_584, %dma_start3A_585] : memref<2x32x126x80xi32, #tpu.memory_space<hbm>> -> memref<1x1x3x80xi32, #tpu.memory_space<hbm>>
      %dma_start3A_587 = tpu.memref_squeeze %dma_start3A_586 : memref<1x1x3x80xi32, #tpu.memory_space<hbm>> -> memref<3x80xi32, #tpu.memory_space<hbm>>
      %dma_start3A_588 = arith.constant 0 : i32
      %dma_start3A_589 = arith.constant 0 : i32
      %dma_start3A_590 = tpu.memref_slice %arg11[%run_scoped3A_3, %run_scoped3A_4, %dma_start3A_588, %dma_start3A_589] : memref<3x2x3x80xi32, #tpu.memory_space<vmem>> -> memref<1x1x3x80xi32, #tpu.memory_space<vmem>>
      %dma_start3A_591 = tpu.memref_squeeze %dma_start3A_590 : memref<1x1x3x80xi32, #tpu.memory_space<vmem>> -> memref<3x80xi32, #tpu.memory_space<vmem>>
      %dma_start3A_592 = arith.constant 0 : i32
      %dma_start3A_593 = arith.constant 0 : i32
      %dma_start3A_594 = tpu.memref_slice %arg3[%run_scoped3A, %add3A, %dma_start3A_592, %dma_start3A_593] : memref<2x32x126x80xi32, #tpu.memory_space<hbm>> -> memref<1x1x3x80xi32, #tpu.memory_space<hbm>>
      %dma_start3A_595 = tpu.memref_squeeze %dma_start3A_594 : memref<1x1x3x80xi32, #tpu.memory_space<hbm>> -> memref<3x80xi32, #tpu.memory_space<hbm>>
      tpu.enqueue_dma source(%dma_start3A_595 : memref<3x80xi32, #tpu.memory_space<hbm>>) target(%dma_start3A_591 : memref<3x80xi32, #tpu.memory_space<vmem>>) target_semaphore(%run_scoped3A_579 : memref<!tpu.dma_semaphore, #tpu.memory_space<semaphore_mem>>)
      %dma_wait3A_596 = arith.constant 0 : i32
      %dma_wait3A_597 = arith.constant 0 : i32
      %dma_wait3A_598 = tpu.memref_slice %arg11[%run_scoped3A_3, %run_scoped3A_4, %dma_wait3A_596, %dma_wait3A_597] : memref<3x2x3x80xi32, #tpu.memory_space<vmem>> -> memref<1x1x3x80xi32, #tpu.memory_space<vmem>>
      %dma_wait3A_599 = tpu.memref_squeeze %dma_wait3A_598 : memref<1x1x3x80xi32, #tpu.memory_space<vmem>> -> memref<3x80xi32, #tpu.memory_space<vmem>>
      %dma_wait3A_600 = arith.constant 0 : i32
      %dma_wait3A_601 = arith.constant 0 : i32
      %dma_wait3A_602 = tpu.memref_slice %arg3[%run_scoped3A, %add3A, %dma_wait3A_600, %dma_wait3A_601] : memref<2x32x126x80xi32, #tpu.memory_space<hbm>> -> memref<1x1x3x80xi32, #tpu.memory_space<hbm>>
      %dma_wait3A_603 = tpu.memref_squeeze %dma_wait3A_602 : memref<1x1x3x80xi32, #tpu.memory_space<hbm>> -> memref<3x80xi32, #tpu.memory_space<hbm>>
      %dma_wait3A_604 = arith.constant 0 : i32
      %dma_wait3A_605 = arith.constant 0 : i32
      %dma_wait3A_606 = tpu.memref_slice %arg11[%run_scoped3A_3, %run_scoped3A_4, %dma_wait3A_604, %dma_wait3A_605] : memref<3x2x3x80xi32, #tpu.memory_space<vmem>> -> memref<1x1x3x80xi32, #tpu.memory_space<vmem>>
      %dma_wait3A_607 = tpu.memref_squeeze %dma_wait3A_606 : memref<1x1x3x80xi32, #tpu.memory_space<vmem>> -> memref<3x80xi32, #tpu.memory_space<vmem>>
      %dma_wait3A_608 = arith.constant 0 : i32
      %dma_wait3A_609 = arith.constant 0 : i32
      %dma_wait3A_610 = tpu.memref_slice %arg3[%run_scoped3A, %add3A, %dma_wait3A_608, %dma_wait3A_609] : memref<2x32x126x80xi32, #tpu.memory_space<hbm>> -> memref<1x1x3x80xi32, #tpu.memory_space<hbm>>
      %dma_wait3A_611 = tpu.memref_squeeze %dma_wait3A_610 : memref<1x1x3x80xi32, #tpu.memory_space<hbm>> -> memref<3x80xi32, #tpu.memory_space<hbm>>
      tpu.wait_dma2 semaphore(%run_scoped3A_579 : memref<!tpu.dma_semaphore, #tpu.memory_space<semaphore_mem>>) src(%dma_wait3A_611 : memref<3x80xi32, #tpu.memory_space<hbm>>) dst(%dma_wait3A_607 : memref<3x80xi32, #tpu.memory_space<vmem>>)
      tpu.yield
    }) : () -> ()
    %run_scoped3A_5 = arith.constant 0 : i32
    %run_scoped3A_6 = arith.constant 1 : i32
    %run_scoped3A_7 = arith.constant 0 : i32
    "tpu.region"() ({
      %run_scoped3A_579 = tpu.sem_alloc : memref<!tpu.dma_semaphore, #tpu.memory_space<semaphore_mem>>
      %dma_start3A_580 = arith.constant 0 : i32
      %dma_start3A_581 = arith.constant 0 : i32
      %dma_start3A_582 = tpu.memref_slice %arg11[%run_scoped3A_6, %run_scoped3A_7, %dma_start3A_580, %dma_start3A_581] : memref<3x2x3x80xi32, #tpu.memory_space<vmem>> -> memref<1x1x3x80xi32, #tpu.memory_space<vmem>>
      %dma_start3A_583 = tpu.memref_squeeze %dma_start3A_582 : memref<1x1x3x80xi32, #tpu.memory_space<vmem>> -> memref<3x80xi32, #tpu.memory_space<vmem>>
      %dma_start3A_584 = arith.constant 3 : i32
      %dma_start3A_585 = arith.constant 0 : i32
      %dma_start3A_586 = tpu.memref_slice %arg3[%run_scoped3A_5, %add3A, %dma_start3A_584, %dma_start3A_585] : memref<2x32x126x80xi32, #tpu.memory_space<hbm>> -> memref<1x1x3x80xi32, #tpu.memory_space<hbm>>
      %dma_start3A_587 = tpu.memref_squeeze %dma_start3A_586 : memref<1x1x3x80xi32, #tpu.memory_space<hbm>> -> memref<3x80xi32, #tpu.memory_space<hbm>>
      %dma_start3A_588 = arith.constant 0 : i32
      %dma_start3A_589 = arith.constant 0 : i32
      %dma_start3A_590 = tpu.memref_slice %arg11[%run_scoped3A_6, %run_scoped3A_7, %dma_start3A_588, %dma_start3A_589] : memref<3x2x3x80xi32, #tpu.memory_space<vmem>> -> memref<1x1x3x80xi32, #tpu.memory_space<vmem>>
      %dma_start3A_591 = tpu.memref_squeeze %dma_start3A_590 : memref<1x1x3x80xi32, #tpu.memory_space<vmem>> -> memref<3x80xi32, #tpu.memory_space<vmem>>
      %dma_start3A_592 = arith.constant 3 : i32
      %dma_start3A_593 = arith.constant 0 : i32
      %dma_start3A_594 = tpu.memref_slice %arg3[%run_scoped3A_5, %add3A, %dma_start3A_592, %dma_start3A_593] : memref<2x32x126x80xi32, #tpu.memory_space<hbm>> -> memref<1x1x3x80xi32, #tpu.memory_space<hbm>>
      %dma_start3A_595 = tpu.memref_squeeze %dma_start3A_594 : memref<1x1x3x80xi32, #tpu.memory_space<hbm>> -> memref<3x80xi32, #tpu.memory_space<hbm>>
      tpu.enqueue_dma source(%dma_start3A_595 : memref<3x80xi32, #tpu.memory_space<hbm>>) target(%dma_start3A_591 : memref<3x80xi32, #tpu.memory_space<vmem>>) target_semaphore(%run_scoped3A_579 : memref<!tpu.dma_semaphore, #tpu.memory_space<semaphore_mem>>)
      %dma_wait3A_596 = arith.constant 0 : i32
      %dma_wait3A_597 = arith.constant 0 : i32
      %dma_wait3A_598 = tpu.memref_slice %arg11[%run_scoped3A_6, %run_scoped3A_7, %dma_wait3A_596, %dma_wait3A_597] : memref<3x2x3x80xi32, #tpu.memory_space<vmem>> -> memref<1x1x3x80xi32, #tpu.memory_space<vmem>>
      %dma_wait3A_599 = tpu.memref_squeeze %dma_wait3A_598 : memref<1x1x3x80xi32, #tpu.memory_space<vmem>> -> memref<3x80xi32, #tpu.memory_space<vmem>>
      %dma_wait3A_600 = arith.constant 3 : i32
      %dma_wait3A_601 = arith.constant 0 : i32
      %dma_wait3A_602 = tpu.memref_slice %arg3[%run_scoped3A_5, %add3A, %dma_wait3A_600, %dma_wait3A_601] : memref<2x32x126x80xi32, #tpu.memory_space<hbm>> -> memref<1x1x3x80xi32, #tpu.memory_space<hbm>>
      %dma_wait3A_603 = tpu.memref_squeeze %dma_wait3A_602 : memref<1x1x3x80xi32, #tpu.memory_space<hbm>> -> memref<3x80xi32, #tpu.memory_space<hbm>>
      %dma_wait3A_604 = arith.constant 0 : i32
      %dma_wait3A_605 = arith.constant 0 : i32
      %dma_wait3A_606 = tpu.memref_slice %arg11[%run_scoped3A_6, %run_scoped3A_7, %dma_wait3A_604, %dma_wait3A_605] : memref<3x2x3x80xi32, #tpu.memory_space<vmem>> -> memref<1x1x3x80xi32, #tpu.memory_space<vmem>>
      %dma_wait3A_607 = tpu.memref_squeeze %dma_wait3A_606 : memref<1x1x3x80xi32, #tpu.memory_space<vmem>> -> memref<3x80xi32, #tpu.memory_space<vmem>>
      %dma_wait3A_608 = arith.constant 3 : i32
      %dma_wait3A_609 = arith.constant 0 : i32
      %dma_wait3A_610 = tpu.memref_slice %arg3[%run_scoped3A_5, %add3A, %dma_wait3A_608, %dma_wait3A_609] : memref<2x32x126x80xi32, #tpu.memory_space<hbm>> -> memref<1x1x3x80xi32, #tpu.memory_space<hbm>>
      %dma_wait3A_611 = tpu.memref_squeeze %dma_wait3A_610 : memref<1x1x3x80xi32, #tpu.memory_space<hbm>> -> memref<3x80xi32, #tpu.memory_space<hbm>>
      tpu.wait_dma2 semaphore(%run_scoped3A_579 : memref<!tpu.dma_semaphore, #tpu.memory_space<semaphore_mem>>) src(%dma_wait3A_611 : memref<3x80xi32, #tpu.memory_space<hbm>>) dst(%dma_wait3A_607 : memref<3x80xi32, #tpu.memory_space<vmem>>)
      tpu.yield
    }) : () -> ()
    %run_scoped3A_8 = arith.constant 1 : i32
    %run_scoped3A_9 = arith.constant 0 : i32
    %run_scoped3A_10 = arith.constant 1 : i32
    "tpu.region"() ({
      %run_scoped3A_579 = tpu.sem_alloc : memref<!tpu.dma_semaphore, #tpu.memory_space<semaphore_mem>>
      %dma_start3A_580 = arith.constant 0 : i32
      %dma_start3A_581 = arith.constant 0 : i32
      %dma_start3A_582 = tpu.memref_slice %arg11[%run_scoped3A_9, %run_scoped3A_10, %dma_start3A_580, %dma_start3A_581] : memref<3x2x3x80xi32, #tpu.memory_space<vmem>> -> memref<1x1x3x80xi32, #tpu.memory_space<vmem>>
      %dma_start3A_583 = tpu.memref_squeeze %dma_start3A_582 : memref<1x1x3x80xi32, #tpu.memory_space<vmem>> -> memref<3x80xi32, #tpu.memory_space<vmem>>
      %dma_start3A_584 = arith.constant 0 : i32
      %dma_start3A_585 = arith.constant 0 : i32
      %dma_start3A_586 = tpu.memref_slice %arg3[%run_scoped3A_8, %add3A, %dma_start3A_584, %dma_start3A_585] : memref<2x32x126x80xi32, #tpu.memory_space<hbm>> -> memref<1x1x3x80xi32, #tpu.memory_space<hbm>>
      %dma_start3A_587 = tpu.memref_squeeze %dma_start3A_586 : memref<1x1x3x80xi32, #tpu.memory_space<hbm>> -> memref<3x80xi32, #tpu.memory_space<hbm>>
      %dma_start3A_588 = arith.constant 0 : i32
      %dma_start3A_589 = arith.constant 0 : i32
      %dma_start3A_590 = tpu.memref_slice %arg11[%run_scoped3A_9, %run_scoped3A_10, %dma_start3A_588, %dma_start3A_589] : memref<3x2x3x80xi32, #tpu.memory_space<vmem>> -> memref<1x1x3x80xi32, #tpu.memory_space<vmem>>
      %dma_start3A_591 = tpu.memref_squeeze %dma_start3A_590 : memref<1x1x3x80xi32, #tpu.memory_space<vmem>> -> memref<3x80xi32, #tpu.memory_space<vmem>>
      %dma_start3A_592 = arith.constant 0 : i32
      %dma_start3A_593 = arith.constant 0 : i32
      %dma_start3A_594 = tpu.memref_slice %arg3[%run_scoped3A_8, %add3A, %dma_start3A_592, %dma_start3A_593] : memref<2x32x126x80xi32, #tpu.memory_space<hbm>> -> memref<1x1x3x80xi32, #tpu.memory_space<hbm>>
      %dma_start3A_595 = tpu.memref_squeeze %dma_start3A_594 : memref<1x1x3x80xi32, #tpu.memory_space<hbm>> -> memref<3x80xi32, #tpu.memory_space<hbm>>
      tpu.enqueue_dma source(%dma_start3A_595 : memref<3x80xi32, #tpu.memory_space<hbm>>) target(%dma_start3A_591 : memref<3x80xi32, #tpu.memory_space<vmem>>) target_semaphore(%run_scoped3A_579 : memref<!tpu.dma_semaphore, #tpu.memory_space<semaphore_mem>>)
      %dma_wait3A_596 = arith.constant 0 : i32
      %dma_wait3A_597 = arith.constant 0 : i32
      %dma_wait3A_598 = tpu.memref_slice %arg11[%run_scoped3A_9, %run_scoped3A_10, %dma_wait3A_596, %dma_wait3A_597] : memref<3x2x3x80xi32, #tpu.memory_space<vmem>> -> memref<1x1x3x80xi32, #tpu.memory_space<vmem>>
      %dma_wait3A_599 = tpu.memref_squeeze %dma_wait3A_598 : memref<1x1x3x80xi32, #tpu.memory_space<vmem>> -> memref<3x80xi32, #tpu.memory_space<vmem>>
      %dma_wait3A_600 = arith.constant 0 : i32
      %dma_wait3A_601 = arith.constant 0 : i32
      %dma_wait3A_602 = tpu.memref_slice %arg3[%run_scoped3A_8, %add3A, %dma_wait3A_600, %dma_wait3A_601] : memref<2x32x126x80xi32, #tpu.memory_space<hbm>> -> memref<1x1x3x80xi32, #tpu.memory_space<hbm>>
      %dma_wait3A_603 = tpu.memref_squeeze %dma_wait3A_602 : memref<1x1x3x80xi32, #tpu.memory_space<hbm>> -> memref<3x80xi32, #tpu.memory_space<hbm>>
      %dma_wait3A_604 = arith.constant 0 : i32
      %dma_wait3A_605 = arith.constant 0 : i32
      %dma_wait3A_606 = tpu.memref_slice %arg11[%run_scoped3A_9, %run_scoped3A_10, %dma_wait3A_604, %dma_wait3A_605] : memref<3x2x3x80xi32, #tpu.memory_space<vmem>> -> memref<1x1x3x80xi32, #tpu.memory_space<vmem>>
      %dma_wait3A_607 = tpu.memref_squeeze %dma_wait3A_606 : memref<1x1x3x80xi32, #tpu.memory_space<vmem>> -> memref<3x80xi32, #tpu.memory_space<vmem>>
      %dma_wait3A_608 = arith.constant 0 : i32
      %dma_wait3A_609 = arith.constant 0 : i32
      %dma_wait3A_610 = tpu.memref_slice %arg3[%run_scoped3A_8, %add3A, %dma_wait3A_608, %dma_wait3A_609] : memref<2x32x126x80xi32, #tpu.memory_space<hbm>> -> memref<1x1x3x80xi32, #tpu.memory_space<hbm>>
      %dma_wait3A_611 = tpu.memref_squeeze %dma_wait3A_610 : memref<1x1x3x80xi32, #tpu.memory_space<hbm>> -> memref<3x80xi32, #tpu.memory_space<hbm>>
      tpu.wait_dma2 semaphore(%run_scoped3A_579 : memref<!tpu.dma_semaphore, #tpu.memory_space<semaphore_mem>>) src(%dma_wait3A_611 : memref<3x80xi32, #tpu.memory_space<hbm>>) dst(%dma_wait3A_607 : memref<3x80xi32, #tpu.memory_space<vmem>>)
      tpu.yield
    }) : () -> ()
    %run_scoped3A_11 = arith.constant 1 : i32
    %run_scoped3A_12 = arith.constant 1 : i32
    %run_scoped3A_13 = arith.constant 1 : i32
    "tpu.region"() ({
      %run_scoped3A_579 = tpu.sem_alloc : memref<!tpu.dma_semaphore, #tpu.memory_space<semaphore_mem>>
      %dma_start3A_580 = arith.constant 0 : i32
      %dma_start3A_581 = arith.constant 0 : i32
      %dma_start3A_582 = tpu.memref_slice %arg11[%run_scoped3A_12, %run_scoped3A_13, %dma_start3A_580, %dma_start3A_581] : memref<3x2x3x80xi32, #tpu.memory_space<vmem>> -> memref<1x1x3x80xi32, #tpu.memory_space<vmem>>
      %dma_start3A_583 = tpu.memref_squeeze %dma_start3A_582 : memref<1x1x3x80xi32, #tpu.memory_space<vmem>> -> memref<3x80xi32, #tpu.memory_space<vmem>>
      %dma_start3A_584 = arith.constant 3 : i32
      %dma_start3A_585 = arith.constant 0 : i32
      %dma_start3A_586 = tpu.memref_slice %arg3[%run_scoped3A_11, %add3A, %dma_start3A_584, %dma_start3A_585] : memref<2x32x126x80xi32, #tpu.memory_space<hbm>> -> memref<1x1x3x80xi32, #tpu.memory_space<hbm>>
      %dma_start3A_587 = tpu.memref_squeeze %dma_start3A_586 : memref<1x1x3x80xi32, #tpu.memory_space<hbm>> -> memref<3x80xi32, #tpu.memory_space<hbm>>
      %dma_start3A_588 = arith.constant 0 : i32
      %dma_start3A_589 = arith.constant 0 : i32
      %dma_start3A_590 = tpu.memref_slice %arg11[%run_scoped3A_12, %run_scoped3A_13, %dma_start3A_588, %dma_start3A_589] : memref<3x2x3x80xi32, #tpu.memory_space<vmem>> -> memref<1x1x3x80xi32, #tpu.memory_space<vmem>>
      %dma_start3A_591 = tpu.memref_squeeze %dma_start3A_590 : memref<1x1x3x80xi32, #tpu.memory_space<vmem>> -> memref<3x80xi32, #tpu.memory_space<vmem>>
      %dma_start3A_592 = arith.constant 3 : i32
      %dma_start3A_593 = arith.constant 0 : i32
      %dma_start3A_594 = tpu.memref_slice %arg3[%run_scoped3A_11, %add3A, %dma_start3A_592, %dma_start3A_593] : memref<2x32x126x80xi32, #tpu.memory_space<hbm>> -> memref<1x1x3x80xi32, #tpu.memory_space<hbm>>
      %dma_start3A_595 = tpu.memref_squeeze %dma_start3A_594 : memref<1x1x3x80xi32, #tpu.memory_space<hbm>> -> memref<3x80xi32, #tpu.memory_space<hbm>>
      tpu.enqueue_dma source(%dma_start3A_595 : memref<3x80xi32, #tpu.memory_space<hbm>>) target(%dma_start3A_591 : memref<3x80xi32, #tpu.memory_space<vmem>>) target_semaphore(%run_scoped3A_579 : memref<!tpu.dma_semaphore, #tpu.memory_space<semaphore_mem>>)
      %dma_wait3A_596 = arith.constant 0 : i32
      %dma_wait3A_597 = arith.constant 0 : i32
      %dma_wait3A_598 = tpu.memref_slice %arg11[%run_scoped3A_12, %run_scoped3A_13, %dma_wait3A_596, %dma_wait3A_597] : memref<3x2x3x80xi32, #tpu.memory_space<vmem>> -> memref<1x1x3x80xi32, #tpu.memory_space<vmem>>
      %dma_wait3A_599 = tpu.memref_squeeze %dma_wait3A_598 : memref<1x1x3x80xi32, #tpu.memory_space<vmem>> -> memref<3x80xi32, #tpu.memory_space<vmem>>
      %dma_wait3A_600 = arith.constant 3 : i32
      %dma_wait3A_601 = arith.constant 0 : i32
      %dma_wait3A_602 = tpu.memref_slice %arg3[%run_scoped3A_11, %add3A, %dma_wait3A_600, %dma_wait3A_601] : memref<2x32x126x80xi32, #tpu.memory_space<hbm>> -> memref<1x1x3x80xi32, #tpu.memory_space<hbm>>
      %dma_wait3A_603 = tpu.memref_squeeze %dma_wait3A_602 : memref<1x1x3x80xi32, #tpu.memory_space<hbm>> -> memref<3x80xi32, #tpu.memory_space<hbm>>
      %dma_wait3A_604 = arith.constant 0 : i32
      %dma_wait3A_605 = arith.constant 0 : i32
      %dma_wait3A_606 = tpu.memref_slice %arg11[%run_scoped3A_12, %run_scoped3A_13, %dma_wait3A_604, %dma_wait3A_605] : memref<3x2x3x80xi32, #tpu.memory_space<vmem>> -> memref<1x1x3x80xi32, #tpu.memory_space<vmem>>
      %dma_wait3A_607 = tpu.memref_squeeze %dma_wait3A_606 : memref<1x1x3x80xi32, #tpu.memory_space<vmem>> -> memref<3x80xi32, #tpu.memory_space<vmem>>
      %dma_wait3A_608 = arith.constant 3 : i32
      %dma_wait3A_609 = arith.constant 0 : i32
      %dma_wait3A_610 = tpu.memref_slice %arg3[%run_scoped3A_11, %add3A, %dma_wait3A_608, %dma_wait3A_609] : memref<2x32x126x80xi32, #tpu.memory_space<hbm>> -> memref<1x1x3x80xi32, #tpu.memory_space<hbm>>
      %dma_wait3A_611 = tpu.memref_squeeze %dma_wait3A_610 : memref<1x1x3x80xi32, #tpu.memory_space<hbm>> -> memref<3x80xi32, #tpu.memory_space<hbm>>
      tpu.wait_dma2 semaphore(%run_scoped3A_579 : memref<!tpu.dma_semaphore, #tpu.memory_space<semaphore_mem>>) src(%dma_wait3A_611 : memref<3x80xi32, #tpu.memory_space<hbm>>) dst(%dma_wait3A_607 : memref<3x80xi32, #tpu.memory_space<vmem>>)
      tpu.yield
    }) : () -> ()
    %dma_start3A = arith.constant 0 : i32
    %dma_start3A_14 = arith.constant 2 : i32
    %dma_start3A_15 = arith.constant 0 : i32
    %dma_start3A_16 = arith.constant 0 : i32
    %dma_start3A_17 = arith.constant 0 : i32
    %dma_start3A_18 = tpu.memref_slice %arg11[%dma_start3A_14, %dma_start3A_15, %dma_start3A_16, %dma_start3A_17] : memref<3x2x3x80xi32, #tpu.memory_space<vmem>> -> memref<1x1x3x80xi32, #tpu.memory_space<vmem>>
    %dma_start3A_19 = tpu.memref_squeeze %dma_start3A_18 : memref<1x1x3x80xi32, #tpu.memory_space<vmem>> -> memref<3x80xi32, #tpu.memory_space<vmem>>
    %dma_start3A_20 = arith.constant 6 : i32
    %dma_start3A_21 = arith.constant 0 : i32
    %dma_start3A_22 = tpu.memref_slice %arg3[%dma_start3A, %add3A, %dma_start3A_20, %dma_start3A_21] : memref<2x32x126x80xi32, #tpu.memory_space<hbm>> -> memref<1x1x3x80xi32, #tpu.memory_space<hbm>>
    %dma_start3A_23 = tpu.memref_squeeze %dma_start3A_22 : memref<1x1x3x80xi32, #tpu.memory_space<hbm>> -> memref<3x80xi32, #tpu.memory_space<hbm>>
    %dma_start3A_24 = arith.constant 0 : i32
    %dma_start3A_25 = arith.constant 0 : i32
    %dma_start3A_26 = tpu.memref_slice %arg11[%dma_start3A_14, %dma_start3A_15, %dma_start3A_24, %dma_start3A_25] : memref<3x2x3x80xi32, #tpu.memory_space<vmem>> -> memref<1x1x3x80xi32, #tpu.memory_space<vmem>>
    %dma_start3A_27 = tpu.memref_squeeze %dma_start3A_26 : memref<1x1x3x80xi32, #tpu.memory_space<vmem>> -> memref<3x80xi32, #tpu.memory_space<vmem>>
    %dma_start3A_28 = arith.constant 6 : i32
    %dma_start3A_29 = arith.constant 0 : i32
    %dma_start3A_30 = tpu.memref_slice %arg3[%dma_start3A, %add3A, %dma_start3A_28, %dma_start3A_29] : memref<2x32x126x80xi32, #tpu.memory_space<hbm>> -> memref<1x1x3x80xi32, #tpu.memory_space<hbm>>
    %dma_start3A_31 = tpu.memref_squeeze %dma_start3A_30 : memref<1x1x3x80xi32, #tpu.memory_space<hbm>> -> memref<3x80xi32, #tpu.memory_space<hbm>>
    tpu.enqueue_dma source(%dma_start3A_31 : memref<3x80xi32, #tpu.memory_space<hbm>>) target(%dma_start3A_27 : memref<3x80xi32, #tpu.memory_space<vmem>>) target_semaphore(%arg24 : memref<!tpu.dma_semaphore, #tpu.memory_space<semaphore_mem>>)
    %dma_start3A_32 = arith.constant 1 : i32
    %dma_start3A_33 = arith.constant 2 : i32
    %dma_start3A_34 = arith.constant 1 : i32
    %dma_start3A_35 = arith.constant 0 : i32
    %dma_start3A_36 = arith.constant 0 : i32
    %dma_start3A_37 = tpu.memref_slice %arg11[%dma_start3A_33, %dma_start3A_34, %dma_start3A_35, %dma_start3A_36] : memref<3x2x3x80xi32, #tpu.memory_space<vmem>> -> memref<1x1x3x80xi32, #tpu.memory_space<vmem>>
    %dma_start3A_38 = tpu.memref_squeeze %dma_start3A_37 : memref<1x1x3x80xi32, #tpu.memory_space<vmem>> -> memref<3x80xi32, #tpu.memory_space<vmem>>
    %dma_start3A_39 = arith.constant 6 : i32
    %dma_start3A_40 = arith.constant 0 : i32
    %dma_start3A_41 = tpu.memref_slice %arg3[%dma_start3A_32, %add3A, %dma_start3A_39, %dma_start3A_40] : memref<2x32x126x80xi32, #tpu.memory_space<hbm>> -> memref<1x1x3x80xi32, #tpu.memory_space<hbm>>
    %dma_start3A_42 = tpu.memref_squeeze %dma_start3A_41 : memref<1x1x3x80xi32, #tpu.memory_space<hbm>> -> memref<3x80xi32, #tpu.memory_space<hbm>>
    %dma_start3A_43 = arith.constant 0 : i32
    %dma_start3A_44 = arith.constant 0 : i32
    %dma_start3A_45 = tpu.memref_slice %arg11[%dma_start3A_33, %dma_start3A_34, %dma_start3A_43, %dma_start3A_44] : memref<3x2x3x80xi32, #tpu.memory_space<vmem>> -> memref<1x1x3x80xi32, #tpu.memory_space<vmem>>
    %dma_start3A_46 = tpu.memref_squeeze %dma_start3A_45 : memref<1x1x3x80xi32, #tpu.memory_space<vmem>> -> memref<3x80xi32, #tpu.memory_space<vmem>>
    %dma_start3A_47 = arith.constant 6 : i32
    %dma_start3A_48 = arith.constant 0 : i32
    %dma_start3A_49 = tpu.memref_slice %arg3[%dma_start3A_32, %add3A, %dma_start3A_47, %dma_start3A_48] : memref<2x32x126x80xi32, #tpu.memory_space<hbm>> -> memref<1x1x3x80xi32, #tpu.memory_space<hbm>>
    %dma_start3A_50 = tpu.memref_squeeze %dma_start3A_49 : memref<1x1x3x80xi32, #tpu.memory_space<hbm>> -> memref<3x80xi32, #tpu.memory_space<hbm>>
    tpu.enqueue_dma source(%dma_start3A_50 : memref<3x80xi32, #tpu.memory_space<hbm>>) target(%dma_start3A_46 : memref<3x80xi32, #tpu.memory_space<vmem>>) target_semaphore(%arg24 : memref<!tpu.dma_semaphore, #tpu.memory_space<semaphore_mem>>)
    %dma_start3A_51 = arith.constant 0 : i32
    %dma_start3A_52 = arith.constant 0 : i32
    %dma_start3A_53 = arith.constant 0 : i32
    %dma_start3A_54 = arith.constant 0 : i32
    %dma_start3A_55 = tpu.memref_slice %arg11[%dma_start3A_51, %dma_start3A_52, %dma_start3A_53, %dma_start3A_54] : memref<3x2x3x80xi32, #tpu.memory_space<vmem>> -> memref<1x1x1x80xi32, #tpu.memory_space<vmem>>
    %dma_start3A_56 = tpu.memref_squeeze %dma_start3A_55 : memref<1x1x1x80xi32, #tpu.memory_space<vmem>> -> memref<80xi32, #tpu.memory_space<vmem>>
    %dma_start3A_57 = arith.constant 0 : i32
    %dma_start3A_58 = arith.constant 0 : i32
    %dma_start3A_59 = tpu.memref_slice %arg2[%dma_start3A_57, %dma_start3A_58] : memref<10000x128xf32, #tpu.memory_space<hbm>> -> memref<10000x128xf32, #tpu.memory_space<hbm>>
    tpu.enqueue_indirect_dma source(%dma_start3A_59 : memref<10000x128xf32, #tpu.memory_space<hbm>>) target(%arg12 : memref<80x128xf32, #tpu.memory_space<vmem>>) offsets(%dma_start3A_56 : memref<80xi32, #tpu.memory_space<vmem>>) semaphore(%arg16 : memref<!tpu.dma_semaphore, #tpu.memory_space<semaphore_mem>>)
    %dma_start3A_60 = arith.constant 0 : i32
    %dma_start3A_61 = arith.constant 0 : i32
    %dma_start3A_62 = arith.constant 1 : i32
    %dma_start3A_63 = arith.constant 0 : i32
    %dma_start3A_64 = tpu.memref_slice %arg11[%dma_start3A_60, %dma_start3A_61, %dma_start3A_62, %dma_start3A_63] : memref<3x2x3x80xi32, #tpu.memory_space<vmem>> -> memref<1x1x1x80xi32, #tpu.memory_space<vmem>>
    %dma_start3A_65 = tpu.memref_squeeze %dma_start3A_64 : memref<1x1x1x80xi32, #tpu.memory_space<vmem>> -> memref<80xi32, #tpu.memory_space<vmem>>
    %dma_start3A_66 = arith.constant 0 : i32
    %dma_start3A_67 = arith.constant 0 : i32
    %dma_start3A_68 = tpu.memref_slice %arg2[%dma_start3A_66, %dma_start3A_67] : memref<10000x128xf32, #tpu.memory_space<hbm>> -> memref<10000x128xf32, #tpu.memory_space<hbm>>
    tpu.enqueue_indirect_dma source(%dma_start3A_68 : memref<10000x128xf32, #tpu.memory_space<hbm>>) target(%arg13 : memref<80x128xf32, #tpu.memory_space<vmem>>) offsets(%dma_start3A_65 : memref<80xi32, #tpu.memory_space<vmem>>) semaphore(%arg17 : memref<!tpu.dma_semaphore, #tpu.memory_space<semaphore_mem>>)
    %barrier3A = arith.constant 0 : index
    tpu.barrier barrier_id(%barrier3A)
    %dma_wait3A = arith.constant 0 : i32
    %dma_wait3A_69 = arith.constant 0 : i32
    %dma_wait3A_70 = arith.constant 0 : i32
    %dma_wait3A_71 = arith.constant 0 : i32
    %dma_wait3A_72 = tpu.memref_slice %arg11[%dma_wait3A, %dma_wait3A_69, %dma_wait3A_70, %dma_wait3A_71] : memref<3x2x3x80xi32, #tpu.memory_space<vmem>> -> memref<1x1x1x80xi32, #tpu.memory_space<vmem>>
    %dma_wait3A_73 = tpu.memref_squeeze %dma_wait3A_72 : memref<1x1x1x80xi32, #tpu.memory_space<vmem>> -> memref<80xi32, #tpu.memory_space<vmem>>
    %dma_wait3A_74 = arith.constant 0 : i32
    %dma_wait3A_75 = arith.constant 0 : i32
    %dma_wait3A_76 = tpu.memref_slice %arg2[%dma_wait3A_74, %dma_wait3A_75] : memref<10000x128xf32, #tpu.memory_space<hbm>> -> memref<10000x128xf32, #tpu.memory_space<hbm>>
    tpu.wait_indirect_dma semaphore(%arg16 : memref<!tpu.dma_semaphore, #tpu.memory_space<semaphore_mem>>) src(%dma_wait3A_76 : memref<10000x128xf32, #tpu.memory_space<hbm>>) dst(%arg12 : memref<80x128xf32, #tpu.memory_space<vmem>>)
    %dma_start3A_77 = arith.constant 0 : i32
    %dma_start3A_78 = arith.constant 1 : i32
    %dma_start3A_79 = arith.constant 0 : i32
    %dma_start3A_80 = arith.constant 0 : i32
    %dma_start3A_81 = tpu.memref_slice %arg11[%dma_start3A_77, %dma_start3A_78, %dma_start3A_79, %dma_start3A_80] : memref<3x2x3x80xi32, #tpu.memory_space<vmem>> -> memref<1x1x1x80xi32, #tpu.memory_space<vmem>>
    %dma_start3A_82 = tpu.memref_squeeze %dma_start3A_81 : memref<1x1x1x80xi32, #tpu.memory_space<vmem>> -> memref<80xi32, #tpu.memory_space<vmem>>
    %dma_start3A_83 = arith.constant 0 : i32
    %dma_start3A_84 = arith.constant 0 : i32
    %dma_start3A_85 = tpu.memref_slice %arg9[%dma_start3A_83, %dma_start3A_84] : memref<10016x128xf32, #tpu.memory_space<vmem_shared>> -> memref<10016x128xf32, #tpu.memory_space<vmem_shared>>
    tpu.enqueue_indirect_dma source(%arg12 : memref<80x128xf32, #tpu.memory_space<vmem>>) target(%dma_start3A_85 : memref<10016x128xf32, #tpu.memory_space<vmem_shared>>) offsets(%dma_start3A_82 : memref<80xi32, #tpu.memory_space<vmem>>) semaphore(%arg19 : memref<!tpu.dma_semaphore, #tpu.memory_space<semaphore_mem>>) {add = true}
    %dma_start3A_86 = arith.constant 0 : i32
    %dma_start3A_87 = arith.constant 1 : i32
    %dma_start3A_88 = arith.constant 0 : i32
    %dma_start3A_89 = arith.constant 0 : i32
    %dma_start3A_90 = tpu.memref_slice %arg11[%dma_start3A_86, %dma_start3A_87, %dma_start3A_88, %dma_start3A_89] : memref<3x2x3x80xi32, #tpu.memory_space<vmem>> -> memref<1x1x1x80xi32, #tpu.memory_space<vmem>>
    %dma_start3A_91 = tpu.memref_squeeze %dma_start3A_90 : memref<1x1x1x80xi32, #tpu.memory_space<vmem>> -> memref<80xi32, #tpu.memory_space<vmem>>
    %dma_start3A_92 = arith.constant 0 : i32
    %dma_start3A_93 = arith.constant 0 : i32
    %dma_start3A_94 = tpu.memref_slice %arg10[%dma_start3A_92, %dma_start3A_93] : memref<10016x16xf32, #tpu.memory_space<vmem_shared>> -> memref<10016x16xf32, #tpu.memory_space<vmem_shared>>
    tpu.enqueue_indirect_dma source(%arg15 : memref<80x16xf32, #tpu.memory_space<vmem>>) target(%dma_start3A_94 : memref<10016x16xf32, #tpu.memory_space<vmem_shared>>) offsets(%dma_start3A_91 : memref<80xi32, #tpu.memory_space<vmem>>) semaphore(%arg19 : memref<!tpu.dma_semaphore, #tpu.memory_space<semaphore_mem>>) {add = true}
    %dma_start3A_95 = arith.constant 0 : i32
    %dma_start3A_96 = arith.constant 0 : i32
    %dma_start3A_97 = arith.constant 2 : i32
    %dma_start3A_98 = arith.constant 0 : i32
    %dma_start3A_99 = tpu.memref_slice %arg11[%dma_start3A_95, %dma_start3A_96, %dma_start3A_97, %dma_start3A_98] : memref<3x2x3x80xi32, #tpu.memory_space<vmem>> -> memref<1x1x1x80xi32, #tpu.memory_space<vmem>>
    %dma_start3A_100 = tpu.memref_squeeze %dma_start3A_99 : memref<1x1x1x80xi32, #tpu.memory_space<vmem>> -> memref<80xi32, #tpu.memory_space<vmem>>
    %dma_start3A_101 = arith.constant 0 : i32
    %dma_start3A_102 = arith.constant 0 : i32
    %dma_start3A_103 = tpu.memref_slice %arg2[%dma_start3A_101, %dma_start3A_102] : memref<10000x128xf32, #tpu.memory_space<hbm>> -> memref<10000x128xf32, #tpu.memory_space<hbm>>
    tpu.enqueue_indirect_dma source(%dma_start3A_103 : memref<10000x128xf32, #tpu.memory_space<hbm>>) target(%arg14 : memref<80x128xf32, #tpu.memory_space<vmem>>) offsets(%dma_start3A_100 : memref<80xi32, #tpu.memory_space<vmem>>) semaphore(%arg18 : memref<!tpu.dma_semaphore, #tpu.memory_space<semaphore_mem>>)
    %dma_wait3A_104 = arith.constant 0 : i32
    %dma_wait3A_105 = arith.constant 0 : i32
    %dma_wait3A_106 = arith.constant 1 : i32
    %dma_wait3A_107 = arith.constant 0 : i32
    %dma_wait3A_108 = tpu.memref_slice %arg11[%dma_wait3A_104, %dma_wait3A_105, %dma_wait3A_106, %dma_wait3A_107] : memref<3x2x3x80xi32, #tpu.memory_space<vmem>> -> memref<1x1x1x80xi32, #tpu.memory_space<vmem>>
    %dma_wait3A_109 = tpu.memref_squeeze %dma_wait3A_108 : memref<1x1x1x80xi32, #tpu.memory_space<vmem>> -> memref<80xi32, #tpu.memory_space<vmem>>
    %dma_wait3A_110 = arith.constant 0 : i32
    %dma_wait3A_111 = arith.constant 0 : i32
    %dma_wait3A_112 = tpu.memref_slice %arg2[%dma_wait3A_110, %dma_wait3A_111] : memref<10000x128xf32, #tpu.memory_space<hbm>> -> memref<10000x128xf32, #tpu.memory_space<hbm>>
    tpu.wait_indirect_dma semaphore(%arg17 : memref<!tpu.dma_semaphore, #tpu.memory_space<semaphore_mem>>) src(%dma_wait3A_112 : memref<10000x128xf32, #tpu.memory_space<hbm>>) dst(%arg13 : memref<80x128xf32, #tpu.memory_space<vmem>>)
    %dma_start3A_113 = arith.constant 0 : i32
    %dma_start3A_114 = arith.constant 1 : i32
    %dma_start3A_115 = arith.constant 1 : i32
    %dma_start3A_116 = arith.constant 0 : i32
    %dma_start3A_117 = tpu.memref_slice %arg11[%dma_start3A_113, %dma_start3A_114, %dma_start3A_115, %dma_start3A_116] : memref<3x2x3x80xi32, #tpu.memory_space<vmem>> -> memref<1x1x1x80xi32, #tpu.memory_space<vmem>>
    %dma_start3A_118 = tpu.memref_squeeze %dma_start3A_117 : memref<1x1x1x80xi32, #tpu.memory_space<vmem>> -> memref<80xi32, #tpu.memory_space<vmem>>
    %dma_start3A_119 = arith.constant 0 : i32
    %dma_start3A_120 = arith.constant 0 : i32
    %dma_start3A_121 = tpu.memref_slice %arg9[%dma_start3A_119, %dma_start3A_120] : memref<10016x128xf32, #tpu.memory_space<vmem_shared>> -> memref<10016x128xf32, #tpu.memory_space<vmem_shared>>
    tpu.enqueue_indirect_dma source(%arg13 : memref<80x128xf32, #tpu.memory_space<vmem>>) target(%dma_start3A_121 : memref<10016x128xf32, #tpu.memory_space<vmem_shared>>) offsets(%dma_start3A_118 : memref<80xi32, #tpu.memory_space<vmem>>) semaphore(%arg20 : memref<!tpu.dma_semaphore, #tpu.memory_space<semaphore_mem>>) {add = true}
    %dma_start3A_122 = arith.constant 0 : i32
    %dma_start3A_123 = arith.constant 1 : i32
    %dma_start3A_124 = arith.constant 1 : i32
    %dma_start3A_125 = arith.constant 0 : i32
    %dma_start3A_126 = tpu.memref_slice %arg11[%dma_start3A_122, %dma_start3A_123, %dma_start3A_124, %dma_start3A_125] : memref<3x2x3x80xi32, #tpu.memory_space<vmem>> -> memref<1x1x1x80xi32, #tpu.memory_space<vmem>>
    %dma_start3A_127 = tpu.memref_squeeze %dma_start3A_126 : memref<1x1x1x80xi32, #tpu.memory_space<vmem>> -> memref<80xi32, #tpu.memory_space<vmem>>
    %dma_start3A_128 = arith.constant 0 : i32
    %dma_start3A_129 = arith.constant 0 : i32
    %dma_start3A_130 = tpu.memref_slice %arg10[%dma_start3A_128, %dma_start3A_129] : memref<10016x16xf32, #tpu.memory_space<vmem_shared>> -> memref<10016x16xf32, #tpu.memory_space<vmem_shared>>
    tpu.enqueue_indirect_dma source(%arg15 : memref<80x16xf32, #tpu.memory_space<vmem>>) target(%dma_start3A_130 : memref<10016x16xf32, #tpu.memory_space<vmem_shared>>) offsets(%dma_start3A_127 : memref<80xi32, #tpu.memory_space<vmem>>) semaphore(%arg20 : memref<!tpu.dma_semaphore, #tpu.memory_space<semaphore_mem>>) {add = true}
    %dma_wait3A_131 = arith.constant 0 : i32
    %dma_wait3A_132 = arith.constant 1 : i32
    %dma_wait3A_133 = arith.constant 1 : i32
    %dma_wait3A_134 = arith.constant 0 : i32
    %dma_wait3A_135 = tpu.memref_slice %arg11[%dma_wait3A_131, %dma_wait3A_132, %dma_wait3A_133, %dma_wait3A_134] : memref<3x2x3x80xi32, #tpu.memory_space<vmem>> -> memref<1x1x1x80xi32, #tpu.memory_space<vmem>>
    %dma_wait3A_136 = tpu.memref_squeeze %dma_wait3A_135 : memref<1x1x1x80xi32, #tpu.memory_space<vmem>> -> memref<80xi32, #tpu.memory_space<vmem>>
    %dma_wait3A_137 = arith.constant 0 : i32
    %dma_wait3A_138 = arith.constant 0 : i32
    %dma_wait3A_139 = tpu.memref_slice %arg9[%dma_wait3A_137, %dma_wait3A_138] : memref<10016x128xf32, #tpu.memory_space<vmem_shared>> -> memref<10016x128xf32, #tpu.memory_space<vmem_shared>>
    tpu.wait_indirect_dma semaphore(%arg19 : memref<!tpu.dma_semaphore, #tpu.memory_space<semaphore_mem>>) src(%arg12 : memref<80x128xf32, #tpu.memory_space<vmem>>) dst(%dma_wait3A_139 : memref<10016x128xf32, #tpu.memory_space<vmem_shared>>)
    %dma_wait3A_140 = arith.constant 0 : i32
    %dma_wait3A_141 = arith.constant 1 : i32
    %dma_wait3A_142 = arith.constant 1 : i32
    %dma_wait3A_143 = arith.constant 0 : i32
    %dma_wait3A_144 = tpu.memref_slice %arg11[%dma_wait3A_140, %dma_wait3A_141, %dma_wait3A_142, %dma_wait3A_143] : memref<3x2x3x80xi32, #tpu.memory_space<vmem>> -> memref<1x1x1x80xi32, #tpu.memory_space<vmem>>
    %dma_wait3A_145 = tpu.memref_squeeze %dma_wait3A_144 : memref<1x1x1x80xi32, #tpu.memory_space<vmem>> -> memref<80xi32, #tpu.memory_space<vmem>>
    %dma_wait3A_146 = arith.constant 0 : i32
    %dma_wait3A_147 = arith.constant 0 : i32
    %dma_wait3A_148 = tpu.memref_slice %arg10[%dma_wait3A_146, %dma_wait3A_147] : memref<10016x16xf32, #tpu.memory_space<vmem_shared>> -> memref<10016x16xf32, #tpu.memory_space<vmem_shared>>
    tpu.wait_indirect_dma semaphore(%arg19 : memref<!tpu.dma_semaphore, #tpu.memory_space<semaphore_mem>>) src(%arg15 : memref<80x16xf32, #tpu.memory_space<vmem>>) dst(%dma_wait3A_148 : memref<10016x16xf32, #tpu.memory_space<vmem_shared>>)
    %dma_start3A_149 = arith.constant 1 : i32
    %dma_start3A_150 = arith.constant 0 : i32
    %dma_start3A_151 = arith.constant 0 : i32
    %dma_start3A_152 = arith.constant 0 : i32
    %dma_start3A_153 = tpu.memref_slice %arg11[%dma_start3A_149, %dma_start3A_150, %dma_start3A_151, %dma_start3A_152] : memref<3x2x3x80xi32, #tpu.memory_space<vmem>> -> memref<1x1x1x80xi32, #tpu.memory_space<vmem>>
    %dma_start3A_154 = tpu.memref_squeeze %dma_start3A_153 : memref<1x1x1x80xi32, #tpu.memory_space<vmem>> -> memref<80xi32, #tpu.memory_space<vmem>>
    %dma_start3A_155 = arith.constant 0 : i32
    %dma_start3A_156 = arith.constant 0 : i32
    %dma_start3A_157 = tpu.memref_slice %arg2[%dma_start3A_155, %dma_start3A_156] : memref<10000x128xf32, #tpu.memory_space<hbm>> -> memref<10000x128xf32, #tpu.memory_space<hbm>>
    tpu.enqueue_indirect_dma source(%dma_start3A_157 : memref<10000x128xf32, #tpu.memory_space<hbm>>) target(%arg12 : memref<80x128xf32, #tpu.memory_space<vmem>>) offsets(%dma_start3A_154 : memref<80xi32, #tpu.memory_space<vmem>>) semaphore(%arg16 : memref<!tpu.dma_semaphore, #tpu.memory_space<semaphore_mem>>)
    %dma_wait3A_158 = arith.constant 0 : i32
    %dma_wait3A_159 = arith.constant 0 : i32
    %dma_wait3A_160 = arith.constant 2 : i32
    %dma_wait3A_161 = arith.constant 0 : i32
    %dma_wait3A_162 = tpu.memref_slice %arg11[%dma_wait3A_158, %dma_wait3A_159, %dma_wait3A_160, %dma_wait3A_161] : memref<3x2x3x80xi32, #tpu.memory_space<vmem>> -> memref<1x1x1x80xi32, #tpu.memory_space<vmem>>
    %dma_wait3A_163 = tpu.memref_squeeze %dma_wait3A_162 : memref<1x1x1x80xi32, #tpu.memory_space<vmem>> -> memref<80xi32, #tpu.memory_space<vmem>>
    %dma_wait3A_164 = arith.constant 0 : i32
    %dma_wait3A_165 = arith.constant 0 : i32
    %dma_wait3A_166 = tpu.memref_slice %arg2[%dma_wait3A_164, %dma_wait3A_165] : memref<10000x128xf32, #tpu.memory_space<hbm>> -> memref<10000x128xf32, #tpu.memory_space<hbm>>
    tpu.wait_indirect_dma semaphore(%arg18 : memref<!tpu.dma_semaphore, #tpu.memory_space<semaphore_mem>>) src(%dma_wait3A_166 : memref<10000x128xf32, #tpu.memory_space<hbm>>) dst(%arg14 : memref<80x128xf32, #tpu.memory_space<vmem>>)
    %dma_start3A_167 = arith.constant 0 : i32
    %dma_start3A_168 = arith.constant 1 : i32
    %dma_start3A_169 = arith.constant 2 : i32
    %dma_start3A_170 = arith.constant 0 : i32
    %dma_start3A_171 = tpu.memref_slice %arg11[%dma_start3A_167, %dma_start3A_168, %dma_start3A_169, %dma_start3A_170] : memref<3x2x3x80xi32, #tpu.memory_space<vmem>> -> memref<1x1x1x80xi32, #tpu.memory_space<vmem>>
    %dma_start3A_172 = tpu.memref_squeeze %dma_start3A_171 : memref<1x1x1x80xi32, #tpu.memory_space<vmem>> -> memref<80xi32, #tpu.memory_space<vmem>>
    %dma_start3A_173 = arith.constant 0 : i32
    %dma_start3A_174 = arith.constant 0 : i32
    %dma_start3A_175 = tpu.memref_slice %arg9[%dma_start3A_173, %dma_start3A_174] : memref<10016x128xf32, #tpu.memory_space<vmem_shared>> -> memref<10016x128xf32, #tpu.memory_space<vmem_shared>>
    tpu.enqueue_indirect_dma source(%arg14 : memref<80x128xf32, #tpu.memory_space<vmem>>) target(%dma_start3A_175 : memref<10016x128xf32, #tpu.memory_space<vmem_shared>>) offsets(%dma_start3A_172 : memref<80xi32, #tpu.memory_space<vmem>>) semaphore(%arg21 : memref<!tpu.dma_semaphore, #tpu.memory_space<semaphore_mem>>) {add = true}
    %dma_start3A_176 = arith.constant 0 : i32
    %dma_start3A_177 = arith.constant 1 : i32
    %dma_start3A_178 = arith.constant 2 : i32
    %dma_start3A_179 = arith.constant 0 : i32
    %dma_start3A_180 = tpu.memref_slice %arg11[%dma_start3A_176, %dma_start3A_177, %dma_start3A_178, %dma_start3A_179] : memref<3x2x3x80xi32, #tpu.memory_space<vmem>> -> memref<1x1x1x80xi32, #tpu.memory_space<vmem>>
    %dma_start3A_181 = tpu.memref_squeeze %dma_start3A_180 : memref<1x1x1x80xi32, #tpu.memory_space<vmem>> -> memref<80xi32, #tpu.memory_space<vmem>>
    %dma_start3A_182 = arith.constant 0 : i32
    %dma_start3A_183 = arith.constant 0 : i32
    %dma_start3A_184 = tpu.memref_slice %arg10[%dma_start3A_182, %dma_start3A_183] : memref<10016x16xf32, #tpu.memory_space<vmem_shared>> -> memref<10016x16xf32, #tpu.memory_space<vmem_shared>>
    tpu.enqueue_indirect_dma source(%arg15 : memref<80x16xf32, #tpu.memory_space<vmem>>) target(%dma_start3A_184 : memref<10016x16xf32, #tpu.memory_space<vmem_shared>>) offsets(%dma_start3A_181 : memref<80xi32, #tpu.memory_space<vmem>>) semaphore(%arg21 : memref<!tpu.dma_semaphore, #tpu.memory_space<semaphore_mem>>) {add = true}
    %dma_wait3A_185 = arith.constant 0 : i32
    %dma_wait3A_186 = arith.constant 1 : i32
    %dma_wait3A_187 = arith.constant 2 : i32
    %dma_wait3A_188 = arith.constant 0 : i32
    %dma_wait3A_189 = tpu.memref_slice %arg11[%dma_wait3A_185, %dma_wait3A_186, %dma_wait3A_187, %dma_wait3A_188] : memref<3x2x3x80xi32, #tpu.memory_space<vmem>> -> memref<1x1x1x80xi32, #tpu.memory_space<vmem>>
    %dma_wait3A_190 = tpu.memref_squeeze %dma_wait3A_189 : memref<1x1x1x80xi32, #tpu.memory_space<vmem>> -> memref<80xi32, #tpu.memory_space<vmem>>
    %dma_wait3A_191 = arith.constant 0 : i32
    %dma_wait3A_192 = arith.constant 0 : i32
    %dma_wait3A_193 = tpu.memref_slice %arg9[%dma_wait3A_191, %dma_wait3A_192] : memref<10016x128xf32, #tpu.memory_space<vmem_shared>> -> memref<10016x128xf32, #tpu.memory_space<vmem_shared>>
    tpu.wait_indirect_dma semaphore(%arg20 : memref<!tpu.dma_semaphore, #tpu.memory_space<semaphore_mem>>) src(%arg13 : memref<80x128xf32, #tpu.memory_space<vmem>>) dst(%dma_wait3A_193 : memref<10016x128xf32, #tpu.memory_space<vmem_shared>>)
    %dma_wait3A_194 = arith.constant 0 : i32
    %dma_wait3A_195 = arith.constant 1 : i32
    %dma_wait3A_196 = arith.constant 2 : i32
    %dma_wait3A_197 = arith.constant 0 : i32
    %dma_wait3A_198 = tpu.memref_slice %arg11[%dma_wait3A_194, %dma_wait3A_195, %dma_wait3A_196, %dma_wait3A_197] : memref<3x2x3x80xi32, #tpu.memory_space<vmem>> -> memref<1x1x1x80xi32, #tpu.memory_space<vmem>>
    %dma_wait3A_199 = tpu.memref_squeeze %dma_wait3A_198 : memref<1x1x1x80xi32, #tpu.memory_space<vmem>> -> memref<80xi32, #tpu.memory_space<vmem>>
    %dma_wait3A_200 = arith.constant 0 : i32
    %dma_wait3A_201 = arith.constant 0 : i32
    %dma_wait3A_202 = tpu.memref_slice %arg10[%dma_wait3A_200, %dma_wait3A_201] : memref<10016x16xf32, #tpu.memory_space<vmem_shared>> -> memref<10016x16xf32, #tpu.memory_space<vmem_shared>>
    tpu.wait_indirect_dma semaphore(%arg20 : memref<!tpu.dma_semaphore, #tpu.memory_space<semaphore_mem>>) src(%arg15 : memref<80x16xf32, #tpu.memory_space<vmem>>) dst(%dma_wait3A_202 : memref<10016x16xf32, #tpu.memory_space<vmem_shared>>)
    %dma_start3A_203 = arith.constant 1 : i32
    %dma_start3A_204 = arith.constant 0 : i32
    %dma_start3A_205 = arith.constant 1 : i32
    %dma_start3A_206 = arith.constant 0 : i32
    %dma_start3A_207 = tpu.memref_slice %arg11[%dma_start3A_203, %dma_start3A_204, %dma_start3A_205, %dma_start3A_206] : memref<3x2x3x80xi32, #tpu.memory_space<vmem>> -> memref<1x1x1x80xi32, #tpu.memory_space<vmem>>
    %dma_start3A_208 = tpu.memref_squeeze %dma_start3A_207 : memref<1x1x1x80xi32, #tpu.memory_space<vmem>> -> memref<80xi32, #tpu.memory_space<vmem>>
    %dma_start3A_209 = arith.constant 0 : i32
    %dma_start3A_210 = arith.constant 0 : i32
    %dma_start3A_211 = tpu.memref_slice %arg2[%dma_start3A_209, %dma_start3A_210] : memref<10000x128xf32, #tpu.memory_space<hbm>> -> memref<10000x128xf32, #tpu.memory_space<hbm>>
    tpu.enqueue_indirect_dma source(%dma_start3A_211 : memref<10000x128xf32, #tpu.memory_space<hbm>>) target(%arg13 : memref<80x128xf32, #tpu.memory_space<vmem>>) offsets(%dma_start3A_208 : memref<80xi32, #tpu.memory_space<vmem>>) semaphore(%arg17 : memref<!tpu.dma_semaphore, #tpu.memory_space<semaphore_mem>>)
    %scan3A = arith.constant 0 : i32
    %scan3A_212 = arith.constant 13 : i32
    %scan3A_213 = arith.addi %scan3A, %scan3A_212 : i32
    %scan3A_214 = arith.constant 1 : i32
    scf.for %scan3A_579 = %scan3A to %scan3A_213 step %scan3A_214  : i32 {
      %mul3A_580 = arith.constant 3 : i32
      %mul3A_581 = arith.muli %scan3A_579, %mul3A_580 : i32
      %add3A_582 = arith.constant 1 : i32
      %add3A_583 = arith.addi %add3A_582, %mul3A_581 : i32
      %add3A_584 = arith.constant 1 : i32
      %add3A_585 = arith.addi %add3A_583, %add3A_584 : i32
      %mul3A_586 = arith.constant 3 : i32
      %mul3A_587 = arith.muli %mul3A_586, %add3A_585 : i32
      %dma_wait3A_588 = arith.constant 0 : i32
      %dma_wait3A_589 = arith.constant 2 : i32
      %dma_wait3A_590 = arith.constant 0 : i32
      %dma_wait3A_591 = arith.constant 0 : i32
      %dma_wait3A_592 = arith.constant 0 : i32
      %dma_wait3A_593 = tpu.memref_slice %arg11[%dma_wait3A_589, %dma_wait3A_590, %dma_wait3A_591, %dma_wait3A_592] : memref<3x2x3x80xi32, #tpu.memory_space<vmem>> -> memref<1x1x3x80xi32, #tpu.memory_space<vmem>>
      %dma_wait3A_594 = tpu.memref_squeeze %dma_wait3A_593 : memref<1x1x3x80xi32, #tpu.memory_space<vmem>> -> memref<3x80xi32, #tpu.memory_space<vmem>>
      %dma_wait3A_595 = arith.constant 0 : i32
      %dma_wait3A_596 = tpu.memref_slice %arg3[%dma_wait3A_588, %add3A, %mul3A_587, %dma_wait3A_595] : memref<2x32x126x80xi32, #tpu.memory_space<hbm>> -> memref<1x1x3x80xi32, #tpu.memory_space<hbm>>
      %dma_wait3A_597 = tpu.memref_squeeze %dma_wait3A_596 : memref<1x1x3x80xi32, #tpu.memory_space<hbm>> -> memref<3x80xi32, #tpu.memory_space<hbm>>
      %dma_wait3A_598 = arith.constant 0 : i32
      %dma_wait3A_599 = arith.constant 0 : i32
      %dma_wait3A_600 = tpu.memref_slice %arg11[%dma_wait3A_589, %dma_wait3A_590, %dma_wait3A_598, %dma_wait3A_599] : memref<3x2x3x80xi32, #tpu.memory_space<vmem>> -> memref<1x1x3x80xi32, #tpu.memory_space<vmem>>
      %dma_wait3A_601 = tpu.memref_squeeze %dma_wait3A_600 : memref<1x1x3x80xi32, #tpu.memory_space<vmem>> -> memref<3x80xi32, #tpu.memory_space<vmem>>
      %dma_wait3A_602 = arith.constant 0 : i32
      %dma_wait3A_603 = tpu.memref_slice %arg3[%dma_wait3A_588, %add3A, %mul3A_587, %dma_wait3A_602] : memref<2x32x126x80xi32, #tpu.memory_space<hbm>> -> memref<1x1x3x80xi32, #tpu.memory_space<hbm>>
      %dma_wait3A_604 = tpu.memref_squeeze %dma_wait3A_603 : memref<1x1x3x80xi32, #tpu.memory_space<hbm>> -> memref<3x80xi32, #tpu.memory_space<hbm>>
      tpu.wait_dma2 semaphore(%arg24 : memref<!tpu.dma_semaphore, #tpu.memory_space<semaphore_mem>>) src(%dma_wait3A_604 : memref<3x80xi32, #tpu.memory_space<hbm>>) dst(%dma_wait3A_601 : memref<3x80xi32, #tpu.memory_space<vmem>>)
      %mul3A_605 = arith.constant 3 : i32
      %mul3A_606 = arith.muli %mul3A_605, %add3A_585 : i32
      %dma_wait3A_607 = arith.constant 1 : i32
      %dma_wait3A_608 = arith.constant 2 : i32
      %dma_wait3A_609 = arith.constant 1 : i32
      %dma_wait3A_610 = arith.constant 0 : i32
      %dma_wait3A_611 = arith.constant 0 : i32
      %dma_wait3A_612 = tpu.memref_slice %arg11[%dma_wait3A_608, %dma_wait3A_609, %dma_wait3A_610, %dma_wait3A_611] : memref<3x2x3x80xi32, #tpu.memory_space<vmem>> -> memref<1x1x3x80xi32, #tpu.memory_space<vmem>>
      %dma_wait3A_613 = tpu.memref_squeeze %dma_wait3A_612 : memref<1x1x3x80xi32, #tpu.memory_space<vmem>> -> memref<3x80xi32, #tpu.memory_space<vmem>>
      %dma_wait3A_614 = arith.constant 0 : i32
      %dma_wait3A_615 = tpu.memref_slice %arg3[%dma_wait3A_607, %add3A, %mul3A_606, %dma_wait3A_614] : memref<2x32x126x80xi32, #tpu.memory_space<hbm>> -> memref<1x1x3x80xi32, #tpu.memory_space<hbm>>
      %dma_wait3A_616 = tpu.memref_squeeze %dma_wait3A_615 : memref<1x1x3x80xi32, #tpu.memory_space<hbm>> -> memref<3x80xi32, #tpu.memory_space<hbm>>
      %dma_wait3A_617 = arith.constant 0 : i32
      %dma_wait3A_618 = arith.constant 0 : i32
      %dma_wait3A_619 = tpu.memref_slice %arg11[%dma_wait3A_608, %dma_wait3A_609, %dma_wait3A_617, %dma_wait3A_618] : memref<3x2x3x80xi32, #tpu.memory_space<vmem>> -> memref<1x1x3x80xi32, #tpu.memory_space<vmem>>
      %dma_wait3A_620 = tpu.memref_squeeze %dma_wait3A_619 : memref<1x1x3x80xi32, #tpu.memory_space<vmem>> -> memref<3x80xi32, #tpu.memory_space<vmem>>
      %dma_wait3A_621 = arith.constant 0 : i32
      %dma_wait3A_622 = tpu.memref_slice %arg3[%dma_wait3A_607, %add3A, %mul3A_606, %dma_wait3A_621] : memref<2x32x126x80xi32, #tpu.memory_space<hbm>> -> memref<1x1x3x80xi32, #tpu.memory_space<hbm>>
      %dma_wait3A_623 = tpu.memref_squeeze %dma_wait3A_622 : memref<1x1x3x80xi32, #tpu.memory_space<hbm>> -> memref<3x80xi32, #tpu.memory_space<hbm>>
      tpu.wait_dma2 semaphore(%arg24 : memref<!tpu.dma_semaphore, #tpu.memory_space<semaphore_mem>>) src(%dma_wait3A_623 : memref<3x80xi32, #tpu.memory_space<hbm>>) dst(%dma_wait3A_620 : memref<3x80xi32, #tpu.memory_space<vmem>>)
      %dma_wait3A_624 = arith.constant 1 : i32
      %dma_wait3A_625 = arith.constant 0 : i32
      %dma_wait3A_626 = arith.constant 0 : i32
      %dma_wait3A_627 = arith.constant 0 : i32
      %dma_wait3A_628 = tpu.memref_slice %arg11[%dma_wait3A_624, %dma_wait3A_625, %dma_wait3A_626, %dma_wait3A_627] : memref<3x2x3x80xi32, #tpu.memory_space<vmem>> -> memref<1x1x1x80xi32, #tpu.memory_space<vmem>>
      %dma_wait3A_629 = tpu.memref_squeeze %dma_wait3A_628 : memref<1x1x1x80xi32, #tpu.memory_space<vmem>> -> memref<80xi32, #tpu.memory_space<vmem>>
      %dma_wait3A_630 = arith.constant 0 : i32
      %dma_wait3A_631 = arith.constant 0 : i32
      %dma_wait3A_632 = tpu.memref_slice %arg2[%dma_wait3A_630, %dma_wait3A_631] : memref<10000x128xf32, #tpu.memory_space<hbm>> -> memref<10000x128xf32, #tpu.memory_space<hbm>>
      tpu.wait_indirect_dma semaphore(%arg16 : memref<!tpu.dma_semaphore, #tpu.memory_space<semaphore_mem>>) src(%dma_wait3A_632 : memref<10000x128xf32, #tpu.memory_space<hbm>>) dst(%arg12 : memref<80x128xf32, #tpu.memory_space<vmem>>)
      %dma_start3A_633 = arith.constant 1 : i32
      %dma_start3A_634 = arith.constant 1 : i32
      %dma_start3A_635 = arith.constant 0 : i32
      %dma_start3A_636 = arith.constant 0 : i32
      %dma_start3A_637 = tpu.memref_slice %arg11[%dma_start3A_633, %dma_start3A_634, %dma_start3A_635, %dma_start3A_636] : memref<3x2x3x80xi32, #tpu.memory_space<vmem>> -> memref<1x1x1x80xi32, #tpu.memory_space<vmem>>
      %dma_start3A_638 = tpu.memref_squeeze %dma_start3A_637 : memref<1x1x1x80xi32, #tpu.memory_space<vmem>> -> memref<80xi32, #tpu.memory_space<vmem>>
      %dma_start3A_639 = arith.constant 0 : i32
      %dma_start3A_640 = arith.constant 0 : i32
      %dma_start3A_641 = tpu.memref_slice %arg9[%dma_start3A_639, %dma_start3A_640] : memref<10016x128xf32, #tpu.memory_space<vmem_shared>> -> memref<10016x128xf32, #tpu.memory_space<vmem_shared>>
      tpu.enqueue_indirect_dma source(%arg12 : memref<80x128xf32, #tpu.memory_space<vmem>>) target(%dma_start3A_641 : memref<10016x128xf32, #tpu.memory_space<vmem_shared>>) offsets(%dma_start3A_638 : memref<80xi32, #tpu.memory_space<vmem>>) semaphore(%arg19 : memref<!tpu.dma_semaphore, #tpu.memory_space<semaphore_mem>>) {add = true}
      %dma_start3A_642 = arith.constant 1 : i32
      %dma_start3A_643 = arith.constant 1 : i32
      %dma_start3A_644 = arith.constant 0 : i32
      %dma_start3A_645 = arith.constant 0 : i32
      %dma_start3A_646 = tpu.memref_slice %arg11[%dma_start3A_642, %dma_start3A_643, %dma_start3A_644, %dma_start3A_645] : memref<3x2x3x80xi32, #tpu.memory_space<vmem>> -> memref<1x1x1x80xi32, #tpu.memory_space<vmem>>
      %dma_start3A_647 = tpu.memref_squeeze %dma_start3A_646 : memref<1x1x1x80xi32, #tpu.memory_space<vmem>> -> memref<80xi32, #tpu.memory_space<vmem>>
      %dma_start3A_648 = arith.constant 0 : i32
      %dma_start3A_649 = arith.constant 0 : i32
      %dma_start3A_650 = tpu.memref_slice %arg10[%dma_start3A_648, %dma_start3A_649] : memref<10016x16xf32, #tpu.memory_space<vmem_shared>> -> memref<10016x16xf32, #tpu.memory_space<vmem_shared>>
      tpu.enqueue_indirect_dma source(%arg15 : memref<80x16xf32, #tpu.memory_space<vmem>>) target(%dma_start3A_650 : memref<10016x16xf32, #tpu.memory_space<vmem_shared>>) offsets(%dma_start3A_647 : memref<80xi32, #tpu.memory_space<vmem>>) semaphore(%arg19 : memref<!tpu.dma_semaphore, #tpu.memory_space<semaphore_mem>>) {add = true}
      %dma_wait3A_651 = arith.constant 1 : i32
      %dma_wait3A_652 = arith.constant 1 : i32
      %dma_wait3A_653 = arith.constant 0 : i32
      %dma_wait3A_654 = arith.constant 0 : i32
      %dma_wait3A_655 = tpu.memref_slice %arg11[%dma_wait3A_651, %dma_wait3A_652, %dma_wait3A_653, %dma_wait3A_654] : memref<3x2x3x80xi32, #tpu.memory_space<vmem>> -> memref<1x1x1x80xi32, #tpu.memory_space<vmem>>
      %dma_wait3A_656 = tpu.memref_squeeze %dma_wait3A_655 : memref<1x1x1x80xi32, #tpu.memory_space<vmem>> -> memref<80xi32, #tpu.memory_space<vmem>>
      %dma_wait3A_657 = arith.constant 0 : i32
      %dma_wait3A_658 = arith.constant 0 : i32
      %dma_wait3A_659 = tpu.memref_slice %arg9[%dma_wait3A_657, %dma_wait3A_658] : memref<10016x128xf32, #tpu.memory_space<vmem_shared>> -> memref<10016x128xf32, #tpu.memory_space<vmem_shared>>
      tpu.wait_indirect_dma semaphore(%arg21 : memref<!tpu.dma_semaphore, #tpu.memory_space<semaphore_mem>>) src(%arg14 : memref<80x128xf32, #tpu.memory_space<vmem>>) dst(%dma_wait3A_659 : memref<10016x128xf32, #tpu.memory_space<vmem_shared>>)
      %dma_wait3A_660 = arith.constant 1 : i32
      %dma_wait3A_661 = arith.constant 1 : i32
      %dma_wait3A_662 = arith.constant 0 : i32
      %dma_wait3A_663 = arith.constant 0 : i32
      %dma_wait3A_664 = tpu.memref_slice %arg11[%dma_wait3A_660, %dma_wait3A_661, %dma_wait3A_662, %dma_wait3A_663] : memref<3x2x3x80xi32, #tpu.memory_space<vmem>> -> memref<1x1x1x80xi32, #tpu.memory_space<vmem>>
      %dma_wait3A_665 = tpu.memref_squeeze %dma_wait3A_664 : memref<1x1x1x80xi32, #tpu.memory_space<vmem>> -> memref<80xi32, #tpu.memory_space<vmem>>
      %dma_wait3A_666 = arith.constant 0 : i32
      %dma_wait3A_667 = arith.constant 0 : i32
      %dma_wait3A_668 = tpu.memref_slice %arg10[%dma_wait3A_666, %dma_wait3A_667] : memref<10016x16xf32, #tpu.memory_space<vmem_shared>> -> memref<10016x16xf32, #tpu.memory_space<vmem_shared>>
      tpu.wait_indirect_dma semaphore(%arg21 : memref<!tpu.dma_semaphore, #tpu.memory_space<semaphore_mem>>) src(%arg15 : memref<80x16xf32, #tpu.memory_space<vmem>>) dst(%dma_wait3A_668 : memref<10016x16xf32, #tpu.memory_space<vmem_shared>>)
      %dma_start3A_669 = arith.constant 1 : i32
      %dma_start3A_670 = arith.constant 0 : i32
      %dma_start3A_671 = arith.constant 2 : i32
      %dma_start3A_672 = arith.constant 0 : i32
      %dma_start3A_673 = tpu.memref_slice %arg11[%dma_start3A_669, %dma_start3A_670, %dma_start3A_671, %dma_start3A_672] : memref<3x2x3x80xi32, #tpu.memory_space<vmem>> -> memref<1x1x1x80xi32, #tpu.memory_space<vmem>>
      %dma_start3A_674 = tpu.memref_squeeze %dma_start3A_673 : memref<1x1x1x80xi32, #tpu.memory_space<vmem>> -> memref<80xi32, #tpu.memory_space<vmem>>
      %dma_start3A_675 = arith.constant 0 : i32
      %dma_start3A_676 = arith.constant 0 : i32
      %dma_start3A_677 = tpu.memref_slice %arg2[%dma_start3A_675, %dma_start3A_676] : memref<10000x128xf32, #tpu.memory_space<hbm>> -> memref<10000x128xf32, #tpu.memory_space<hbm>>
      tpu.enqueue_indirect_dma source(%dma_start3A_677 : memref<10000x128xf32, #tpu.memory_space<hbm>>) target(%arg14 : memref<80x128xf32, #tpu.memory_space<vmem>>) offsets(%dma_start3A_674 : memref<80xi32, #tpu.memory_space<vmem>>) semaphore(%arg18 : memref<!tpu.dma_semaphore, #tpu.memory_space<semaphore_mem>>)
      %add3A_678 = arith.constant 2 : i32
      %add3A_679 = arith.addi %add3A_583, %add3A_678 : i32
      %mul3A_680 = arith.constant 3 : i32
      %mul3A_681 = arith.muli %mul3A_680, %add3A_679 : i32
      %dma_start3A_682 = arith.constant 0 : i32
      %dma_start3A_683 = arith.constant 0 : i32
      %dma_start3A_684 = arith.constant 0 : i32
      %dma_start3A_685 = arith.constant 0 : i32
      %dma_start3A_686 = arith.constant 0 : i32
      %dma_start3A_687 = tpu.memref_slice %arg11[%dma_start3A_683, %dma_start3A_684, %dma_start3A_685, %dma_start3A_686] : memref<3x2x3x80xi32, #tpu.memory_space<vmem>> -> memref<1x1x3x80xi32, #tpu.memory_space<vmem>>
      %dma_start3A_688 = tpu.memref_squeeze %dma_start3A_687 : memref<1x1x3x80xi32, #tpu.memory_space<vmem>> -> memref<3x80xi32, #tpu.memory_space<vmem>>
      %dma_start3A_689 = arith.constant 0 : i32
      %dma_start3A_690 = tpu.memref_slice %arg3[%dma_start3A_682, %add3A, %mul3A_681, %dma_start3A_689] : memref<2x32x126x80xi32, #tpu.memory_space<hbm>> -> memref<1x1x3x80xi32, #tpu.memory_space<hbm>>
      %dma_start3A_691 = tpu.memref_squeeze %dma_start3A_690 : memref<1x1x3x80xi32, #tpu.memory_space<hbm>> -> memref<3x80xi32, #tpu.memory_space<hbm>>
      %dma_start3A_692 = arith.constant 0 : i32
      %dma_start3A_693 = arith.constant 0 : i32
      %dma_start3A_694 = tpu.memref_slice %arg11[%dma_start3A_683, %dma_start3A_684, %dma_start3A_692, %dma_start3A_693] : memref<3x2x3x80xi32, #tpu.memory_space<vmem>> -> memref<1x1x3x80xi32, #tpu.memory_space<vmem>>
      %dma_start3A_695 = tpu.memref_squeeze %dma_start3A_694 : memref<1x1x3x80xi32, #tpu.memory_space<vmem>> -> memref<3x80xi32, #tpu.memory_space<vmem>>
      %dma_start3A_696 = arith.constant 0 : i32
      %dma_start3A_697 = tpu.memref_slice %arg3[%dma_start3A_682, %add3A, %mul3A_681, %dma_start3A_696] : memref<2x32x126x80xi32, #tpu.memory_space<hbm>> -> memref<1x1x3x80xi32, #tpu.memory_space<hbm>>
      %dma_start3A_698 = tpu.memref_squeeze %dma_start3A_697 : memref<1x1x3x80xi32, #tpu.memory_space<hbm>> -> memref<3x80xi32, #tpu.memory_space<hbm>>
      tpu.enqueue_dma source(%dma_start3A_698 : memref<3x80xi32, #tpu.memory_space<hbm>>) target(%dma_start3A_695 : memref<3x80xi32, #tpu.memory_space<vmem>>) target_semaphore(%arg22 : memref<!tpu.dma_semaphore, #tpu.memory_space<semaphore_mem>>)
      %mul3A_699 = arith.constant 3 : i32
      %mul3A_700 = arith.muli %mul3A_699, %add3A_679 : i32
      %dma_start3A_701 = arith.constant 1 : i32
      %dma_start3A_702 = arith.constant 0 : i32
      %dma_start3A_703 = arith.constant 1 : i32
      %dma_start3A_704 = arith.constant 0 : i32
      %dma_start3A_705 = arith.constant 0 : i32
      %dma_start3A_706 = tpu.memref_slice %arg11[%dma_start3A_702, %dma_start3A_703, %dma_start3A_704, %dma_start3A_705] : memref<3x2x3x80xi32, #tpu.memory_space<vmem>> -> memref<1x1x3x80xi32, #tpu.memory_space<vmem>>
      %dma_start3A_707 = tpu.memref_squeeze %dma_start3A_706 : memref<1x1x3x80xi32, #tpu.memory_space<vmem>> -> memref<3x80xi32, #tpu.memory_space<vmem>>
      %dma_start3A_708 = arith.constant 0 : i32
      %dma_start3A_709 = tpu.memref_slice %arg3[%dma_start3A_701, %add3A, %mul3A_700, %dma_start3A_708] : memref<2x32x126x80xi32, #tpu.memory_space<hbm>> -> memref<1x1x3x80xi32, #tpu.memory_space<hbm>>
      %dma_start3A_710 = tpu.memref_squeeze %dma_start3A_709 : memref<1x1x3x80xi32, #tpu.memory_space<hbm>> -> memref<3x80xi32, #tpu.memory_space<hbm>>
      %dma_start3A_711 = arith.constant 0 : i32
      %dma_start3A_712 = arith.constant 0 : i32
      %dma_start3A_713 = tpu.memref_slice %arg11[%dma_start3A_702, %dma_start3A_703, %dma_start3A_711, %dma_start3A_712] : memref<3x2x3x80xi32, #tpu.memory_space<vmem>> -> memref<1x1x3x80xi32, #tpu.memory_space<vmem>>
      %dma_start3A_714 = tpu.memref_squeeze %dma_start3A_713 : memref<1x1x3x80xi32, #tpu.memory_space<vmem>> -> memref<3x80xi32, #tpu.memory_space<vmem>>
      %dma_start3A_715 = arith.constant 0 : i32
      %dma_start3A_716 = tpu.memref_slice %arg3[%dma_start3A_701, %add3A, %mul3A_700, %dma_start3A_715] : memref<2x32x126x80xi32, #tpu.memory_space<hbm>> -> memref<1x1x3x80xi32, #tpu.memory_space<hbm>>
      %dma_start3A_717 = tpu.memref_squeeze %dma_start3A_716 : memref<1x1x3x80xi32, #tpu.memory_space<hbm>> -> memref<3x80xi32, #tpu.memory_space<hbm>>
      tpu.enqueue_dma source(%dma_start3A_717 : memref<3x80xi32, #tpu.memory_space<hbm>>) target(%dma_start3A_714 : memref<3x80xi32, #tpu.memory_space<vmem>>) target_semaphore(%arg22 : memref<!tpu.dma_semaphore, #tpu.memory_space<semaphore_mem>>)
      %dma_wait3A_718 = arith.constant 1 : i32
      %dma_wait3A_719 = arith.constant 0 : i32
      %dma_wait3A_720 = arith.constant 1 : i32
      %dma_wait3A_721 = arith.constant 0 : i32
      %dma_wait3A_722 = tpu.memref_slice %arg11[%dma_wait3A_718, %dma_wait3A_719, %dma_wait3A_720, %dma_wait3A_721] : memref<3x2x3x80xi32, #tpu.memory_space<vmem>> -> memref<1x1x1x80xi32, #tpu.memory_space<vmem>>
      %dma_wait3A_723 = tpu.memref_squeeze %dma_wait3A_722 : memref<1x1x1x80xi32, #tpu.memory_space<vmem>> -> memref<80xi32, #tpu.memory_space<vmem>>
      %dma_wait3A_724 = arith.constant 0 : i32
      %dma_wait3A_725 = arith.constant 0 : i32
      %dma_wait3A_726 = tpu.memref_slice %arg2[%dma_wait3A_724, %dma_wait3A_725] : memref<10000x128xf32, #tpu.memory_space<hbm>> -> memref<10000x128xf32, #tpu.memory_space<hbm>>
      tpu.wait_indirect_dma semaphore(%arg17 : memref<!tpu.dma_semaphore, #tpu.memory_space<semaphore_mem>>) src(%dma_wait3A_726 : memref<10000x128xf32, #tpu.memory_space<hbm>>) dst(%arg13 : memref<80x128xf32, #tpu.memory_space<vmem>>)
      %dma_start3A_727 = arith.constant 1 : i32
      %dma_start3A_728 = arith.constant 1 : i32
      %dma_start3A_729 = arith.constant 1 : i32
      %dma_start3A_730 = arith.constant 0 : i32
      %dma_start3A_731 = tpu.memref_slice %arg11[%dma_start3A_727, %dma_start3A_728, %dma_start3A_729, %dma_start3A_730] : memref<3x2x3x80xi32, #tpu.memory_space<vmem>> -> memref<1x1x1x80xi32, #tpu.memory_space<vmem>>
      %dma_start3A_732 = tpu.memref_squeeze %dma_start3A_731 : memref<1x1x1x80xi32, #tpu.memory_space<vmem>> -> memref<80xi32, #tpu.memory_space<vmem>>
      %dma_start3A_733 = arith.constant 0 : i32
      %dma_start3A_734 = arith.constant 0 : i32
      %dma_start3A_735 = tpu.memref_slice %arg9[%dma_start3A_733, %dma_start3A_734] : memref<10016x128xf32, #tpu.memory_space<vmem_shared>> -> memref<10016x128xf32, #tpu.memory_space<vmem_shared>>
      tpu.enqueue_indirect_dma source(%arg13 : memref<80x128xf32, #tpu.memory_space<vmem>>) target(%dma_start3A_735 : memref<10016x128xf32, #tpu.memory_space<vmem_shared>>) offsets(%dma_start3A_732 : memref<80xi32, #tpu.memory_space<vmem>>) semaphore(%arg20 : memref<!tpu.dma_semaphore, #tpu.memory_space<semaphore_mem>>) {add = true}
      %dma_start3A_736 = arith.constant 1 : i32
      %dma_start3A_737 = arith.constant 1 : i32
      %dma_start3A_738 = arith.constant 1 : i32
      %dma_start3A_739 = arith.constant 0 : i32
      %dma_start3A_740 = tpu.memref_slice %arg11[%dma_start3A_736, %dma_start3A_737, %dma_start3A_738, %dma_start3A_739] : memref<3x2x3x80xi32, #tpu.memory_space<vmem>> -> memref<1x1x1x80xi32, #tpu.memory_space<vmem>>
      %dma_start3A_741 = tpu.memref_squeeze %dma_start3A_740 : memref<1x1x1x80xi32, #tpu.memory_space<vmem>> -> memref<80xi32, #tpu.memory_space<vmem>>
      %dma_start3A_742 = arith.constant 0 : i32
      %dma_start3A_743 = arith.constant 0 : i32
      %dma_start3A_744 = tpu.memref_slice %arg10[%dma_start3A_742, %dma_start3A_743] : memref<10016x16xf32, #tpu.memory_space<vmem_shared>> -> memref<10016x16xf32, #tpu.memory_space<vmem_shared>>
      tpu.enqueue_indirect_dma source(%arg15 : memref<80x16xf32, #tpu.memory_space<vmem>>) target(%dma_start3A_744 : memref<10016x16xf32, #tpu.memory_space<vmem_shared>>) offsets(%dma_start3A_741 : memref<80xi32, #tpu.memory_space<vmem>>) semaphore(%arg20 : memref<!tpu.dma_semaphore, #tpu.memory_space<semaphore_mem>>) {add = true}
      %dma_wait3A_745 = arith.constant 1 : i32
      %dma_wait3A_746 = arith.constant 1 : i32
      %dma_wait3A_747 = arith.constant 1 : i32
      %dma_wait3A_748 = arith.constant 0 : i32
      %dma_wait3A_749 = tpu.memref_slice %arg11[%dma_wait3A_745, %dma_wait3A_746, %dma_wait3A_747, %dma_wait3A_748] : memref<3x2x3x80xi32, #tpu.memory_space<vmem>> -> memref<1x1x1x80xi32, #tpu.memory_space<vmem>>
      %dma_wait3A_750 = tpu.memref_squeeze %dma_wait3A_749 : memref<1x1x1x80xi32, #tpu.memory_space<vmem>> -> memref<80xi32, #tpu.memory_space<vmem>>
      %dma_wait3A_751 = arith.constant 0 : i32
      %dma_wait3A_752 = arith.constant 0 : i32
      %dma_wait3A_753 = tpu.memref_slice %arg9[%dma_wait3A_751, %dma_wait3A_752] : memref<10016x128xf32, #tpu.memory_space<vmem_shared>> -> memref<10016x128xf32, #tpu.memory_space<vmem_shared>>
      tpu.wait_indirect_dma semaphore(%arg19 : memref<!tpu.dma_semaphore, #tpu.memory_space<semaphore_mem>>) src(%arg12 : memref<80x128xf32, #tpu.memory_space<vmem>>) dst(%dma_wait3A_753 : memref<10016x128xf32, #tpu.memory_space<vmem_shared>>)
      %dma_wait3A_754 = arith.constant 1 : i32
      %dma_wait3A_755 = arith.constant 1 : i32
      %dma_wait3A_756 = arith.constant 1 : i32
      %dma_wait3A_757 = arith.constant 0 : i32
      %dma_wait3A_758 = tpu.memref_slice %arg11[%dma_wait3A_754, %dma_wait3A_755, %dma_wait3A_756, %dma_wait3A_757] : memref<3x2x3x80xi32, #tpu.memory_space<vmem>> -> memref<1x1x1x80xi32, #tpu.memory_space<vmem>>
      %dma_wait3A_759 = tpu.memref_squeeze %dma_wait3A_758 : memref<1x1x1x80xi32, #tpu.memory_space<vmem>> -> memref<80xi32, #tpu.memory_space<vmem>>
      %dma_wait3A_760 = arith.constant 0 : i32
      %dma_wait3A_761 = arith.constant 0 : i32
      %dma_wait3A_762 = tpu.memref_slice %arg10[%dma_wait3A_760, %dma_wait3A_761] : memref<10016x16xf32, #tpu.memory_space<vmem_shared>> -> memref<10016x16xf32, #tpu.memory_space<vmem_shared>>
      tpu.wait_indirect_dma semaphore(%arg19 : memref<!tpu.dma_semaphore, #tpu.memory_space<semaphore_mem>>) src(%arg15 : memref<80x16xf32, #tpu.memory_space<vmem>>) dst(%dma_wait3A_762 : memref<10016x16xf32, #tpu.memory_space<vmem_shared>>)
      %dma_start3A_763 = arith.constant 2 : i32
      %dma_start3A_764 = arith.constant 0 : i32
      %dma_start3A_765 = arith.constant 0 : i32
      %dma_start3A_766 = arith.constant 0 : i32
      %dma_start3A_767 = tpu.memref_slice %arg11[%dma_start3A_763, %dma_start3A_764, %dma_start3A_765, %dma_start3A_766] : memref<3x2x3x80xi32, #tpu.memory_space<vmem>> -> memref<1x1x1x80xi32, #tpu.memory_space<vmem>>
      %dma_start3A_768 = tpu.memref_squeeze %dma_start3A_767 : memref<1x1x1x80xi32, #tpu.memory_space<vmem>> -> memref<80xi32, #tpu.memory_space<vmem>>
      %dma_start3A_769 = arith.constant 0 : i32
      %dma_start3A_770 = arith.constant 0 : i32
      %dma_start3A_771 = tpu.memref_slice %arg2[%dma_start3A_769, %dma_start3A_770] : memref<10000x128xf32, #tpu.memory_space<hbm>> -> memref<10000x128xf32, #tpu.memory_space<hbm>>
      tpu.enqueue_indirect_dma source(%dma_start3A_771 : memref<10000x128xf32, #tpu.memory_space<hbm>>) target(%arg12 : memref<80x128xf32, #tpu.memory_space<vmem>>) offsets(%dma_start3A_768 : memref<80xi32, #tpu.memory_space<vmem>>) semaphore(%arg16 : memref<!tpu.dma_semaphore, #tpu.memory_space<semaphore_mem>>)
      %dma_wait3A_772 = arith.constant 1 : i32
      %dma_wait3A_773 = arith.constant 0 : i32
      %dma_wait3A_774 = arith.constant 2 : i32
      %dma_wait3A_775 = arith.constant 0 : i32
      %dma_wait3A_776 = tpu.memref_slice %arg11[%dma_wait3A_772, %dma_wait3A_773, %dma_wait3A_774, %dma_wait3A_775] : memref<3x2x3x80xi32, #tpu.memory_space<vmem>> -> memref<1x1x1x80xi32, #tpu.memory_space<vmem>>
      %dma_wait3A_777 = tpu.memref_squeeze %dma_wait3A_776 : memref<1x1x1x80xi32, #tpu.memory_space<vmem>> -> memref<80xi32, #tpu.memory_space<vmem>>
      %dma_wait3A_778 = arith.constant 0 : i32
      %dma_wait3A_779 = arith.constant 0 : i32
      %dma_wait3A_780 = tpu.memref_slice %arg2[%dma_wait3A_778, %dma_wait3A_779] : memref<10000x128xf32, #tpu.memory_space<hbm>> -> memref<10000x128xf32, #tpu.memory_space<hbm>>
      tpu.wait_indirect_dma semaphore(%arg18 : memref<!tpu.dma_semaphore, #tpu.memory_space<semaphore_mem>>) src(%dma_wait3A_780 : memref<10000x128xf32, #tpu.memory_space<hbm>>) dst(%arg14 : memref<80x128xf32, #tpu.memory_space<vmem>>)
      %dma_start3A_781 = arith.constant 1 : i32
      %dma_start3A_782 = arith.constant 1 : i32
      %dma_start3A_783 = arith.constant 2 : i32
      %dma_start3A_784 = arith.constant 0 : i32
      %dma_start3A_785 = tpu.memref_slice %arg11[%dma_start3A_781, %dma_start3A_782, %dma_start3A_783, %dma_start3A_784] : memref<3x2x3x80xi32, #tpu.memory_space<vmem>> -> memref<1x1x1x80xi32, #tpu.memory_space<vmem>>
      %dma_start3A_786 = tpu.memref_squeeze %dma_start3A_785 : memref<1x1x1x80xi32, #tpu.memory_space<vmem>> -> memref<80xi32, #tpu.memory_space<vmem>>
      %dma_start3A_787 = arith.constant 0 : i32
      %dma_start3A_788 = arith.constant 0 : i32
      %dma_start3A_789 = tpu.memref_slice %arg9[%dma_start3A_787, %dma_start3A_788] : memref<10016x128xf32, #tpu.memory_space<vmem_shared>> -> memref<10016x128xf32, #tpu.memory_space<vmem_shared>>
      tpu.enqueue_indirect_dma source(%arg14 : memref<80x128xf32, #tpu.memory_space<vmem>>) target(%dma_start3A_789 : memref<10016x128xf32, #tpu.memory_space<vmem_shared>>) offsets(%dma_start3A_786 : memref<80xi32, #tpu.memory_space<vmem>>) semaphore(%arg21 : memref<!tpu.dma_semaphore, #tpu.memory_space<semaphore_mem>>) {add = true}
      %dma_start3A_790 = arith.constant 1 : i32
      %dma_start3A_791 = arith.constant 1 : i32
      %dma_start3A_792 = arith.constant 2 : i32
      %dma_start3A_793 = arith.constant 0 : i32
      %dma_start3A_794 = tpu.memref_slice %arg11[%dma_start3A_790, %dma_start3A_791, %dma_start3A_792, %dma_start3A_793] : memref<3x2x3x80xi32, #tpu.memory_space<vmem>> -> memref<1x1x1x80xi32, #tpu.memory_space<vmem>>
      %dma_start3A_795 = tpu.memref_squeeze %dma_start3A_794 : memref<1x1x1x80xi32, #tpu.memory_space<vmem>> -> memref<80xi32, #tpu.memory_space<vmem>>
      %dma_start3A_796 = arith.constant 0 : i32
      %dma_start3A_797 = arith.constant 0 : i32
      %dma_start3A_798 = tpu.memref_slice %arg10[%dma_start3A_796, %dma_start3A_797] : memref<10016x16xf32, #tpu.memory_space<vmem_shared>> -> memref<10016x16xf32, #tpu.memory_space<vmem_shared>>
      tpu.enqueue_indirect_dma source(%arg15 : memref<80x16xf32, #tpu.memory_space<vmem>>) target(%dma_start3A_798 : memref<10016x16xf32, #tpu.memory_space<vmem_shared>>) offsets(%dma_start3A_795 : memref<80xi32, #tpu.memory_space<vmem>>) semaphore(%arg21 : memref<!tpu.dma_semaphore, #tpu.memory_space<semaphore_mem>>) {add = true}
      %dma_wait3A_799 = arith.constant 1 : i32
      %dma_wait3A_800 = arith.constant 1 : i32
      %dma_wait3A_801 = arith.constant 2 : i32
      %dma_wait3A_802 = arith.constant 0 : i32
      %dma_wait3A_803 = tpu.memref_slice %arg11[%dma_wait3A_799, %dma_wait3A_800, %dma_wait3A_801, %dma_wait3A_802] : memref<3x2x3x80xi32, #tpu.memory_space<vmem>> -> memref<1x1x1x80xi32, #tpu.memory_space<vmem>>
      %dma_wait3A_804 = tpu.memref_squeeze %dma_wait3A_803 : memref<1x1x1x80xi32, #tpu.memory_space<vmem>> -> memref<80xi32, #tpu.memory_space<vmem>>
      %dma_wait3A_805 = arith.constant 0 : i32
      %dma_wait3A_806 = arith.constant 0 : i32
      %dma_wait3A_807 = tpu.memref_slice %arg9[%dma_wait3A_805, %dma_wait3A_806] : memref<10016x128xf32, #tpu.memory_space<vmem_shared>> -> memref<10016x128xf32, #tpu.memory_space<vmem_shared>>
      tpu.wait_indirect_dma semaphore(%arg20 : memref<!tpu.dma_semaphore, #tpu.memory_space<semaphore_mem>>) src(%arg13 : memref<80x128xf32, #tpu.memory_space<vmem>>) dst(%dma_wait3A_807 : memref<10016x128xf32, #tpu.memory_space<vmem_shared>>)
      %dma_wait3A_808 = arith.constant 1 : i32
      %dma_wait3A_809 = arith.constant 1 : i32
      %dma_wait3A_810 = arith.constant 2 : i32
      %dma_wait3A_811 = arith.constant 0 : i32
      %dma_wait3A_812 = tpu.memref_slice %arg11[%dma_wait3A_808, %dma_wait3A_809, %dma_wait3A_810, %dma_wait3A_811] : memref<3x2x3x80xi32, #tpu.memory_space<vmem>> -> memref<1x1x1x80xi32, #tpu.memory_space<vmem>>
      %dma_wait3A_813 = tpu.memref_squeeze %dma_wait3A_812 : memref<1x1x1x80xi32, #tpu.memory_space<vmem>> -> memref<80xi32, #tpu.memory_space<vmem>>
      %dma_wait3A_814 = arith.constant 0 : i32
      %dma_wait3A_815 = arith.constant 0 : i32
      %dma_wait3A_816 = tpu.memref_slice %arg10[%dma_wait3A_814, %dma_wait3A_815] : memref<10016x16xf32, #tpu.memory_space<vmem_shared>> -> memref<10016x16xf32, #tpu.memory_space<vmem_shared>>
      tpu.wait_indirect_dma semaphore(%arg20 : memref<!tpu.dma_semaphore, #tpu.memory_space<semaphore_mem>>) src(%arg15 : memref<80x16xf32, #tpu.memory_space<vmem>>) dst(%dma_wait3A_816 : memref<10016x16xf32, #tpu.memory_space<vmem_shared>>)
      %dma_start3A_817 = arith.constant 2 : i32
      %dma_start3A_818 = arith.constant 0 : i32
      %dma_start3A_819 = arith.constant 1 : i32
      %dma_start3A_820 = arith.constant 0 : i32
      %dma_start3A_821 = tpu.memref_slice %arg11[%dma_start3A_817, %dma_start3A_818, %dma_start3A_819, %dma_start3A_820] : memref<3x2x3x80xi32, #tpu.memory_space<vmem>> -> memref<1x1x1x80xi32, #tpu.memory_space<vmem>>
      %dma_start3A_822 = tpu.memref_squeeze %dma_start3A_821 : memref<1x1x1x80xi32, #tpu.memory_space<vmem>> -> memref<80xi32, #tpu.memory_space<vmem>>
      %dma_start3A_823 = arith.constant 0 : i32
      %dma_start3A_824 = arith.constant 0 : i32
      %dma_start3A_825 = tpu.memref_slice %arg2[%dma_start3A_823, %dma_start3A_824] : memref<10000x128xf32, #tpu.memory_space<hbm>> -> memref<10000x128xf32, #tpu.memory_space<hbm>>
      tpu.enqueue_indirect_dma source(%dma_start3A_825 : memref<10000x128xf32, #tpu.memory_space<hbm>>) target(%arg13 : memref<80x128xf32, #tpu.memory_space<vmem>>) offsets(%dma_start3A_822 : memref<80xi32, #tpu.memory_space<vmem>>) semaphore(%arg17 : memref<!tpu.dma_semaphore, #tpu.memory_space<semaphore_mem>>)
      %add3A_826 = arith.constant 1 : i32
      %add3A_827 = arith.addi %add3A_583, %add3A_826 : i32
      %add3A_828 = arith.constant 1 : i32
      %add3A_829 = arith.addi %add3A_827, %add3A_828 : i32
      %mul3A_830 = arith.constant 3 : i32
      %mul3A_831 = arith.muli %mul3A_830, %add3A_829 : i32
      %dma_wait3A_832 = arith.constant 0 : i32
      %dma_wait3A_833 = arith.constant 0 : i32
      %dma_wait3A_834 = arith.constant 0 : i32
      %dma_wait3A_835 = arith.constant 0 : i32
      %dma_wait3A_836 = arith.constant 0 : i32
      %dma_wait3A_837 = tpu.memref_slice %arg11[%dma_wait3A_833, %dma_wait3A_834, %dma_wait3A_835, %dma_wait3A_836] : memref<3x2x3x80xi32, #tpu.memory_space<vmem>> -> memref<1x1x3x80xi32, #tpu.memory_space<vmem>>
      %dma_wait3A_838 = tpu.memref_squeeze %dma_wait3A_837 : memref<1x1x3x80xi32, #tpu.memory_space<vmem>> -> memref<3x80xi32, #tpu.memory_space<vmem>>
      %dma_wait3A_839 = arith.constant 0 : i32
      %dma_wait3A_840 = tpu.memref_slice %arg3[%dma_wait3A_832, %add3A, %mul3A_831, %dma_wait3A_839] : memref<2x32x126x80xi32, #tpu.memory_space<hbm>> -> memref<1x1x3x80xi32, #tpu.memory_space<hbm>>
      %dma_wait3A_841 = tpu.memref_squeeze %dma_wait3A_840 : memref<1x1x3x80xi32, #tpu.memory_space<hbm>> -> memref<3x80xi32, #tpu.memory_space<hbm>>
      %dma_wait3A_842 = arith.constant 0 : i32
      %dma_wait3A_843 = arith.constant 0 : i32
      %dma_wait3A_844 = tpu.memref_slice %arg11[%dma_wait3A_833, %dma_wait3A_834, %dma_wait3A_842, %dma_wait3A_843] : memref<3x2x3x80xi32, #tpu.memory_space<vmem>> -> memref<1x1x3x80xi32, #tpu.memory_space<vmem>>
      %dma_wait3A_845 = tpu.memref_squeeze %dma_wait3A_844 : memref<1x1x3x80xi32, #tpu.memory_space<vmem>> -> memref<3x80xi32, #tpu.memory_space<vmem>>
      %dma_wait3A_846 = arith.constant 0 : i32
      %dma_wait3A_847 = tpu.memref_slice %arg3[%dma_wait3A_832, %add3A, %mul3A_831, %dma_wait3A_846] : memref<2x32x126x80xi32, #tpu.memory_space<hbm>> -> memref<1x1x3x80xi32, #tpu.memory_space<hbm>>
      %dma_wait3A_848 = tpu.memref_squeeze %dma_wait3A_847 : memref<1x1x3x80xi32, #tpu.memory_space<hbm>> -> memref<3x80xi32, #tpu.memory_space<hbm>>
      tpu.wait_dma2 semaphore(%arg22 : memref<!tpu.dma_semaphore, #tpu.memory_space<semaphore_mem>>) src(%dma_wait3A_848 : memref<3x80xi32, #tpu.memory_space<hbm>>) dst(%dma_wait3A_845 : memref<3x80xi32, #tpu.memory_space<vmem>>)
      %mul3A_849 = arith.constant 3 : i32
      %mul3A_850 = arith.muli %mul3A_849, %add3A_829 : i32
      %dma_wait3A_851 = arith.constant 1 : i32
      %dma_wait3A_852 = arith.constant 0 : i32
      %dma_wait3A_853 = arith.constant 1 : i32
      %dma_wait3A_854 = arith.constant 0 : i32
      %dma_wait3A_855 = arith.constant 0 : i32
      %dma_wait3A_856 = tpu.memref_slice %arg11[%dma_wait3A_852, %dma_wait3A_853, %dma_wait3A_854, %dma_wait3A_855] : memref<3x2x3x80xi32, #tpu.memory_space<vmem>> -> memref<1x1x3x80xi32, #tpu.memory_space<vmem>>
      %dma_wait3A_857 = tpu.memref_squeeze %dma_wait3A_856 : memref<1x1x3x80xi32, #tpu.memory_space<vmem>> -> memref<3x80xi32, #tpu.memory_space<vmem>>
      %dma_wait3A_858 = arith.constant 0 : i32
      %dma_wait3A_859 = tpu.memref_slice %arg3[%dma_wait3A_851, %add3A, %mul3A_850, %dma_wait3A_858] : memref<2x32x126x80xi32, #tpu.memory_space<hbm>> -> memref<1x1x3x80xi32, #tpu.memory_space<hbm>>
      %dma_wait3A_860 = tpu.memref_squeeze %dma_wait3A_859 : memref<1x1x3x80xi32, #tpu.memory_space<hbm>> -> memref<3x80xi32, #tpu.memory_space<hbm>>
      %dma_wait3A_861 = arith.constant 0 : i32
      %dma_wait3A_862 = arith.constant 0 : i32
      %dma_wait3A_863 = tpu.memref_slice %arg11[%dma_wait3A_852, %dma_wait3A_853, %dma_wait3A_861, %dma_wait3A_862] : memref<3x2x3x80xi32, #tpu.memory_space<vmem>> -> memref<1x1x3x80xi32, #tpu.memory_space<vmem>>
      %dma_wait3A_864 = tpu.memref_squeeze %dma_wait3A_863 : memref<1x1x3x80xi32, #tpu.memory_space<vmem>> -> memref<3x80xi32, #tpu.memory_space<vmem>>
      %dma_wait3A_865 = arith.constant 0 : i32
      %dma_wait3A_866 = tpu.memref_slice %arg3[%dma_wait3A_851, %add3A, %mul3A_850, %dma_wait3A_865] : memref<2x32x126x80xi32, #tpu.memory_space<hbm>> -> memref<1x1x3x80xi32, #tpu.memory_space<hbm>>
      %dma_wait3A_867 = tpu.memref_squeeze %dma_wait3A_866 : memref<1x1x3x80xi32, #tpu.memory_space<hbm>> -> memref<3x80xi32, #tpu.memory_space<hbm>>
      tpu.wait_dma2 semaphore(%arg22 : memref<!tpu.dma_semaphore, #tpu.memory_space<semaphore_mem>>) src(%dma_wait3A_867 : memref<3x80xi32, #tpu.memory_space<hbm>>) dst(%dma_wait3A_864 : memref<3x80xi32, #tpu.memory_space<vmem>>)
      %dma_wait3A_868 = arith.constant 2 : i32
      %dma_wait3A_869 = arith.constant 0 : i32
      %dma_wait3A_870 = arith.constant 0 : i32
      %dma_wait3A_871 = arith.constant 0 : i32
      %dma_wait3A_872 = tpu.memref_slice %arg11[%dma_wait3A_868, %dma_wait3A_869, %dma_wait3A_870, %dma_wait3A_871] : memref<3x2x3x80xi32, #tpu.memory_space<vmem>> -> memref<1x1x1x80xi32, #tpu.memory_space<vmem>>
      %dma_wait3A_873 = tpu.memref_squeeze %dma_wait3A_872 : memref<1x1x1x80xi32, #tpu.memory_space<vmem>> -> memref<80xi32, #tpu.memory_space<vmem>>
      %dma_wait3A_874 = arith.constant 0 : i32
      %dma_wait3A_875 = arith.constant 0 : i32
      %dma_wait3A_876 = tpu.memref_slice %arg2[%dma_wait3A_874, %dma_wait3A_875] : memref<10000x128xf32, #tpu.memory_space<hbm>> -> memref<10000x128xf32, #tpu.memory_space<hbm>>
      tpu.wait_indirect_dma semaphore(%arg16 : memref<!tpu.dma_semaphore, #tpu.memory_space<semaphore_mem>>) src(%dma_wait3A_876 : memref<10000x128xf32, #tpu.memory_space<hbm>>) dst(%arg12 : memref<80x128xf32, #tpu.memory_space<vmem>>)
      %dma_start3A_877 = arith.constant 2 : i32
      %dma_start3A_878 = arith.constant 1 : i32
      %dma_start3A_879 = arith.constant 0 : i32
      %dma_start3A_880 = arith.constant 0 : i32
      %dma_start3A_881 = tpu.memref_slice %arg11[%dma_start3A_877, %dma_start3A_878, %dma_start3A_879, %dma_start3A_880] : memref<3x2x3x80xi32, #tpu.memory_space<vmem>> -> memref<1x1x1x80xi32, #tpu.memory_space<vmem>>
      %dma_start3A_882 = tpu.memref_squeeze %dma_start3A_881 : memref<1x1x1x80xi32, #tpu.memory_space<vmem>> -> memref<80xi32, #tpu.memory_space<vmem>>
      %dma_start3A_883 = arith.constant 0 : i32
      %dma_start3A_884 = arith.constant 0 : i32
      %dma_start3A_885 = tpu.memref_slice %arg9[%dma_start3A_883, %dma_start3A_884] : memref<10016x128xf32, #tpu.memory_space<vmem_shared>> -> memref<10016x128xf32, #tpu.memory_space<vmem_shared>>
      tpu.enqueue_indirect_dma source(%arg12 : memref<80x128xf32, #tpu.memory_space<vmem>>) target(%dma_start3A_885 : memref<10016x128xf32, #tpu.memory_space<vmem_shared>>) offsets(%dma_start3A_882 : memref<80xi32, #tpu.memory_space<vmem>>) semaphore(%arg19 : memref<!tpu.dma_semaphore, #tpu.memory_space<semaphore_mem>>) {add = true}
      %dma_start3A_886 = arith.constant 2 : i32
      %dma_start3A_887 = arith.constant 1 : i32
      %dma_start3A_888 = arith.constant 0 : i32
      %dma_start3A_889 = arith.constant 0 : i32
      %dma_start3A_890 = tpu.memref_slice %arg11[%dma_start3A_886, %dma_start3A_887, %dma_start3A_888, %dma_start3A_889] : memref<3x2x3x80xi32, #tpu.memory_space<vmem>> -> memref<1x1x1x80xi32, #tpu.memory_space<vmem>>
      %dma_start3A_891 = tpu.memref_squeeze %dma_start3A_890 : memref<1x1x1x80xi32, #tpu.memory_space<vmem>> -> memref<80xi32, #tpu.memory_space<vmem>>
      %dma_start3A_892 = arith.constant 0 : i32
      %dma_start3A_893 = arith.constant 0 : i32
      %dma_start3A_894 = tpu.memref_slice %arg10[%dma_start3A_892, %dma_start3A_893] : memref<10016x16xf32, #tpu.memory_space<vmem_shared>> -> memref<10016x16xf32, #tpu.memory_space<vmem_shared>>
      tpu.enqueue_indirect_dma source(%arg15 : memref<80x16xf32, #tpu.memory_space<vmem>>) target(%dma_start3A_894 : memref<10016x16xf32, #tpu.memory_space<vmem_shared>>) offsets(%dma_start3A_891 : memref<80xi32, #tpu.memory_space<vmem>>) semaphore(%arg19 : memref<!tpu.dma_semaphore, #tpu.memory_space<semaphore_mem>>) {add = true}
      %dma_wait3A_895 = arith.constant 2 : i32
      %dma_wait3A_896 = arith.constant 1 : i32
      %dma_wait3A_897 = arith.constant 0 : i32
      %dma_wait3A_898 = arith.constant 0 : i32
      %dma_wait3A_899 = tpu.memref_slice %arg11[%dma_wait3A_895, %dma_wait3A_896, %dma_wait3A_897, %dma_wait3A_898] : memref<3x2x3x80xi32, #tpu.memory_space<vmem>> -> memref<1x1x1x80xi32, #tpu.memory_space<vmem>>
      %dma_wait3A_900 = tpu.memref_squeeze %dma_wait3A_899 : memref<1x1x1x80xi32, #tpu.memory_space<vmem>> -> memref<80xi32, #tpu.memory_space<vmem>>
      %dma_wait3A_901 = arith.constant 0 : i32
      %dma_wait3A_902 = arith.constant 0 : i32
      %dma_wait3A_903 = tpu.memref_slice %arg9[%dma_wait3A_901, %dma_wait3A_902] : memref<10016x128xf32, #tpu.memory_space<vmem_shared>> -> memref<10016x128xf32, #tpu.memory_space<vmem_shared>>
      tpu.wait_indirect_dma semaphore(%arg21 : memref<!tpu.dma_semaphore, #tpu.memory_space<semaphore_mem>>) src(%arg14 : memref<80x128xf32, #tpu.memory_space<vmem>>) dst(%dma_wait3A_903 : memref<10016x128xf32, #tpu.memory_space<vmem_shared>>)
      %dma_wait3A_904 = arith.constant 2 : i32
      %dma_wait3A_905 = arith.constant 1 : i32
      %dma_wait3A_906 = arith.constant 0 : i32
      %dma_wait3A_907 = arith.constant 0 : i32
      %dma_wait3A_908 = tpu.memref_slice %arg11[%dma_wait3A_904, %dma_wait3A_905, %dma_wait3A_906, %dma_wait3A_907] : memref<3x2x3x80xi32, #tpu.memory_space<vmem>> -> memref<1x1x1x80xi32, #tpu.memory_space<vmem>>
      %dma_wait3A_909 = tpu.memref_squeeze %dma_wait3A_908 : memref<1x1x1x80xi32, #tpu.memory_space<vmem>> -> memref<80xi32, #tpu.memory_space<vmem>>
      %dma_wait3A_910 = arith.constant 0 : i32
      %dma_wait3A_911 = arith.constant 0 : i32
      %dma_wait3A_912 = tpu.memref_slice %arg10[%dma_wait3A_910, %dma_wait3A_911] : memref<10016x16xf32, #tpu.memory_space<vmem_shared>> -> memref<10016x16xf32, #tpu.memory_space<vmem_shared>>
      tpu.wait_indirect_dma semaphore(%arg21 : memref<!tpu.dma_semaphore, #tpu.memory_space<semaphore_mem>>) src(%arg15 : memref<80x16xf32, #tpu.memory_space<vmem>>) dst(%dma_wait3A_912 : memref<10016x16xf32, #tpu.memory_space<vmem_shared>>)
      %dma_start3A_913 = arith.constant 2 : i32
      %dma_start3A_914 = arith.constant 0 : i32
      %dma_start3A_915 = arith.constant 2 : i32
      %dma_start3A_916 = arith.constant 0 : i32
      %dma_start3A_917 = tpu.memref_slice %arg11[%dma_start3A_913, %dma_start3A_914, %dma_start3A_915, %dma_start3A_916] : memref<3x2x3x80xi32, #tpu.memory_space<vmem>> -> memref<1x1x1x80xi32, #tpu.memory_space<vmem>>
      %dma_start3A_918 = tpu.memref_squeeze %dma_start3A_917 : memref<1x1x1x80xi32, #tpu.memory_space<vmem>> -> memref<80xi32, #tpu.memory_space<vmem>>
      %dma_start3A_919 = arith.constant 0 : i32
      %dma_start3A_920 = arith.constant 0 : i32
      %dma_start3A_921 = tpu.memref_slice %arg2[%dma_start3A_919, %dma_start3A_920] : memref<10000x128xf32, #tpu.memory_space<hbm>> -> memref<10000x128xf32, #tpu.memory_space<hbm>>
      tpu.enqueue_indirect_dma source(%dma_start3A_921 : memref<10000x128xf32, #tpu.memory_space<hbm>>) target(%arg14 : memref<80x128xf32, #tpu.memory_space<vmem>>) offsets(%dma_start3A_918 : memref<80xi32, #tpu.memory_space<vmem>>) semaphore(%arg18 : memref<!tpu.dma_semaphore, #tpu.memory_space<semaphore_mem>>)
      %add3A_922 = arith.constant 2 : i32
      %add3A_923 = arith.addi %add3A_827, %add3A_922 : i32
      %mul3A_924 = arith.constant 3 : i32
      %mul3A_925 = arith.muli %mul3A_924, %add3A_923 : i32
      %dma_start3A_926 = arith.constant 0 : i32
      %dma_start3A_927 = arith.constant 1 : i32
      %dma_start3A_928 = arith.constant 0 : i32
      %dma_start3A_929 = arith.constant 0 : i32
      %dma_start3A_930 = arith.constant 0 : i32
      %dma_start3A_931 = tpu.memref_slice %arg11[%dma_start3A_927, %dma_start3A_928, %dma_start3A_929, %dma_start3A_930] : memref<3x2x3x80xi32, #tpu.memory_space<vmem>> -> memref<1x1x3x80xi32, #tpu.memory_space<vmem>>
      %dma_start3A_932 = tpu.memref_squeeze %dma_start3A_931 : memref<1x1x3x80xi32, #tpu.memory_space<vmem>> -> memref<3x80xi32, #tpu.memory_space<vmem>>
      %dma_start3A_933 = arith.constant 0 : i32
      %dma_start3A_934 = tpu.memref_slice %arg3[%dma_start3A_926, %add3A, %mul3A_925, %dma_start3A_933] : memref<2x32x126x80xi32, #tpu.memory_space<hbm>> -> memref<1x1x3x80xi32, #tpu.memory_space<hbm>>
      %dma_start3A_935 = tpu.memref_squeeze %dma_start3A_934 : memref<1x1x3x80xi32, #tpu.memory_space<hbm>> -> memref<3x80xi32, #tpu.memory_space<hbm>>
      %dma_start3A_936 = arith.constant 0 : i32
      %dma_start3A_937 = arith.constant 0 : i32
      %dma_start3A_938 = tpu.memref_slice %arg11[%dma_start3A_927, %dma_start3A_928, %dma_start3A_936, %dma_start3A_937] : memref<3x2x3x80xi32, #tpu.memory_space<vmem>> -> memref<1x1x3x80xi32, #tpu.memory_space<vmem>>
      %dma_start3A_939 = tpu.memref_squeeze %dma_start3A_938 : memref<1x1x3x80xi32, #tpu.memory_space<vmem>> -> memref<3x80xi32, #tpu.memory_space<vmem>>
      %dma_start3A_940 = arith.constant 0 : i32
      %dma_start3A_941 = tpu.memref_slice %arg3[%dma_start3A_926, %add3A, %mul3A_925, %dma_start3A_940] : memref<2x32x126x80xi32, #tpu.memory_space<hbm>> -> memref<1x1x3x80xi32, #tpu.memory_space<hbm>>
      %dma_start3A_942 = tpu.memref_squeeze %dma_start3A_941 : memref<1x1x3x80xi32, #tpu.memory_space<hbm>> -> memref<3x80xi32, #tpu.memory_space<hbm>>
      tpu.enqueue_dma source(%dma_start3A_942 : memref<3x80xi32, #tpu.memory_space<hbm>>) target(%dma_start3A_939 : memref<3x80xi32, #tpu.memory_space<vmem>>) target_semaphore(%arg23 : memref<!tpu.dma_semaphore, #tpu.memory_space<semaphore_mem>>)
      %mul3A_943 = arith.constant 3 : i32
      %mul3A_944 = arith.muli %mul3A_943, %add3A_923 : i32
      %dma_start3A_945 = arith.constant 1 : i32
      %dma_start3A_946 = arith.constant 1 : i32
      %dma_start3A_947 = arith.constant 1 : i32
      %dma_start3A_948 = arith.constant 0 : i32
      %dma_start3A_949 = arith.constant 0 : i32
      %dma_start3A_950 = tpu.memref_slice %arg11[%dma_start3A_946, %dma_start3A_947, %dma_start3A_948, %dma_start3A_949] : memref<3x2x3x80xi32, #tpu.memory_space<vmem>> -> memref<1x1x3x80xi32, #tpu.memory_space<vmem>>
      %dma_start3A_951 = tpu.memref_squeeze %dma_start3A_950 : memref<1x1x3x80xi32, #tpu.memory_space<vmem>> -> memref<3x80xi32, #tpu.memory_space<vmem>>
      %dma_start3A_952 = arith.constant 0 : i32
      %dma_start3A_953 = tpu.memref_slice %arg3[%dma_start3A_945, %add3A, %mul3A_944, %dma_start3A_952] : memref<2x32x126x80xi32, #tpu.memory_space<hbm>> -> memref<1x1x3x80xi32, #tpu.memory_space<hbm>>
      %dma_start3A_954 = tpu.memref_squeeze %dma_start3A_953 : memref<1x1x3x80xi32, #tpu.memory_space<hbm>> -> memref<3x80xi32, #tpu.memory_space<hbm>>
      %dma_start3A_955 = arith.constant 0 : i32
      %dma_start3A_956 = arith.constant 0 : i32
      %dma_start3A_957 = tpu.memref_slice %arg11[%dma_start3A_946, %dma_start3A_947, %dma_start3A_955, %dma_start3A_956] : memref<3x2x3x80xi32, #tpu.memory_space<vmem>> -> memref<1x1x3x80xi32, #tpu.memory_space<vmem>>
      %dma_start3A_958 = tpu.memref_squeeze %dma_start3A_957 : memref<1x1x3x80xi32, #tpu.memory_space<vmem>> -> memref<3x80xi32, #tpu.memory_space<vmem>>
      %dma_start3A_959 = arith.constant 0 : i32
      %dma_start3A_960 = tpu.memref_slice %arg3[%dma_start3A_945, %add3A, %mul3A_944, %dma_start3A_959] : memref<2x32x126x80xi32, #tpu.memory_space<hbm>> -> memref<1x1x3x80xi32, #tpu.memory_space<hbm>>
      %dma_start3A_961 = tpu.memref_squeeze %dma_start3A_960 : memref<1x1x3x80xi32, #tpu.memory_space<hbm>> -> memref<3x80xi32, #tpu.memory_space<hbm>>
      tpu.enqueue_dma source(%dma_start3A_961 : memref<3x80xi32, #tpu.memory_space<hbm>>) target(%dma_start3A_958 : memref<3x80xi32, #tpu.memory_space<vmem>>) target_semaphore(%arg23 : memref<!tpu.dma_semaphore, #tpu.memory_space<semaphore_mem>>)
      %dma_wait3A_962 = arith.constant 2 : i32
      %dma_wait3A_963 = arith.constant 0 : i32
      %dma_wait3A_964 = arith.constant 1 : i32
      %dma_wait3A_965 = arith.constant 0 : i32
      %dma_wait3A_966 = tpu.memref_slice %arg11[%dma_wait3A_962, %dma_wait3A_963, %dma_wait3A_964, %dma_wait3A_965] : memref<3x2x3x80xi32, #tpu.memory_space<vmem>> -> memref<1x1x1x80xi32, #tpu.memory_space<vmem>>
      %dma_wait3A_967 = tpu.memref_squeeze %dma_wait3A_966 : memref<1x1x1x80xi32, #tpu.memory_space<vmem>> -> memref<80xi32, #tpu.memory_space<vmem>>
      %dma_wait3A_968 = arith.constant 0 : i32
      %dma_wait3A_969 = arith.constant 0 : i32
      %dma_wait3A_970 = tpu.memref_slice %arg2[%dma_wait3A_968, %dma_wait3A_969] : memref<10000x128xf32, #tpu.memory_space<hbm>> -> memref<10000x128xf32, #tpu.memory_space<hbm>>
      tpu.wait_indirect_dma semaphore(%arg17 : memref<!tpu.dma_semaphore, #tpu.memory_space<semaphore_mem>>) src(%dma_wait3A_970 : memref<10000x128xf32, #tpu.memory_space<hbm>>) dst(%arg13 : memref<80x128xf32, #tpu.memory_space<vmem>>)
      %dma_start3A_971 = arith.constant 2 : i32
      %dma_start3A_972 = arith.constant 1 : i32
      %dma_start3A_973 = arith.constant 1 : i32
      %dma_start3A_974 = arith.constant 0 : i32
      %dma_start3A_975 = tpu.memref_slice %arg11[%dma_start3A_971, %dma_start3A_972, %dma_start3A_973, %dma_start3A_974] : memref<3x2x3x80xi32, #tpu.memory_space<vmem>> -> memref<1x1x1x80xi32, #tpu.memory_space<vmem>>
      %dma_start3A_976 = tpu.memref_squeeze %dma_start3A_975 : memref<1x1x1x80xi32, #tpu.memory_space<vmem>> -> memref<80xi32, #tpu.memory_space<vmem>>
      %dma_start3A_977 = arith.constant 0 : i32
      %dma_start3A_978 = arith.constant 0 : i32
      %dma_start3A_979 = tpu.memref_slice %arg9[%dma_start3A_977, %dma_start3A_978] : memref<10016x128xf32, #tpu.memory_space<vmem_shared>> -> memref<10016x128xf32, #tpu.memory_space<vmem_shared>>
      tpu.enqueue_indirect_dma source(%arg13 : memref<80x128xf32, #tpu.memory_space<vmem>>) target(%dma_start3A_979 : memref<10016x128xf32, #tpu.memory_space<vmem_shared>>) offsets(%dma_start3A_976 : memref<80xi32, #tpu.memory_space<vmem>>) semaphore(%arg20 : memref<!tpu.dma_semaphore, #tpu.memory_space<semaphore_mem>>) {add = true}
      %dma_start3A_980 = arith.constant 2 : i32
      %dma_start3A_981 = arith.constant 1 : i32
      %dma_start3A_982 = arith.constant 1 : i32
      %dma_start3A_983 = arith.constant 0 : i32
      %dma_start3A_984 = tpu.memref_slice %arg11[%dma_start3A_980, %dma_start3A_981, %dma_start3A_982, %dma_start3A_983] : memref<3x2x3x80xi32, #tpu.memory_space<vmem>> -> memref<1x1x1x80xi32, #tpu.memory_space<vmem>>
      %dma_start3A_985 = tpu.memref_squeeze %dma_start3A_984 : memref<1x1x1x80xi32, #tpu.memory_space<vmem>> -> memref<80xi32, #tpu.memory_space<vmem>>
      %dma_start3A_986 = arith.constant 0 : i32
      %dma_start3A_987 = arith.constant 0 : i32
      %dma_start3A_988 = tpu.memref_slice %arg10[%dma_start3A_986, %dma_start3A_987] : memref<10016x16xf32, #tpu.memory_space<vmem_shared>> -> memref<10016x16xf32, #tpu.memory_space<vmem_shared>>
      tpu.enqueue_indirect_dma source(%arg15 : memref<80x16xf32, #tpu.memory_space<vmem>>) target(%dma_start3A_988 : memref<10016x16xf32, #tpu.memory_space<vmem_shared>>) offsets(%dma_start3A_985 : memref<80xi32, #tpu.memory_space<vmem>>) semaphore(%arg20 : memref<!tpu.dma_semaphore, #tpu.memory_space<semaphore_mem>>) {add = true}
      %dma_wait3A_989 = arith.constant 2 : i32
      %dma_wait3A_990 = arith.constant 1 : i32
      %dma_wait3A_991 = arith.constant 1 : i32
      %dma_wait3A_992 = arith.constant 0 : i32
      %dma_wait3A_993 = tpu.memref_slice %arg11[%dma_wait3A_989, %dma_wait3A_990, %dma_wait3A_991, %dma_wait3A_992] : memref<3x2x3x80xi32, #tpu.memory_space<vmem>> -> memref<1x1x1x80xi32, #tpu.memory_space<vmem>>
      %dma_wait3A_994 = tpu.memref_squeeze %dma_wait3A_993 : memref<1x1x1x80xi32, #tpu.memory_space<vmem>> -> memref<80xi32, #tpu.memory_space<vmem>>
      %dma_wait3A_995 = arith.constant 0 : i32
      %dma_wait3A_996 = arith.constant 0 : i32
      %dma_wait3A_997 = tpu.memref_slice %arg9[%dma_wait3A_995, %dma_wait3A_996] : memref<10016x128xf32, #tpu.memory_space<vmem_shared>> -> memref<10016x128xf32, #tpu.memory_space<vmem_shared>>
      tpu.wait_indirect_dma semaphore(%arg19 : memref<!tpu.dma_semaphore, #tpu.memory_space<semaphore_mem>>) src(%arg12 : memref<80x128xf32, #tpu.memory_space<vmem>>) dst(%dma_wait3A_997 : memref<10016x128xf32, #tpu.memory_space<vmem_shared>>)
      %dma_wait3A_998 = arith.constant 2 : i32
      %dma_wait3A_999 = arith.constant 1 : i32
      %dma_wait3A_1000 = arith.constant 1 : i32
      %dma_wait3A_1001 = arith.constant 0 : i32
      %dma_wait3A_1002 = tpu.memref_slice %arg11[%dma_wait3A_998, %dma_wait3A_999, %dma_wait3A_1000, %dma_wait3A_1001] : memref<3x2x3x80xi32, #tpu.memory_space<vmem>> -> memref<1x1x1x80xi32, #tpu.memory_space<vmem>>
      %dma_wait3A_1003 = tpu.memref_squeeze %dma_wait3A_1002 : memref<1x1x1x80xi32, #tpu.memory_space<vmem>> -> memref<80xi32, #tpu.memory_space<vmem>>
      %dma_wait3A_1004 = arith.constant 0 : i32
      %dma_wait3A_1005 = arith.constant 0 : i32
      %dma_wait3A_1006 = tpu.memref_slice %arg10[%dma_wait3A_1004, %dma_wait3A_1005] : memref<10016x16xf32, #tpu.memory_space<vmem_shared>> -> memref<10016x16xf32, #tpu.memory_space<vmem_shared>>
      tpu.wait_indirect_dma semaphore(%arg19 : memref<!tpu.dma_semaphore, #tpu.memory_space<semaphore_mem>>) src(%arg15 : memref<80x16xf32, #tpu.memory_space<vmem>>) dst(%dma_wait3A_1006 : memref<10016x16xf32, #tpu.memory_space<vmem_shared>>)
      %dma_start3A_1007 = arith.constant 0 : i32
      %dma_start3A_1008 = arith.constant 0 : i32
      %dma_start3A_1009 = arith.constant 0 : i32
      %dma_start3A_1010 = arith.constant 0 : i32
      %dma_start3A_1011 = tpu.memref_slice %arg11[%dma_start3A_1007, %dma_start3A_1008, %dma_start3A_1009, %dma_start3A_1010] : memref<3x2x3x80xi32, #tpu.memory_space<vmem>> -> memref<1x1x1x80xi32, #tpu.memory_space<vmem>>
      %dma_start3A_1012 = tpu.memref_squeeze %dma_start3A_1011 : memref<1x1x1x80xi32, #tpu.memory_space<vmem>> -> memref<80xi32, #tpu.memory_space<vmem>>
      %dma_start3A_1013 = arith.constant 0 : i32
      %dma_start3A_1014 = arith.constant 0 : i32
      %dma_start3A_1015 = tpu.memref_slice %arg2[%dma_start3A_1013, %dma_start3A_1014] : memref<10000x128xf32, #tpu.memory_space<hbm>> -> memref<10000x128xf32, #tpu.memory_space<hbm>>
      tpu.enqueue_indirect_dma source(%dma_start3A_1015 : memref<10000x128xf32, #tpu.memory_space<hbm>>) target(%arg12 : memref<80x128xf32, #tpu.memory_space<vmem>>) offsets(%dma_start3A_1012 : memref<80xi32, #tpu.memory_space<vmem>>) semaphore(%arg16 : memref<!tpu.dma_semaphore, #tpu.memory_space<semaphore_mem>>)
      %dma_wait3A_1016 = arith.constant 2 : i32
      %dma_wait3A_1017 = arith.constant 0 : i32
      %dma_wait3A_1018 = arith.constant 2 : i32
      %dma_wait3A_1019 = arith.constant 0 : i32
      %dma_wait3A_1020 = tpu.memref_slice %arg11[%dma_wait3A_1016, %dma_wait3A_1017, %dma_wait3A_1018, %dma_wait3A_1019] : memref<3x2x3x80xi32, #tpu.memory_space<vmem>> -> memref<1x1x1x80xi32, #tpu.memory_space<vmem>>
      %dma_wait3A_1021 = tpu.memref_squeeze %dma_wait3A_1020 : memref<1x1x1x80xi32, #tpu.memory_space<vmem>> -> memref<80xi32, #tpu.memory_space<vmem>>
      %dma_wait3A_1022 = arith.constant 0 : i32
      %dma_wait3A_1023 = arith.constant 0 : i32
      %dma_wait3A_1024 = tpu.memref_slice %arg2[%dma_wait3A_1022, %dma_wait3A_1023] : memref<10000x128xf32, #tpu.memory_space<hbm>> -> memref<10000x128xf32, #tpu.memory_space<hbm>>
      tpu.wait_indirect_dma semaphore(%arg18 : memref<!tpu.dma_semaphore, #tpu.memory_space<semaphore_mem>>) src(%dma_wait3A_1024 : memref<10000x128xf32, #tpu.memory_space<hbm>>) dst(%arg14 : memref<80x128xf32, #tpu.memory_space<vmem>>)
      %dma_start3A_1025 = arith.constant 2 : i32
      %dma_start3A_1026 = arith.constant 1 : i32
      %dma_start3A_1027 = arith.constant 2 : i32
      %dma_start3A_1028 = arith.constant 0 : i32
      %dma_start3A_1029 = tpu.memref_slice %arg11[%dma_start3A_1025, %dma_start3A_1026, %dma_start3A_1027, %dma_start3A_1028] : memref<3x2x3x80xi32, #tpu.memory_space<vmem>> -> memref<1x1x1x80xi32, #tpu.memory_space<vmem>>
      %dma_start3A_1030 = tpu.memref_squeeze %dma_start3A_1029 : memref<1x1x1x80xi32, #tpu.memory_space<vmem>> -> memref<80xi32, #tpu.memory_space<vmem>>
      %dma_start3A_1031 = arith.constant 0 : i32
      %dma_start3A_1032 = arith.constant 0 : i32
      %dma_start3A_1033 = tpu.memref_slice %arg9[%dma_start3A_1031, %dma_start3A_1032] : memref<10016x128xf32, #tpu.memory_space<vmem_shared>> -> memref<10016x128xf32, #tpu.memory_space<vmem_shared>>
      tpu.enqueue_indirect_dma source(%arg14 : memref<80x128xf32, #tpu.memory_space<vmem>>) target(%dma_start3A_1033 : memref<10016x128xf32, #tpu.memory_space<vmem_shared>>) offsets(%dma_start3A_1030 : memref<80xi32, #tpu.memory_space<vmem>>) semaphore(%arg21 : memref<!tpu.dma_semaphore, #tpu.memory_space<semaphore_mem>>) {add = true}
      %dma_start3A_1034 = arith.constant 2 : i32
      %dma_start3A_1035 = arith.constant 1 : i32
      %dma_start3A_1036 = arith.constant 2 : i32
      %dma_start3A_1037 = arith.constant 0 : i32
      %dma_start3A_1038 = tpu.memref_slice %arg11[%dma_start3A_1034, %dma_start3A_1035, %dma_start3A_1036, %dma_start3A_1037] : memref<3x2x3x80xi32, #tpu.memory_space<vmem>> -> memref<1x1x1x80xi32, #tpu.memory_space<vmem>>
      %dma_start3A_1039 = tpu.memref_squeeze %dma_start3A_1038 : memref<1x1x1x80xi32, #tpu.memory_space<vmem>> -> memref<80xi32, #tpu.memory_space<vmem>>
      %dma_start3A_1040 = arith.constant 0 : i32
      %dma_start3A_1041 = arith.constant 0 : i32
      %dma_start3A_1042 = tpu.memref_slice %arg10[%dma_start3A_1040, %dma_start3A_1041] : memref<10016x16xf32, #tpu.memory_space<vmem_shared>> -> memref<10016x16xf32, #tpu.memory_space<vmem_shared>>
      tpu.enqueue_indirect_dma source(%arg15 : memref<80x16xf32, #tpu.memory_space<vmem>>) target(%dma_start3A_1042 : memref<10016x16xf32, #tpu.memory_space<vmem_shared>>) offsets(%dma_start3A_1039 : memref<80xi32, #tpu.memory_space<vmem>>) semaphore(%arg21 : memref<!tpu.dma_semaphore, #tpu.memory_space<semaphore_mem>>) {add = true}
      %dma_wait3A_1043 = arith.constant 2 : i32
      %dma_wait3A_1044 = arith.constant 1 : i32
      %dma_wait3A_1045 = arith.constant 2 : i32
      %dma_wait3A_1046 = arith.constant 0 : i32
      %dma_wait3A_1047 = tpu.memref_slice %arg11[%dma_wait3A_1043, %dma_wait3A_1044, %dma_wait3A_1045, %dma_wait3A_1046] : memref<3x2x3x80xi32, #tpu.memory_space<vmem>> -> memref<1x1x1x80xi32, #tpu.memory_space<vmem>>
      %dma_wait3A_1048 = tpu.memref_squeeze %dma_wait3A_1047 : memref<1x1x1x80xi32, #tpu.memory_space<vmem>> -> memref<80xi32, #tpu.memory_space<vmem>>
      %dma_wait3A_1049 = arith.constant 0 : i32
      %dma_wait3A_1050 = arith.constant 0 : i32
      %dma_wait3A_1051 = tpu.memref_slice %arg9[%dma_wait3A_1049, %dma_wait3A_1050] : memref<10016x128xf32, #tpu.memory_space<vmem_shared>> -> memref<10016x128xf32, #tpu.memory_space<vmem_shared>>
      tpu.wait_indirect_dma semaphore(%arg20 : memref<!tpu.dma_semaphore, #tpu.memory_space<semaphore_mem>>) src(%arg13 : memref<80x128xf32, #tpu.memory_space<vmem>>) dst(%dma_wait3A_1051 : memref<10016x128xf32, #tpu.memory_space<vmem_shared>>)
      %dma_wait3A_1052 = arith.constant 2 : i32
      %dma_wait3A_1053 = arith.constant 1 : i32
      %dma_wait3A_1054 = arith.constant 2 : i32
      %dma_wait3A_1055 = arith.constant 0 : i32
      %dma_wait3A_1056 = tpu.memref_slice %arg11[%dma_wait3A_1052, %dma_wait3A_1053, %dma_wait3A_1054, %dma_wait3A_1055] : memref<3x2x3x80xi32, #tpu.memory_space<vmem>> -> memref<1x1x1x80xi32, #tpu.memory_space<vmem>>
      %dma_wait3A_1057 = tpu.memref_squeeze %dma_wait3A_1056 : memref<1x1x1x80xi32, #tpu.memory_space<vmem>> -> memref<80xi32, #tpu.memory_space<vmem>>
      %dma_wait3A_1058 = arith.constant 0 : i32
      %dma_wait3A_1059 = arith.constant 0 : i32
      %dma_wait3A_1060 = tpu.memref_slice %arg10[%dma_wait3A_1058, %dma_wait3A_1059] : memref<10016x16xf32, #tpu.memory_space<vmem_shared>> -> memref<10016x16xf32, #tpu.memory_space<vmem_shared>>
      tpu.wait_indirect_dma semaphore(%arg20 : memref<!tpu.dma_semaphore, #tpu.memory_space<semaphore_mem>>) src(%arg15 : memref<80x16xf32, #tpu.memory_space<vmem>>) dst(%dma_wait3A_1060 : memref<10016x16xf32, #tpu.memory_space<vmem_shared>>)
      %dma_start3A_1061 = arith.constant 0 : i32
      %dma_start3A_1062 = arith.constant 0 : i32
      %dma_start3A_1063 = arith.constant 1 : i32
      %dma_start3A_1064 = arith.constant 0 : i32
      %dma_start3A_1065 = tpu.memref_slice %arg11[%dma_start3A_1061, %dma_start3A_1062, %dma_start3A_1063, %dma_start3A_1064] : memref<3x2x3x80xi32, #tpu.memory_space<vmem>> -> memref<1x1x1x80xi32, #tpu.memory_space<vmem>>
      %dma_start3A_1066 = tpu.memref_squeeze %dma_start3A_1065 : memref<1x1x1x80xi32, #tpu.memory_space<vmem>> -> memref<80xi32, #tpu.memory_space<vmem>>
      %dma_start3A_1067 = arith.constant 0 : i32
      %dma_start3A_1068 = arith.constant 0 : i32
      %dma_start3A_1069 = tpu.memref_slice %arg2[%dma_start3A_1067, %dma_start3A_1068] : memref<10000x128xf32, #tpu.memory_space<hbm>> -> memref<10000x128xf32, #tpu.memory_space<hbm>>
      tpu.enqueue_indirect_dma source(%dma_start3A_1069 : memref<10000x128xf32, #tpu.memory_space<hbm>>) target(%arg13 : memref<80x128xf32, #tpu.memory_space<vmem>>) offsets(%dma_start3A_1066 : memref<80xi32, #tpu.memory_space<vmem>>) semaphore(%arg17 : memref<!tpu.dma_semaphore, #tpu.memory_space<semaphore_mem>>)
      %add3A_1070 = arith.constant 2 : i32
      %add3A_1071 = arith.addi %add3A_583, %add3A_1070 : i32
      %add3A_1072 = arith.constant 1 : i32
      %add3A_1073 = arith.addi %add3A_1071, %add3A_1072 : i32
      %mul3A_1074 = arith.constant 3 : i32
      %mul3A_1075 = arith.muli %mul3A_1074, %add3A_1073 : i32
      %dma_wait3A_1076 = arith.constant 0 : i32
      %dma_wait3A_1077 = arith.constant 1 : i32
      %dma_wait3A_1078 = arith.constant 0 : i32
      %dma_wait3A_1079 = arith.constant 0 : i32
      %dma_wait3A_1080 = arith.constant 0 : i32
      %dma_wait3A_1081 = tpu.memref_slice %arg11[%dma_wait3A_1077, %dma_wait3A_1078, %dma_wait3A_1079, %dma_wait3A_1080] : memref<3x2x3x80xi32, #tpu.memory_space<vmem>> -> memref<1x1x3x80xi32, #tpu.memory_space<vmem>>
      %dma_wait3A_1082 = tpu.memref_squeeze %dma_wait3A_1081 : memref<1x1x3x80xi32, #tpu.memory_space<vmem>> -> memref<3x80xi32, #tpu.memory_space<vmem>>
      %dma_wait3A_1083 = arith.constant 0 : i32
      %dma_wait3A_1084 = tpu.memref_slice %arg3[%dma_wait3A_1076, %add3A, %mul3A_1075, %dma_wait3A_1083] : memref<2x32x126x80xi32, #tpu.memory_space<hbm>> -> memref<1x1x3x80xi32, #tpu.memory_space<hbm>>
      %dma_wait3A_1085 = tpu.memref_squeeze %dma_wait3A_1084 : memref<1x1x3x80xi32, #tpu.memory_space<hbm>> -> memref<3x80xi32, #tpu.memory_space<hbm>>
      %dma_wait3A_1086 = arith.constant 0 : i32
      %dma_wait3A_1087 = arith.constant 0 : i32
      %dma_wait3A_1088 = tpu.memref_slice %arg11[%dma_wait3A_1077, %dma_wait3A_1078, %dma_wait3A_1086, %dma_wait3A_1087] : memref<3x2x3x80xi32, #tpu.memory_space<vmem>> -> memref<1x1x3x80xi32, #tpu.memory_space<vmem>>
      %dma_wait3A_1089 = tpu.memref_squeeze %dma_wait3A_1088 : memref<1x1x3x80xi32, #tpu.memory_space<vmem>> -> memref<3x80xi32, #tpu.memory_space<vmem>>
      %dma_wait3A_1090 = arith.constant 0 : i32
      %dma_wait3A_1091 = tpu.memref_slice %arg3[%dma_wait3A_1076, %add3A, %mul3A_1075, %dma_wait3A_1090] : memref<2x32x126x80xi32, #tpu.memory_space<hbm>> -> memref<1x1x3x80xi32, #tpu.memory_space<hbm>>
      %dma_wait3A_1092 = tpu.memref_squeeze %dma_wait3A_1091 : memref<1x1x3x80xi32, #tpu.memory_space<hbm>> -> memref<3x80xi32, #tpu.memory_space<hbm>>
      tpu.wait_dma2 semaphore(%arg23 : memref<!tpu.dma_semaphore, #tpu.memory_space<semaphore_mem>>) src(%dma_wait3A_1092 : memref<3x80xi32, #tpu.memory_space<hbm>>) dst(%dma_wait3A_1089 : memref<3x80xi32, #tpu.memory_space<vmem>>)
      %mul3A_1093 = arith.constant 3 : i32
      %mul3A_1094 = arith.muli %mul3A_1093, %add3A_1073 : i32
      %dma_wait3A_1095 = arith.constant 1 : i32
      %dma_wait3A_1096 = arith.constant 1 : i32
      %dma_wait3A_1097 = arith.constant 1 : i32
      %dma_wait3A_1098 = arith.constant 0 : i32
      %dma_wait3A_1099 = arith.constant 0 : i32
      %dma_wait3A_1100 = tpu.memref_slice %arg11[%dma_wait3A_1096, %dma_wait3A_1097, %dma_wait3A_1098, %dma_wait3A_1099] : memref<3x2x3x80xi32, #tpu.memory_space<vmem>> -> memref<1x1x3x80xi32, #tpu.memory_space<vmem>>
      %dma_wait3A_1101 = tpu.memref_squeeze %dma_wait3A_1100 : memref<1x1x3x80xi32, #tpu.memory_space<vmem>> -> memref<3x80xi32, #tpu.memory_space<vmem>>
      %dma_wait3A_1102 = arith.constant 0 : i32
      %dma_wait3A_1103 = tpu.memref_slice %arg3[%dma_wait3A_1095, %add3A, %mul3A_1094, %dma_wait3A_1102] : memref<2x32x126x80xi32, #tpu.memory_space<hbm>> -> memref<1x1x3x80xi32, #tpu.memory_space<hbm>>
      %dma_wait3A_1104 = tpu.memref_squeeze %dma_wait3A_1103 : memref<1x1x3x80xi32, #tpu.memory_space<hbm>> -> memref<3x80xi32, #tpu.memory_space<hbm>>
      %dma_wait3A_1105 = arith.constant 0 : i32
      %dma_wait3A_1106 = arith.constant 0 : i32
      %dma_wait3A_1107 = tpu.memref_slice %arg11[%dma_wait3A_1096, %dma_wait3A_1097, %dma_wait3A_1105, %dma_wait3A_1106] : memref<3x2x3x80xi32, #tpu.memory_space<vmem>> -> memref<1x1x3x80xi32, #tpu.memory_space<vmem>>
      %dma_wait3A_1108 = tpu.memref_squeeze %dma_wait3A_1107 : memref<1x1x3x80xi32, #tpu.memory_space<vmem>> -> memref<3x80xi32, #tpu.memory_space<vmem>>
      %dma_wait3A_1109 = arith.constant 0 : i32
      %dma_wait3A_1110 = tpu.memref_slice %arg3[%dma_wait3A_1095, %add3A, %mul3A_1094, %dma_wait3A_1109] : memref<2x32x126x80xi32, #tpu.memory_space<hbm>> -> memref<1x1x3x80xi32, #tpu.memory_space<hbm>>
      %dma_wait3A_1111 = tpu.memref_squeeze %dma_wait3A_1110 : memref<1x1x3x80xi32, #tpu.memory_space<hbm>> -> memref<3x80xi32, #tpu.memory_space<hbm>>
      tpu.wait_dma2 semaphore(%arg23 : memref<!tpu.dma_semaphore, #tpu.memory_space<semaphore_mem>>) src(%dma_wait3A_1111 : memref<3x80xi32, #tpu.memory_space<hbm>>) dst(%dma_wait3A_1108 : memref<3x80xi32, #tpu.memory_space<vmem>>)
      %dma_wait3A_1112 = arith.constant 0 : i32
      %dma_wait3A_1113 = arith.constant 0 : i32
      %dma_wait3A_1114 = arith.constant 0 : i32
      %dma_wait3A_1115 = arith.constant 0 : i32
      %dma_wait3A_1116 = tpu.memref_slice %arg11[%dma_wait3A_1112, %dma_wait3A_1113, %dma_wait3A_1114, %dma_wait3A_1115] : memref<3x2x3x80xi32, #tpu.memory_space<vmem>> -> memref<1x1x1x80xi32, #tpu.memory_space<vmem>>
      %dma_wait3A_1117 = tpu.memref_squeeze %dma_wait3A_1116 : memref<1x1x1x80xi32, #tpu.memory_space<vmem>> -> memref<80xi32, #tpu.memory_space<vmem>>
      %dma_wait3A_1118 = arith.constant 0 : i32
      %dma_wait3A_1119 = arith.constant 0 : i32
      %dma_wait3A_1120 = tpu.memref_slice %arg2[%dma_wait3A_1118, %dma_wait3A_1119] : memref<10000x128xf32, #tpu.memory_space<hbm>> -> memref<10000x128xf32, #tpu.memory_space<hbm>>
      tpu.wait_indirect_dma semaphore(%arg16 : memref<!tpu.dma_semaphore, #tpu.memory_space<semaphore_mem>>) src(%dma_wait3A_1120 : memref<10000x128xf32, #tpu.memory_space<hbm>>) dst(%arg12 : memref<80x128xf32, #tpu.memory_space<vmem>>)
      %dma_start3A_1121 = arith.constant 0 : i32
      %dma_start3A_1122 = arith.constant 1 : i32
      %dma_start3A_1123 = arith.constant 0 : i32
      %dma_start3A_1124 = arith.constant 0 : i32
      %dma_start3A_1125 = tpu.memref_slice %arg11[%dma_start3A_1121, %dma_start3A_1122, %dma_start3A_1123, %dma_start3A_1124] : memref<3x2x3x80xi32, #tpu.memory_space<vmem>> -> memref<1x1x1x80xi32, #tpu.memory_space<vmem>>
      %dma_start3A_1126 = tpu.memref_squeeze %dma_start3A_1125 : memref<1x1x1x80xi32, #tpu.memory_space<vmem>> -> memref<80xi32, #tpu.memory_space<vmem>>
      %dma_start3A_1127 = arith.constant 0 : i32
      %dma_start3A_1128 = arith.constant 0 : i32
      %dma_start3A_1129 = tpu.memref_slice %arg9[%dma_start3A_1127, %dma_start3A_1128] : memref<10016x128xf32, #tpu.memory_space<vmem_shared>> -> memref<10016x128xf32, #tpu.memory_space<vmem_shared>>
      tpu.enqueue_indirect_dma source(%arg12 : memref<80x128xf32, #tpu.memory_space<vmem>>) target(%dma_start3A_1129 : memref<10016x128xf32, #tpu.memory_space<vmem_shared>>) offsets(%dma_start3A_1126 : memref<80xi32, #tpu.memory_space<vmem>>) semaphore(%arg19 : memref<!tpu.dma_semaphore, #tpu.memory_space<semaphore_mem>>) {add = true}
      %dma_start3A_1130 = arith.constant 0 : i32
      %dma_start3A_1131 = arith.constant 1 : i32
      %dma_start3A_1132 = arith.constant 0 : i32
      %dma_start3A_1133 = arith.constant 0 : i32
      %dma_start3A_1134 = tpu.memref_slice %arg11[%dma_start3A_1130, %dma_start3A_1131, %dma_start3A_1132, %dma_start3A_1133] : memref<3x2x3x80xi32, #tpu.memory_space<vmem>> -> memref<1x1x1x80xi32, #tpu.memory_space<vmem>>
      %dma_start3A_1135 = tpu.memref_squeeze %dma_start3A_1134 : memref<1x1x1x80xi32, #tpu.memory_space<vmem>> -> memref<80xi32, #tpu.memory_space<vmem>>
      %dma_start3A_1136 = arith.constant 0 : i32
      %dma_start3A_1137 = arith.constant 0 : i32
      %dma_start3A_1138 = tpu.memref_slice %arg10[%dma_start3A_1136, %dma_start3A_1137] : memref<10016x16xf32, #tpu.memory_space<vmem_shared>> -> memref<10016x16xf32, #tpu.memory_space<vmem_shared>>
      tpu.enqueue_indirect_dma source(%arg15 : memref<80x16xf32, #tpu.memory_space<vmem>>) target(%dma_start3A_1138 : memref<10016x16xf32, #tpu.memory_space<vmem_shared>>) offsets(%dma_start3A_1135 : memref<80xi32, #tpu.memory_space<vmem>>) semaphore(%arg19 : memref<!tpu.dma_semaphore, #tpu.memory_space<semaphore_mem>>) {add = true}
      %dma_wait3A_1139 = arith.constant 0 : i32
      %dma_wait3A_1140 = arith.constant 1 : i32
      %dma_wait3A_1141 = arith.constant 0 : i32
      %dma_wait3A_1142 = arith.constant 0 : i32
      %dma_wait3A_1143 = tpu.memref_slice %arg11[%dma_wait3A_1139, %dma_wait3A_1140, %dma_wait3A_1141, %dma_wait3A_1142] : memref<3x2x3x80xi32, #tpu.memory_space<vmem>> -> memref<1x1x1x80xi32, #tpu.memory_space<vmem>>
      %dma_wait3A_1144 = tpu.memref_squeeze %dma_wait3A_1143 : memref<1x1x1x80xi32, #tpu.memory_space<vmem>> -> memref<80xi32, #tpu.memory_space<vmem>>
      %dma_wait3A_1145 = arith.constant 0 : i32
      %dma_wait3A_1146 = arith.constant 0 : i32
      %dma_wait3A_1147 = tpu.memref_slice %arg9[%dma_wait3A_1145, %dma_wait3A_1146] : memref<10016x128xf32, #tpu.memory_space<vmem_shared>> -> memref<10016x128xf32, #tpu.memory_space<vmem_shared>>
      tpu.wait_indirect_dma semaphore(%arg21 : memref<!tpu.dma_semaphore, #tpu.memory_space<semaphore_mem>>) src(%arg14 : memref<80x128xf32, #tpu.memory_space<vmem>>) dst(%dma_wait3A_1147 : memref<10016x128xf32, #tpu.memory_space<vmem_shared>>)
      %dma_wait3A_1148 = arith.constant 0 : i32
      %dma_wait3A_1149 = arith.constant 1 : i32
      %dma_wait3A_1150 = arith.constant 0 : i32
      %dma_wait3A_1151 = arith.constant 0 : i32
      %dma_wait3A_1152 = tpu.memref_slice %arg11[%dma_wait3A_1148, %dma_wait3A_1149, %dma_wait3A_1150, %dma_wait3A_1151] : memref<3x2x3x80xi32, #tpu.memory_space<vmem>> -> memref<1x1x1x80xi32, #tpu.memory_space<vmem>>
      %dma_wait3A_1153 = tpu.memref_squeeze %dma_wait3A_1152 : memref<1x1x1x80xi32, #tpu.memory_space<vmem>> -> memref<80xi32, #tpu.memory_space<vmem>>
      %dma_wait3A_1154 = arith.constant 0 : i32
      %dma_wait3A_1155 = arith.constant 0 : i32
      %dma_wait3A_1156 = tpu.memref_slice %arg10[%dma_wait3A_1154, %dma_wait3A_1155] : memref<10016x16xf32, #tpu.memory_space<vmem_shared>> -> memref<10016x16xf32, #tpu.memory_space<vmem_shared>>
      tpu.wait_indirect_dma semaphore(%arg21 : memref<!tpu.dma_semaphore, #tpu.memory_space<semaphore_mem>>) src(%arg15 : memref<80x16xf32, #tpu.memory_space<vmem>>) dst(%dma_wait3A_1156 : memref<10016x16xf32, #tpu.memory_space<vmem_shared>>)
      %dma_start3A_1157 = arith.constant 0 : i32
      %dma_start3A_1158 = arith.constant 0 : i32
      %dma_start3A_1159 = arith.constant 2 : i32
      %dma_start3A_1160 = arith.constant 0 : i32
      %dma_start3A_1161 = tpu.memref_slice %arg11[%dma_start3A_1157, %dma_start3A_1158, %dma_start3A_1159, %dma_start3A_1160] : memref<3x2x3x80xi32, #tpu.memory_space<vmem>> -> memref<1x1x1x80xi32, #tpu.memory_space<vmem>>
      %dma_start3A_1162 = tpu.memref_squeeze %dma_start3A_1161 : memref<1x1x1x80xi32, #tpu.memory_space<vmem>> -> memref<80xi32, #tpu.memory_space<vmem>>
      %dma_start3A_1163 = arith.constant 0 : i32
      %dma_start3A_1164 = arith.constant 0 : i32
      %dma_start3A_1165 = tpu.memref_slice %arg2[%dma_start3A_1163, %dma_start3A_1164] : memref<10000x128xf32, #tpu.memory_space<hbm>> -> memref<10000x128xf32, #tpu.memory_space<hbm>>
      tpu.enqueue_indirect_dma source(%dma_start3A_1165 : memref<10000x128xf32, #tpu.memory_space<hbm>>) target(%arg14 : memref<80x128xf32, #tpu.memory_space<vmem>>) offsets(%dma_start3A_1162 : memref<80xi32, #tpu.memory_space<vmem>>) semaphore(%arg18 : memref<!tpu.dma_semaphore, #tpu.memory_space<semaphore_mem>>)
      %add3A_1166 = arith.constant 2 : i32
      %add3A_1167 = arith.addi %add3A_1071, %add3A_1166 : i32
      %mul3A_1168 = arith.constant 3 : i32
      %mul3A_1169 = arith.muli %mul3A_1168, %add3A_1167 : i32
      %dma_start3A_1170 = arith.constant 0 : i32
      %dma_start3A_1171 = arith.constant 2 : i32
      %dma_start3A_1172 = arith.constant 0 : i32
      %dma_start3A_1173 = arith.constant 0 : i32
      %dma_start3A_1174 = arith.constant 0 : i32
      %dma_start3A_1175 = tpu.memref_slice %arg11[%dma_start3A_1171, %dma_start3A_1172, %dma_start3A_1173, %dma_start3A_1174] : memref<3x2x3x80xi32, #tpu.memory_space<vmem>> -> memref<1x1x3x80xi32, #tpu.memory_space<vmem>>
      %dma_start3A_1176 = tpu.memref_squeeze %dma_start3A_1175 : memref<1x1x3x80xi32, #tpu.memory_space<vmem>> -> memref<3x80xi32, #tpu.memory_space<vmem>>
      %dma_start3A_1177 = arith.constant 0 : i32
      %dma_start3A_1178 = tpu.memref_slice %arg3[%dma_start3A_1170, %add3A, %mul3A_1169, %dma_start3A_1177] : memref<2x32x126x80xi32, #tpu.memory_space<hbm>> -> memref<1x1x3x80xi32, #tpu.memory_space<hbm>>
      %dma_start3A_1179 = tpu.memref_squeeze %dma_start3A_1178 : memref<1x1x3x80xi32, #tpu.memory_space<hbm>> -> memref<3x80xi32, #tpu.memory_space<hbm>>
      %dma_start3A_1180 = arith.constant 0 : i32
      %dma_start3A_1181 = arith.constant 0 : i32
      %dma_start3A_1182 = tpu.memref_slice %arg11[%dma_start3A_1171, %dma_start3A_1172, %dma_start3A_1180, %dma_start3A_1181] : memref<3x2x3x80xi32, #tpu.memory_space<vmem>> -> memref<1x1x3x80xi32, #tpu.memory_space<vmem>>
      %dma_start3A_1183 = tpu.memref_squeeze %dma_start3A_1182 : memref<1x1x3x80xi32, #tpu.memory_space<vmem>> -> memref<3x80xi32, #tpu.memory_space<vmem>>
      %dma_start3A_1184 = arith.constant 0 : i32
      %dma_start3A_1185 = tpu.memref_slice %arg3[%dma_start3A_1170, %add3A, %mul3A_1169, %dma_start3A_1184] : memref<2x32x126x80xi32, #tpu.memory_space<hbm>> -> memref<1x1x3x80xi32, #tpu.memory_space<hbm>>
      %dma_start3A_1186 = tpu.memref_squeeze %dma_start3A_1185 : memref<1x1x3x80xi32, #tpu.memory_space<hbm>> -> memref<3x80xi32, #tpu.memory_space<hbm>>
      tpu.enqueue_dma source(%dma_start3A_1186 : memref<3x80xi32, #tpu.memory_space<hbm>>) target(%dma_start3A_1183 : memref<3x80xi32, #tpu.memory_space<vmem>>) target_semaphore(%arg24 : memref<!tpu.dma_semaphore, #tpu.memory_space<semaphore_mem>>)
      %mul3A_1187 = arith.constant 3 : i32
      %mul3A_1188 = arith.muli %mul3A_1187, %add3A_1167 : i32
      %dma_start3A_1189 = arith.constant 1 : i32
      %dma_start3A_1190 = arith.constant 2 : i32
      %dma_start3A_1191 = arith.constant 1 : i32
      %dma_start3A_1192 = arith.constant 0 : i32
      %dma_start3A_1193 = arith.constant 0 : i32
      %dma_start3A_1194 = tpu.memref_slice %arg11[%dma_start3A_1190, %dma_start3A_1191, %dma_start3A_1192, %dma_start3A_1193] : memref<3x2x3x80xi32, #tpu.memory_space<vmem>> -> memref<1x1x3x80xi32, #tpu.memory_space<vmem>>
      %dma_start3A_1195 = tpu.memref_squeeze %dma_start3A_1194 : memref<1x1x3x80xi32, #tpu.memory_space<vmem>> -> memref<3x80xi32, #tpu.memory_space<vmem>>
      %dma_start3A_1196 = arith.constant 0 : i32
      %dma_start3A_1197 = tpu.memref_slice %arg3[%dma_start3A_1189, %add3A, %mul3A_1188, %dma_start3A_1196] : memref<2x32x126x80xi32, #tpu.memory_space<hbm>> -> memref<1x1x3x80xi32, #tpu.memory_space<hbm>>
      %dma_start3A_1198 = tpu.memref_squeeze %dma_start3A_1197 : memref<1x1x3x80xi32, #tpu.memory_space<hbm>> -> memref<3x80xi32, #tpu.memory_space<hbm>>
      %dma_start3A_1199 = arith.constant 0 : i32
      %dma_start3A_1200 = arith.constant 0 : i32
      %dma_start3A_1201 = tpu.memref_slice %arg11[%dma_start3A_1190, %dma_start3A_1191, %dma_start3A_1199, %dma_start3A_1200] : memref<3x2x3x80xi32, #tpu.memory_space<vmem>> -> memref<1x1x3x80xi32, #tpu.memory_space<vmem>>
      %dma_start3A_1202 = tpu.memref_squeeze %dma_start3A_1201 : memref<1x1x3x80xi32, #tpu.memory_space<vmem>> -> memref<3x80xi32, #tpu.memory_space<vmem>>
      %dma_start3A_1203 = arith.constant 0 : i32
      %dma_start3A_1204 = tpu.memref_slice %arg3[%dma_start3A_1189, %add3A, %mul3A_1188, %dma_start3A_1203] : memref<2x32x126x80xi32, #tpu.memory_space<hbm>> -> memref<1x1x3x80xi32, #tpu.memory_space<hbm>>
      %dma_start3A_1205 = tpu.memref_squeeze %dma_start3A_1204 : memref<1x1x3x80xi32, #tpu.memory_space<hbm>> -> memref<3x80xi32, #tpu.memory_space<hbm>>
      tpu.enqueue_dma source(%dma_start3A_1205 : memref<3x80xi32, #tpu.memory_space<hbm>>) target(%dma_start3A_1202 : memref<3x80xi32, #tpu.memory_space<vmem>>) target_semaphore(%arg24 : memref<!tpu.dma_semaphore, #tpu.memory_space<semaphore_mem>>)
      %dma_wait3A_1206 = arith.constant 0 : i32
      %dma_wait3A_1207 = arith.constant 0 : i32
      %dma_wait3A_1208 = arith.constant 1 : i32
      %dma_wait3A_1209 = arith.constant 0 : i32
      %dma_wait3A_1210 = tpu.memref_slice %arg11[%dma_wait3A_1206, %dma_wait3A_1207, %dma_wait3A_1208, %dma_wait3A_1209] : memref<3x2x3x80xi32, #tpu.memory_space<vmem>> -> memref<1x1x1x80xi32, #tpu.memory_space<vmem>>
      %dma_wait3A_1211 = tpu.memref_squeeze %dma_wait3A_1210 : memref<1x1x1x80xi32, #tpu.memory_space<vmem>> -> memref<80xi32, #tpu.memory_space<vmem>>
      %dma_wait3A_1212 = arith.constant 0 : i32
      %dma_wait3A_1213 = arith.constant 0 : i32
      %dma_wait3A_1214 = tpu.memref_slice %arg2[%dma_wait3A_1212, %dma_wait3A_1213] : memref<10000x128xf32, #tpu.memory_space<hbm>> -> memref<10000x128xf32, #tpu.memory_space<hbm>>
      tpu.wait_indirect_dma semaphore(%arg17 : memref<!tpu.dma_semaphore, #tpu.memory_space<semaphore_mem>>) src(%dma_wait3A_1214 : memref<10000x128xf32, #tpu.memory_space<hbm>>) dst(%arg13 : memref<80x128xf32, #tpu.memory_space<vmem>>)
      %dma_start3A_1215 = arith.constant 0 : i32
      %dma_start3A_1216 = arith.constant 1 : i32
      %dma_start3A_1217 = arith.constant 1 : i32
      %dma_start3A_1218 = arith.constant 0 : i32
      %dma_start3A_1219 = tpu.memref_slice %arg11[%dma_start3A_1215, %dma_start3A_1216, %dma_start3A_1217, %dma_start3A_1218] : memref<3x2x3x80xi32, #tpu.memory_space<vmem>> -> memref<1x1x1x80xi32, #tpu.memory_space<vmem>>
      %dma_start3A_1220 = tpu.memref_squeeze %dma_start3A_1219 : memref<1x1x1x80xi32, #tpu.memory_space<vmem>> -> memref<80xi32, #tpu.memory_space<vmem>>
      %dma_start3A_1221 = arith.constant 0 : i32
      %dma_start3A_1222 = arith.constant 0 : i32
      %dma_start3A_1223 = tpu.memref_slice %arg9[%dma_start3A_1221, %dma_start3A_1222] : memref<10016x128xf32, #tpu.memory_space<vmem_shared>> -> memref<10016x128xf32, #tpu.memory_space<vmem_shared>>
      tpu.enqueue_indirect_dma source(%arg13 : memref<80x128xf32, #tpu.memory_space<vmem>>) target(%dma_start3A_1223 : memref<10016x128xf32, #tpu.memory_space<vmem_shared>>) offsets(%dma_start3A_1220 : memref<80xi32, #tpu.memory_space<vmem>>) semaphore(%arg20 : memref<!tpu.dma_semaphore, #tpu.memory_space<semaphore_mem>>) {add = true}
      %dma_start3A_1224 = arith.constant 0 : i32
      %dma_start3A_1225 = arith.constant 1 : i32
      %dma_start3A_1226 = arith.constant 1 : i32
      %dma_start3A_1227 = arith.constant 0 : i32
      %dma_start3A_1228 = tpu.memref_slice %arg11[%dma_start3A_1224, %dma_start3A_1225, %dma_start3A_1226, %dma_start3A_1227] : memref<3x2x3x80xi32, #tpu.memory_space<vmem>> -> memref<1x1x1x80xi32, #tpu.memory_space<vmem>>
      %dma_start3A_1229 = tpu.memref_squeeze %dma_start3A_1228 : memref<1x1x1x80xi32, #tpu.memory_space<vmem>> -> memref<80xi32, #tpu.memory_space<vmem>>
      %dma_start3A_1230 = arith.constant 0 : i32
      %dma_start3A_1231 = arith.constant 0 : i32
      %dma_start3A_1232 = tpu.memref_slice %arg10[%dma_start3A_1230, %dma_start3A_1231] : memref<10016x16xf32, #tpu.memory_space<vmem_shared>> -> memref<10016x16xf32, #tpu.memory_space<vmem_shared>>
      tpu.enqueue_indirect_dma source(%arg15 : memref<80x16xf32, #tpu.memory_space<vmem>>) target(%dma_start3A_1232 : memref<10016x16xf32, #tpu.memory_space<vmem_shared>>) offsets(%dma_start3A_1229 : memref<80xi32, #tpu.memory_space<vmem>>) semaphore(%arg20 : memref<!tpu.dma_semaphore, #tpu.memory_space<semaphore_mem>>) {add = true}
      %dma_wait3A_1233 = arith.constant 0 : i32
      %dma_wait3A_1234 = arith.constant 1 : i32
      %dma_wait3A_1235 = arith.constant 1 : i32
      %dma_wait3A_1236 = arith.constant 0 : i32
      %dma_wait3A_1237 = tpu.memref_slice %arg11[%dma_wait3A_1233, %dma_wait3A_1234, %dma_wait3A_1235, %dma_wait3A_1236] : memref<3x2x3x80xi32, #tpu.memory_space<vmem>> -> memref<1x1x1x80xi32, #tpu.memory_space<vmem>>
      %dma_wait3A_1238 = tpu.memref_squeeze %dma_wait3A_1237 : memref<1x1x1x80xi32, #tpu.memory_space<vmem>> -> memref<80xi32, #tpu.memory_space<vmem>>
      %dma_wait3A_1239 = arith.constant 0 : i32
      %dma_wait3A_1240 = arith.constant 0 : i32
      %dma_wait3A_1241 = tpu.memref_slice %arg9[%dma_wait3A_1239, %dma_wait3A_1240] : memref<10016x128xf32, #tpu.memory_space<vmem_shared>> -> memref<10016x128xf32, #tpu.memory_space<vmem_shared>>
      tpu.wait_indirect_dma semaphore(%arg19 : memref<!tpu.dma_semaphore, #tpu.memory_space<semaphore_mem>>) src(%arg12 : memref<80x128xf32, #tpu.memory_space<vmem>>) dst(%dma_wait3A_1241 : memref<10016x128xf32, #tpu.memory_space<vmem_shared>>)
      %dma_wait3A_1242 = arith.constant 0 : i32
      %dma_wait3A_1243 = arith.constant 1 : i32
      %dma_wait3A_1244 = arith.constant 1 : i32
      %dma_wait3A_1245 = arith.constant 0 : i32
      %dma_wait3A_1246 = tpu.memref_slice %arg11[%dma_wait3A_1242, %dma_wait3A_1243, %dma_wait3A_1244, %dma_wait3A_1245] : memref<3x2x3x80xi32, #tpu.memory_space<vmem>> -> memref<1x1x1x80xi32, #tpu.memory_space<vmem>>
      %dma_wait3A_1247 = tpu.memref_squeeze %dma_wait3A_1246 : memref<1x1x1x80xi32, #tpu.memory_space<vmem>> -> memref<80xi32, #tpu.memory_space<vmem>>
      %dma_wait3A_1248 = arith.constant 0 : i32
      %dma_wait3A_1249 = arith.constant 0 : i32
      %dma_wait3A_1250 = tpu.memref_slice %arg10[%dma_wait3A_1248, %dma_wait3A_1249] : memref<10016x16xf32, #tpu.memory_space<vmem_shared>> -> memref<10016x16xf32, #tpu.memory_space<vmem_shared>>
      tpu.wait_indirect_dma semaphore(%arg19 : memref<!tpu.dma_semaphore, #tpu.memory_space<semaphore_mem>>) src(%arg15 : memref<80x16xf32, #tpu.memory_space<vmem>>) dst(%dma_wait3A_1250 : memref<10016x16xf32, #tpu.memory_space<vmem_shared>>)
      %dma_start3A_1251 = arith.constant 1 : i32
      %dma_start3A_1252 = arith.constant 0 : i32
      %dma_start3A_1253 = arith.constant 0 : i32
      %dma_start3A_1254 = arith.constant 0 : i32
      %dma_start3A_1255 = tpu.memref_slice %arg11[%dma_start3A_1251, %dma_start3A_1252, %dma_start3A_1253, %dma_start3A_1254] : memref<3x2x3x80xi32, #tpu.memory_space<vmem>> -> memref<1x1x1x80xi32, #tpu.memory_space<vmem>>
      %dma_start3A_1256 = tpu.memref_squeeze %dma_start3A_1255 : memref<1x1x1x80xi32, #tpu.memory_space<vmem>> -> memref<80xi32, #tpu.memory_space<vmem>>
      %dma_start3A_1257 = arith.constant 0 : i32
      %dma_start3A_1258 = arith.constant 0 : i32
      %dma_start3A_1259 = tpu.memref_slice %arg2[%dma_start3A_1257, %dma_start3A_1258] : memref<10000x128xf32, #tpu.memory_space<hbm>> -> memref<10000x128xf32, #tpu.memory_space<hbm>>
      tpu.enqueue_indirect_dma source(%dma_start3A_1259 : memref<10000x128xf32, #tpu.memory_space<hbm>>) target(%arg12 : memref<80x128xf32, #tpu.memory_space<vmem>>) offsets(%dma_start3A_1256 : memref<80xi32, #tpu.memory_space<vmem>>) semaphore(%arg16 : memref<!tpu.dma_semaphore, #tpu.memory_space<semaphore_mem>>)
      %dma_wait3A_1260 = arith.constant 0 : i32
      %dma_wait3A_1261 = arith.constant 0 : i32
      %dma_wait3A_1262 = arith.constant 2 : i32
      %dma_wait3A_1263 = arith.constant 0 : i32
      %dma_wait3A_1264 = tpu.memref_slice %arg11[%dma_wait3A_1260, %dma_wait3A_1261, %dma_wait3A_1262, %dma_wait3A_1263] : memref<3x2x3x80xi32, #tpu.memory_space<vmem>> -> memref<1x1x1x80xi32, #tpu.memory_space<vmem>>
      %dma_wait3A_1265 = tpu.memref_squeeze %dma_wait3A_1264 : memref<1x1x1x80xi32, #tpu.memory_space<vmem>> -> memref<80xi32, #tpu.memory_space<vmem>>
      %dma_wait3A_1266 = arith.constant 0 : i32
      %dma_wait3A_1267 = arith.constant 0 : i32
      %dma_wait3A_1268 = tpu.memref_slice %arg2[%dma_wait3A_1266, %dma_wait3A_1267] : memref<10000x128xf32, #tpu.memory_space<hbm>> -> memref<10000x128xf32, #tpu.memory_space<hbm>>
      tpu.wait_indirect_dma semaphore(%arg18 : memref<!tpu.dma_semaphore, #tpu.memory_space<semaphore_mem>>) src(%dma_wait3A_1268 : memref<10000x128xf32, #tpu.memory_space<hbm>>) dst(%arg14 : memref<80x128xf32, #tpu.memory_space<vmem>>)
      %dma_start3A_1269 = arith.constant 0 : i32
      %dma_start3A_1270 = arith.constant 1 : i32
      %dma_start3A_1271 = arith.constant 2 : i32
      %dma_start3A_1272 = arith.constant 0 : i32
      %dma_start3A_1273 = tpu.memref_slice %arg11[%dma_start3A_1269, %dma_start3A_1270, %dma_start3A_1271, %dma_start3A_1272] : memref<3x2x3x80xi32, #tpu.memory_space<vmem>> -> memref<1x1x1x80xi32, #tpu.memory_space<vmem>>
      %dma_start3A_1274 = tpu.memref_squeeze %dma_start3A_1273 : memref<1x1x1x80xi32, #tpu.memory_space<vmem>> -> memref<80xi32, #tpu.memory_space<vmem>>
      %dma_start3A_1275 = arith.constant 0 : i32
      %dma_start3A_1276 = arith.constant 0 : i32
      %dma_start3A_1277 = tpu.memref_slice %arg9[%dma_start3A_1275, %dma_start3A_1276] : memref<10016x128xf32, #tpu.memory_space<vmem_shared>> -> memref<10016x128xf32, #tpu.memory_space<vmem_shared>>
      tpu.enqueue_indirect_dma source(%arg14 : memref<80x128xf32, #tpu.memory_space<vmem>>) target(%dma_start3A_1277 : memref<10016x128xf32, #tpu.memory_space<vmem_shared>>) offsets(%dma_start3A_1274 : memref<80xi32, #tpu.memory_space<vmem>>) semaphore(%arg21 : memref<!tpu.dma_semaphore, #tpu.memory_space<semaphore_mem>>) {add = true}
      %dma_start3A_1278 = arith.constant 0 : i32
      %dma_start3A_1279 = arith.constant 1 : i32
      %dma_start3A_1280 = arith.constant 2 : i32
      %dma_start3A_1281 = arith.constant 0 : i32
      %dma_start3A_1282 = tpu.memref_slice %arg11[%dma_start3A_1278, %dma_start3A_1279, %dma_start3A_1280, %dma_start3A_1281] : memref<3x2x3x80xi32, #tpu.memory_space<vmem>> -> memref<1x1x1x80xi32, #tpu.memory_space<vmem>>
      %dma_start3A_1283 = tpu.memref_squeeze %dma_start3A_1282 : memref<1x1x1x80xi32, #tpu.memory_space<vmem>> -> memref<80xi32, #tpu.memory_space<vmem>>
      %dma_start3A_1284 = arith.constant 0 : i32
      %dma_start3A_1285 = arith.constant 0 : i32
      %dma_start3A_1286 = tpu.memref_slice %arg10[%dma_start3A_1284, %dma_start3A_1285] : memref<10016x16xf32, #tpu.memory_space<vmem_shared>> -> memref<10016x16xf32, #tpu.memory_space<vmem_shared>>
      tpu.enqueue_indirect_dma source(%arg15 : memref<80x16xf32, #tpu.memory_space<vmem>>) target(%dma_start3A_1286 : memref<10016x16xf32, #tpu.memory_space<vmem_shared>>) offsets(%dma_start3A_1283 : memref<80xi32, #tpu.memory_space<vmem>>) semaphore(%arg21 : memref<!tpu.dma_semaphore, #tpu.memory_space<semaphore_mem>>) {add = true}
      %dma_wait3A_1287 = arith.constant 0 : i32
      %dma_wait3A_1288 = arith.constant 1 : i32
      %dma_wait3A_1289 = arith.constant 2 : i32
      %dma_wait3A_1290 = arith.constant 0 : i32
      %dma_wait3A_1291 = tpu.memref_slice %arg11[%dma_wait3A_1287, %dma_wait3A_1288, %dma_wait3A_1289, %dma_wait3A_1290] : memref<3x2x3x80xi32, #tpu.memory_space<vmem>> -> memref<1x1x1x80xi32, #tpu.memory_space<vmem>>
      %dma_wait3A_1292 = tpu.memref_squeeze %dma_wait3A_1291 : memref<1x1x1x80xi32, #tpu.memory_space<vmem>> -> memref<80xi32, #tpu.memory_space<vmem>>
      %dma_wait3A_1293 = arith.constant 0 : i32
      %dma_wait3A_1294 = arith.constant 0 : i32
      %dma_wait3A_1295 = tpu.memref_slice %arg9[%dma_wait3A_1293, %dma_wait3A_1294] : memref<10016x128xf32, #tpu.memory_space<vmem_shared>> -> memref<10016x128xf32, #tpu.memory_space<vmem_shared>>
      tpu.wait_indirect_dma semaphore(%arg20 : memref<!tpu.dma_semaphore, #tpu.memory_space<semaphore_mem>>) src(%arg13 : memref<80x128xf32, #tpu.memory_space<vmem>>) dst(%dma_wait3A_1295 : memref<10016x128xf32, #tpu.memory_space<vmem_shared>>)
      %dma_wait3A_1296 = arith.constant 0 : i32
      %dma_wait3A_1297 = arith.constant 1 : i32
      %dma_wait3A_1298 = arith.constant 2 : i32
      %dma_wait3A_1299 = arith.constant 0 : i32
      %dma_wait3A_1300 = tpu.memref_slice %arg11[%dma_wait3A_1296, %dma_wait3A_1297, %dma_wait3A_1298, %dma_wait3A_1299] : memref<3x2x3x80xi32, #tpu.memory_space<vmem>> -> memref<1x1x1x80xi32, #tpu.memory_space<vmem>>
      %dma_wait3A_1301 = tpu.memref_squeeze %dma_wait3A_1300 : memref<1x1x1x80xi32, #tpu.memory_space<vmem>> -> memref<80xi32, #tpu.memory_space<vmem>>
      %dma_wait3A_1302 = arith.constant 0 : i32
      %dma_wait3A_1303 = arith.constant 0 : i32
      %dma_wait3A_1304 = tpu.memref_slice %arg10[%dma_wait3A_1302, %dma_wait3A_1303] : memref<10016x16xf32, #tpu.memory_space<vmem_shared>> -> memref<10016x16xf32, #tpu.memory_space<vmem_shared>>
      tpu.wait_indirect_dma semaphore(%arg20 : memref<!tpu.dma_semaphore, #tpu.memory_space<semaphore_mem>>) src(%arg15 : memref<80x16xf32, #tpu.memory_space<vmem>>) dst(%dma_wait3A_1304 : memref<10016x16xf32, #tpu.memory_space<vmem_shared>>)
      %dma_start3A_1305 = arith.constant 1 : i32
      %dma_start3A_1306 = arith.constant 0 : i32
      %dma_start3A_1307 = arith.constant 1 : i32
      %dma_start3A_1308 = arith.constant 0 : i32
      %dma_start3A_1309 = tpu.memref_slice %arg11[%dma_start3A_1305, %dma_start3A_1306, %dma_start3A_1307, %dma_start3A_1308] : memref<3x2x3x80xi32, #tpu.memory_space<vmem>> -> memref<1x1x1x80xi32, #tpu.memory_space<vmem>>
      %dma_start3A_1310 = tpu.memref_squeeze %dma_start3A_1309 : memref<1x1x1x80xi32, #tpu.memory_space<vmem>> -> memref<80xi32, #tpu.memory_space<vmem>>
      %dma_start3A_1311 = arith.constant 0 : i32
      %dma_start3A_1312 = arith.constant 0 : i32
      %dma_start3A_1313 = tpu.memref_slice %arg2[%dma_start3A_1311, %dma_start3A_1312] : memref<10000x128xf32, #tpu.memory_space<hbm>> -> memref<10000x128xf32, #tpu.memory_space<hbm>>
      tpu.enqueue_indirect_dma source(%dma_start3A_1313 : memref<10000x128xf32, #tpu.memory_space<hbm>>) target(%arg13 : memref<80x128xf32, #tpu.memory_space<vmem>>) offsets(%dma_start3A_1310 : memref<80xi32, #tpu.memory_space<vmem>>) semaphore(%arg17 : memref<!tpu.dma_semaphore, #tpu.memory_space<semaphore_mem>>)
    }
    %scan3A_215 = arith.constant 13 : i32
    %dma_wait3A_216 = arith.constant 0 : i32
    %dma_wait3A_217 = arith.constant 2 : i32
    %dma_wait3A_218 = arith.constant 0 : i32
    %dma_wait3A_219 = arith.constant 0 : i32
    %dma_wait3A_220 = arith.constant 0 : i32
    %dma_wait3A_221 = tpu.memref_slice %arg11[%dma_wait3A_217, %dma_wait3A_218, %dma_wait3A_219, %dma_wait3A_220] : memref<3x2x3x80xi32, #tpu.memory_space<vmem>> -> memref<1x1x3x80xi32, #tpu.memory_space<vmem>>
    %dma_wait3A_222 = tpu.memref_squeeze %dma_wait3A_221 : memref<1x1x3x80xi32, #tpu.memory_space<vmem>> -> memref<3x80xi32, #tpu.memory_space<vmem>>
    %dma_wait3A_223 = arith.constant 123 : i32
    %dma_wait3A_224 = arith.constant 0 : i32
    %dma_wait3A_225 = tpu.memref_slice %arg3[%dma_wait3A_216, %add3A, %dma_wait3A_223, %dma_wait3A_224] : memref<2x32x126x80xi32, #tpu.memory_space<hbm>> -> memref<1x1x3x80xi32, #tpu.memory_space<hbm>>
    %dma_wait3A_226 = tpu.memref_squeeze %dma_wait3A_225 : memref<1x1x3x80xi32, #tpu.memory_space<hbm>> -> memref<3x80xi32, #tpu.memory_space<hbm>>
    %dma_wait3A_227 = arith.constant 0 : i32
    %dma_wait3A_228 = arith.constant 0 : i32
    %dma_wait3A_229 = tpu.memref_slice %arg11[%dma_wait3A_217, %dma_wait3A_218, %dma_wait3A_227, %dma_wait3A_228] : memref<3x2x3x80xi32, #tpu.memory_space<vmem>> -> memref<1x1x3x80xi32, #tpu.memory_space<vmem>>
    %dma_wait3A_230 = tpu.memref_squeeze %dma_wait3A_229 : memref<1x1x3x80xi32, #tpu.memory_space<vmem>> -> memref<3x80xi32, #tpu.memory_space<vmem>>
    %dma_wait3A_231 = arith.constant 123 : i32
    %dma_wait3A_232 = arith.constant 0 : i32
    %dma_wait3A_233 = tpu.memref_slice %arg3[%dma_wait3A_216, %add3A, %dma_wait3A_231, %dma_wait3A_232] : memref<2x32x126x80xi32, #tpu.memory_space<hbm>> -> memref<1x1x3x80xi32, #tpu.memory_space<hbm>>
    %dma_wait3A_234 = tpu.memref_squeeze %dma_wait3A_233 : memref<1x1x3x80xi32, #tpu.memory_space<hbm>> -> memref<3x80xi32, #tpu.memory_space<hbm>>
    tpu.wait_dma2 semaphore(%arg24 : memref<!tpu.dma_semaphore, #tpu.memory_space<semaphore_mem>>) src(%dma_wait3A_234 : memref<3x80xi32, #tpu.memory_space<hbm>>) dst(%dma_wait3A_230 : memref<3x80xi32, #tpu.memory_space<vmem>>)
    %dma_wait3A_235 = arith.constant 1 : i32
    %dma_wait3A_236 = arith.constant 2 : i32
    %dma_wait3A_237 = arith.constant 1 : i32
    %dma_wait3A_238 = arith.constant 0 : i32
    %dma_wait3A_239 = arith.constant 0 : i32
    %dma_wait3A_240 = tpu.memref_slice %arg11[%dma_wait3A_236, %dma_wait3A_237, %dma_wait3A_238, %dma_wait3A_239] : memref<3x2x3x80xi32, #tpu.memory_space<vmem>> -> memref<1x1x3x80xi32, #tpu.memory_space<vmem>>
    %dma_wait3A_241 = tpu.memref_squeeze %dma_wait3A_240 : memref<1x1x3x80xi32, #tpu.memory_space<vmem>> -> memref<3x80xi32, #tpu.memory_space<vmem>>
    %dma_wait3A_242 = arith.constant 123 : i32
    %dma_wait3A_243 = arith.constant 0 : i32
    %dma_wait3A_244 = tpu.memref_slice %arg3[%dma_wait3A_235, %add3A, %dma_wait3A_242, %dma_wait3A_243] : memref<2x32x126x80xi32, #tpu.memory_space<hbm>> -> memref<1x1x3x80xi32, #tpu.memory_space<hbm>>
    %dma_wait3A_245 = tpu.memref_squeeze %dma_wait3A_244 : memref<1x1x3x80xi32, #tpu.memory_space<hbm>> -> memref<3x80xi32, #tpu.memory_space<hbm>>
    %dma_wait3A_246 = arith.constant 0 : i32
    %dma_wait3A_247 = arith.constant 0 : i32
    %dma_wait3A_248 = tpu.memref_slice %arg11[%dma_wait3A_236, %dma_wait3A_237, %dma_wait3A_246, %dma_wait3A_247] : memref<3x2x3x80xi32, #tpu.memory_space<vmem>> -> memref<1x1x3x80xi32, #tpu.memory_space<vmem>>
    %dma_wait3A_249 = tpu.memref_squeeze %dma_wait3A_248 : memref<1x1x3x80xi32, #tpu.memory_space<vmem>> -> memref<3x80xi32, #tpu.memory_space<vmem>>
    %dma_wait3A_250 = arith.constant 123 : i32
    %dma_wait3A_251 = arith.constant 0 : i32
    %dma_wait3A_252 = tpu.memref_slice %arg3[%dma_wait3A_235, %add3A, %dma_wait3A_250, %dma_wait3A_251] : memref<2x32x126x80xi32, #tpu.memory_space<hbm>> -> memref<1x1x3x80xi32, #tpu.memory_space<hbm>>
    %dma_wait3A_253 = tpu.memref_squeeze %dma_wait3A_252 : memref<1x1x3x80xi32, #tpu.memory_space<hbm>> -> memref<3x80xi32, #tpu.memory_space<hbm>>
    tpu.wait_dma2 semaphore(%arg24 : memref<!tpu.dma_semaphore, #tpu.memory_space<semaphore_mem>>) src(%dma_wait3A_253 : memref<3x80xi32, #tpu.memory_space<hbm>>) dst(%dma_wait3A_249 : memref<3x80xi32, #tpu.memory_space<vmem>>)
    %dma_wait3A_254 = arith.constant 1 : i32
    %dma_wait3A_255 = arith.constant 0 : i32
    %dma_wait3A_256 = arith.constant 0 : i32
    %dma_wait3A_257 = arith.constant 0 : i32
    %dma_wait3A_258 = tpu.memref_slice %arg11[%dma_wait3A_254, %dma_wait3A_255, %dma_wait3A_256, %dma_wait3A_257] : memref<3x2x3x80xi32, #tpu.memory_space<vmem>> -> memref<1x1x1x80xi32, #tpu.memory_space<vmem>>
    %dma_wait3A_259 = tpu.memref_squeeze %dma_wait3A_258 : memref<1x1x1x80xi32, #tpu.memory_space<vmem>> -> memref<80xi32, #tpu.memory_space<vmem>>
    %dma_wait3A_260 = arith.constant 0 : i32
    %dma_wait3A_261 = arith.constant 0 : i32
    %dma_wait3A_262 = tpu.memref_slice %arg2[%dma_wait3A_260, %dma_wait3A_261] : memref<10000x128xf32, #tpu.memory_space<hbm>> -> memref<10000x128xf32, #tpu.memory_space<hbm>>
    tpu.wait_indirect_dma semaphore(%arg16 : memref<!tpu.dma_semaphore, #tpu.memory_space<semaphore_mem>>) src(%dma_wait3A_262 : memref<10000x128xf32, #tpu.memory_space<hbm>>) dst(%arg12 : memref<80x128xf32, #tpu.memory_space<vmem>>)
    %dma_start3A_263 = arith.constant 1 : i32
    %dma_start3A_264 = arith.constant 1 : i32
    %dma_start3A_265 = arith.constant 0 : i32
    %dma_start3A_266 = arith.constant 0 : i32
    %dma_start3A_267 = tpu.memref_slice %arg11[%dma_start3A_263, %dma_start3A_264, %dma_start3A_265, %dma_start3A_266] : memref<3x2x3x80xi32, #tpu.memory_space<vmem>> -> memref<1x1x1x80xi32, #tpu.memory_space<vmem>>
    %dma_start3A_268 = tpu.memref_squeeze %dma_start3A_267 : memref<1x1x1x80xi32, #tpu.memory_space<vmem>> -> memref<80xi32, #tpu.memory_space<vmem>>
    %dma_start3A_269 = arith.constant 0 : i32
    %dma_start3A_270 = arith.constant 0 : i32
    %dma_start3A_271 = tpu.memref_slice %arg9[%dma_start3A_269, %dma_start3A_270] : memref<10016x128xf32, #tpu.memory_space<vmem_shared>> -> memref<10016x128xf32, #tpu.memory_space<vmem_shared>>
    tpu.enqueue_indirect_dma source(%arg12 : memref<80x128xf32, #tpu.memory_space<vmem>>) target(%dma_start3A_271 : memref<10016x128xf32, #tpu.memory_space<vmem_shared>>) offsets(%dma_start3A_268 : memref<80xi32, #tpu.memory_space<vmem>>) semaphore(%arg19 : memref<!tpu.dma_semaphore, #tpu.memory_space<semaphore_mem>>) {add = true}
    %dma_start3A_272 = arith.constant 1 : i32
    %dma_start3A_273 = arith.constant 1 : i32
    %dma_start3A_274 = arith.constant 0 : i32
    %dma_start3A_275 = arith.constant 0 : i32
    %dma_start3A_276 = tpu.memref_slice %arg11[%dma_start3A_272, %dma_start3A_273, %dma_start3A_274, %dma_start3A_275] : memref<3x2x3x80xi32, #tpu.memory_space<vmem>> -> memref<1x1x1x80xi32, #tpu.memory_space<vmem>>
    %dma_start3A_277 = tpu.memref_squeeze %dma_start3A_276 : memref<1x1x1x80xi32, #tpu.memory_space<vmem>> -> memref<80xi32, #tpu.memory_space<vmem>>
    %dma_start3A_278 = arith.constant 0 : i32
    %dma_start3A_279 = arith.constant 0 : i32
    %dma_start3A_280 = tpu.memref_slice %arg10[%dma_start3A_278, %dma_start3A_279] : memref<10016x16xf32, #tpu.memory_space<vmem_shared>> -> memref<10016x16xf32, #tpu.memory_space<vmem_shared>>
    tpu.enqueue_indirect_dma source(%arg15 : memref<80x16xf32, #tpu.memory_space<vmem>>) target(%dma_start3A_280 : memref<10016x16xf32, #tpu.memory_space<vmem_shared>>) offsets(%dma_start3A_277 : memref<80xi32, #tpu.memory_space<vmem>>) semaphore(%arg19 : memref<!tpu.dma_semaphore, #tpu.memory_space<semaphore_mem>>) {add = true}
    %dma_wait3A_281 = arith.constant 1 : i32
    %dma_wait3A_282 = arith.constant 1 : i32
    %dma_wait3A_283 = arith.constant 0 : i32
    %dma_wait3A_284 = arith.constant 0 : i32
    %dma_wait3A_285 = tpu.memref_slice %arg11[%dma_wait3A_281, %dma_wait3A_282, %dma_wait3A_283, %dma_wait3A_284] : memref<3x2x3x80xi32, #tpu.memory_space<vmem>> -> memref<1x1x1x80xi32, #tpu.memory_space<vmem>>
    %dma_wait3A_286 = tpu.memref_squeeze %dma_wait3A_285 : memref<1x1x1x80xi32, #tpu.memory_space<vmem>> -> memref<80xi32, #tpu.memory_space<vmem>>
    %dma_wait3A_287 = arith.constant 0 : i32
    %dma_wait3A_288 = arith.constant 0 : i32
    %dma_wait3A_289 = tpu.memref_slice %arg9[%dma_wait3A_287, %dma_wait3A_288] : memref<10016x128xf32, #tpu.memory_space<vmem_shared>> -> memref<10016x128xf32, #tpu.memory_space<vmem_shared>>
    tpu.wait_indirect_dma semaphore(%arg21 : memref<!tpu.dma_semaphore, #tpu.memory_space<semaphore_mem>>) src(%arg14 : memref<80x128xf32, #tpu.memory_space<vmem>>) dst(%dma_wait3A_289 : memref<10016x128xf32, #tpu.memory_space<vmem_shared>>)
    %dma_wait3A_290 = arith.constant 1 : i32
    %dma_wait3A_291 = arith.constant 1 : i32
    %dma_wait3A_292 = arith.constant 0 : i32
    %dma_wait3A_293 = arith.constant 0 : i32
    %dma_wait3A_294 = tpu.memref_slice %arg11[%dma_wait3A_290, %dma_wait3A_291, %dma_wait3A_292, %dma_wait3A_293] : memref<3x2x3x80xi32, #tpu.memory_space<vmem>> -> memref<1x1x1x80xi32, #tpu.memory_space<vmem>>
    %dma_wait3A_295 = tpu.memref_squeeze %dma_wait3A_294 : memref<1x1x1x80xi32, #tpu.memory_space<vmem>> -> memref<80xi32, #tpu.memory_space<vmem>>
    %dma_wait3A_296 = arith.constant 0 : i32
    %dma_wait3A_297 = arith.constant 0 : i32
    %dma_wait3A_298 = tpu.memref_slice %arg10[%dma_wait3A_296, %dma_wait3A_297] : memref<10016x16xf32, #tpu.memory_space<vmem_shared>> -> memref<10016x16xf32, #tpu.memory_space<vmem_shared>>
    tpu.wait_indirect_dma semaphore(%arg21 : memref<!tpu.dma_semaphore, #tpu.memory_space<semaphore_mem>>) src(%arg15 : memref<80x16xf32, #tpu.memory_space<vmem>>) dst(%dma_wait3A_298 : memref<10016x16xf32, #tpu.memory_space<vmem_shared>>)
    %dma_start3A_299 = arith.constant 1 : i32
    %dma_start3A_300 = arith.constant 0 : i32
    %dma_start3A_301 = arith.constant 2 : i32
    %dma_start3A_302 = arith.constant 0 : i32
    %dma_start3A_303 = tpu.memref_slice %arg11[%dma_start3A_299, %dma_start3A_300, %dma_start3A_301, %dma_start3A_302] : memref<3x2x3x80xi32, #tpu.memory_space<vmem>> -> memref<1x1x1x80xi32, #tpu.memory_space<vmem>>
    %dma_start3A_304 = tpu.memref_squeeze %dma_start3A_303 : memref<1x1x1x80xi32, #tpu.memory_space<vmem>> -> memref<80xi32, #tpu.memory_space<vmem>>
    %dma_start3A_305 = arith.constant 0 : i32
    %dma_start3A_306 = arith.constant 0 : i32
    %dma_start3A_307 = tpu.memref_slice %arg2[%dma_start3A_305, %dma_start3A_306] : memref<10000x128xf32, #tpu.memory_space<hbm>> -> memref<10000x128xf32, #tpu.memory_space<hbm>>
    tpu.enqueue_indirect_dma source(%dma_start3A_307 : memref<10000x128xf32, #tpu.memory_space<hbm>>) target(%arg14 : memref<80x128xf32, #tpu.memory_space<vmem>>) offsets(%dma_start3A_304 : memref<80xi32, #tpu.memory_space<vmem>>) semaphore(%arg18 : memref<!tpu.dma_semaphore, #tpu.memory_space<semaphore_mem>>)
    %dma_wait3A_308 = arith.constant 1 : i32
    %dma_wait3A_309 = arith.constant 0 : i32
    %dma_wait3A_310 = arith.constant 1 : i32
    %dma_wait3A_311 = arith.constant 0 : i32
    %dma_wait3A_312 = tpu.memref_slice %arg11[%dma_wait3A_308, %dma_wait3A_309, %dma_wait3A_310, %dma_wait3A_311] : memref<3x2x3x80xi32, #tpu.memory_space<vmem>> -> memref<1x1x1x80xi32, #tpu.memory_space<vmem>>
    %dma_wait3A_313 = tpu.memref_squeeze %dma_wait3A_312 : memref<1x1x1x80xi32, #tpu.memory_space<vmem>> -> memref<80xi32, #tpu.memory_space<vmem>>
    %dma_wait3A_314 = arith.constant 0 : i32
    %dma_wait3A_315 = arith.constant 0 : i32
    %dma_wait3A_316 = tpu.memref_slice %arg2[%dma_wait3A_314, %dma_wait3A_315] : memref<10000x128xf32, #tpu.memory_space<hbm>> -> memref<10000x128xf32, #tpu.memory_space<hbm>>
    tpu.wait_indirect_dma semaphore(%arg17 : memref<!tpu.dma_semaphore, #tpu.memory_space<semaphore_mem>>) src(%dma_wait3A_316 : memref<10000x128xf32, #tpu.memory_space<hbm>>) dst(%arg13 : memref<80x128xf32, #tpu.memory_space<vmem>>)
    %dma_start3A_317 = arith.constant 1 : i32
    %dma_start3A_318 = arith.constant 1 : i32
    %dma_start3A_319 = arith.constant 1 : i32
    %dma_start3A_320 = arith.constant 0 : i32
    %dma_start3A_321 = tpu.memref_slice %arg11[%dma_start3A_317, %dma_start3A_318, %dma_start3A_319, %dma_start3A_320] : memref<3x2x3x80xi32, #tpu.memory_space<vmem>> -> memref<1x1x1x80xi32, #tpu.memory_space<vmem>>
    %dma_start3A_322 = tpu.memref_squeeze %dma_start3A_321 : memref<1x1x1x80xi32, #tpu.memory_space<vmem>> -> memref<80xi32, #tpu.memory_space<vmem>>
    %dma_start3A_323 = arith.constant 0 : i32
    %dma_start3A_324 = arith.constant 0 : i32
    %dma_start3A_325 = tpu.memref_slice %arg9[%dma_start3A_323, %dma_start3A_324] : memref<10016x128xf32, #tpu.memory_space<vmem_shared>> -> memref<10016x128xf32, #tpu.memory_space<vmem_shared>>
    tpu.enqueue_indirect_dma source(%arg13 : memref<80x128xf32, #tpu.memory_space<vmem>>) target(%dma_start3A_325 : memref<10016x128xf32, #tpu.memory_space<vmem_shared>>) offsets(%dma_start3A_322 : memref<80xi32, #tpu.memory_space<vmem>>) semaphore(%arg20 : memref<!tpu.dma_semaphore, #tpu.memory_space<semaphore_mem>>) {add = true}
    %dma_start3A_326 = arith.constant 1 : i32
    %dma_start3A_327 = arith.constant 1 : i32
    %dma_start3A_328 = arith.constant 1 : i32
    %dma_start3A_329 = arith.constant 0 : i32
    %dma_start3A_330 = tpu.memref_slice %arg11[%dma_start3A_326, %dma_start3A_327, %dma_start3A_328, %dma_start3A_329] : memref<3x2x3x80xi32, #tpu.memory_space<vmem>> -> memref<1x1x1x80xi32, #tpu.memory_space<vmem>>
    %dma_start3A_331 = tpu.memref_squeeze %dma_start3A_330 : memref<1x1x1x80xi32, #tpu.memory_space<vmem>> -> memref<80xi32, #tpu.memory_space<vmem>>
    %dma_start3A_332 = arith.constant 0 : i32
    %dma_start3A_333 = arith.constant 0 : i32
    %dma_start3A_334 = tpu.memref_slice %arg10[%dma_start3A_332, %dma_start3A_333] : memref<10016x16xf32, #tpu.memory_space<vmem_shared>> -> memref<10016x16xf32, #tpu.memory_space<vmem_shared>>
    tpu.enqueue_indirect_dma source(%arg15 : memref<80x16xf32, #tpu.memory_space<vmem>>) target(%dma_start3A_334 : memref<10016x16xf32, #tpu.memory_space<vmem_shared>>) offsets(%dma_start3A_331 : memref<80xi32, #tpu.memory_space<vmem>>) semaphore(%arg20 : memref<!tpu.dma_semaphore, #tpu.memory_space<semaphore_mem>>) {add = true}
    %dma_wait3A_335 = arith.constant 1 : i32
    %dma_wait3A_336 = arith.constant 1 : i32
    %dma_wait3A_337 = arith.constant 1 : i32
    %dma_wait3A_338 = arith.constant 0 : i32
    %dma_wait3A_339 = tpu.memref_slice %arg11[%dma_wait3A_335, %dma_wait3A_336, %dma_wait3A_337, %dma_wait3A_338] : memref<3x2x3x80xi32, #tpu.memory_space<vmem>> -> memref<1x1x1x80xi32, #tpu.memory_space<vmem>>
    %dma_wait3A_340 = tpu.memref_squeeze %dma_wait3A_339 : memref<1x1x1x80xi32, #tpu.memory_space<vmem>> -> memref<80xi32, #tpu.memory_space<vmem>>
    %dma_wait3A_341 = arith.constant 0 : i32
    %dma_wait3A_342 = arith.constant 0 : i32
    %dma_wait3A_343 = tpu.memref_slice %arg9[%dma_wait3A_341, %dma_wait3A_342] : memref<10016x128xf32, #tpu.memory_space<vmem_shared>> -> memref<10016x128xf32, #tpu.memory_space<vmem_shared>>
    tpu.wait_indirect_dma semaphore(%arg19 : memref<!tpu.dma_semaphore, #tpu.memory_space<semaphore_mem>>) src(%arg12 : memref<80x128xf32, #tpu.memory_space<vmem>>) dst(%dma_wait3A_343 : memref<10016x128xf32, #tpu.memory_space<vmem_shared>>)
    %dma_wait3A_344 = arith.constant 1 : i32
    %dma_wait3A_345 = arith.constant 1 : i32
    %dma_wait3A_346 = arith.constant 1 : i32
    %dma_wait3A_347 = arith.constant 0 : i32
    %dma_wait3A_348 = tpu.memref_slice %arg11[%dma_wait3A_344, %dma_wait3A_345, %dma_wait3A_346, %dma_wait3A_347] : memref<3x2x3x80xi32, #tpu.memory_space<vmem>> -> memref<1x1x1x80xi32, #tpu.memory_space<vmem>>
    %dma_wait3A_349 = tpu.memref_squeeze %dma_wait3A_348 : memref<1x1x1x80xi32, #tpu.memory_space<vmem>> -> memref<80xi32, #tpu.memory_space<vmem>>
    %dma_wait3A_350 = arith.constant 0 : i32
    %dma_wait3A_351 = arith.constant 0 : i32
    %dma_wait3A_352 = tpu.memref_slice %arg10[%dma_wait3A_350, %dma_wait3A_351] : memref<10016x16xf32, #tpu.memory_space<vmem_shared>> -> memref<10016x16xf32, #tpu.memory_space<vmem_shared>>
    tpu.wait_indirect_dma semaphore(%arg19 : memref<!tpu.dma_semaphore, #tpu.memory_space<semaphore_mem>>) src(%arg15 : memref<80x16xf32, #tpu.memory_space<vmem>>) dst(%dma_wait3A_352 : memref<10016x16xf32, #tpu.memory_space<vmem_shared>>)
    %dma_start3A_353 = arith.constant 2 : i32
    %dma_start3A_354 = arith.constant 0 : i32
    %dma_start3A_355 = arith.constant 0 : i32
    %dma_start3A_356 = arith.constant 0 : i32
    %dma_start3A_357 = tpu.memref_slice %arg11[%dma_start3A_353, %dma_start3A_354, %dma_start3A_355, %dma_start3A_356] : memref<3x2x3x80xi32, #tpu.memory_space<vmem>> -> memref<1x1x1x80xi32, #tpu.memory_space<vmem>>
    %dma_start3A_358 = tpu.memref_squeeze %dma_start3A_357 : memref<1x1x1x80xi32, #tpu.memory_space<vmem>> -> memref<80xi32, #tpu.memory_space<vmem>>
    %dma_start3A_359 = arith.constant 0 : i32
    %dma_start3A_360 = arith.constant 0 : i32
    %dma_start3A_361 = tpu.memref_slice %arg2[%dma_start3A_359, %dma_start3A_360] : memref<10000x128xf32, #tpu.memory_space<hbm>> -> memref<10000x128xf32, #tpu.memory_space<hbm>>
    tpu.enqueue_indirect_dma source(%dma_start3A_361 : memref<10000x128xf32, #tpu.memory_space<hbm>>) target(%arg12 : memref<80x128xf32, #tpu.memory_space<vmem>>) offsets(%dma_start3A_358 : memref<80xi32, #tpu.memory_space<vmem>>) semaphore(%arg16 : memref<!tpu.dma_semaphore, #tpu.memory_space<semaphore_mem>>)
    %dma_wait3A_362 = arith.constant 1 : i32
    %dma_wait3A_363 = arith.constant 0 : i32
    %dma_wait3A_364 = arith.constant 2 : i32
    %dma_wait3A_365 = arith.constant 0 : i32
    %dma_wait3A_366 = tpu.memref_slice %arg11[%dma_wait3A_362, %dma_wait3A_363, %dma_wait3A_364, %dma_wait3A_365] : memref<3x2x3x80xi32, #tpu.memory_space<vmem>> -> memref<1x1x1x80xi32, #tpu.memory_space<vmem>>
    %dma_wait3A_367 = tpu.memref_squeeze %dma_wait3A_366 : memref<1x1x1x80xi32, #tpu.memory_space<vmem>> -> memref<80xi32, #tpu.memory_space<vmem>>
    %dma_wait3A_368 = arith.constant 0 : i32
    %dma_wait3A_369 = arith.constant 0 : i32
    %dma_wait3A_370 = tpu.memref_slice %arg2[%dma_wait3A_368, %dma_wait3A_369] : memref<10000x128xf32, #tpu.memory_space<hbm>> -> memref<10000x128xf32, #tpu.memory_space<hbm>>
    tpu.wait_indirect_dma semaphore(%arg18 : memref<!tpu.dma_semaphore, #tpu.memory_space<semaphore_mem>>) src(%dma_wait3A_370 : memref<10000x128xf32, #tpu.memory_space<hbm>>) dst(%arg14 : memref<80x128xf32, #tpu.memory_space<vmem>>)
    %dma_start3A_371 = arith.constant 1 : i32
    %dma_start3A_372 = arith.constant 1 : i32
    %dma_start3A_373 = arith.constant 2 : i32
    %dma_start3A_374 = arith.constant 0 : i32
    %dma_start3A_375 = tpu.memref_slice %arg11[%dma_start3A_371, %dma_start3A_372, %dma_start3A_373, %dma_start3A_374] : memref<3x2x3x80xi32, #tpu.memory_space<vmem>> -> memref<1x1x1x80xi32, #tpu.memory_space<vmem>>
    %dma_start3A_376 = tpu.memref_squeeze %dma_start3A_375 : memref<1x1x1x80xi32, #tpu.memory_space<vmem>> -> memref<80xi32, #tpu.memory_space<vmem>>
    %dma_start3A_377 = arith.constant 0 : i32
    %dma_start3A_378 = arith.constant 0 : i32
    %dma_start3A_379 = tpu.memref_slice %arg9[%dma_start3A_377, %dma_start3A_378] : memref<10016x128xf32, #tpu.memory_space<vmem_shared>> -> memref<10016x128xf32, #tpu.memory_space<vmem_shared>>
    tpu.enqueue_indirect_dma source(%arg14 : memref<80x128xf32, #tpu.memory_space<vmem>>) target(%dma_start3A_379 : memref<10016x128xf32, #tpu.memory_space<vmem_shared>>) offsets(%dma_start3A_376 : memref<80xi32, #tpu.memory_space<vmem>>) semaphore(%arg21 : memref<!tpu.dma_semaphore, #tpu.memory_space<semaphore_mem>>) {add = true}
    %dma_start3A_380 = arith.constant 1 : i32
    %dma_start3A_381 = arith.constant 1 : i32
    %dma_start3A_382 = arith.constant 2 : i32
    %dma_start3A_383 = arith.constant 0 : i32
    %dma_start3A_384 = tpu.memref_slice %arg11[%dma_start3A_380, %dma_start3A_381, %dma_start3A_382, %dma_start3A_383] : memref<3x2x3x80xi32, #tpu.memory_space<vmem>> -> memref<1x1x1x80xi32, #tpu.memory_space<vmem>>
    %dma_start3A_385 = tpu.memref_squeeze %dma_start3A_384 : memref<1x1x1x80xi32, #tpu.memory_space<vmem>> -> memref<80xi32, #tpu.memory_space<vmem>>
    %dma_start3A_386 = arith.constant 0 : i32
    %dma_start3A_387 = arith.constant 0 : i32
    %dma_start3A_388 = tpu.memref_slice %arg10[%dma_start3A_386, %dma_start3A_387] : memref<10016x16xf32, #tpu.memory_space<vmem_shared>> -> memref<10016x16xf32, #tpu.memory_space<vmem_shared>>
    tpu.enqueue_indirect_dma source(%arg15 : memref<80x16xf32, #tpu.memory_space<vmem>>) target(%dma_start3A_388 : memref<10016x16xf32, #tpu.memory_space<vmem_shared>>) offsets(%dma_start3A_385 : memref<80xi32, #tpu.memory_space<vmem>>) semaphore(%arg21 : memref<!tpu.dma_semaphore, #tpu.memory_space<semaphore_mem>>) {add = true}
    %dma_wait3A_389 = arith.constant 1 : i32
    %dma_wait3A_390 = arith.constant 1 : i32
    %dma_wait3A_391 = arith.constant 2 : i32
    %dma_wait3A_392 = arith.constant 0 : i32
    %dma_wait3A_393 = tpu.memref_slice %arg11[%dma_wait3A_389, %dma_wait3A_390, %dma_wait3A_391, %dma_wait3A_392] : memref<3x2x3x80xi32, #tpu.memory_space<vmem>> -> memref<1x1x1x80xi32, #tpu.memory_space<vmem>>
    %dma_wait3A_394 = tpu.memref_squeeze %dma_wait3A_393 : memref<1x1x1x80xi32, #tpu.memory_space<vmem>> -> memref<80xi32, #tpu.memory_space<vmem>>
    %dma_wait3A_395 = arith.constant 0 : i32
    %dma_wait3A_396 = arith.constant 0 : i32
    %dma_wait3A_397 = tpu.memref_slice %arg9[%dma_wait3A_395, %dma_wait3A_396] : memref<10016x128xf32, #tpu.memory_space<vmem_shared>> -> memref<10016x128xf32, #tpu.memory_space<vmem_shared>>
    tpu.wait_indirect_dma semaphore(%arg20 : memref<!tpu.dma_semaphore, #tpu.memory_space<semaphore_mem>>) src(%arg13 : memref<80x128xf32, #tpu.memory_space<vmem>>) dst(%dma_wait3A_397 : memref<10016x128xf32, #tpu.memory_space<vmem_shared>>)
    %dma_wait3A_398 = arith.constant 1 : i32
    %dma_wait3A_399 = arith.constant 1 : i32
    %dma_wait3A_400 = arith.constant 2 : i32
    %dma_wait3A_401 = arith.constant 0 : i32
    %dma_wait3A_402 = tpu.memref_slice %arg11[%dma_wait3A_398, %dma_wait3A_399, %dma_wait3A_400, %dma_wait3A_401] : memref<3x2x3x80xi32, #tpu.memory_space<vmem>> -> memref<1x1x1x80xi32, #tpu.memory_space<vmem>>
    %dma_wait3A_403 = tpu.memref_squeeze %dma_wait3A_402 : memref<1x1x1x80xi32, #tpu.memory_space<vmem>> -> memref<80xi32, #tpu.memory_space<vmem>>
    %dma_wait3A_404 = arith.constant 0 : i32
    %dma_wait3A_405 = arith.constant 0 : i32
    %dma_wait3A_406 = tpu.memref_slice %arg10[%dma_wait3A_404, %dma_wait3A_405] : memref<10016x16xf32, #tpu.memory_space<vmem_shared>> -> memref<10016x16xf32, #tpu.memory_space<vmem_shared>>
    tpu.wait_indirect_dma semaphore(%arg20 : memref<!tpu.dma_semaphore, #tpu.memory_space<semaphore_mem>>) src(%arg15 : memref<80x16xf32, #tpu.memory_space<vmem>>) dst(%dma_wait3A_406 : memref<10016x16xf32, #tpu.memory_space<vmem_shared>>)
    %dma_start3A_407 = arith.constant 2 : i32
    %dma_start3A_408 = arith.constant 0 : i32
    %dma_start3A_409 = arith.constant 1 : i32
    %dma_start3A_410 = arith.constant 0 : i32
    %dma_start3A_411 = tpu.memref_slice %arg11[%dma_start3A_407, %dma_start3A_408, %dma_start3A_409, %dma_start3A_410] : memref<3x2x3x80xi32, #tpu.memory_space<vmem>> -> memref<1x1x1x80xi32, #tpu.memory_space<vmem>>
    %dma_start3A_412 = tpu.memref_squeeze %dma_start3A_411 : memref<1x1x1x80xi32, #tpu.memory_space<vmem>> -> memref<80xi32, #tpu.memory_space<vmem>>
    %dma_start3A_413 = arith.constant 0 : i32
    %dma_start3A_414 = arith.constant 0 : i32
    %dma_start3A_415 = tpu.memref_slice %arg2[%dma_start3A_413, %dma_start3A_414] : memref<10000x128xf32, #tpu.memory_space<hbm>> -> memref<10000x128xf32, #tpu.memory_space<hbm>>
    tpu.enqueue_indirect_dma source(%dma_start3A_415 : memref<10000x128xf32, #tpu.memory_space<hbm>>) target(%arg13 : memref<80x128xf32, #tpu.memory_space<vmem>>) offsets(%dma_start3A_412 : memref<80xi32, #tpu.memory_space<vmem>>) semaphore(%arg17 : memref<!tpu.dma_semaphore, #tpu.memory_space<semaphore_mem>>)
    %dma_wait3A_416 = arith.constant 2 : i32
    %dma_wait3A_417 = arith.constant 0 : i32
    %dma_wait3A_418 = arith.constant 0 : i32
    %dma_wait3A_419 = arith.constant 0 : i32
    %dma_wait3A_420 = tpu.memref_slice %arg11[%dma_wait3A_416, %dma_wait3A_417, %dma_wait3A_418, %dma_wait3A_419] : memref<3x2x3x80xi32, #tpu.memory_space<vmem>> -> memref<1x1x1x80xi32, #tpu.memory_space<vmem>>
    %dma_wait3A_421 = tpu.memref_squeeze %dma_wait3A_420 : memref<1x1x1x80xi32, #tpu.memory_space<vmem>> -> memref<80xi32, #tpu.memory_space<vmem>>
    %dma_wait3A_422 = arith.constant 0 : i32
    %dma_wait3A_423 = arith.constant 0 : i32
    %dma_wait3A_424 = tpu.memref_slice %arg2[%dma_wait3A_422, %dma_wait3A_423] : memref<10000x128xf32, #tpu.memory_space<hbm>> -> memref<10000x128xf32, #tpu.memory_space<hbm>>
    tpu.wait_indirect_dma semaphore(%arg16 : memref<!tpu.dma_semaphore, #tpu.memory_space<semaphore_mem>>) src(%dma_wait3A_424 : memref<10000x128xf32, #tpu.memory_space<hbm>>) dst(%arg12 : memref<80x128xf32, #tpu.memory_space<vmem>>)
    %dma_start3A_425 = arith.constant 2 : i32
    %dma_start3A_426 = arith.constant 1 : i32
    %dma_start3A_427 = arith.constant 0 : i32
    %dma_start3A_428 = arith.constant 0 : i32
    %dma_start3A_429 = tpu.memref_slice %arg11[%dma_start3A_425, %dma_start3A_426, %dma_start3A_427, %dma_start3A_428] : memref<3x2x3x80xi32, #tpu.memory_space<vmem>> -> memref<1x1x1x80xi32, #tpu.memory_space<vmem>>
    %dma_start3A_430 = tpu.memref_squeeze %dma_start3A_429 : memref<1x1x1x80xi32, #tpu.memory_space<vmem>> -> memref<80xi32, #tpu.memory_space<vmem>>
    %dma_start3A_431 = arith.constant 0 : i32
    %dma_start3A_432 = arith.constant 0 : i32
    %dma_start3A_433 = tpu.memref_slice %arg9[%dma_start3A_431, %dma_start3A_432] : memref<10016x128xf32, #tpu.memory_space<vmem_shared>> -> memref<10016x128xf32, #tpu.memory_space<vmem_shared>>
    tpu.enqueue_indirect_dma source(%arg12 : memref<80x128xf32, #tpu.memory_space<vmem>>) target(%dma_start3A_433 : memref<10016x128xf32, #tpu.memory_space<vmem_shared>>) offsets(%dma_start3A_430 : memref<80xi32, #tpu.memory_space<vmem>>) semaphore(%arg19 : memref<!tpu.dma_semaphore, #tpu.memory_space<semaphore_mem>>) {add = true}
    %dma_start3A_434 = arith.constant 2 : i32
    %dma_start3A_435 = arith.constant 1 : i32
    %dma_start3A_436 = arith.constant 0 : i32
    %dma_start3A_437 = arith.constant 0 : i32
    %dma_start3A_438 = tpu.memref_slice %arg11[%dma_start3A_434, %dma_start3A_435, %dma_start3A_436, %dma_start3A_437] : memref<3x2x3x80xi32, #tpu.memory_space<vmem>> -> memref<1x1x1x80xi32, #tpu.memory_space<vmem>>
    %dma_start3A_439 = tpu.memref_squeeze %dma_start3A_438 : memref<1x1x1x80xi32, #tpu.memory_space<vmem>> -> memref<80xi32, #tpu.memory_space<vmem>>
    %dma_start3A_440 = arith.constant 0 : i32
    %dma_start3A_441 = arith.constant 0 : i32
    %dma_start3A_442 = tpu.memref_slice %arg10[%dma_start3A_440, %dma_start3A_441] : memref<10016x16xf32, #tpu.memory_space<vmem_shared>> -> memref<10016x16xf32, #tpu.memory_space<vmem_shared>>
    tpu.enqueue_indirect_dma source(%arg15 : memref<80x16xf32, #tpu.memory_space<vmem>>) target(%dma_start3A_442 : memref<10016x16xf32, #tpu.memory_space<vmem_shared>>) offsets(%dma_start3A_439 : memref<80xi32, #tpu.memory_space<vmem>>) semaphore(%arg19 : memref<!tpu.dma_semaphore, #tpu.memory_space<semaphore_mem>>) {add = true}
    %dma_wait3A_443 = arith.constant 2 : i32
    %dma_wait3A_444 = arith.constant 1 : i32
    %dma_wait3A_445 = arith.constant 0 : i32
    %dma_wait3A_446 = arith.constant 0 : i32
    %dma_wait3A_447 = tpu.memref_slice %arg11[%dma_wait3A_443, %dma_wait3A_444, %dma_wait3A_445, %dma_wait3A_446] : memref<3x2x3x80xi32, #tpu.memory_space<vmem>> -> memref<1x1x1x80xi32, #tpu.memory_space<vmem>>
    %dma_wait3A_448 = tpu.memref_squeeze %dma_wait3A_447 : memref<1x1x1x80xi32, #tpu.memory_space<vmem>> -> memref<80xi32, #tpu.memory_space<vmem>>
    %dma_wait3A_449 = arith.constant 0 : i32
    %dma_wait3A_450 = arith.constant 0 : i32
    %dma_wait3A_451 = tpu.memref_slice %arg9[%dma_wait3A_449, %dma_wait3A_450] : memref<10016x128xf32, #tpu.memory_space<vmem_shared>> -> memref<10016x128xf32, #tpu.memory_space<vmem_shared>>
    tpu.wait_indirect_dma semaphore(%arg21 : memref<!tpu.dma_semaphore, #tpu.memory_space<semaphore_mem>>) src(%arg14 : memref<80x128xf32, #tpu.memory_space<vmem>>) dst(%dma_wait3A_451 : memref<10016x128xf32, #tpu.memory_space<vmem_shared>>)
    %dma_wait3A_452 = arith.constant 2 : i32
    %dma_wait3A_453 = arith.constant 1 : i32
    %dma_wait3A_454 = arith.constant 0 : i32
    %dma_wait3A_455 = arith.constant 0 : i32
    %dma_wait3A_456 = tpu.memref_slice %arg11[%dma_wait3A_452, %dma_wait3A_453, %dma_wait3A_454, %dma_wait3A_455] : memref<3x2x3x80xi32, #tpu.memory_space<vmem>> -> memref<1x1x1x80xi32, #tpu.memory_space<vmem>>
    %dma_wait3A_457 = tpu.memref_squeeze %dma_wait3A_456 : memref<1x1x1x80xi32, #tpu.memory_space<vmem>> -> memref<80xi32, #tpu.memory_space<vmem>>
    %dma_wait3A_458 = arith.constant 0 : i32
    %dma_wait3A_459 = arith.constant 0 : i32
    %dma_wait3A_460 = tpu.memref_slice %arg10[%dma_wait3A_458, %dma_wait3A_459] : memref<10016x16xf32, #tpu.memory_space<vmem_shared>> -> memref<10016x16xf32, #tpu.memory_space<vmem_shared>>
    tpu.wait_indirect_dma semaphore(%arg21 : memref<!tpu.dma_semaphore, #tpu.memory_space<semaphore_mem>>) src(%arg15 : memref<80x16xf32, #tpu.memory_space<vmem>>) dst(%dma_wait3A_460 : memref<10016x16xf32, #tpu.memory_space<vmem_shared>>)
    %dma_start3A_461 = arith.constant 2 : i32
    %dma_start3A_462 = arith.constant 0 : i32
    %dma_start3A_463 = arith.constant 2 : i32
    %dma_start3A_464 = arith.constant 0 : i32
    %dma_start3A_465 = tpu.memref_slice %arg11[%dma_start3A_461, %dma_start3A_462, %dma_start3A_463, %dma_start3A_464] : memref<3x2x3x80xi32, #tpu.memory_space<vmem>> -> memref<1x1x1x80xi32, #tpu.memory_space<vmem>>
    %dma_start3A_466 = tpu.memref_squeeze %dma_start3A_465 : memref<1x1x1x80xi32, #tpu.memory_space<vmem>> -> memref<80xi32, #tpu.memory_space<vmem>>
    %dma_start3A_467 = arith.constant 0 : i32
    %dma_start3A_468 = arith.constant 0 : i32
    %dma_start3A_469 = tpu.memref_slice %arg2[%dma_start3A_467, %dma_start3A_468] : memref<10000x128xf32, #tpu.memory_space<hbm>> -> memref<10000x128xf32, #tpu.memory_space<hbm>>
    tpu.enqueue_indirect_dma source(%dma_start3A_469 : memref<10000x128xf32, #tpu.memory_space<hbm>>) target(%arg14 : memref<80x128xf32, #tpu.memory_space<vmem>>) offsets(%dma_start3A_466 : memref<80xi32, #tpu.memory_space<vmem>>) semaphore(%arg18 : memref<!tpu.dma_semaphore, #tpu.memory_space<semaphore_mem>>)
    %dma_wait3A_470 = arith.constant 2 : i32
    %dma_wait3A_471 = arith.constant 0 : i32
    %dma_wait3A_472 = arith.constant 1 : i32
    %dma_wait3A_473 = arith.constant 0 : i32
    %dma_wait3A_474 = tpu.memref_slice %arg11[%dma_wait3A_470, %dma_wait3A_471, %dma_wait3A_472, %dma_wait3A_473] : memref<3x2x3x80xi32, #tpu.memory_space<vmem>> -> memref<1x1x1x80xi32, #tpu.memory_space<vmem>>
    %dma_wait3A_475 = tpu.memref_squeeze %dma_wait3A_474 : memref<1x1x1x80xi32, #tpu.memory_space<vmem>> -> memref<80xi32, #tpu.memory_space<vmem>>
    %dma_wait3A_476 = arith.constant 0 : i32
    %dma_wait3A_477 = arith.constant 0 : i32
    %dma_wait3A_478 = tpu.memref_slice %arg2[%dma_wait3A_476, %dma_wait3A_477] : memref<10000x128xf32, #tpu.memory_space<hbm>> -> memref<10000x128xf32, #tpu.memory_space<hbm>>
    tpu.wait_indirect_dma semaphore(%arg17 : memref<!tpu.dma_semaphore, #tpu.memory_space<semaphore_mem>>) src(%dma_wait3A_478 : memref<10000x128xf32, #tpu.memory_space<hbm>>) dst(%arg13 : memref<80x128xf32, #tpu.memory_space<vmem>>)
    %dma_start3A_479 = arith.constant 2 : i32
    %dma_start3A_480 = arith.constant 1 : i32
    %dma_start3A_481 = arith.constant 1 : i32
    %dma_start3A_482 = arith.constant 0 : i32
    %dma_start3A_483 = tpu.memref_slice %arg11[%dma_start3A_479, %dma_start3A_480, %dma_start3A_481, %dma_start3A_482] : memref<3x2x3x80xi32, #tpu.memory_space<vmem>> -> memref<1x1x1x80xi32, #tpu.memory_space<vmem>>
    %dma_start3A_484 = tpu.memref_squeeze %dma_start3A_483 : memref<1x1x1x80xi32, #tpu.memory_space<vmem>> -> memref<80xi32, #tpu.memory_space<vmem>>
    %dma_start3A_485 = arith.constant 0 : i32
    %dma_start3A_486 = arith.constant 0 : i32
    %dma_start3A_487 = tpu.memref_slice %arg9[%dma_start3A_485, %dma_start3A_486] : memref<10016x128xf32, #tpu.memory_space<vmem_shared>> -> memref<10016x128xf32, #tpu.memory_space<vmem_shared>>
    tpu.enqueue_indirect_dma source(%arg13 : memref<80x128xf32, #tpu.memory_space<vmem>>) target(%dma_start3A_487 : memref<10016x128xf32, #tpu.memory_space<vmem_shared>>) offsets(%dma_start3A_484 : memref<80xi32, #tpu.memory_space<vmem>>) semaphore(%arg20 : memref<!tpu.dma_semaphore, #tpu.memory_space<semaphore_mem>>) {add = true}
    %dma_start3A_488 = arith.constant 2 : i32
    %dma_start3A_489 = arith.constant 1 : i32
    %dma_start3A_490 = arith.constant 1 : i32
    %dma_start3A_491 = arith.constant 0 : i32
    %dma_start3A_492 = tpu.memref_slice %arg11[%dma_start3A_488, %dma_start3A_489, %dma_start3A_490, %dma_start3A_491] : memref<3x2x3x80xi32, #tpu.memory_space<vmem>> -> memref<1x1x1x80xi32, #tpu.memory_space<vmem>>
    %dma_start3A_493 = tpu.memref_squeeze %dma_start3A_492 : memref<1x1x1x80xi32, #tpu.memory_space<vmem>> -> memref<80xi32, #tpu.memory_space<vmem>>
    %dma_start3A_494 = arith.constant 0 : i32
    %dma_start3A_495 = arith.constant 0 : i32
    %dma_start3A_496 = tpu.memref_slice %arg10[%dma_start3A_494, %dma_start3A_495] : memref<10016x16xf32, #tpu.memory_space<vmem_shared>> -> memref<10016x16xf32, #tpu.memory_space<vmem_shared>>
    tpu.enqueue_indirect_dma source(%arg15 : memref<80x16xf32, #tpu.memory_space<vmem>>) target(%dma_start3A_496 : memref<10016x16xf32, #tpu.memory_space<vmem_shared>>) offsets(%dma_start3A_493 : memref<80xi32, #tpu.memory_space<vmem>>) semaphore(%arg20 : memref<!tpu.dma_semaphore, #tpu.memory_space<semaphore_mem>>) {add = true}
    %dma_wait3A_497 = arith.constant 2 : i32
    %dma_wait3A_498 = arith.constant 1 : i32
    %dma_wait3A_499 = arith.constant 1 : i32
    %dma_wait3A_500 = arith.constant 0 : i32
    %dma_wait3A_501 = tpu.memref_slice %arg11[%dma_wait3A_497, %dma_wait3A_498, %dma_wait3A_499, %dma_wait3A_500] : memref<3x2x3x80xi32, #tpu.memory_space<vmem>> -> memref<1x1x1x80xi32, #tpu.memory_space<vmem>>
    %dma_wait3A_502 = tpu.memref_squeeze %dma_wait3A_501 : memref<1x1x1x80xi32, #tpu.memory_space<vmem>> -> memref<80xi32, #tpu.memory_space<vmem>>
    %dma_wait3A_503 = arith.constant 0 : i32
    %dma_wait3A_504 = arith.constant 0 : i32
    %dma_wait3A_505 = tpu.memref_slice %arg9[%dma_wait3A_503, %dma_wait3A_504] : memref<10016x128xf32, #tpu.memory_space<vmem_shared>> -> memref<10016x128xf32, #tpu.memory_space<vmem_shared>>
    tpu.wait_indirect_dma semaphore(%arg19 : memref<!tpu.dma_semaphore, #tpu.memory_space<semaphore_mem>>) src(%arg12 : memref<80x128xf32, #tpu.memory_space<vmem>>) dst(%dma_wait3A_505 : memref<10016x128xf32, #tpu.memory_space<vmem_shared>>)
    %dma_wait3A_506 = arith.constant 2 : i32
    %dma_wait3A_507 = arith.constant 1 : i32
    %dma_wait3A_508 = arith.constant 1 : i32
    %dma_wait3A_509 = arith.constant 0 : i32
    %dma_wait3A_510 = tpu.memref_slice %arg11[%dma_wait3A_506, %dma_wait3A_507, %dma_wait3A_508, %dma_wait3A_509] : memref<3x2x3x80xi32, #tpu.memory_space<vmem>> -> memref<1x1x1x80xi32, #tpu.memory_space<vmem>>
    %dma_wait3A_511 = tpu.memref_squeeze %dma_wait3A_510 : memref<1x1x1x80xi32, #tpu.memory_space<vmem>> -> memref<80xi32, #tpu.memory_space<vmem>>
    %dma_wait3A_512 = arith.constant 0 : i32
    %dma_wait3A_513 = arith.constant 0 : i32
    %dma_wait3A_514 = tpu.memref_slice %arg10[%dma_wait3A_512, %dma_wait3A_513] : memref<10016x16xf32, #tpu.memory_space<vmem_shared>> -> memref<10016x16xf32, #tpu.memory_space<vmem_shared>>
    tpu.wait_indirect_dma semaphore(%arg19 : memref<!tpu.dma_semaphore, #tpu.memory_space<semaphore_mem>>) src(%arg15 : memref<80x16xf32, #tpu.memory_space<vmem>>) dst(%dma_wait3A_514 : memref<10016x16xf32, #tpu.memory_space<vmem_shared>>)
    %dma_wait3A_515 = arith.constant 2 : i32
    %dma_wait3A_516 = arith.constant 0 : i32
    %dma_wait3A_517 = arith.constant 2 : i32
    %dma_wait3A_518 = arith.constant 0 : i32
    %dma_wait3A_519 = tpu.memref_slice %arg11[%dma_wait3A_515, %dma_wait3A_516, %dma_wait3A_517, %dma_wait3A_518] : memref<3x2x3x80xi32, #tpu.memory_space<vmem>> -> memref<1x1x1x80xi32, #tpu.memory_space<vmem>>
    %dma_wait3A_520 = tpu.memref_squeeze %dma_wait3A_519 : memref<1x1x1x80xi32, #tpu.memory_space<vmem>> -> memref<80xi32, #tpu.memory_space<vmem>>
    %dma_wait3A_521 = arith.constant 0 : i32
    %dma_wait3A_522 = arith.constant 0 : i32
    %dma_wait3A_523 = tpu.memref_slice %arg2[%dma_wait3A_521, %dma_wait3A_522] : memref<10000x128xf32, #tpu.memory_space<hbm>> -> memref<10000x128xf32, #tpu.memory_space<hbm>>
    tpu.wait_indirect_dma semaphore(%arg18 : memref<!tpu.dma_semaphore, #tpu.memory_space<semaphore_mem>>) src(%dma_wait3A_523 : memref<10000x128xf32, #tpu.memory_space<hbm>>) dst(%arg14 : memref<80x128xf32, #tpu.memory_space<vmem>>)
    %dma_start3A_524 = arith.constant 2 : i32
    %dma_start3A_525 = arith.constant 1 : i32
    %dma_start3A_526 = arith.constant 2 : i32
    %dma_start3A_527 = arith.constant 0 : i32
    %dma_start3A_528 = tpu.memref_slice %arg11[%dma_start3A_524, %dma_start3A_525, %dma_start3A_526, %dma_start3A_527] : memref<3x2x3x80xi32, #tpu.memory_space<vmem>> -> memref<1x1x1x80xi32, #tpu.memory_space<vmem>>
    %dma_start3A_529 = tpu.memref_squeeze %dma_start3A_528 : memref<1x1x1x80xi32, #tpu.memory_space<vmem>> -> memref<80xi32, #tpu.memory_space<vmem>>
    %dma_start3A_530 = arith.constant 0 : i32
    %dma_start3A_531 = arith.constant 0 : i32
    %dma_start3A_532 = tpu.memref_slice %arg9[%dma_start3A_530, %dma_start3A_531] : memref<10016x128xf32, #tpu.memory_space<vmem_shared>> -> memref<10016x128xf32, #tpu.memory_space<vmem_shared>>
    tpu.enqueue_indirect_dma source(%arg14 : memref<80x128xf32, #tpu.memory_space<vmem>>) target(%dma_start3A_532 : memref<10016x128xf32, #tpu.memory_space<vmem_shared>>) offsets(%dma_start3A_529 : memref<80xi32, #tpu.memory_space<vmem>>) semaphore(%arg21 : memref<!tpu.dma_semaphore, #tpu.memory_space<semaphore_mem>>) {add = true}
    %dma_start3A_533 = arith.constant 2 : i32
    %dma_start3A_534 = arith.constant 1 : i32
    %dma_start3A_535 = arith.constant 2 : i32
    %dma_start3A_536 = arith.constant 0 : i32
    %dma_start3A_537 = tpu.memref_slice %arg11[%dma_start3A_533, %dma_start3A_534, %dma_start3A_535, %dma_start3A_536] : memref<3x2x3x80xi32, #tpu.memory_space<vmem>> -> memref<1x1x1x80xi32, #tpu.memory_space<vmem>>
    %dma_start3A_538 = tpu.memref_squeeze %dma_start3A_537 : memref<1x1x1x80xi32, #tpu.memory_space<vmem>> -> memref<80xi32, #tpu.memory_space<vmem>>
    %dma_start3A_539 = arith.constant 0 : i32
    %dma_start3A_540 = arith.constant 0 : i32
    %dma_start3A_541 = tpu.memref_slice %arg10[%dma_start3A_539, %dma_start3A_540] : memref<10016x16xf32, #tpu.memory_space<vmem_shared>> -> memref<10016x16xf32, #tpu.memory_space<vmem_shared>>
    tpu.enqueue_indirect_dma source(%arg15 : memref<80x16xf32, #tpu.memory_space<vmem>>) target(%dma_start3A_541 : memref<10016x16xf32, #tpu.memory_space<vmem_shared>>) offsets(%dma_start3A_538 : memref<80xi32, #tpu.memory_space<vmem>>) semaphore(%arg21 : memref<!tpu.dma_semaphore, #tpu.memory_space<semaphore_mem>>) {add = true}
    %dma_wait3A_542 = arith.constant 2 : i32
    %dma_wait3A_543 = arith.constant 1 : i32
    %dma_wait3A_544 = arith.constant 2 : i32
    %dma_wait3A_545 = arith.constant 0 : i32
    %dma_wait3A_546 = tpu.memref_slice %arg11[%dma_wait3A_542, %dma_wait3A_543, %dma_wait3A_544, %dma_wait3A_545] : memref<3x2x3x80xi32, #tpu.memory_space<vmem>> -> memref<1x1x1x80xi32, #tpu.memory_space<vmem>>
    %dma_wait3A_547 = tpu.memref_squeeze %dma_wait3A_546 : memref<1x1x1x80xi32, #tpu.memory_space<vmem>> -> memref<80xi32, #tpu.memory_space<vmem>>
    %dma_wait3A_548 = arith.constant 0 : i32
    %dma_wait3A_549 = arith.constant 0 : i32
    %dma_wait3A_550 = tpu.memref_slice %arg9[%dma_wait3A_548, %dma_wait3A_549] : memref<10016x128xf32, #tpu.memory_space<vmem_shared>> -> memref<10016x128xf32, #tpu.memory_space<vmem_shared>>
    tpu.wait_indirect_dma semaphore(%arg20 : memref<!tpu.dma_semaphore, #tpu.memory_space<semaphore_mem>>) src(%arg13 : memref<80x128xf32, #tpu.memory_space<vmem>>) dst(%dma_wait3A_550 : memref<10016x128xf32, #tpu.memory_space<vmem_shared>>)
    %dma_wait3A_551 = arith.constant 2 : i32
    %dma_wait3A_552 = arith.constant 1 : i32
    %dma_wait3A_553 = arith.constant 2 : i32
    %dma_wait3A_554 = arith.constant 0 : i32
    %dma_wait3A_555 = tpu.memref_slice %arg11[%dma_wait3A_551, %dma_wait3A_552, %dma_wait3A_553, %dma_wait3A_554] : memref<3x2x3x80xi32, #tpu.memory_space<vmem>> -> memref<1x1x1x80xi32, #tpu.memory_space<vmem>>
    %dma_wait3A_556 = tpu.memref_squeeze %dma_wait3A_555 : memref<1x1x1x80xi32, #tpu.memory_space<vmem>> -> memref<80xi32, #tpu.memory_space<vmem>>
    %dma_wait3A_557 = arith.constant 0 : i32
    %dma_wait3A_558 = arith.constant 0 : i32
    %dma_wait3A_559 = tpu.memref_slice %arg10[%dma_wait3A_557, %dma_wait3A_558] : memref<10016x16xf32, #tpu.memory_space<vmem_shared>> -> memref<10016x16xf32, #tpu.memory_space<vmem_shared>>
    tpu.wait_indirect_dma semaphore(%arg20 : memref<!tpu.dma_semaphore, #tpu.memory_space<semaphore_mem>>) src(%arg15 : memref<80x16xf32, #tpu.memory_space<vmem>>) dst(%dma_wait3A_559 : memref<10016x16xf32, #tpu.memory_space<vmem_shared>>)
    %dma_wait3A_560 = arith.constant 2 : i32
    %dma_wait3A_561 = arith.constant 1 : i32
    %dma_wait3A_562 = arith.constant 2 : i32
    %dma_wait3A_563 = arith.constant 0 : i32
    %dma_wait3A_564 = tpu.memref_slice %arg11[%dma_wait3A_560, %dma_wait3A_561, %dma_wait3A_562, %dma_wait3A_563] : memref<3x2x3x80xi32, #tpu.memory_space<vmem>> -> memref<1x1x1x80xi32, #tpu.memory_space<vmem>>
    %dma_wait3A_565 = tpu.memref_squeeze %dma_wait3A_564 : memref<1x1x1x80xi32, #tpu.memory_space<vmem>> -> memref<80xi32, #tpu.memory_space<vmem>>
    %dma_wait3A_566 = arith.constant 0 : i32
    %dma_wait3A_567 = arith.constant 0 : i32
    %dma_wait3A_568 = tpu.memref_slice %arg9[%dma_wait3A_566, %dma_wait3A_567] : memref<10016x128xf32, #tpu.memory_space<vmem_shared>> -> memref<10016x128xf32, #tpu.memory_space<vmem_shared>>
    tpu.wait_indirect_dma semaphore(%arg21 : memref<!tpu.dma_semaphore, #tpu.memory_space<semaphore_mem>>) src(%arg14 : memref<80x128xf32, #tpu.memory_space<vmem>>) dst(%dma_wait3A_568 : memref<10016x128xf32, #tpu.memory_space<vmem_shared>>)
    %dma_wait3A_569 = arith.constant 2 : i32
    %dma_wait3A_570 = arith.constant 1 : i32
    %dma_wait3A_571 = arith.constant 2 : i32
    %dma_wait3A_572 = arith.constant 0 : i32
    %dma_wait3A_573 = tpu.memref_slice %arg11[%dma_wait3A_569, %dma_wait3A_570, %dma_wait3A_571, %dma_wait3A_572] : memref<3x2x3x80xi32, #tpu.memory_space<vmem>> -> memref<1x1x1x80xi32, #tpu.memory_space<vmem>>
    %dma_wait3A_574 = tpu.memref_squeeze %dma_wait3A_573 : memref<1x1x1x80xi32, #tpu.memory_space<vmem>> -> memref<80xi32, #tpu.memory_space<vmem>>
    %dma_wait3A_575 = arith.constant 0 : i32
    %dma_wait3A_576 = arith.constant 0 : i32
    %dma_wait3A_577 = tpu.memref_slice %arg10[%dma_wait3A_575, %dma_wait3A_576] : memref<10016x16xf32, #tpu.memory_space<vmem_shared>> -> memref<10016x16xf32, #tpu.memory_space<vmem_shared>>
    tpu.wait_indirect_dma semaphore(%arg21 : memref<!tpu.dma_semaphore, #tpu.memory_space<semaphore_mem>>) src(%arg15 : memref<80x16xf32, #tpu.memory_space<vmem>>) dst(%dma_wait3A_577 : memref<10016x16xf32, #tpu.memory_space<vmem_shared>>)
    %barrier3A_578 = arith.constant 0 : index
    tpu.barrier barrier_id(%barrier3A_578)
    "tpu.region"() ({
      %run_scoped3A_579 = tpu.sem_alloc : memref<!tpu.dma_semaphore, #tpu.memory_space<semaphore_mem>>
      %dma_start3A_580 = arith.constant 0 : i32
      %dma_start3A_581 = tpu.memref_slice %arg7[%arg0, %mul3A_2, %dma_start3A_580] : memref<2x10000x128xf32, #tpu.memory_space<hbm>> -> memref<1x625x128xf32, #tpu.memory_space<hbm>>
      %dma_start3A_582 = tpu.memref_squeeze %dma_start3A_581 : memref<1x625x128xf32, #tpu.memory_space<hbm>> -> memref<625x128xf32, #tpu.memory_space<hbm>>
      %dma_start3A_583 = arith.constant 0 : i32
      %dma_start3A_584 = tpu.memref_slice %arg9[%mul3A_2, %dma_start3A_583] : memref<10016x128xf32, #tpu.memory_space<vmem_shared>> -> memref<625x128xf32, #tpu.memory_space<vmem_shared>>
      tpu.enqueue_dma source(%dma_start3A_584 : memref<625x128xf32, #tpu.memory_space<vmem_shared>>) target(%dma_start3A_582 : memref<625x128xf32, #tpu.memory_space<hbm>>) target_semaphore(%run_scoped3A_579 : memref<!tpu.dma_semaphore, #tpu.memory_space<semaphore_mem>>)
      %dma_wait3A_585 = arith.constant 0 : i32
      %dma_wait3A_586 = tpu.memref_slice %arg7[%arg0, %mul3A_2, %dma_wait3A_585] : memref<2x10000x128xf32, #tpu.memory_space<hbm>> -> memref<1x625x128xf32, #tpu.memory_space<hbm>>
      %dma_wait3A_587 = tpu.memref_squeeze %dma_wait3A_586 : memref<1x625x128xf32, #tpu.memory_space<hbm>> -> memref<625x128xf32, #tpu.memory_space<hbm>>
      %dma_wait3A_588 = arith.constant 0 : i32
      %dma_wait3A_589 = tpu.memref_slice %arg9[%mul3A_2, %dma_wait3A_588] : memref<10016x128xf32, #tpu.memory_space<vmem_shared>> -> memref<625x128xf32, #tpu.memory_space<vmem_shared>>
      tpu.wait_dma2 semaphore(%run_scoped3A_579 : memref<!tpu.dma_semaphore, #tpu.memory_space<semaphore_mem>>) src(%dma_wait3A_589 : memref<625x128xf32, #tpu.memory_space<vmem_shared>>) dst(%dma_wait3A_587 : memref<625x128xf32, #tpu.memory_space<hbm>>)
      tpu.yield
    }) : () -> ()
    "tpu.region"() ({
      %run_scoped3A_579 = tpu.sem_alloc : memref<!tpu.dma_semaphore, #tpu.memory_space<semaphore_mem>>
      %dma_start3A_580 = arith.constant 0 : i32
      %dma_start3A_581 = tpu.memref_slice %arg8[%arg0, %mul3A_2, %dma_start3A_580] : memref<2x10000x16xf32, #tpu.memory_space<hbm>> -> memref<1x625x16xf32, #tpu.memory_space<hbm>>
      %dma_start3A_582 = tpu.memref_squeeze %dma_start3A_581 : memref<1x625x16xf32, #tpu.memory_space<hbm>> -> memref<625x16xf32, #tpu.memory_space<hbm>>
      %dma_start3A_583 = arith.constant 0 : i32
      %dma_start3A_584 = tpu.memref_slice %arg10[%mul3A_2, %dma_start3A_583] : memref<10016x16xf32, #tpu.memory_space<vmem_shared>> -> memref<625x16xf32, #tpu.memory_space<vmem_shared>>
      tpu.enqueue_dma source(%dma_start3A_584 : memref<625x16xf32, #tpu.memory_space<vmem_shared>>) target(%dma_start3A_582 : memref<625x16xf32, #tpu.memory_space<hbm>>) target_semaphore(%run_scoped3A_579 : memref<!tpu.dma_semaphore, #tpu.memory_space<semaphore_mem>>)
      %dma_wait3A_585 = arith.constant 0 : i32
      %dma_wait3A_586 = tpu.memref_slice %arg8[%arg0, %mul3A_2, %dma_wait3A_585] : memref<2x10000x16xf32, #tpu.memory_space<hbm>> -> memref<1x625x16xf32, #tpu.memory_space<hbm>>
      %dma_wait3A_587 = tpu.memref_squeeze %dma_wait3A_586 : memref<1x625x16xf32, #tpu.memory_space<hbm>> -> memref<625x16xf32, #tpu.memory_space<hbm>>
      %dma_wait3A_588 = arith.constant 0 : i32
      %dma_wait3A_589 = tpu.memref_slice %arg10[%mul3A_2, %dma_wait3A_588] : memref<10016x16xf32, #tpu.memory_space<vmem_shared>> -> memref<625x16xf32, #tpu.memory_space<vmem_shared>>
      tpu.wait_dma2 semaphore(%run_scoped3A_579 : memref<!tpu.dma_semaphore, #tpu.memory_space<semaphore_mem>>) src(%dma_wait3A_589 : memref<625x16xf32, #tpu.memory_space<vmem_shared>>) dst(%dma_wait3A_587 : memref<625x16xf32, #tpu.memory_space<hbm>>)
      tpu.yield
    }) : () -> ()
    return
  }
}

module attributes {stable_mosaic.version = 14 : i64} {
  func.func @_encode_body(%arg0: memref<10000x384xf32, #tpu.memory_space<vmem>>, %arg1: memref<384x128xf32, #tpu.memory_space<vmem>>, %arg2: memref<1x128xf32, #tpu.memory_space<vmem>>, %arg3: memref<1x384xf32, #tpu.memory_space<vmem>>, %arg4: memref<384x128xf32, #tpu.memory_space<vmem>>, %arg5: memref<1x128xf32, #tpu.memory_space<vmem>>, %arg6: memref<10000x128xf32, #tpu.memory_space<vmem>>) attributes {dimension_semantics = [], scalar_prefetch = 0 : i64, scratch_operands = 0 : i64, tpu.core_type = #tpu.core_type<tc>} {
    %get3A = arith.constant 0 : index
    %get3A_0 = arith.constant 0 : index
    %get3A_1 = vector.load %arg3[%get3A, %get3A_0] : memref<1x384xf32, #tpu.memory_space<vmem>>, vector<1x384xf32>
    %get3A_2 = arith.constant 0 : index
    %get3A_3 = arith.constant 0 : index
    %get3A_4 = vector.load %arg4[%get3A_2, %get3A_3] : memref<384x128xf32, #tpu.memory_space<vmem>>, vector<384x128xf32>
    %dot_general3A = arith.constant dense<0.000000e+00> : vector<1x128xf32>
    %dot_general3A_5 = tpu.matmul %get3A_1, %get3A_4, %dot_general3A {dimension_numbers = #tpu.dot_dimension_numbers<[1], [0], [0], [1], [0, 0, 1, 1], [], []>, transpose_lhs_hint = false} : vector<1x384xf32>, vector<384x128xf32>, vector<1x128xf32> -> vector<1x128xf32>
    %get3A_6 = arith.constant 0 : index
    %get3A_7 = arith.constant 0 : index
    %get3A_8 = vector.load %arg5[%get3A_6, %get3A_7] : memref<1x128xf32, #tpu.memory_space<vmem>>, vector<1x128xf32>
    %add3A = arith.addf %dot_general3A_5, %get3A_8 : vector<1x128xf32>
    %get3A_9 = arith.constant 0 : index
    %get3A_10 = arith.constant 0 : index
    %get3A_11 = vector.load %arg0[%get3A_9, %get3A_10] : memref<10000x384xf32, #tpu.memory_space<vmem>>, vector<10000x384xf32>
    %get3A_12 = arith.constant 0 : index
    %get3A_13 = arith.constant 0 : index
    %get3A_14 = vector.load %arg1[%get3A_12, %get3A_13] : memref<384x128xf32, #tpu.memory_space<vmem>>, vector<384x128xf32>
    %dot_general3A_15 = arith.constant dense<0.000000e+00> : vector<10000x128xf32>
    %dot_general3A_16 = tpu.matmul %get3A_11, %get3A_14, %dot_general3A_15 {dimension_numbers = #tpu.dot_dimension_numbers<[1], [0], [0], [1], [0, 0, 1, 1], [], []>, transpose_lhs_hint = false} : vector<10000x384xf32>, vector<384x128xf32>, vector<10000x128xf32> -> vector<10000x128xf32>
    %get3A_17 = arith.constant 0 : index
    %get3A_18 = arith.constant 0 : index
    %get3A_19 = vector.load %arg2[%get3A_17, %get3A_18] : memref<1x128xf32, #tpu.memory_space<vmem>>, vector<1x128xf32>
    %add3A_20 = vector.broadcast %get3A_19 : vector<1x128xf32> to vector<10000x128xf32>
    %add3A_21 = arith.addf %dot_general3A_16, %add3A_20 : vector<10000x128xf32>
    %add3A_22 = vector.broadcast %add3A : vector<1x128xf32> to vector<10000x128xf32>
    %add3A_23 = arith.addf %add3A_21, %add3A_22 : vector<10000x128xf32>
    %swap3A = arith.constant 0 : index
    %swap3A_24 = arith.constant 0 : index
    %swap3A_25 = vector.load %arg6[%swap3A, %swap3A_24] : memref<10000x128xf32, #tpu.memory_space<vmem>>, vector<10000x128xf32>
    tpu.vector_store %arg6[%swap3A, %swap3A_24], %add3A_23 {strides = array<i32>} : memref<10000x128xf32, #tpu.memory_space<vmem>>, vector<10000x128xf32>,
    return
  }
}

module attributes {stable_mosaic.version = 14 : i64} {
  func.func @_layer0_body(%arg0: memref<10000x128xf32, #tpu.memory_space<vmem>>, %arg1: memref<2x10000x128xf32, #tpu.memory_space<vmem>>, %arg2: memref<2x10000x16xf32, #tpu.memory_space<vmem>>, %arg3: memref<128x128xf32, #tpu.memory_space<vmem>>, %arg4: memref<1x128xf32, #tpu.memory_space<vmem>>, %arg5: memref<128x128xf32, #tpu.memory_space<vmem>>, %arg6: memref<1x128xf32, #tpu.memory_space<vmem>>, %arg7: memref<1x128xf32, #tpu.memory_space<vmem>>, %arg8: memref<10000x128xf32, #tpu.memory_space<vmem>>, %arg9: memref<10000x1xf32, #tpu.memory_space<vmem>>) attributes {dimension_semantics = [], scalar_prefetch = 0 : i64, scratch_operands = 0 : i64, tpu.core_type = #tpu.core_type<tc>} {
    %get3A = arith.constant 0 : index
    %get3A_0 = arith.constant 0 : index
    %get3A_1 = arith.constant 0 : index
    %get3A_2 = vector.load %arg2[%get3A, %get3A_0, %get3A_1] : memref<2x10000x16xf32, #tpu.memory_space<vmem>>, vector<1x10000x16xf32>
    %get3A_3 = vector.shape_cast %get3A_2 : vector<1x10000x16xf32> to vector<10000x16xf32>
    %get3A_4 = arith.constant 1 : index
    %get3A_5 = arith.constant 0 : index
    %get3A_6 = arith.constant 0 : index
    %get3A_7 = vector.load %arg2[%get3A_4, %get3A_5, %get3A_6] : memref<2x10000x16xf32, #tpu.memory_space<vmem>>, vector<1x10000x16xf32>
    %get3A_8 = vector.shape_cast %get3A_7 : vector<1x10000x16xf32> to vector<10000x16xf32>
    %add3A = arith.addf %get3A_3, %get3A_8 : vector<10000x16xf32>
    %slice3A = vector.extract_strided_slice %add3A {offsets = [0, 0], sizes = [10000, 1], strides = [1, 1]} : vector<10000x16xf32> to vector<10000x1xf32>
    %max3A = arith.constant 1.000000e+00 : f32
    %max3A_9 = vector.broadcast %max3A : f32 to vector<10000x1xf32>
    %max3A_10 = arith.maximumf %slice3A, %max3A_9 : vector<10000x1xf32>
    %get3A_11 = arith.constant 0 : index
    %get3A_12 = arith.constant 0 : index
    %get3A_13 = arith.constant 0 : index
    %get3A_14 = vector.load %arg1[%get3A_11, %get3A_12, %get3A_13] : memref<2x10000x128xf32, #tpu.memory_space<vmem>>, vector<1x10000x128xf32>
    %get3A_15 = vector.shape_cast %get3A_14 : vector<1x10000x128xf32> to vector<10000x128xf32>
    %get3A_16 = arith.constant 1 : index
    %get3A_17 = arith.constant 0 : index
    %get3A_18 = arith.constant 0 : index
    %get3A_19 = vector.load %arg1[%get3A_16, %get3A_17, %get3A_18] : memref<2x10000x128xf32, #tpu.memory_space<vmem>>, vector<1x10000x128xf32>
    %get3A_20 = vector.shape_cast %get3A_19 : vector<1x10000x128xf32> to vector<10000x128xf32>
    %add3A_21 = arith.addf %get3A_15, %get3A_20 : vector<10000x128xf32>
    %div3A = vector.broadcast %max3A_10 : vector<10000x1xf32> to vector<10000x128xf32>
    %div3A_22 = arith.divf %add3A_21, %div3A : vector<10000x128xf32>
    %get3A_23 = arith.constant 0 : index
    %get3A_24 = arith.constant 0 : index
    %get3A_25 = vector.load %arg0[%get3A_23, %get3A_24] : memref<10000x128xf32, #tpu.memory_space<vmem>>, vector<10000x128xf32>
    %get3A_26 = arith.constant 0 : index
    %get3A_27 = arith.constant 0 : index
    %get3A_28 = vector.load %arg3[%get3A_26, %get3A_27] : memref<128x128xf32, #tpu.memory_space<vmem>>, vector<128x128xf32>
    %dot_general3A = arith.constant dense<0.000000e+00> : vector<10000x128xf32>
    %dot_general3A_29 = tpu.matmul %div3A_22, %get3A_28, %dot_general3A {dimension_numbers = #tpu.dot_dimension_numbers<[1], [0], [0], [1], [0, 0, 1, 1], [], []>, transpose_lhs_hint = false} : vector<10000x128xf32>, vector<128x128xf32>, vector<10000x128xf32> -> vector<10000x128xf32>
    %get3A_30 = arith.constant 0 : index
    %get3A_31 = arith.constant 0 : index
    %get3A_32 = vector.load %arg4[%get3A_30, %get3A_31] : memref<1x128xf32, #tpu.memory_space<vmem>>, vector<1x128xf32>
    %add3A_33 = vector.broadcast %get3A_32 : vector<1x128xf32> to vector<10000x128xf32>
    %add3A_34 = arith.addf %dot_general3A_29, %add3A_33 : vector<10000x128xf32>
    %get3A_35 = arith.constant 0 : index
    %get3A_36 = arith.constant 0 : index
    %get3A_37 = vector.load %arg5[%get3A_35, %get3A_36] : memref<128x128xf32, #tpu.memory_space<vmem>>, vector<128x128xf32>
    %dot_general3A_38 = arith.constant dense<0.000000e+00> : vector<10000x128xf32>
    %dot_general3A_39 = tpu.matmul %get3A_25, %get3A_37, %dot_general3A_38 {dimension_numbers = #tpu.dot_dimension_numbers<[1], [0], [0], [1], [0, 0, 1, 1], [], []>, transpose_lhs_hint = false} : vector<10000x128xf32>, vector<128x128xf32>, vector<10000x128xf32> -> vector<10000x128xf32>
    %add3A_40 = arith.addf %add3A_34, %dot_general3A_39 : vector<10000x128xf32>
    %reduce_sum3A = arith.constant dense<0.000000e+00> : vector<10000xf32>
    %reduce_sum3A_41 = vector.multi_reduction <add>, %add3A_40, %reduce_sum3A [1] : vector<10000x128xf32> to vector<10000xf32>
    %broadcast_in_dim3A = vector.shape_cast %reduce_sum3A_41 : vector<10000xf32> to vector<10000x1xf32>
    %div3A_42 = arith.constant 1.280000e+02 : f32
    %div3A_43 = vector.broadcast %div3A_42 : f32 to vector<10000x1xf32>
    %div3A_44 = arith.divf %broadcast_in_dim3A, %div3A_43 : vector<10000x1xf32>
    %sub3A = vector.broadcast %div3A_44 : vector<10000x1xf32> to vector<10000x128xf32>
    %sub3A_45 = arith.subf %add3A_40, %sub3A : vector<10000x128xf32>
    %mul3A = arith.mulf %sub3A_45, %sub3A_45 : vector<10000x128xf32>
    %reduce_sum3A_46 = arith.constant dense<0.000000e+00> : vector<10000xf32>
    %reduce_sum3A_47 = vector.multi_reduction <add>, %mul3A, %reduce_sum3A_46 [1] : vector<10000x128xf32> to vector<10000xf32>
    %broadcast_in_dim3A_48 = vector.shape_cast %reduce_sum3A_47 : vector<10000xf32> to vector<10000x1xf32>
    %div3A_49 = arith.constant 1.280000e+02 : f32
    %div3A_50 = vector.broadcast %div3A_49 : f32 to vector<10000x1xf32>
    %div3A_51 = arith.divf %broadcast_in_dim3A_48, %div3A_50 : vector<10000x1xf32>
    %add3A_52 = arith.constant 9.99999974E-6 : f32
    %add3A_53 = vector.broadcast %add3A_52 : f32 to vector<10000x1xf32>
    %add3A_54 = arith.addf %div3A_51, %add3A_53 : vector<10000x1xf32>
    %rsqrt3A = math.rsqrt %add3A_54 : vector<10000x1xf32>
    %mul3A_55 = vector.broadcast %rsqrt3A : vector<10000x1xf32> to vector<10000x128xf32>
    %mul3A_56 = arith.mulf %sub3A_45, %mul3A_55 : vector<10000x128xf32>
    %get3A_57 = arith.constant 0 : index
    %get3A_58 = arith.constant 0 : index
    %get3A_59 = vector.load %arg6[%get3A_57, %get3A_58] : memref<1x128xf32, #tpu.memory_space<vmem>>, vector<1x128xf32>
    %mul3A_60 = vector.broadcast %get3A_59 : vector<1x128xf32> to vector<10000x128xf32>
    %mul3A_61 = arith.mulf %mul3A_56, %mul3A_60 : vector<10000x128xf32>
    %get3A_62 = arith.constant 0 : index
    %get3A_63 = arith.constant 0 : index
    %get3A_64 = vector.load %arg7[%get3A_62, %get3A_63] : memref<1x128xf32, #tpu.memory_space<vmem>>, vector<1x128xf32>
    %add3A_65 = vector.broadcast %get3A_64 : vector<1x128xf32> to vector<10000x128xf32>
    %add3A_66 = arith.addf %mul3A_61, %add3A_65 : vector<10000x128xf32>
    %add3A_67 = arith.addf %get3A_25, %add3A_66 : vector<10000x128xf32>
    %max3A_68 = arith.constant 0.000000e+00 : f32
    %max3A_69 = vector.broadcast %max3A_68 : f32 to vector<10000x128xf32>
    %max3A_70 = arith.maximumf %add3A_67, %max3A_69 : vector<10000x128xf32>
    %swap3A = arith.constant 0 : index
    %swap3A_71 = arith.constant 0 : index
    %swap3A_72 = vector.load %arg8[%swap3A, %swap3A_71] : memref<10000x128xf32, #tpu.memory_space<vmem>>, vector<10000x128xf32>
    tpu.vector_store %arg8[%swap3A, %swap3A_71], %max3A_70 {strides = array<i32>} : memref<10000x128xf32, #tpu.memory_space<vmem>>, vector<10000x128xf32>,
    %swap3A_73 = arith.constant 0 : index
    %swap3A_74 = arith.constant 0 : index
    %swap3A_75 = vector.load %arg9[%swap3A_73, %swap3A_74] : memref<10000x1xf32, #tpu.memory_space<vmem>>, vector<10000x1xf32>
    tpu.vector_store %arg9[%swap3A_73, %swap3A_74], %max3A_10 {strides = array<i32>} : memref<10000x1xf32, #tpu.memory_space<vmem>>, vector<10000x1xf32>,
    return
  }
}

module attributes {stable_mosaic.version = 14 : i64} {
  func.func @_final_body(%arg0: memref<10000x128xf32, #tpu.memory_space<vmem>>, %arg1: memref<2x10000x128xf32, #tpu.memory_space<vmem>>, %arg2: memref<10000x1xf32, #tpu.memory_space<vmem>>, %arg3: memref<128x128xf32, #tpu.memory_space<vmem>>, %arg4: memref<1x128xf32, #tpu.memory_space<vmem>>, %arg5: memref<128x128xf32, #tpu.memory_space<vmem>>, %arg6: memref<1x128xf32, #tpu.memory_space<vmem>>, %arg7: memref<1x128xf32, #tpu.memory_space<vmem>>, %arg8: memref<128x1xf32, #tpu.memory_space<vmem>>, %arg9: memref<1x1xf32, #tpu.memory_space<vmem>>, %arg10: memref<10000x128xf32, #tpu.memory_space<vmem>>, %arg11: memref<10000x1xf32, #tpu.memory_space<vmem>>) attributes {dimension_semantics = [], scalar_prefetch = 0 : i64, scratch_operands = 0 : i64, tpu.core_type = #tpu.core_type<tc>} {
    %get3A = arith.constant 0 : index
    %get3A_0 = arith.constant 0 : index
    %get3A_1 = arith.constant 0 : index
    %get3A_2 = vector.load %arg1[%get3A, %get3A_0, %get3A_1] : memref<2x10000x128xf32, #tpu.memory_space<vmem>>, vector<1x10000x128xf32>
    %get3A_3 = vector.shape_cast %get3A_2 : vector<1x10000x128xf32> to vector<10000x128xf32>
    %get3A_4 = arith.constant 1 : index
    %get3A_5 = arith.constant 0 : index
    %get3A_6 = arith.constant 0 : index
    %get3A_7 = vector.load %arg1[%get3A_4, %get3A_5, %get3A_6] : memref<2x10000x128xf32, #tpu.memory_space<vmem>>, vector<1x10000x128xf32>
    %get3A_8 = vector.shape_cast %get3A_7 : vector<1x10000x128xf32> to vector<10000x128xf32>
    %add3A = arith.addf %get3A_3, %get3A_8 : vector<10000x128xf32>
    %get3A_9 = arith.constant 0 : index
    %get3A_10 = arith.constant 0 : index
    %get3A_11 = vector.load %arg2[%get3A_9, %get3A_10] : memref<10000x1xf32, #tpu.memory_space<vmem>>, vector<10000x1xf32>
    %div3A = vector.broadcast %get3A_11 : vector<10000x1xf32> to vector<10000x128xf32>
    %div3A_12 = arith.divf %add3A, %div3A : vector<10000x128xf32>
    %get3A_13 = arith.constant 0 : index
    %get3A_14 = arith.constant 0 : index
    %get3A_15 = vector.load %arg0[%get3A_13, %get3A_14] : memref<10000x128xf32, #tpu.memory_space<vmem>>, vector<10000x128xf32>
    %get3A_16 = arith.constant 0 : index
    %get3A_17 = arith.constant 0 : index
    %get3A_18 = vector.load %arg3[%get3A_16, %get3A_17] : memref<128x128xf32, #tpu.memory_space<vmem>>, vector<128x128xf32>
    %dot_general3A = arith.constant dense<0.000000e+00> : vector<10000x128xf32>
    %dot_general3A_19 = tpu.matmul %div3A_12, %get3A_18, %dot_general3A {dimension_numbers = #tpu.dot_dimension_numbers<[1], [0], [0], [1], [0, 0, 1, 1], [], []>, transpose_lhs_hint = false} : vector<10000x128xf32>, vector<128x128xf32>, vector<10000x128xf32> -> vector<10000x128xf32>
    %get3A_20 = arith.constant 0 : index
    %get3A_21 = arith.constant 0 : index
    %get3A_22 = vector.load %arg4[%get3A_20, %get3A_21] : memref<1x128xf32, #tpu.memory_space<vmem>>, vector<1x128xf32>
    %add3A_23 = vector.broadcast %get3A_22 : vector<1x128xf32> to vector<10000x128xf32>
    %add3A_24 = arith.addf %dot_general3A_19, %add3A_23 : vector<10000x128xf32>
    %get3A_25 = arith.constant 0 : index
    %get3A_26 = arith.constant 0 : index
    %get3A_27 = vector.load %arg5[%get3A_25, %get3A_26] : memref<128x128xf32, #tpu.memory_space<vmem>>, vector<128x128xf32>
    %dot_general3A_28 = arith.constant dense<0.000000e+00> : vector<10000x128xf32>
    %dot_general3A_29 = tpu.matmul %get3A_15, %get3A_27, %dot_general3A_28 {dimension_numbers = #tpu.dot_dimension_numbers<[1], [0], [0], [1], [0, 0, 1, 1], [], []>, transpose_lhs_hint = false} : vector<10000x128xf32>, vector<128x128xf32>, vector<10000x128xf32> -> vector<10000x128xf32>
    %add3A_30 = arith.addf %add3A_24, %dot_general3A_29 : vector<10000x128xf32>
    %reduce_sum3A = arith.constant dense<0.000000e+00> : vector<10000xf32>
    %reduce_sum3A_31 = vector.multi_reduction <add>, %add3A_30, %reduce_sum3A [1] : vector<10000x128xf32> to vector<10000xf32>
    %broadcast_in_dim3A = vector.shape_cast %reduce_sum3A_31 : vector<10000xf32> to vector<10000x1xf32>
    %div3A_32 = arith.constant 1.280000e+02 : f32
    %div3A_33 = vector.broadcast %div3A_32 : f32 to vector<10000x1xf32>
    %div3A_34 = arith.divf %broadcast_in_dim3A, %div3A_33 : vector<10000x1xf32>
    %sub3A = vector.broadcast %div3A_34 : vector<10000x1xf32> to vector<10000x128xf32>
    %sub3A_35 = arith.subf %add3A_30, %sub3A : vector<10000x128xf32>
    %mul3A = arith.mulf %sub3A_35, %sub3A_35 : vector<10000x128xf32>
    %reduce_sum3A_36 = arith.constant dense<0.000000e+00> : vector<10000xf32>
    %reduce_sum3A_37 = vector.multi_reduction <add>, %mul3A, %reduce_sum3A_36 [1] : vector<10000x128xf32> to vector<10000xf32>
    %broadcast_in_dim3A_38 = vector.shape_cast %reduce_sum3A_37 : vector<10000xf32> to vector<10000x1xf32>
    %div3A_39 = arith.constant 1.280000e+02 : f32
    %div3A_40 = vector.broadcast %div3A_39 : f32 to vector<10000x1xf32>
    %div3A_41 = arith.divf %broadcast_in_dim3A_38, %div3A_40 : vector<10000x1xf32>
    %add3A_42 = arith.constant 9.99999974E-6 : f32
    %add3A_43 = vector.broadcast %add3A_42 : f32 to vector<10000x1xf32>
    %add3A_44 = arith.addf %div3A_41, %add3A_43 : vector<10000x1xf32>
    %rsqrt3A = math.rsqrt %add3A_44 : vector<10000x1xf32>
    %mul3A_45 = vector.broadcast %rsqrt3A : vector<10000x1xf32> to vector<10000x128xf32>
    %mul3A_46 = arith.mulf %sub3A_35, %mul3A_45 : vector<10000x128xf32>
    %get3A_47 = arith.constant 0 : index
    %get3A_48 = arith.constant 0 : index
    %get3A_49 = vector.load %arg6[%get3A_47, %get3A_48] : memref<1x128xf32, #tpu.memory_space<vmem>>, vector<1x128xf32>
    %mul3A_50 = vector.broadcast %get3A_49 : vector<1x128xf32> to vector<10000x128xf32>
    %mul3A_51 = arith.mulf %mul3A_46, %mul3A_50 : vector<10000x128xf32>
    %get3A_52 = arith.constant 0 : index
    %get3A_53 = arith.constant 0 : index
    %get3A_54 = vector.load %arg7[%get3A_52, %get3A_53] : memref<1x128xf32, #tpu.memory_space<vmem>>, vector<1x128xf32>
    %add3A_55 = vector.broadcast %get3A_54 : vector<1x128xf32> to vector<10000x128xf32>
    %add3A_56 = arith.addf %mul3A_51, %add3A_55 : vector<10000x128xf32>
    %add3A_57 = arith.addf %get3A_15, %add3A_56 : vector<10000x128xf32>
    %swap3A = arith.constant 0 : index
    %swap3A_58 = arith.constant 0 : index
    %swap3A_59 = vector.load %arg10[%swap3A, %swap3A_58] : memref<10000x128xf32, #tpu.memory_space<vmem>>, vector<10000x128xf32>
    tpu.vector_store %arg10[%swap3A, %swap3A_58], %add3A_57 {strides = array<i32>} : memref<10000x128xf32, #tpu.memory_space<vmem>>, vector<10000x128xf32>,
    %get3A_60 = arith.constant 0 : index
    %get3A_61 = arith.constant 0 : index
    %get3A_62 = vector.load %arg8[%get3A_60, %get3A_61] : memref<128x1xf32, #tpu.memory_space<vmem>>, vector<128x1xf32>
    %dot_general3A_63 = arith.constant dense<0.000000e+00> : vector<10000x1xf32>
    %dot_general3A_64 = tpu.matmul %add3A_57, %get3A_62, %dot_general3A_63 {dimension_numbers = #tpu.dot_dimension_numbers<[1], [0], [0], [1], [0, 0, 1, 1], [], []>, transpose_lhs_hint = false} : vector<10000x128xf32>, vector<128x1xf32>, vector<10000x1xf32> -> vector<10000x1xf32>
    %get3A_65 = arith.constant 0 : index
    %get3A_66 = arith.constant 0 : index
    %get3A_67 = vector.load %arg9[%get3A_65, %get3A_66] : memref<1x1xf32, #tpu.memory_space<vmem>>, vector<1x1xf32>
    %add3A_68 = vector.broadcast %get3A_67 : vector<1x1xf32> to vector<10000x1xf32>
    %add3A_69 = arith.addf %dot_general3A_64, %add3A_68 : vector<10000x1xf32>
    %reduce_max3A = arith.constant dense<0xFF800000> : vector<1xf32>
    %reduce_max3A_70 = vector.multi_reduction <maximumf>, %add3A_69, %reduce_max3A [0] : vector<10000x1xf32> to vector<1xf32>
    %broadcast_in_dim3A_71 = vector.shape_cast %reduce_max3A_70 : vector<1xf32> to vector<1x1xf32>
    %sub3A_72 = vector.broadcast %broadcast_in_dim3A_71 : vector<1x1xf32> to vector<10000x1xf32>
    %sub3A_73 = arith.subf %add3A_69, %sub3A_72 : vector<10000x1xf32>
    %exp3A = math.exp %sub3A_73 : vector<10000x1xf32>
    %reduce_sum3A_74 = arith.constant dense<0.000000e+00> : vector<1xf32>
    %reduce_sum3A_75 = vector.multi_reduction <add>, %exp3A, %reduce_sum3A_74 [0] : vector<10000x1xf32> to vector<1xf32>
    %broadcast_in_dim3A_76 = vector.shape_cast %reduce_sum3A_75 : vector<1xf32> to vector<1x1xf32>
    %div3A_77 = vector.broadcast %broadcast_in_dim3A_76 : vector<1x1xf32> to vector<10000x1xf32>
    %div3A_78 = arith.divf %exp3A, %div3A_77 : vector<10000x1xf32>
    %swap3A_79 = arith.constant 0 : index
    %swap3A_80 = arith.constant 0 : index
    %swap3A_81 = vector.load %arg11[%swap3A_79, %swap3A_80] : memref<10000x1xf32, #tpu.memory_space<vmem>>, vector<10000x1xf32>
    tpu.vector_store %arg11[%swap3A_79, %swap3A_80], %div3A_78 {strides = array<i32>} : memref<10000x1xf32, #tpu.memory_space<vmem>>, vector<10000x1xf32>,
    return
  }
}

</mosaic_0001>

<sc_bundles>
// kernel: kernel.10.cloned.1.call-start
scs
__scs_entry_jumppad:
0x0: {  	(pc) =	sbr.rel $0x88, $3  }
0x1: {  	(tag) =	ssettag $0x0;
	lr =	simm.s32 $0x1  }
0x2: {  	[smem:$0x3F8E] =	sst lr;
	_ =	strace $0xD0000000  }
0x3: {  	_ = 	snop  }
0x4: {  	_ = 	snop  }
0x5: {  	_ = 	snop  }
0x6: {  	_ = 	snop  }
0x7: {  	_ = 	snop  }
__scs_overlays_trampoline_lowered:
0x8: {  	[smem:$0x3F9D] =	sst s0  }
0x9: {  	[smem:$0x3F9E] =	sst s1  }
0xa: {  	[smem:$0x3F9F] =	sst s2  }
0xb: {  	[smem:$0x3FA0] =	sst s3  }
0xc: {  	[smem:$0x3FA1] =	sst s4  }
0xd: {  	[smem:$0x3FA2] =	sst s5  }
0xe: {  	[smem:$0x3FA3] =	sst s6  }
0xf: {  	[smem:$0x3FA4] =	sst s7  }
0x10: {  	[smem:$0x3FA5] =	sst s8  }
0x11: {  	[smem:$0x3FA6] =	sst s9;
	s0 =	simm.s32 @!p0 $0x0  }
0x12: {  	s1 =	sld [smem:$0x3F8C];
	s0 =	simm.s32 @p0 $0x1  }
0x13: {  	[smem:$0x3FA7] =	sst s0;
	s0 =	simm.s32 @!p1 $0x0  }
0x14: {  	s2 =	sld [smem:$0x3F8B];
	s0 =	simm.s32 @p1 $0x1  }
0x15: {  	[smem:$0x3FA8] =	sst s0;
	s0 =	simm.s32 @!p2 $0x0  }
0x16: {  	s3 =	sld [smem:$0x3FDB];
	s0 =	simm.s32 @p2 $0x1  }
0x17: {  	s4 =	simm.s32 $0x1BF5;
	[smem:$0x3FAA] =	sst s0  }
0x18: {  	s0 =	sld [smem:$0x3F8D];
	_ =	swait.ge [sflag:s4], $0x0  }
0x19: {  	s7 =	sld [smem:$0x3F8E]  }
0x1a: {  	s8 =	sadd.s32 $0xFFFFE003, lr  }
0x1b: {  	s9 =	sadd.s32 $0xFFFFFEF7, lr;
	s5 =	simm.s32 $0xFFFFFFFF;
	p2 =	slt.u32 s8, $0xFFFFF086  }
0x1c: {  	p1 =	slt.u32 s9, $0xF7A;
	s5 =	simm.s32 @!p2 $0x0  }
0x1d: {  	s5 =	simm.s32 @p1 $0x1;
	p0 =	seq.s32 s7, s2  }
0x1e: {  	s7 =	smul.u32 @!p0 $0xF7A, s2;
	p2 =	seq.s32 @!p0 s5, $0x0  }
0x1f: {  	s9 =	smul.u32 $0xF7A, s1;
	s8 =	simm.s32 @!p0 $0x1BF5;
	p2 =	por !p2, p0  }
0x20: {  	[sflag:s8] =	ssyncset.s32 @!p0 $0xFFFFF086;
	s6 =	sadd.s32 @!p0 s3, s7;
	s7 =	simm.s32 @!p0 $0x108  }
0x21: {  	s3 =	sadd.s32 s3, s9;
	s6 =	sadd.s32 @!p0 $0x88, s6;
	s7 =	simm.s32 @p2 $0x1082  }
0x22: {  	[simem:s7], [sflag:s8] =	dma.local @!p0 [hbm:s6], $0xF7A  }
0x23: {  	s9 =	sor.u32 $0xD0000000, s2;
	s6 =	simm.s32 $0x108;
	_ =	swait.ge @!p0 [sflag:s8], $0x0  }
0x24: {  	s3 =	sadd.s32 $0x88, s3;
	s6 =	simm.s32 @!p1 $0x1082;
	[sflag:s4] =	ssyncset.s32 $0xFFFFF086  }
0x25: {  	[simem:s6], [sflag:s4] =	dma.local [hbm:s3], $0xF7A  }
0x26: {  	[smem:$0x3F8E] =	sst s1;
	(tag) =	ssettag s2;
	_ =	strace s9  }
0x27: {  	s1 =	sld [smem:$0x3F9E]  }
0x28: {  	s2 =	sld [smem:$0x3F9F]  }
0x29: {  	s4 =	sld [smem:$0x3FA1]  }
0x2a: {  	p0 =	seq.s32 s5, $0x0;
	s5 =	sld [smem:$0x3FA2]  }
0x2b: {  	s6 =	sld [smem:$0x3FA3]  }
0x2c: {  	s7 =	sld [smem:$0x3FA4]  }
0x2d: {  	s3 =	simm.s32 $0x108;
	s8 =	sld [smem:$0x3FA5]  }
0x2e: {  	s3 =	simm.s32 @!p0 $0x1082;
	s9 =	sld [smem:$0x3FA6]  }
0x2f: {  	lr =	sadd.s32 s0, s3;
	s0 =	sld [smem:$0x3F9D]  }
0x30: {  	s3 =	sld [smem:$0x3FA0]  }
0x31: {  	[smem:$0x3FA9] =	sst s10  }
0x32: {  	s10 =	sld [smem:$0x3FA7];
	_ =	sdelay $0x3  }
0x33: {  	p0 =	seq.s32 s10, $0x1;
	s10 =	sld [smem:$0x3FA9];
	_ =	sdelay $0x3  }
0x34: {  	[smem:$0x3FA9] =	sst s10  }
0x35: {  	s10 =	sld [smem:$0x3FA8];
	_ =	sdelay $0x3  }
0x36: {  	p1 =	seq.s32 s10, $0x1;
	s10 =	sld [smem:$0x3FA9];
	_ =	sdelay $0x3  }
0x37: {  	[smem:$0x3FA9] =	sst s10  }
0x38: {  	s10 =	sld [smem:$0x3FAA]  }
0x39: {  	_ = 	snop;
	(pc) =	sbr.ind lr, $3  }
0x3a: {  	_ = 	snop  }
0x3b: {  	_ = 	snop  }
0x3c: {  	p2 =	seq.s32 s10, $0x1;
	s10 =	sld [smem:$0x3FA9]  }
0x3d: {  	_ =	shalt  }
0x3e: {  	_ =	shalt  }
0x3f: {  	_ =	shalt  }
0x40: {  	_ =	shalt  }
0x41: {  	_ =	shalt  }
0x42: {  	_ =	shalt  }
0x43: {  	_ =	shalt  }
0x44: {  	_ =	shalt  }
0x45: {  	_ =	shalt  }
0x46: {  	_ =	shalt  }
0x47: {  	_ =	shalt  }
0x48: {  	_ =	shalt  }
0x49: {  	_ =	shalt  }
0x4a: {  	_ =	shalt  }
0x4b: {  	_ =	shalt  }
0x4c: {  	_ =	shalt  }
0x4d: {  	_ =	shalt  }
0x4e: {  	_ =	shalt  }
0x4f: {  	_ =	shalt  }
0x50: {  	_ =	shalt  }
0x51: {  	_ =	shalt  }
0x52: {  	_ =	shalt  }
0x53: {  	_ =	shalt  }
0x54: {  	_ =	shalt  }
0x55: {  	_ =	shalt  }
0x56: {  	_ =	shalt  }
0x57: {  	_ =	shalt  }
0x58: {  	_ =	shalt  }
0x59: {  	_ =	shalt  }
0x5a: {  	_ =	shalt  }
0x5b: {  	_ =	shalt  }
0x5c: {  	_ =	shalt  }
0x5d: {  	_ =	shalt  }
0x5e: {  	_ =	shalt  }
0x5f: {  	_ =	shalt  }
0x60: {  	_ =	shalt  }
0x61: {  	_ =	shalt  }
0x62: {  	_ =	shalt  }
0x63: {  	_ =	shalt  }
0x64: {  	_ =	shalt  }
0x65: {  	_ =	shalt  }
0x66: {  	_ =	shalt  }
0x67: {  	_ =	shalt  }
0x68: {  	_ =	shalt  }
0x69: {  	_ =	shalt  }
0x6a: {  	_ =	shalt  }
0x6b: {  	_ =	shalt  }
0x6c: {  	_ =	shalt  }
0x6d: {  	_ =	shalt  }
0x6e: {  	_ =	shalt  }
0x6f: {  	_ =	shalt  }
0x70: {  	_ =	shalt  }
0x71: {  	_ =	shalt  }
0x72: {  	_ =	shalt  }
0x73: {  	_ =	shalt  }
0x74: {  	_ =	shalt  }
0x75: {  	_ =	shalt  }
0x76: {  	_ =	shalt  }
0x77: {  	_ =	shalt  }
0x78: {  	_ =	shalt  }
0x79: {  	_ =	shalt  }
0x7a: {  	_ =	shalt  }
0x7b: {  	_ =	shalt  }
0x7c: {  	_ =	shalt  }
0x7d: {  	_ =	shalt  }
0x7e: {  	_ =	shalt  }
0x7f: {  	_ =	shalt  }
0x80: {  	_ =	shalt  }
0x81: {  	_ =	shalt  }
0x82: {  	_ =	shalt  }
0x83: {  	_ =	shalt  }
0x84: {  	_ =	shalt  }
0x85: {  	_ =	shalt  }
0x86: {  	_ =	shalt  }
0x87: {  	_ =	shalt  }
.Lfunc_end0:
.L_simem_size_0:
called_computation.1_lowered:
.L_overlay_start_0:
0x88: {  	s2 =	sld [smem:$0x3FD9]  }
0x89: {  	s3 =	sld [smem:$0x3FFE];
	_ =	sdelay $0x1  }
0x8a: {  	s1 =	srdreg.scid  }
0x8b: {  	s0 =	sand.u32 $0x1, s1  }
0x8c: {  	s14 =	sshll.u32 s0, $0xA;
	s2 =	sadd.s32 s3, s2  }
0x8d: {  	s2 =	sadd.s32 s2, s14  }
0x8e: {  	[smem:$0x3FB5] =	sst s2  }
0x8f: {  	_ = 	snop  }
0x90: {  	s2 =	sld [smem:$0x3FD0];
	_ =	sdelay $0x2  }
0x91: {  	s15 =	simm.s32 $0xA;
	s4 =	simm.s32 $0x10  }
0x92: {  	[smem:s4], [sflag:s15] =	dma.local [hbm:s2], $0x1  }
0x93: {  	_ =	swait.eq [sflag:s15], $0x1  }
0x94: {  	[sflag:s15] =	ssyncset.done $0x0  }
0x95: {  	[sflag:s15] =	ssyncadd.s32 $0xFFFFFFFF  }
0x96: {  	s16 =	sld [smem:$0x10];
	(tm) =	ssettm $0x1  }
0x97: {  	s17 =	sld [smem:$0x3FFB];
	_ =	sdelay $0x3  }
0x98: {  	_ =	strace s17  }
0x99: {  	s3 =	sld [smem:$0x3FFC];
	_ =	sdelay $0x3  }
0x9a: {  	_ =	strace s3  }
0x9b: {  	s3 =	sld [smem:$0x3FFD];
	_ =	sdelay $0x3  }
0x9c: {  	_ =	strace s3  }
0x9d: {  	_ =	strace $0x8FFFFFFF  }
0x9e: {  	s18 =	sld [smem:$0x3FDB];
	_ =	sdelay $0x1  }
0x9f: {  	s19 =	simm.s32 $_scs_section_size  }
0xa0: {  	s5 =	simm.s32 $_size__tile_overlayer_lowered;
	s6 =	simm.s32 $_tile_overlayer_lowered  }
0xa1: {  	s22 =	simm.s32 $0x1BFF;
	s21 =	sshll.u32 s6, $0x1;
	s3 =	sadd.s32 s19, s18  }
0xa2: {  	s7 =	simm.s32 $0x0;
	s20 =	sshll.u32 s5, $0x1;
	s5 =	sadd.s32 s21, s3  }
0xa3: {  	[timem:s7], [sflag:s22] =	dma.local [hbm:s5], s20  }
0xa4: {  	_ =	swait.ge [sflag:s22], s20  }
0xa5: {  	s4 =	ssub.s32 $0x0, s20;
	[sflag:s22] =	ssyncset.done $0x0  }
0xa6: {  	[sflag:s22] =	ssyncadd.s32 s4;
	_ =	sdelay $0x1  }
0xa7: {  	s23 =	simm.s32 $0x1B8B  }
0xa8: {  	_ =	swait.ge [sflag:s23], $0x1  }
0xa9: {  	[sflag:s23] =	ssyncset.done $0x0  }
0xaa: {  	s25 =	simm.s32 $0x1B8E;
	s24 =	sld [smem:$0x3FFE];
	[sflag:s23] =	ssyncadd.s32 $0xFFFFFFFF  }
0xab: {  	s26 =	simm.s32 $execute0_lowered;
	[smem:$0x3FD2] =	sst s25  }
0xac: {  	s5 =	sshll.u32 s26, $0x1;
	_ =	strace $0x80000049;
	[dreg:$0x1] =	wrdreg $0xFFFFFFFF  }
0xad: {  	s28 =	simm.s32 $_size_execute0_lowered;
	s3 =	sadd.s32 s3, s5;
	[dreg:$0x0] =	wrdreg $0x0  }
0xae: {  	s5 =	sshll.u32 s28, $0x1;
	[dreg:$0x2] =	wrdreg s3  }
0xaf: {  	[dreg:$0x3] =	wrdreg s5  }
0xb0: {  	[dreg:$0x4] =	wrdreg $0xC0  }
0xb1: {  	_ =	task [dreg:s7], $0x5FFFF  }
0xb2: {  	[dreg:$0x1] =	wrdreg $0xFFFFFFFF  }
0xb3: {  	[dreg:$0x0] =	wrdreg $0x60  }
0xb4: {  	[dreg:$0x2] =	wrdreg s16  }
0xb5: {  	[dreg:$0x3] =	wrdreg s24  }
0xb6: {  	[dreg:$0x4] =	wrdreg $0x0  }
0xb7: {  	[dreg:$0x5] =	wrdreg $0x9  }
0xb8: {  	_ =	task.clear_ibuf [dreg:s7], $0x6FFFF;
	_ =	strace $0x90000049  }
0xb9: {  	s29 =	simm.s32 $0x9;
	_ =	strace $0x8000004B  }
0xba: {  	_ =	swait.ge [sflag:s29], $0x1  }
0xbb: {  	[sflag:s29] =	ssyncadd.s32 $0xFFFFFFFF  }
0xbc: {  	_ =	strace $0x9000004B  }
0xbd: {  	_ =	sfence  }
0xbe: {  	s30 =	sld [smem:$0x0];
	_ =	sdelay $0x2  }
0xbf: {  	s31 =	sshll.u32 s1, $0xD;
	s1 =	sshrl.u32 s1, $0x2  }
0xc0: {  	s3 =	sand.u32 $0x4000, s31;
	s1 =	sadd.s32 s1, s30  }
0xc1: {  	s0 =	sor.u32 s3, s0;
	s1 =	sshll.u32 s1, $0x11  }
0xc2: {  	s0 =	sor.u32 s1, s0  }
0xc3: {  	s0 =	sadd.s32 $0x8F2B, s0  }
0xc4: {  	[sflag:s0] =	ssyncadd.remote.s32 $0x1  }
0xc5: {  	_ =	sfence.sel $0xFFFF  }
0xc6: {  	[dreg:$0x0] =	wrdreg $0xFFFFFFFF;
	(pc) =	sbr.abs _section_cstart, $3  }
0xc7: {  	[dreg:$0x1] =	wrdreg $0xFFFFFFFF  }
0xc8: {  	_ =	task.clear_ibuf [dreg:s7], $0x2FFFF;
	_ =	strace $0x9FFFFFFF  }
0xc9: {  	(tm) =	ssettm $0x7FFFFFFF  }
tec
execute0_lowered:
.L_overlay_start_1:
0x0: {  	(tag) =	ssettag $0x1  }
0x1: {  	s2 =	rddreg [dreg:$0x0]  }
0x2: {  	s0 =	rddreg [dreg:$0x1]  }
0x3: {  	s3 =	rddreg [dreg:$0x2]  }
0x4: {  	s11 =	stileid.u32;
	s1 =	srdreg.scid  }
0x5: {  	s4 =	simm.s32 $0x0;
	s29 =	simm.s32 $0x166A0;
	s30 =	simm.s32 $0x1  }
0x6: {  	s28 =	simm.s32 $0x139A0;
	s6 =	smul.u32 $0x13880, s11;
	s1 =	sand.u32 $0x1, s1  }
0x7: {  	[smem:$0x7FF] =	sst s4;
	s19 =	sadd.s32 $0x4800, s0;
	s26 =	smul.u32 $0x4EC0, s11  }
0x8: {  	s9 =	sshll.u32 s11, $0x1;
	s11 =	sshll.u32 s11, $0x6;
	s7 =	smul.u32 $0x138800, s1  }
0x9: {  	_ =	strace $0x8000004A;
	s10 =	ssub.s32 $0x2, s1;
	s9 =	sor.u32 s1, s9  }
0xa: {  	s1 =	smul.u32 $0x2760, s1;
	s13 =	sor.u32 $0x1C0A, s11;
	s8 =	sshrl.u32 s6, $0x3  }
0xb: {  	s25 =	sshrl.u32 s10, $0x1;
	s9 =	smul.u32 $0x2760, s9;
	[dreg:$0xa] =	wrdreg s13  }
0xc: {  	s8 =	sadd.s32 s8, s0;
	s7 =	sadd.s32 s6, s7;
	s6 =	sadd.s32 s6, s3  }
0xd: {  	s1 =	sadd.s32 s1, s26;
	s7 =	sshrl.u32 s7, $0x3;
	s9 =	sshrl.u32 s9, $0x3  }
0xe: {  	s8 =	sadd.s32 $0x18400, s8;
	s14 =	sadd.s32 $0x4F0B0, s1;
	s15 =	sadd.s32 $0x4B0, s1  }
0xf: {  	s20 =	sadd.s32 $0x4EFC0, s1;
	s22 =	sadd.s32 $0x3C0, s1;
	s23 =	sadd.s32 $0x4EED0, s1  }
0x10: {  	s0 =	sadd.s32 s7, s0;
	s7 =	ssub.s32 s10, s25;
	[dreg:$0x9] =	wrdreg s8  }
0x11: {  	s9 =	sadd.s32 s19, s9;
	s8 =	sshrl.u32 s14, $0x3;
	s17 =	sshrl.u32 s15, $0x3  }
0x12: {  	s21 =	sshrl.u32 s20, $0x3;
	s25 =	sshrl.u32 s23, $0x3;
	s20 =	simm.s32 $0x13900  }
0x13: {  	s10 =	simm.s32 $0x3;
	s31 =	sadd.s32 $0x1E, s9;
	[dreg:$0xb] =	wrdreg s9  }
0x14: {  	s14 =	simm.s32 $0x9;
	s5 =	sadd.s32 $0x9D80, s9;
	[dreg:$0xc] =	wrdreg s31  }
0x15: {  	s15 =	simm.s32 $0x6;
	s11 =	sadd.s32 $0x9D9E, s9;
	[dreg:$0xd] =	wrdreg s5  }
0x16: {  	s23 =	simm.s32 $0x0;
	s12 =	sadd.s32 $0x3C, s9;
	[dreg:$0xe] =	wrdreg s11  }
0x17: {  	s9 =	sadd.s32 $0x9DBC, s9;
	s0 =	sadd.s32 $0x4E400, s0;
	[dreg:$0xf] =	wrdreg s12  }
0x18: {  	s16 =	sadd.s32 s8, s19;
	s18 =	sadd.s32 s17, s19;
	[dreg:$0x10] =	wrdreg s9  }
0x19: {  	s8 =	sshrl.u32 s22, $0x3;
	s7 =	smax.u32 s7, $0x1;
	[dreg:$0x11] =	wrdreg s0  }
0x1a: {  	s26 =	sadd.s32 s25, s19;
	s22 =	simm.s32 $0x139F0;
	[dreg:$0x4] =	wrdreg s16  }
0x1b: {  	s25 =	simm.s32 $0x50;
	s17 =	simm.s32 $0x13950;
	[dreg:$0x5] =	wrdreg s18  }
0x1c: {  	s0 =	sadd.s32 s21, s19;
	s24 =	sadd.s32 s8, s19;
	[dreg:$0x12] =	wrdreg s7  }
0x1d: {  	[dreg:$0x8] =	wrdreg s26;
	s31 =	sadd.s32 $0x2D0, s1;
	s8 =	sshrl.u32 s6, $0x3  }
0x1e: {  	s16 =	simm.s32 $0xA;
	s21 =	simm.s32 $0x13AE0;
	s26 =	simm.s32 $0x13EA0  }
0x1f: {  	s1 =	simm.s32 $0x2;
	s6 =	simm.s32 $0x13A40;
	[dreg:$0x6] =	wrdreg s0  }
0x20: {  	s9 =	simm.s32 $0x4;
	s5 =	simm.s32 $0x13A90;
	[dreg:$0x7] =	wrdreg s24  }
0x21: {  	s12 =	simm.s32 $0x5;
	s18 =	simm.s32 $0x7;
	[dreg:$0x13] =	wrdreg s31  }
0x22: {  	s11 =	simm.s32 $0x8;
	s0 =	simm.s32 $0x18EA0;
	[dreg:$0x14] =	wrdreg s8  }
.LBB2_1:
0x23: {  	[dreg:$0x15] =	wrdreg s23  }
0x24: {  	s7 =	rddreg [dreg:$0x9]  }
0x25: {  	[spmem:s8], [sflag:s13] =	dma.local [hbm:s7], $0x2710  }
0x26: {  	_ =	swait.ge [sflag:s16], $0x2710  }
0x27: {  	[sflag:s16] =	ssyncset.done $0x0  }
0x28: {  	s8 =	rddreg [dreg:$0xb];
	[sflag:s16] =	ssyncadd.s32 $0xFFFFD8F0  }
0x29: {  	[tilespmem:s20], [sflag:$0xA] =	stream.linear.gather [hbm4b:s8+s4], $0xF0, $0x38;
	[tilespmem:$0x1B6A0] =	vst v63  }
0x2a: {  	_ =	swait.ge [sflag:s16], $0xF0  }
0x2b: {  	[sflag:s16] =	ssyncset.done $0x0  }
0x2c: {  	s13 =	rddreg [dreg:$0xc];
	[sflag:s16] =	ssyncadd.s32 $0xFFFFFF10  }
0x2d: {  	[tilespmem:s21], [sflag:$0xA] =	stream.linear.gather [hbm4b:s13+s4], $0xF0, $0x38;
	[tilespmem:$0x1B6A0] =	vst v63  }
0x2e: {  	_ =	swait.ge [sflag:s16], $0xF0  }
0x2f: {  	[sflag:s16] =	ssyncset.done $0x0  }
0x30: {  	s23 =	rddreg [dreg:$0xd];
	[sflag:s16] =	ssyncadd.s32 $0xFFFFFF10  }
0x31: {  	[tilespmem:s22], [sflag:$0xA] =	stream.linear.gather [hbm4b:s23+s4], $0xF0, $0x38;
	[tilespmem:$0x1B6A0] =	vst v63  }
0x32: {  	_ =	swait.ge [sflag:s16], $0xF0  }
0x33: {  	[sflag:s16] =	ssyncset.done $0x0  }
0x34: {  	s13 =	simm.s32 $0x13BD0;
	s24 =	rddreg [dreg:$0xe];
	[sflag:s16] =	ssyncadd.s32 $0xFFFFFF10  }
0x35: {  	[tilespmem:s13], [sflag:$0xA] =	stream.linear.gather [hbm4b:s24+s4], $0xF0, $0x38;
	[tilespmem:$0x1B6A0] =	vst v63  }
0x36: {  	_ =	swait.ge [sflag:s16], $0xF0  }
0x37: {  	[sflag:s16] =	ssyncset.done $0x0  }
0x38: {  	s23 =	simm.s32 $0x13CC0;
	s31 =	rddreg [dreg:$0xf];
	[sflag:s16] =	ssyncadd.s32 $0xFFFFFF10  }
0x39: {  	[tilespmem:s23], [sflag:$0x9] =	stream.linear.gather [hbm4b:s31+s4], $0xF0, $0x38;
	[tilespmem:$0x1B6A0] =	vst v63  }
0x3a: {  	s24 =	simm.s32 $0x13DB0;
	s8 =	rddreg [dreg:$0x10]  }
0x3b: {  	[tilespmem:s24], [sflag:$0x9] =	stream.linear.gather [hbm4b:s8+s4], $0xF0, $0x38;
	[tilespmem:$0x1B6A0] =	vst v63  }
0x3c: {  	_ = 	snop  }
0x3d: {  	[tilespmem:s26], [sflag:$0x1] =	stream.indirect.gather [hbm4b:s2+s25], $0x80, s20, s25, $0xb8;
	[tilespmem:$0x1B6A0] =	vst v63  }
0x3e: {  	_ = 	snop  }
0x3f: {  	[tilespmem:s29], [sflag:$0x2] =	stream.indirect.gather [hbm4b:s2+s25], $0x80, s17, s25, $0xb8;
	[tilespmem:$0x1B6A0] =	vst v63  }
0x40: {  	[bflag:$0x0] =	sbarrier.arrive $0xFFFF  }
0x41: {  	_ =	swait.ge [sflag:s30], $0x2800  }
0x42: {  	[sflag:s30] =	ssyncset.done $0x0  }
0x43: {  	[sflag:s30] =	ssyncadd.s32 $0xFFFFD800  }
0x44: {  	[spmem:s3] =	stream.indirect.scatter.add.f32 [tilespmem:s26], [sflag:$0x4], $0x80, s22, s25, $0xb8;
	[tilespmem:$0x1B6A0] =	vst v63  }
0x45: {  	_ = 	snop  }
0x46: {  	[tilespmem:s0], [sflag:$0x3] =	stream.indirect.gather [hbm4b:s2+s25], $0x80, s28, s25, $0xb8;
	[tilespmem:$0x1B6A0] =	vst v63  }
0x47: {  	_ =	swait.ge [sflag:s1], $0x2800  }
0x48: {  	[sflag:s1] =	ssyncset.done $0x0  }
0x49: {  	[sflag:s1] =	ssyncadd.s32 $0xFFFFD800  }
0x4a: {  	[spmem:s3] =	stream.indirect.scatter.add.f32 [tilespmem:s29], [sflag:$0x5], $0x80, s6, s25, $0xb8;
	[tilespmem:$0x1B6A0] =	vst v63  }
0x4b: {  	_ =	swait.ge [sflag:s9], $0x2800  }
0x4c: {  	[sflag:s9] =	ssyncset.done $0x0  }
0x4d: {  	[sflag:s9] =	ssyncadd.s32 $0xFFFFD800  }
0x4e: {  	[tilespmem:s26], [sflag:$0x1] =	stream.indirect.gather [hbm4b:s2+s25], $0x80, s21, s25, $0xb8;
	[tilespmem:$0x1B6A0] =	vst v63  }
0x4f: {  	_ =	swait.ge [sflag:s10], $0x2800  }
0x50: {  	[sflag:s10] =	ssyncset.done $0x0  }
0x51: {  	[sflag:s10] =	ssyncadd.s32 $0xFFFFD800  }
0x52: {  	[spmem:s3] =	stream.indirect.scatter.add.f32 [tilespmem:s0], [sflag:$0x6], $0x80, s5, s25, $0xb8;
	[tilespmem:$0x1B6A0] =	vst v63  }
0x53: {  	_ =	swait.ge [sflag:s12], $0x2800  }
0x54: {  	[sflag:s12] =	ssyncset.done $0x0  }
0x55: {  	s16 =	simm.s32 $0x13B30;
	[sflag:s12] =	ssyncadd.s32 $0xFFFFD800  }
0x56: {  	[tilespmem:s29], [sflag:$0x2] =	stream.indirect.gather [hbm4b:s2+s25], $0x80, s16, s25, $0xb8;
	[tilespmem:$0x1B6A0] =	vst v63  }
0x57: {  	_ =	swait.ge [sflag:s14], $0xF0  }
0x58: {  	[sflag:s14] =	ssyncset.done $0x0  }
0x59: {  	[sflag:s14] =	ssyncadd.s32 $0xFFFFFF10  }
0x5a: {  	_ =	swait.ge [sflag:s14], $0xF0  }
0x5b: {  	[sflag:s14] =	ssyncset.done $0x0  }
0x5c: {  	[sflag:s14] =	ssyncadd.s32 $0xFFFFFF10  }
0x5d: {  	_ =	swait.ge [sflag:s30], $0x2800  }
0x5e: {  	[sflag:s30] =	ssyncset.done $0x0  }
0x5f: {  	[sflag:s30] =	ssyncadd.s32 $0xFFFFD800  }
0x60: {  	[spmem:s3] =	stream.indirect.scatter.add.f32 [tilespmem:s26], [sflag:$0x4], $0x80, s13, s25, $0xb8;
	[tilespmem:$0x1B6A0] =	vst v63  }
0x61: {  	_ =	swait.ge [sflag:s15], $0x2800  }
0x62: {  	[sflag:s15] =	ssyncset.done $0x0;
	s16 =	rddreg [dreg:$0x13]  }
0x63: {  	s31 =	simm.s32 $0x13B80;
	[sflag:s15] =	ssyncadd.s32 $0xFFFFD800;
	s7 =	sshrl.u32 s16, $0x3  }
0x64: {  	[tilespmem:s0], [sflag:$0x3] =	stream.indirect.gather [hbm4b:s2+s25], $0x80, s31, s25, $0xb8;
	[tilespmem:$0x1B6A0] =	vst v63  }
0x65: {  	s8 =	rddreg [dreg:$0x8];
	s7 =	sadd.s32 s19, s7  }
0x66: {  	[tilespmem:s20], [sflag:$0x7] =	stream.linear.gather [hbm4b:s7+s4], $0xF0, $0x38;
	[tilespmem:$0x1B6A0] =	vst v63  }
0x67: {  	s31 =	sadd.s32 $0x0, s8  }
0x68: {  	[tilespmem:s22], [sflag:$0x7] =	stream.linear.gather [hbm4b:s31+s4], $0xF0, $0x38;
	[tilespmem:$0x1B6A0] =	vst v63  }
0x69: {  	_ =	swait.ge [sflag:s1], $0x2800  }
0x6a: {  	[sflag:s1] =	ssyncset.done $0x0  }
0x6b: {  	s8 =	simm.s32 $0x13C20;
	[sflag:s1] =	ssyncadd.s32 $0xFFFFD800  }
0x6c: {  	[spmem:s3] =	stream.indirect.scatter.add.f32 [tilespmem:s29], [sflag:$0x5], $0x80, s8, s25, $0xb8;
	[tilespmem:$0x1B6A0] =	vst v63  }
0x6d: {  	_ =	swait.ge [sflag:s9], $0x2800  }
0x6e: {  	[sflag:s9] =	ssyncset.done $0x0  }
0x6f: {  	[sflag:s9] =	ssyncadd.s32 $0xFFFFD800  }
0x70: {  	[tilespmem:s26], [sflag:$0x1] =	stream.indirect.gather [hbm4b:s2+s25], $0x80, s23, s25, $0xb8;
	[tilespmem:$0x1B6A0] =	vst v63  }
0x71: {  	_ =	swait.ge [sflag:s10], $0x2800  }
0x72: {  	[sflag:s10] =	ssyncset.done $0x0  }
0x73: {  	s31 =	simm.s32 $0x13C70;
	[sflag:s10] =	ssyncadd.s32 $0xFFFFD800  }
0x74: {  	[spmem:s3] =	stream.indirect.scatter.add.f32 [tilespmem:s0], [sflag:$0x6], $0x80, s31, s25, $0xb8;
	[tilespmem:$0x1B6A0] =	vst v63  }
0x75: {  	_ =	swait.ge [sflag:s12], $0x2800  }
0x76: {  	[sflag:s12] =	ssyncset.done $0x0  }
0x77: {  	s8 =	simm.s32 $0x13D10;
	[sflag:s12] =	ssyncadd.s32 $0xFFFFD800  }
0x78: {  	[tilespmem:s29], [sflag:$0x2] =	stream.indirect.gather [hbm4b:s2+s25], $0x80, s8, s25, $0xb8;
	[tilespmem:$0x1B6A0] =	vst v63  }
0x79: {  	_ =	swait.ge [sflag:s18], $0xF0  }
0x7a: {  	[sflag:s18] =	ssyncset.done $0x0  }
0x7b: {  	[sflag:s18] =	ssyncadd.s32 $0xFFFFFF10  }
0x7c: {  	_ =	swait.ge [sflag:s18], $0xF0  }
0x7d: {  	[sflag:s18] =	ssyncset.done $0x0  }
0x7e: {  	[sflag:s18] =	ssyncadd.s32 $0xFFFFFF10  }
0x7f: {  	_ =	swait.ge [sflag:s30], $0x2800  }
0x80: {  	[sflag:s30] =	ssyncset.done $0x0  }
0x81: {  	[sflag:s30] =	ssyncadd.s32 $0xFFFFD800  }
0x82: {  	[spmem:s3] =	stream.indirect.scatter.add.f32 [tilespmem:s26], [sflag:$0x4], $0x80, s24, s25, $0xb8;
	[tilespmem:$0x1B6A0] =	vst v63  }
0x83: {  	_ =	swait.ge [sflag:s15], $0x2800  }
0x84: {  	[sflag:s15] =	ssyncset.done $0x0  }
0x85: {  	s31 =	simm.s32 $0x13D60;
	s7 =	rddreg [dreg:$0x7];
	[sflag:s15] =	ssyncadd.s32 $0xFFFFD800  }
0x86: {  	[tilespmem:s0], [sflag:$0x3] =	stream.indirect.gather [hbm4b:s2+s25], $0x80, s31, s25, $0xb8;
	[tilespmem:$0x1B6A0] =	vst v63  }
0x87: {  	s8 =	rddreg [dreg:$0x6];
	s7 =	sadd.s32 $0x0, s7  }
0x88: {  	[tilespmem:s21], [sflag:$0x8] =	stream.linear.gather [hbm4b:s7+s4], $0xF0, $0x38;
	[tilespmem:$0x1B6A0] =	vst v63  }
0x89: {  	s31 =	sadd.s32 $0x0, s8  }
0x8a: {  	[tilespmem:s13], [sflag:$0x8] =	stream.linear.gather [hbm4b:s31+s4], $0xF0, $0x38;
	[tilespmem:$0x1B6A0] =	vst v63  }
0x8b: {  	_ =	swait.ge [sflag:s1], $0x2800  }
0x8c: {  	[sflag:s1] =	ssyncset.done $0x0  }
0x8d: {  	s8 =	simm.s32 $0x13E00;
	[sflag:s1] =	ssyncadd.s32 $0xFFFFD800  }
0x8e: {  	[spmem:s3] =	stream.indirect.scatter.add.f32 [tilespmem:s29], [sflag:$0x5], $0x80, s8, s25, $0xb8;
	[tilespmem:$0x1B6A0] =	vst v63  }
0x8f: {  	_ =	swait.ge [sflag:s9], $0x2800  }
0x90: {  	[sflag:s9] =	ssyncset.done $0x0  }
0x91: {  	[sflag:s9] =	ssyncadd.s32 $0xFFFFD800  }
0x92: {  	[tilespmem:s26], [sflag:$0x1] =	stream.indirect.gather [hbm4b:s2+s25], $0x80, s20, s25, $0xb8;
	[tilespmem:$0x1B6A0] =	vst v63  }
0x93: {  	_ =	swait.ge [sflag:s10], $0x2800  }
0x94: {  	[sflag:s10] =	ssyncset.done $0x0  }
0x95: {  	s13 =	simm.s32 $0x13E50;
	[sflag:s10] =	ssyncadd.s32 $0xFFFFD800  }
0x96: {  	[spmem:s3] =	stream.indirect.scatter.add.f32 [tilespmem:s0], [sflag:$0x6], $0x80, s13, s25, $0xb8;
	[tilespmem:$0x1B6A0] =	vst v63  }
0x97: {  	_ =	swait.ge [sflag:s12], $0x2800  }
0x98: {  	[sflag:s12] =	ssyncset.done $0x0  }
0x99: {  	[sflag:s12] =	ssyncadd.s32 $0xFFFFD800  }
0x9a: {  	[tilespmem:s29], [sflag:$0x2] =	stream.indirect.gather [hbm4b:s2+s25], $0x80, s17, s25, $0xb8;
	[tilespmem:$0x1B6A0] =	vst v63  }
0x9b: {  	_ =	swait.ge [sflag:s11], $0xF0  }
0x9c: {  	[sflag:s11] =	ssyncset.done $0x0  }
0x9d: {  	[sflag:s11] =	ssyncadd.s32 $0xFFFFFF10  }
0x9e: {  	_ =	swait.ge [sflag:s11], $0xF0  }
0x9f: {  	[sflag:s11] =	ssyncset.done $0x0  }
0xa0: {  	[sflag:s11] =	ssyncadd.s32 $0xFFFFFF10  }
0xa1: {  	_ =	swait.ge [sflag:s30], $0x2800  }
0xa2: {  	[sflag:s30] =	ssyncset.done $0x0  }
0xa3: {  	[sflag:s30] =	ssyncadd.s32 $0xFFFFD800  }
0xa4: {  	[spmem:s3] =	stream.indirect.scatter.add.f32 [tilespmem:s26], [sflag:$0x4], $0x80, s22, s25, $0xb8;
	[tilespmem:$0x1B6A0] =	vst v63  }
0xa5: {  	_ =	swait.ge [sflag:s15], $0x2800  }
0xa6: {  	[sflag:s15] =	ssyncset.done $0x0  }
0xa7: {  	s20 =	rddreg [dreg:$0x5];
	[sflag:s15] =	ssyncadd.s32 $0xFFFFD800  }
0xa8: {  	[tilespmem:s0], [sflag:$0x3] =	stream.indirect.gather [hbm4b:s2+s25], $0x80, s28, s25, $0xb8;
	[tilespmem:$0x1B6A0] =	vst v63  }
0xa9: {  	s22 =	rddreg [dreg:$0x4];
	s7 =	sadd.s32 $0x0, s20  }
0xaa: {  	[tilespmem:s23], [sflag:$0x9] =	stream.linear.gather [hbm4b:s7+s4], $0xF0, $0x38;
	[tilespmem:$0x1B6A0] =	vst v63  }
0xab: {  	s31 =	sadd.s32 $0x0, s22  }
0xac: {  	[tilespmem:s24], [sflag:$0x9] =	stream.linear.gather [hbm4b:s31+s4], $0xF0, $0x38;
	[tilespmem:$0x1B6A0] =	vst v63  }
0xad: {  	_ =	swait.ge [sflag:s1], $0x2800  }
0xae: {  	[sflag:s1] =	ssyncset.done $0x0  }
0xaf: {  	[sflag:s1] =	ssyncadd.s32 $0xFFFFD800  }
0xb0: {  	[spmem:s3] =	stream.indirect.scatter.add.f32 [tilespmem:s29], [sflag:$0x5], $0x80, s6, s25, $0xb8;
	[tilespmem:$0x1B6A0] =	vst v63  }
0xb1: {  	_ =	swait.ge [sflag:s9], $0x2800  }
0xb2: {  	[sflag:s9] =	ssyncset.done $0x0  }
0xb3: {  	[sflag:s9] =	ssyncadd.s32 $0xFFFFD800  }
0xb4: {  	[tilespmem:s26], [sflag:$0x1] =	stream.indirect.gather [hbm4b:s2+s25], $0x80, s21, s25, $0xb8;
	[tilespmem:$0x1B6A0] =	vst v63  }
0xb5: {  	_ =	swait.ge [sflag:s10], $0x2800  }
0xb6: {  	[sflag:s10] =	ssyncset.done $0x0  }
0xb7: {  	s8 =	sadd.s32 $0x2D0, s16;
	[sflag:s10] =	ssyncadd.s32 $0xFFFFD800  }
0xb8: {  	[spmem:s3] =	stream.indirect.scatter.add.f32 [tilespmem:s0], [sflag:$0x6], $0x80, s5, s25, $0xb8;
	[tilespmem:$0x1B6A0] =	vst v63  }
0xb9: {  	s13 =	simm.s32 $0x5A;
	s20 =	simm.s32 $0x13900;
	_ =	swait.ge [sflag:s12], $0x2800  }
0xba: {  	s22 =	simm.s32 $0x139F0;
	s28 =	simm.s32 $0x13950;
	[sflag:s12] =	ssyncset.done $0x0  }
0xbb: {  	s21 =	simm.s32 $0x13AE0;
	s5 =	simm.s32 $0x13A90;
	[sflag:s12] =	ssyncadd.s32 $0xFFFFD800  }
.LBB2_2:
0xbc: {  	s6 =	simm.s32 $0x13B30  }
0xbd: {  	[tilespmem:s29], [sflag:$0x2] =	stream.indirect.gather [hbm4b:s2+s25], $0x80, s6, s25, $0xb8;
	[tilespmem:$0x1B6A0] =	vst v63  }
0xbe: {  	_ =	swait.ge [sflag:s14], $0xF0  }
0xbf: {  	[sflag:s14] =	ssyncset.done $0x0  }
0xc0: {  	[sflag:s14] =	ssyncadd.s32 $0xFFFFFF10  }
0xc1: {  	_ =	swait.ge [sflag:s14], $0xF0  }
0xc2: {  	[sflag:s14] =	ssyncset.done $0x0  }
0xc3: {  	[sflag:s14] =	ssyncadd.s32 $0xFFFFFF10  }
0xc4: {  	_ =	swait.ge [sflag:s30], $0x2800  }
0xc5: {  	[sflag:s30] =	ssyncset.done $0x0  }
0xc6: {  	s24 =	simm.s32 $0x13BD0;
	[sflag:s30] =	ssyncadd.s32 $0xFFFFD800  }
0xc7: {  	[spmem:s3] =	stream.indirect.scatter.add.f32 [tilespmem:s26], [sflag:$0x4], $0x80, s24, s25, $0xb8;
	[tilespmem:$0x1B6A0] =	vst v63  }
0xc8: {  	_ =	swait.ge [sflag:s15], $0x2800  }
0xc9: {  	[sflag:s15] =	ssyncset.done $0x0  }
0xca: {  	s16 =	sshrl.u32 s8, $0x3;
	s31 =	simm.s32 $0x13B80;
	[sflag:s15] =	ssyncadd.s32 $0xFFFFD800  }
0xcb: {  	[tilespmem:s0], [sflag:$0x3] =	stream.indirect.gather [hbm4b:s2+s25], $0x80, s31, s25, $0xb8;
	[tilespmem:$0x1B6A0] =	vst v63  }
0xcc: {  	s7 =	smov.u32 s13;
	s16 =	sadd.s32 s19, s16;
	s17 =	rddreg [dreg:$0x8]  }
0xcd: {  	[tilespmem:s20], [sflag:$0x7] =	stream.linear.gather [hbm4b:s16+s4], $0xF0, $0x38;
	[tilespmem:$0x1B6A0] =	vst v63  }
0xce: {  	s6 =	sadd.s32 s7, s17  }
0xcf: {  	[tilespmem:s22], [sflag:$0x7] =	stream.linear.gather [hbm4b:s6+s4], $0xF0, $0x38;
	[tilespmem:$0x1B6A0] =	vst v63  }
0xd0: {  	_ =	swait.ge [sflag:s1], $0x2800  }
0xd1: {  	[sflag:s1] =	ssyncset.done $0x0  }
0xd2: {  	s17 =	simm.s32 $0x13C20;
	[sflag:s1] =	ssyncadd.s32 $0xFFFFD800  }
0xd3: {  	[spmem:s3] =	stream.indirect.scatter.add.f32 [tilespmem:s29], [sflag:$0x5], $0x80, s17, s25, $0xb8;
	[tilespmem:$0x1B6A0] =	vst v63  }
0xd4: {  	_ =	swait.ge [sflag:s9], $0x2800  }
0xd5: {  	[sflag:s9] =	ssyncset.done $0x0  }
0xd6: {  	s31 =	simm.s32 $0x13CC0;
	[sflag:s9] =	ssyncadd.s32 $0xFFFFD800  }
0xd7: {  	[tilespmem:s26], [sflag:$0x1] =	stream.indirect.gather [hbm4b:s2+s25], $0x80, s31, s25, $0xb8;
	[tilespmem:$0x1B6A0] =	vst v63  }
0xd8: {  	_ =	swait.ge [sflag:s10], $0x2800  }
0xd9: {  	[sflag:s10] =	ssyncset.done $0x0  }
0xda: {  	s23 =	simm.s32 $0x13C70;
	[sflag:s10] =	ssyncadd.s32 $0xFFFFD800  }
0xdb: {  	[spmem:s3] =	stream.indirect.scatter.add.f32 [tilespmem:s0], [sflag:$0x6], $0x80, s23, s25, $0xb8;
	[tilespmem:$0x1B6A0] =	vst v63  }
0xdc: {  	_ =	swait.ge [sflag:s12], $0x2800  }
0xdd: {  	[sflag:s12] =	ssyncset.done $0x0  }
0xde: {  	s16 =	simm.s32 $0x13D10;
	[sflag:s12] =	ssyncadd.s32 $0xFFFFD800  }
0xdf: {  	[tilespmem:s29], [sflag:$0x2] =	stream.indirect.gather [hbm4b:s2+s25], $0x80, s16, s25, $0xb8;
	[tilespmem:$0x1B6A0] =	vst v63  }
0xe0: {  	_ =	swait.ge [sflag:s18], $0xF0  }
0xe1: {  	[sflag:s18] =	ssyncset.done $0x0  }
0xe2: {  	[sflag:s18] =	ssyncadd.s32 $0xFFFFFF10  }
0xe3: {  	_ =	swait.ge [sflag:s18], $0xF0  }
0xe4: {  	[sflag:s18] =	ssyncset.done $0x0  }
0xe5: {  	[sflag:s18] =	ssyncadd.s32 $0xFFFFFF10  }
0xe6: {  	_ =	swait.ge [sflag:s30], $0x2800  }
0xe7: {  	[sflag:s30] =	ssyncset.done $0x0  }
0xe8: {  	s6 =	simm.s32 $0x13DB0;
	[sflag:s30] =	ssyncadd.s32 $0xFFFFD800  }
0xe9: {  	[spmem:s3] =	stream.indirect.scatter.add.f32 [tilespmem:s26], [sflag:$0x4], $0x80, s6, s25, $0xb8;
	[tilespmem:$0x1B6A0] =	vst v63  }
0xea: {  	_ =	swait.ge [sflag:s15], $0x2800  }
0xeb: {  	[sflag:s15] =	ssyncset.done $0x0  }
0xec: {  	s23 =	simm.s32 $0x13D60;
	s16 =	rddreg [dreg:$0x7];
	[sflag:s15] =	ssyncadd.s32 $0xFFFFD800  }
0xed: {  	[tilespmem:s0], [sflag:$0x3] =	stream.indirect.gather [hbm4b:s2+s25], $0x80, s23, s25, $0xb8;
	[tilespmem:$0x1B6A0] =	vst v63  }
0xee: {  	s17 =	rddreg [dreg:$0x6];
	s16 =	sadd.s32 s7, s16  }
0xef: {  	[tilespmem:s21], [sflag:$0x8] =	stream.linear.gather [hbm4b:s16+s4], $0xF0, $0x38;
	[tilespmem:$0x1B6A0] =	vst v63  }
0xf0: {  	s17 =	sadd.s32 s7, s17  }
0xf1: {  	[tilespmem:s24], [sflag:$0x8] =	stream.linear.gather [hbm4b:s17+s4], $0xF0, $0x38;
	[tilespmem:$0x1B6A0] =	vst v63  }
0xf2: {  	_ =	swait.ge [sflag:s1], $0x2800  }
0xf3: {  	[sflag:s1] =	ssyncset.done $0x0  }
0xf4: {  	s17 =	simm.s32 $0x13E00;
	[sflag:s1] =	ssyncadd.s32 $0xFFFFD800  }
0xf5: {  	[spmem:s3] =	stream.indirect.scatter.add.f32 [tilespmem:s29], [sflag:$0x5], $0x80, s17, s25, $0xb8;
	[tilespmem:$0x1B6A0] =	vst v63  }
0xf6: {  	_ =	swait.ge [sflag:s9], $0x2800  }
0xf7: {  	[sflag:s9] =	ssyncset.done $0x0  }
0xf8: {  	[sflag:s9] =	ssyncadd.s32 $0xFFFFD800  }
0xf9: {  	[tilespmem:s26], [sflag:$0x1] =	stream.indirect.gather [hbm4b:s2+s25], $0x80, s20, s25, $0xb8;
	[tilespmem:$0x1B6A0] =	vst v63  }
0xfa: {  	_ =	swait.ge [sflag:s10], $0x2800  }
0xfb: {  	[sflag:s10] =	ssyncset.done $0x0  }
0xfc: {  	s24 =	simm.s32 $0x13E50;
	[sflag:s10] =	ssyncadd.s32 $0xFFFFD800  }
0xfd: {  	[spmem:s3] =	stream.indirect.scatter.add.f32 [tilespmem:s0], [sflag:$0x6], $0x80, s24, s25, $0xb8;
	[tilespmem:$0x1B6A0] =	vst v63  }
0xfe: {  	_ =	swait.ge [sflag:s12], $0x2800  }
0xff: {  	[sflag:s12] =	ssyncset.done $0x0  }
0x100: {  	[sflag:s12] =	ssyncadd.s32 $0xFFFFD800  }
0x101: {  	[tilespmem:s29], [sflag:$0x2] =	stream.indirect.gather [hbm4b:s2+s25], $0x80, s28, s25, $0xb8;
	[tilespmem:$0x1B6A0] =	vst v63  }
0x102: {  	_ =	swait.ge [sflag:s11], $0xF0  }
0x103: {  	[sflag:s11] =	ssyncset.done $0x0  }
0x104: {  	[sflag:s11] =	ssyncadd.s32 $0xFFFFFF10  }
0x105: {  	_ =	swait.ge [sflag:s11], $0xF0  }
0x106: {  	[sflag:s11] =	ssyncset.done $0x0  }
0x107: {  	[sflag:s11] =	ssyncadd.s32 $0xFFFFFF10  }
0x108: {  	_ =	swait.ge [sflag:s30], $0x2800  }
0x109: {  	[sflag:s30] =	ssyncset.done $0x0  }
0x10a: {  	[sflag:s30] =	ssyncadd.s32 $0xFFFFD800  }
0x10b: {  	[spmem:s3] =	stream.indirect.scatter.add.f32 [tilespmem:s26], [sflag:$0x4], $0x80, s22, s25, $0xb8;
	[tilespmem:$0x1B6A0] =	vst v63  }
0x10c: {  	_ =	swait.ge [sflag:s15], $0x2800  }
0x10d: {  	[sflag:s15] =	ssyncset.done $0x0  }
0x10e: {  	s24 =	simm.s32 $0x139A0;
	s16 =	rddreg [dreg:$0x5];
	[sflag:s15] =	ssyncadd.s32 $0xFFFFD800  }
0x10f: {  	[tilespmem:s0], [sflag:$0x3] =	stream.indirect.gather [hbm4b:s2+s25], $0x80, s24, s25, $0xb8;
	[tilespmem:$0x1B6A0] =	vst v63  }
0x110: {  	s17 =	rddreg [dreg:$0x4];
	s16 =	sadd.s32 s7, s16  }
0x111: {  	[tilespmem:s31], [sflag:$0x9] =	stream.linear.gather [hbm4b:s16+s4], $0xF0, $0x38;
	[tilespmem:$0x1B6A0] =	vst v63  }
0x112: {  	s7 =	sadd.s32 s7, s17  }
0x113: {  	[tilespmem:s6], [sflag:$0x9] =	stream.linear.gather [hbm4b:s7+s4], $0xF0, $0x38;
	[tilespmem:$0x1B6A0] =	vst v63  }
0x114: {  	_ =	swait.ge [sflag:s1], $0x2800  }
0x115: {  	[sflag:s1] =	ssyncset.done $0x0  }
0x116: {  	s31 =	simm.s32 $0x13A40;
	[sflag:s1] =	ssyncadd.s32 $0xFFFFD800  }
0x117: {  	[spmem:s3] =	stream.indirect.scatter.add.f32 [tilespmem:s29], [sflag:$0x5], $0x80, s31, s25, $0xb8;
	[tilespmem:$0x1B6A0] =	vst v63  }
0x118: {  	_ =	swait.ge [sflag:s9], $0x2800  }
0x119: {  	[sflag:s9] =	ssyncset.done $0x0  }
0x11a: {  	[sflag:s9] =	ssyncadd.s32 $0xFFFFD800  }
0x11b: {  	[tilespmem:s26], [sflag:$0x1] =	stream.indirect.gather [hbm4b:s2+s25], $0x80, s21, s25, $0xb8;
	[tilespmem:$0x1B6A0] =	vst v63  }
0x11c: {  	_ =	swait.ge [sflag:s10], $0x2800  }
0x11d: {  	p0 =	sne.s32 s13, $0x438;
	[sflag:s10] =	ssyncset.done $0x0  }
.Ltmp0:
0x11e: {  	[sflag:s10] =	ssyncadd.s32 $0xFFFFD800;
	(pc) =	sbr.rel @p0 .LBB2_2-.Ltmp0, $4  }
0x11f: {  	[spmem:s3] =	stream.indirect.scatter.add.f32 [tilespmem:s0], [sflag:$0x6], $0x80, s5, s25, $0xb8;
	[tilespmem:$0x1B6A0] =	vst v63  }
0x120: {  	s13 =	sadd.s32 $0x5A, s13;
	_ =	swait.ge [sflag:s12], $0x2800  }
0x121: {  	s8 =	sadd.s32 $0x2D0, s8;
	s23 =	simm.s32 $0x13BD0;
	[sflag:s12] =	ssyncset.done $0x0  }
0x122: {  	s24 =	simm.s32 $0x13CC0;
	s16 =	simm.s32 $0x13DB0;
	[sflag:s12] =	ssyncadd.s32 $0xFFFFD800  }
0x123: {  	s5 =	simm.s32 $0x13B30  }
0x124: {  	[tilespmem:s29], [sflag:$0x2] =	stream.indirect.gather [hbm4b:s2+s25], $0x80, s5, s25, $0xb8;
	[tilespmem:$0x1B6A0] =	vst v63  }
0x125: {  	_ =	swait.ge [sflag:s14], $0xF0  }
0x126: {  	[sflag:s14] =	ssyncset.done $0x0  }
0x127: {  	[sflag:s14] =	ssyncadd.s32 $0xFFFFFF10  }
0x128: {  	_ =	swait.ge [sflag:s14], $0xF0  }
0x129: {  	[sflag:s14] =	ssyncset.done $0x0  }
0x12a: {  	[sflag:s14] =	ssyncadd.s32 $0xFFFFFF10  }
0x12b: {  	_ =	swait.ge [sflag:s30], $0x2800  }
0x12c: {  	[sflag:s30] =	ssyncset.done $0x0  }
0x12d: {  	[sflag:s30] =	ssyncadd.s32 $0xFFFFD800  }
0x12e: {  	[spmem:s3] =	stream.indirect.scatter.add.f32 [tilespmem:s26], [sflag:$0x4], $0x80, s23, s25, $0xb8;
	[tilespmem:$0x1B6A0] =	vst v63  }
0x12f: {  	_ =	swait.ge [sflag:s15], $0x2800  }
0x130: {  	[sflag:s15] =	ssyncset.done $0x0  }
0x131: {  	s8 =	simm.s32 $0x13B80;
	[sflag:s15] =	ssyncadd.s32 $0xFFFFD800  }
0x132: {  	[tilespmem:s0], [sflag:$0x3] =	stream.indirect.gather [hbm4b:s2+s25], $0x80, s8, s25, $0xb8;
	[tilespmem:$0x1B6A0] =	vst v63  }
0x133: {  	_ =	swait.ge [sflag:s1], $0x2800  }
0x134: {  	[sflag:s1] =	ssyncset.done $0x0  }
0x135: {  	s13 =	simm.s32 $0x13C20;
	[sflag:s1] =	ssyncadd.s32 $0xFFFFD800  }
0x136: {  	[spmem:s3] =	stream.indirect.scatter.add.f32 [tilespmem:s29], [sflag:$0x5], $0x80, s13, s25, $0xb8;
	[tilespmem:$0x1B6A0] =	vst v63  }
0x137: {  	_ =	swait.ge [sflag:s9], $0x2800  }
0x138: {  	[sflag:s9] =	ssyncset.done $0x0  }
0x139: {  	[sflag:s9] =	ssyncadd.s32 $0xFFFFD800  }
0x13a: {  	[tilespmem:s26], [sflag:$0x1] =	stream.indirect.gather [hbm4b:s2+s25], $0x80, s24, s25, $0xb8;
	[tilespmem:$0x1B6A0] =	vst v63  }
0x13b: {  	_ =	swait.ge [sflag:s10], $0x2800  }
0x13c: {  	[sflag:s10] =	ssyncset.done $0x0  }
0x13d: {  	s17 =	simm.s32 $0x13C70;
	[sflag:s10] =	ssyncadd.s32 $0xFFFFD800  }
0x13e: {  	[spmem:s3] =	stream.indirect.scatter.add.f32 [tilespmem:s0], [sflag:$0x6], $0x80, s17, s25, $0xb8;
	[tilespmem:$0x1B6A0] =	vst v63  }
0x13f: {  	_ =	swait.ge [sflag:s12], $0x2800  }
0x140: {  	[sflag:s12] =	ssyncset.done $0x0  }
0x141: {  	s20 =	simm.s32 $0x13D10;
	[sflag:s12] =	ssyncadd.s32 $0xFFFFD800  }
0x142: {  	[tilespmem:s29], [sflag:$0x2] =	stream.indirect.gather [hbm4b:s2+s25], $0x80, s20, s25, $0xb8;
	[tilespmem:$0x1B6A0] =	vst v63  }
0x143: {  	_ =	swait.ge [sflag:s30], $0x2800  }
0x144: {  	[sflag:s30] =	ssyncset.done $0x0  }
0x145: {  	[sflag:s30] =	ssyncadd.s32 $0xFFFFD800  }
0x146: {  	[spmem:s3] =	stream.indirect.scatter.add.f32 [tilespmem:s26], [sflag:$0x4], $0x80, s16, s25, $0xb8;
	[tilespmem:$0x1B6A0] =	vst v63  }
0x147: {  	_ =	swait.ge [sflag:s15], $0x2800  }
0x148: {  	[sflag:s15] =	ssyncset.done $0x0  }
0x149: {  	s21 =	simm.s32 $0x13D60;
	[sflag:s15] =	ssyncadd.s32 $0xFFFFD800  }
0x14a: {  	[tilespmem:s0], [sflag:$0x3] =	stream.indirect.gather [hbm4b:s2+s25], $0x80, s21, s25, $0xb8;
	[tilespmem:$0x1B6A0] =	vst v63  }
0x14b: {  	_ =	swait.ge [sflag:s1], $0x2800  }
0x14c: {  	[sflag:s1] =	ssyncset.done $0x0  }
0x14d: {  	s22 =	simm.s32 $0x13E00;
	[sflag:s1] =	ssyncadd.s32 $0xFFFFD800  }
0x14e: {  	[spmem:s3] =	stream.indirect.scatter.add.f32 [tilespmem:s29], [sflag:$0x5], $0x80, s22, s25, $0xb8;
	[tilespmem:$0x1B6A0] =	vst v63  }
0x14f: {  	_ =	swait.ge [sflag:s9], $0x2800  }
0x150: {  	[sflag:s9] =	ssyncset.done $0x0  }
0x151: {  	[sflag:s9] =	ssyncadd.s32 $0xFFFFD800  }
0x152: {  	_ =	swait.ge [sflag:s10], $0x2800  }
0x153: {  	[sflag:s10] =	ssyncset.done $0x0  }
0x154: {  	s23 =	simm.s32 $0x13E50;
	[sflag:s10] =	ssyncadd.s32 $0xFFFFD800  }
0x155: {  	[spmem:s3] =	stream.indirect.scatter.add.f32 [tilespmem:s0], [sflag:$0x6], $0x80, s23, s25, $0xb8;
	[tilespmem:$0x1B6A0] =	vst v63  }
0x156: {  	_ =	swait.ge [sflag:s12], $0x2800  }
0x157: {  	[sflag:s12] =	ssyncset.done $0x0  }
0x158: {  	[sflag:s12] =	ssyncadd.s32 $0xFFFFD800  }
0x159: {  	_ =	swait.ge [sflag:s15], $0x2800  }
0x15a: {  	[sflag:s15] =	ssyncset.done $0x0  }
0x15b: {  	[sflag:s15] =	ssyncadd.s32 $0xFFFFD800  }
0x15c: {  	[bflag:$0x0] =	sbarrier.arrive $0xFFFF  }
0x15d: {  	s13 =	rddreg [dreg:$0xa]  }
0x15e: {  	s7 =	rddreg [dreg:$0x11]  }
0x15f: {  	s16 =	simm.s32 $0xA;
	s8 =	rddreg [dreg:$0x14]  }
0x160: {  	[hbm:s7], [sflag:s13] =	dma.local [spmem:s8], $0x2710  }
0x161: {  	_ =	swait.ge [sflag:s16], $0x2710  }
0x162: {  	s24 =	rddreg [dreg:$0x15]  }
0x163: {  	s31 =	rddreg [dreg:$0x12];
	s23 =	sadd.s32 $0x1, s24  }
0x164: {  	p0 =	sne.s32 s23, s31  }
.Ltmp1:
0x165: {  	_ = 	snop;
	(pc) =	sbr.rel @p0 .LBB2_1-.Ltmp1, $4  }
0x166: {  	_ = 	snop  }
0x167: {  	s28 =	simm.s32 $0x139A0;
	s6 =	simm.s32 $0x13A40;
	s5 =	simm.s32 $0x13A90  }
0x168: {  	s17 =	simm.s32 $0x13950;
	s20 =	simm.s32 $0x13900;
	[sflag:s16] =	ssyncset.done $0x0  }
0x169: {  	s21 =	simm.s32 $0x13AE0;
	s22 =	simm.s32 $0x139F0;
	[sflag:s16] =	ssyncadd.s32 $0xFFFFD8F0  }
0x16a: {  	_ =	sfence.sel $0x180000  }
0x16b: {  	[bflag:$0x0] =	sbarrier.arrive $0xFFFF  }
0x16c: {  	_ =	strace $0x9000004A  }
0x16d: {  	s0 =	stileid.u32;
	[bflag:$0x2] =	sbarrier.arrive $0xFFFF  }
0x16e: {  	p0 =	sne.s32 s0, $0x0;
	s0 =	rddreg [dreg:$0x3]  }
0x16f: {  	s0 =	sadd.s32 @!p0 $0x100000, s0  }
0x170: {  	[sflag:s0] =	ssyncadd.tile.s32 @!p0 $0x1;
	_ =	shalt  }
.Lfunc_end2:
_tile_overlayer_lowered:
.L_overlay_start_2:
0x171: {  	(tag) =	ssettag $0x2  }
0x172: {  	s0 =	rddreg [dreg:$0x0];
	s2 =	stileid.u32  }
0x173: {  	s1 =	rddreg [dreg:$0x1];
	p0 =	sne.s32 s2, $0x0  }
0x174: {  	s3 =	rddreg [dreg:$0x2];
	[bflag:$0x3] =	sbarrier.arrive $0xFFFF;
	s2 =	simm.s32 @!p0 $0x1C0A  }
0x175: {  	[timem:s3], [sflag:s2] =	dma.local @!p0 [hbm:s0], s1  }
0x176: {  	s0 =	simm.s32 @!p0 $0xA  }
0x177: {  	_ =	swait.ge @!p0 [sflag:s0], s1  }
0x178: {  	s1 =	ssub.s32 @!p0 $0x0, s1;
	[sflag:s0] =	ssyncset.done @!p0 $0x0  }
0x179: {  	[sflag:s0] =	ssyncadd.s32 @!p0 s1  }
0x17a: {  	[bflag:$0x3] =	sbarrier.arrive $0xFFFF  }
0x17b: {  	_ =	shalt  }

// kernel: kernel.7.cloned.1.call-start
scs
__scs_entry_jumppad:
0x0: {  	(pc) =	sbr.rel $0x88, $3  }
0x1: {  	(tag) =	ssettag $0x0;
	lr =	simm.s32 $0x1  }
0x2: {  	[smem:$0x3F8E] =	sst lr;
	_ =	strace $0xD0000000  }
0x3: {  	_ = 	snop  }
0x4: {  	_ = 	snop  }
0x5: {  	_ = 	snop  }
0x6: {  	_ = 	snop  }
0x7: {  	_ = 	snop  }
__scs_overlays_trampoline_lowered:
0x8: {  	[smem:$0x3F9D] =	sst s0  }
0x9: {  	[smem:$0x3F9E] =	sst s1  }
0xa: {  	[smem:$0x3F9F] =	sst s2  }
0xb: {  	[smem:$0x3FA0] =	sst s3  }
0xc: {  	[smem:$0x3FA1] =	sst s4  }
0xd: {  	[smem:$0x3FA2] =	sst s5  }
0xe: {  	[smem:$0x3FA3] =	sst s6  }
0xf: {  	[smem:$0x3FA4] =	sst s7  }
0x10: {  	[smem:$0x3FA5] =	sst s8  }
0x11: {  	[smem:$0x3FA6] =	sst s9;
	s0 =	simm.s32 @!p0 $0x0  }
0x12: {  	s1 =	sld [smem:$0x3F8C];
	s0 =	simm.s32 @p0 $0x1  }
0x13: {  	[smem:$0x3FA7] =	sst s0;
	s0 =	simm.s32 @!p1 $0x0  }
0x14: {  	s2 =	sld [smem:$0x3F8B];
	s0 =	simm.s32 @p1 $0x1  }
0x15: {  	[smem:$0x3FA8] =	sst s0;
	s0 =	simm.s32 @!p2 $0x0  }
0x16: {  	s3 =	sld [smem:$0x3FDB];
	s0 =	simm.s32 @p2 $0x1  }
0x17: {  	s4 =	simm.s32 $0x1BF5;
	[smem:$0x3FAA] =	sst s0  }
0x18: {  	s0 =	sld [smem:$0x3F8D];
	_ =	swait.ge [sflag:s4], $0x0  }
0x19: {  	s7 =	sld [smem:$0x3F8E]  }
0x1a: {  	s8 =	sadd.s32 $0xFFFFE003, lr  }
0x1b: {  	s9 =	sadd.s32 $0xFFFFFEF7, lr;
	s5 =	simm.s32 $0xFFFFFFFF;
	p2 =	slt.u32 s8, $0xFFFFF086  }
0x1c: {  	p1 =	slt.u32 s9, $0xF7A;
	s5 =	simm.s32 @!p2 $0x0  }
0x1d: {  	s5 =	simm.s32 @p1 $0x1;
	p0 =	seq.s32 s7, s2  }
0x1e: {  	s7 =	smul.u32 @!p0 $0xF7A, s2;
	p2 =	seq.s32 @!p0 s5, $0x0  }
0x1f: {  	s9 =	smul.u32 $0xF7A, s1;
	s8 =	simm.s32 @!p0 $0x1BF5;
	p2 =	por !p2, p0  }
0x20: {  	[sflag:s8] =	ssyncset.s32 @!p0 $0xFFFFF086;
	s6 =	sadd.s32 @!p0 s3, s7;
	s7 =	simm.s32 @!p0 $0x108  }
0x21: {  	s3 =	sadd.s32 s3, s9;
	s6 =	sadd.s32 @!p0 $0x88, s6;
	s7 =	simm.s32 @p2 $0x1082  }
0x22: {  	[simem:s7], [sflag:s8] =	dma.local @!p0 [hbm:s6], $0xF7A  }
0x23: {  	s9 =	sor.u32 $0xD0000000, s2;
	s6 =	simm.s32 $0x108;
	_ =	swait.ge @!p0 [sflag:s8], $0x0  }
0x24: {  	s3 =	sadd.s32 $0x88, s3;
	s6 =	simm.s32 @!p1 $0x1082;
	[sflag:s4] =	ssyncset.s32 $0xFFFFF086  }
0x25: {  	[simem:s6], [sflag:s4] =	dma.local [hbm:s3], $0xF7A  }
0x26: {  	[smem:$0x3F8E] =	sst s1;
	(tag) =	ssettag s2;
	_ =	strace s9  }
0x27: {  	s1 =	sld [smem:$0x3F9E]  }
0x28: {  	s2 =	sld [smem:$0x3F9F]  }
0x29: {  	s4 =	sld [smem:$0x3FA1]  }
0x2a: {  	p0 =	seq.s32 s5, $0x0;
	s5 =	sld [smem:$0x3FA2]  }
0x2b: {  	s6 =	sld [smem:$0x3FA3]  }
0x2c: {  	s7 =	sld [smem:$0x3FA4]  }
0x2d: {  	s3 =	simm.s32 $0x108;
	s8 =	sld [smem:$0x3FA5]  }
0x2e: {  	s3 =	simm.s32 @!p0 $0x1082;
	s9 =	sld [smem:$0x3FA6]  }
0x2f: {  	lr =	sadd.s32 s0, s3;
	s0 =	sld [smem:$0x3F9D]  }
0x30: {  	s3 =	sld [smem:$0x3FA0]  }
0x31: {  	[smem:$0x3FA9] =	sst s10  }
0x32: {  	s10 =	sld [smem:$0x3FA7];
	_ =	sdelay $0x3  }
0x33: {  	p0 =	seq.s32 s10, $0x1;
	s10 =	sld [smem:$0x3FA9];
	_ =	sdelay $0x3  }
0x34: {  	[smem:$0x3FA9] =	sst s10  }
0x35: {  	s10 =	sld [smem:$0x3FA8];
	_ =	sdelay $0x3  }
0x36: {  	p1 =	seq.s32 s10, $0x1;
	s10 =	sld [smem:$0x3FA9];
	_ =	sdelay $0x3  }
0x37: {  	[smem:$0x3FA9] =	sst s10  }
0x38: {  	s10 =	sld [smem:$0x3FAA]  }
0x39: {  	_ = 	snop;
	(pc) =	sbr.ind lr, $3  }
0x3a: {  	_ = 	snop  }
0x3b: {  	_ = 	snop  }
0x3c: {  	p2 =	seq.s32 s10, $0x1;
	s10 =	sld [smem:$0x3FA9]  }
0x3d: {  	_ =	shalt  }
0x3e: {  	_ =	shalt  }
0x3f: {  	_ =	shalt  }
0x40: {  	_ =	shalt  }
0x41: {  	_ =	shalt  }
0x42: {  	_ =	shalt  }
0x43: {  	_ =	shalt  }
0x44: {  	_ =	shalt  }
0x45: {  	_ =	shalt  }
0x46: {  	_ =	shalt  }
0x47: {  	_ =	shalt  }
0x48: {  	_ =	shalt  }
0x49: {  	_ =	shalt  }
0x4a: {  	_ =	shalt  }
0x4b: {  	_ =	shalt  }
0x4c: {  	_ =	shalt  }
0x4d: {  	_ =	shalt  }
0x4e: {  	_ =	shalt  }
0x4f: {  	_ =	shalt  }
0x50: {  	_ =	shalt  }
0x51: {  	_ =	shalt  }
0x52: {  	_ =	shalt  }
0x53: {  	_ =	shalt  }
0x54: {  	_ =	shalt  }
0x55: {  	_ =	shalt  }
0x56: {  	_ =	shalt  }
0x57: {  	_ =	shalt  }
0x58: {  	_ =	shalt  }
0x59: {  	_ =	shalt  }
0x5a: {  	_ =	shalt  }
0x5b: {  	_ =	shalt  }
0x5c: {  	_ =	shalt  }
0x5d: {  	_ =	shalt  }
0x5e: {  	_ =	shalt  }
0x5f: {  	_ =	shalt  }
0x60: {  	_ =	shalt  }
0x61: {  	_ =	shalt  }
0x62: {  	_ =	shalt  }
0x63: {  	_ =	shalt  }
0x64: {  	_ =	shalt  }
0x65: {  	_ =	shalt  }
0x66: {  	_ =	shalt  }
0x67: {  	_ =	shalt  }
0x68: {  	_ =	shalt  }
0x69: {  	_ =	shalt  }
0x6a: {  	_ =	shalt  }
0x6b: {  	_ =	shalt  }
0x6c: {  	_ =	shalt  }
0x6d: {  	_ =	shalt  }
0x6e: {  	_ =	shalt  }
0x6f: {  	_ =	shalt  }
0x70: {  	_ =	shalt  }
0x71: {  	_ =	shalt  }
0x72: {  	_ =	shalt  }
0x73: {  	_ =	shalt  }
0x74: {  	_ =	shalt  }
0x75: {  	_ =	shalt  }
0x76: {  	_ =	shalt  }
0x77: {  	_ =	shalt  }
0x78: {  	_ =	shalt  }
0x79: {  	_ =	shalt  }
0x7a: {  	_ =	shalt  }
0x7b: {  	_ =	shalt  }
0x7c: {  	_ =	shalt  }
0x7d: {  	_ =	shalt  }
0x7e: {  	_ =	shalt  }
0x7f: {  	_ =	shalt  }
0x80: {  	_ =	shalt  }
0x81: {  	_ =	shalt  }
0x82: {  	_ =	shalt  }
0x83: {  	_ =	shalt  }
0x84: {  	_ =	shalt  }
0x85: {  	_ =	shalt  }
0x86: {  	_ =	shalt  }
0x87: {  	_ =	shalt  }
.Lfunc_end0:
.L_simem_size_0:
called_computation_lowered:
.L_overlay_start_0:
0x88: {  	s2 =	sld [smem:$0x3FD9]  }
0x89: {  	s3 =	sld [smem:$0x3FFE];
	_ =	sdelay $0x1  }
0x8a: {  	s1 =	srdreg.scid  }
0x8b: {  	s0 =	sand.u32 $0x1, s1  }
0x8c: {  	s14 =	sshll.u32 s0, $0xA;
	s2 =	sadd.s32 s3, s2  }
0x8d: {  	s2 =	sadd.s32 s2, s14  }
0x8e: {  	[smem:$0x3FB5] =	sst s2  }
0x8f: {  	_ = 	snop  }
0x90: {  	s2 =	sld [smem:$0x3FD0];
	_ =	sdelay $0x2  }
0x91: {  	s15 =	simm.s32 $0xA;
	s4 =	simm.s32 $0x10  }
0x92: {  	[smem:s4], [sflag:s15] =	dma.local [hbm:s2], $0x1  }
0x93: {  	_ =	swait.eq [sflag:s15], $0x1  }
0x94: {  	[sflag:s15] =	ssyncset.done $0x0  }
0x95: {  	s16 =	sld [smem:$0x10];
	[sflag:s15] =	ssyncadd.s32 $0xFFFFFFFF  }
0x96: {  	s17 =	sld [smem:$0x11];
	(tm) =	ssettm $0x1  }
0x97: {  	s18 =	sld [smem:$0x3FFB];
	_ =	sdelay $0x3  }
0x98: {  	_ =	strace s18  }
0x99: {  	s4 =	sld [smem:$0x3FFC];
	_ =	sdelay $0x3  }
0x9a: {  	_ =	strace s4  }
0x9b: {  	s4 =	sld [smem:$0x3FFD];
	_ =	sdelay $0x3  }
0x9c: {  	_ =	strace s4  }
0x9d: {  	_ =	strace $0x8FFFFFFF  }
0x9e: {  	s19 =	sld [smem:$0x3FDB];
	_ =	sdelay $0x1  }
0x9f: {  	s5 =	simm.s32 $_scs_section_size  }
0xa0: {  	s6 =	simm.s32 $_size__tile_overlayer_lowered;
	s7 =	simm.s32 $_tile_overlayer_lowered  }
0xa1: {  	s22 =	simm.s32 $0x1BFF;
	s21 =	sshll.u32 s7, $0x1;
	s4 =	sadd.s32 s5, s19  }
0xa2: {  	s8 =	simm.s32 $0x0;
	s20 =	sshll.u32 s6, $0x1;
	s6 =	sadd.s32 s21, s4  }
0xa3: {  	[timem:s8], [sflag:s22] =	dma.local [hbm:s6], s20  }
0xa4: {  	_ =	swait.ge [sflag:s22], s20  }
0xa5: {  	s5 =	ssub.s32 $0x0, s20;
	[sflag:s22] =	ssyncset.done $0x0  }
0xa6: {  	[sflag:s22] =	ssyncadd.s32 s5;
	_ =	sdelay $0x1  }
0xa7: {  	s23 =	simm.s32 $0x1B8B  }
0xa8: {  	_ =	swait.ge [sflag:s23], $0x1  }
0xa9: {  	[sflag:s23] =	ssyncset.done $0x0  }
0xaa: {  	s25 =	simm.s32 $0x1B8E;
	s24 =	sld [smem:$0x3FFE];
	[sflag:s23] =	ssyncadd.s32 $0xFFFFFFFF  }
0xab: {  	s26 =	simm.s32 $execute0_lowered;
	[smem:$0x3FD2] =	sst s25  }
0xac: {  	s6 =	sshll.u32 s26, $0x1;
	_ =	strace $0x80000046;
	[dreg:$0x1] =	wrdreg $0xFFFFFFFF  }
0xad: {  	s28 =	simm.s32 $_size_execute0_lowered;
	s4 =	sadd.s32 s4, s6;
	[dreg:$0x0] =	wrdreg $0x0  }
0xae: {  	s6 =	sshll.u32 s28, $0x1;
	[dreg:$0x2] =	wrdreg s4  }
0xaf: {  	[dreg:$0x3] =	wrdreg s6  }
0xb0: {  	[dreg:$0x4] =	wrdreg $0xC0  }
0xb1: {  	_ =	task [dreg:s8], $0x5FFFF  }
0xb2: {  	[dreg:$0x1] =	wrdreg $0xFFFFFFFF  }
0xb3: {  	[dreg:$0x0] =	wrdreg $0x60  }
0xb4: {  	[dreg:$0x2] =	wrdreg s16  }
0xb5: {  	[dreg:$0x3] =	wrdreg s24  }
0xb6: {  	[dreg:$0x4] =	wrdreg s17  }
0xb7: {  	[dreg:$0x5] =	wrdreg $0x0  }
0xb8: {  	[dreg:$0x6] =	wrdreg $0x139000  }
0xb9: {  	[dreg:$0x7] =	wrdreg $0x9  }
0xba: {  	_ =	task.clear_ibuf [dreg:s8], $0x8FFFF;
	_ =	strace $0x90000046  }
0xbb: {  	s29 =	simm.s32 $0x9;
	_ =	strace $0x80000048  }
0xbc: {  	_ =	swait.ge [sflag:s29], $0x1  }
0xbd: {  	[sflag:s29] =	ssyncadd.s32 $0xFFFFFFFF  }
0xbe: {  	_ =	strace $0x90000048  }
0xbf: {  	_ =	sfence  }
0xc0: {  	s30 =	sld [smem:$0x0];
	_ =	sdelay $0x2  }
0xc1: {  	s31 =	sshll.u32 s1, $0xD;
	s1 =	sshrl.u32 s1, $0x2  }
0xc2: {  	s3 =	sand.u32 $0x4000, s31;
	s1 =	sadd.s32 s1, s30  }
0xc3: {  	s0 =	sor.u32 s3, s0;
	s1 =	sshll.u32 s1, $0x11  }
0xc4: {  	s0 =	sor.u32 s1, s0  }
0xc5: {  	s0 =	sadd.s32 $0x8F2B, s0  }
0xc6: {  	[sflag:s0] =	ssyncadd.remote.s32 $0x1  }
0xc7: {  	_ =	sfence.sel $0xFFFF  }
0xc8: {  	[dreg:$0x0] =	wrdreg $0xFFFFFFFF;
	(pc) =	sbr.abs _section_cstart, $3  }
0xc9: {  	[dreg:$0x1] =	wrdreg $0xFFFFFFFF  }
0xca: {  	_ =	task.clear_ibuf [dreg:s8], $0x2FFFF;
	_ =	strace $0x9FFFFFFF  }
0xcb: {  	(tm) =	ssettm $0x7FFFFFFF  }
tec
execute0_lowered:
.L_overlay_start_1:
0x0: {  	(tag) =	ssettag $0x1  }
0x1: {  	s1 =	rddreg [dreg:$0x0]  }
0x2: {  	s0 =	rddreg [dreg:$0x1]  }
0x3: {  	s4 =	rddreg [dreg:$0x3]  }
0x4: {  	s5 =	rddreg [dreg:$0x4]  }
0x5: {  	s14 =	stileid.u32;
	s3 =	srdreg.scid;
	s6 =	simm.s32 $0x0  }
0x6: {  	s28 =	simm.s32 $0x16110;
	s29 =	simm.s32 $0x162F0;
	s2 =	smul.u32 $0x13880, s14  }
0x7: {  	s31 =	simm.s32 $0x164D0;
	s30 =	simm.s32 $0x160C0;
	s7 =	smul.u32 $0x2710, s14  }
0x8: {  	s3 =	sand.u32 $0x1, s3;
	[smem:$0x7FF] =	sst s6;
	s19 =	smul.u32 $0x4EC0, s14  }
0x9: {  	s18 =	sadd.s32 $0x4800, s0;
	s12 =	sshll.u32 s14, $0x1;
	s8 =	smul.u32 $0x138800, s3  }
0xa: {  	s16 =	sshll.u32 s14, $0x6;
	_ =	strace $0x80000047;
	s11 =	smul.u32 $0x27100, s3  }
0xb: {  	s13 =	ssub.s32 $0x2, s3;
	s12 =	sor.u32 s3, s12;
	s20 =	smul.u32 $0x2760, s3  }
0xc: {  	s9 =	sshrl.u32 s2, $0x3;
	s10 =	sshrl.u32 s7, $0x3;
	s26 =	sshrl.u32 s13, $0x1  }
0xd: {  	s12 =	smul.u32 $0x2760, s12;
	s21 =	sadd.s32 s7, s5;
	s8 =	sadd.s32 s2, s8  }
0xe: {  	s9 =	sadd.s32 s9, s0;
	s10 =	sadd.s32 s10, s0;
	s11 =	sadd.s32 s7, s11  }
0xf: {  	s2 =	sadd.s32 s2, s4;
	[dreg:$0xf] =	wrdreg s21;
	s8 =	sshrl.u32 s8, $0x3  }
0x10: {  	s11 =	sshrl.u32 s11, $0x3;
	[dreg:$0xb] =	wrdreg s2;
	s15 =	sadd.s32 $0x18400, s9  }
0x11: {  	s17 =	sshrl.u32 s12, $0x3;
	s22 =	sadd.s32 $0x3F600, s10;
	s2 =	sadd.s32 s20, s19  }
0x12: {  	s8 =	sadd.s32 s8, s0;
	s0 =	sadd.s32 s11, s0;
	s11 =	ssub.s32 s13, s26  }
0x13: {  	[dreg:$0xc] =	wrdreg s15;
	s15 =	sor.u32 $0x1C0A, s16;
	s9 =	sadd.s32 s18, s17  }
0x14: {  	[dreg:$0x10] =	wrdreg s22;
	s12 =	sadd.s32 $0x4B0, s2;
	s17 =	sadd.s32 $0x4EFC0, s2  }
0x15: {  	s20 =	sadd.s32 $0x3C0, s2;
	s21 =	sadd.s32 $0x4EED0, s2;
	[dreg:$0xe] =	wrdreg s9  }
0x16: {  	s23 =	sadd.s32 $0x1E, s9;
	s24 =	sadd.s32 $0x9D80, s9;
	[dreg:$0xd] =	wrdreg s15  }
0x17: {  	s25 =	sadd.s32 $0x9D9E, s9;
	s26 =	sadd.s32 $0x3C, s9;
	[dreg:$0x11] =	wrdreg s23  }
0x18: {  	s7 =	sadd.s32 $0x9DBC, s9;
	s9 =	sadd.s32 $0x4F0B0, s2;
	[dreg:$0x12] =	wrdreg s24  }
0x19: {  	s10 =	sadd.s32 $0x4E400, s8;
	s0 =	sadd.s32 $0x44600, s0;
	[dreg:$0x13] =	wrdreg s25  }
0x1a: {  	s14 =	sshrl.u32 s12, $0x3;
	s19 =	sshrl.u32 s17, $0x3;
	[dreg:$0x14] =	wrdreg s26  }
0x1b: {  	s8 =	simm.s32 $0x18DC0;
	s17 =	simm.s32 $0x3;
	[dreg:$0x15] =	wrdreg s7  }
0x1c: {  	s12 =	simm.s32 $0x7;
	[dreg:$0x16] =	wrdreg s10;
	s3 =	sshrl.u32 s9, $0x3  }
0x1d: {  	[dreg:$0x17] =	wrdreg s0;
	s16 =	sadd.s32 s14, s18;
	s0 =	sadd.s32 s19, s18  }
0x1e: {  	s23 =	sshrl.u32 s21, $0x3;
	s24 =	smax.u32 s11, $0x1;
	s26 =	sadd.s32 $0x2D0, s2  }
0x1f: {  	s10 =	simm.s32 $0x16020;
	s2 =	simm.s32 $0x165C0;
	s9 =	simm.s32 $0x1  }
0x20: {  	s14 =	simm.s32 $0x2;
	s19 =	simm.s32 $0x5;
	[dreg:$0x7] =	wrdreg s16  }
0x21: {  	s21 =	simm.s32 $0x9;
	s11 =	simm.s32 $0x6;
	[dreg:$0x8] =	wrdreg s0  }
0x22: {  	s13 =	sadd.s32 s3, s18;
	s3 =	sshrl.u32 s20, $0x3;
	[dreg:$0x18] =	wrdreg s24  }
0x23: {  	s25 =	sadd.s32 s23, s18;
	[dreg:$0x19] =	wrdreg s26;
	s24 =	simm.s32 $0x1DDC0  }
0x24: {  	s26 =	simm.s32 $0x16200;
	s0 =	simm.s32 $0x50;
	s23 =	simm.s32 $0x16070  }
0x25: {  	s16 =	simm.s32 $0x4;
	s20 =	simm.s32 $0x8;
	[dreg:$0x6] =	wrdreg s13  }
0x26: {  	s22 =	sadd.s32 s3, s18;
	[dreg:$0xa] =	wrdreg s25;
	s25 =	simm.s32 $0xA  }
0x27: {  	s13 =	simm.s32 $0x1B5C0;
	s3 =	simm.s32 $0x0;
	[dreg:$0x9] =	wrdreg s22  }
.LBB2_1:
0x28: {  	[dreg:$0x1a] =	wrdreg s3  }
0x29: {  	s7 =	rddreg [dreg:$0xb]  }
0x2a: {  	s22 =	rddreg [dreg:$0xc];
	s7 =	sshrl.u32 s7, $0x3  }
0x2b: {  	[dreg:$0x1b] =	wrdreg s7  }
0x2c: {  	[spmem:s7], [sflag:s15] =	dma.local [hbm:s22], $0x2710  }
0x2d: {  	_ =	swait.ge [sflag:s25], $0x2710  }
0x2e: {  	s3 =	rddreg [dreg:$0xf]  }
0x2f: {  	[sflag:s25] =	ssyncset.done $0x0;
	s22 =	rddreg [dreg:$0x10];
	s7 =	sshrl.u32 s3, $0x3  }
0x30: {  	[sflag:s25] =	ssyncadd.s32 $0xFFFFD8F0;
	[dreg:$0x1c] =	wrdreg s7  }
0x31: {  	[spmem:s7], [sflag:s15] =	dma.local [hbm:s22], $0x4E2  }
0x32: {  	_ =	swait.ge [sflag:s25], $0x4E2  }
0x33: {  	[sflag:s25] =	ssyncset.done $0x0  }
0x34: {  	[sflag:s25] =	ssyncadd.s32 $0xFFFFFB1E  }
0x35: {  	s3 =	rddreg [dreg:$0x2]  }
0x36: {  	[tilespmem:s24], [sflag:$0xA] =	stream.linear.gather [hbm4b:s3+s6], $0x500, $0x38;
	[tilespmem:$0x1E2C0] =	vst v63  }
0x37: {  	_ =	swait.ge [sflag:s25], $0x500  }
0x38: {  	[sflag:s25] =	ssyncset.done $0x0  }
0x39: {  	s15 =	rddreg [dreg:$0xe];
	[sflag:s25] =	ssyncadd.s32 $0xFFFFFB00  }
0x3a: {  	[tilespmem:s10], [sflag:$0xA] =	stream.linear.gather [hbm4b:s15+s6], $0xF0, $0x38;
	[tilespmem:$0x1E2C0] =	vst v63  }
0x3b: {  	_ =	swait.ge [sflag:s25], $0xF0  }
0x3c: {  	[sflag:s25] =	ssyncset.done $0x0  }
0x3d: {  	s22 =	rddreg [dreg:$0x11];
	[sflag:s25] =	ssyncadd.s32 $0xFFFFFF10  }
0x3e: {  	[tilespmem:s26], [sflag:$0xA] =	stream.linear.gather [hbm4b:s22+s6], $0xF0, $0x38;
	[tilespmem:$0x1E2C0] =	vst v63  }
0x3f: {  	_ =	swait.ge [sflag:s25], $0xF0  }
0x40: {  	[sflag:s25] =	ssyncset.done $0x0  }
0x41: {  	s3 =	rddreg [dreg:$0x12];
	[sflag:s25] =	ssyncadd.s32 $0xFFFFFF10  }
0x42: {  	[tilespmem:s28], [sflag:$0xA] =	stream.linear.gather [hbm4b:s3+s6], $0xF0, $0x38;
	[tilespmem:$0x1E2C0] =	vst v63  }
0x43: {  	_ =	swait.ge [sflag:s25], $0xF0  }
0x44: {  	[sflag:s25] =	ssyncset.done $0x0  }
0x45: {  	s15 =	rddreg [dreg:$0x13];
	[sflag:s25] =	ssyncadd.s32 $0xFFFFFF10  }
0x46: {  	[tilespmem:s29], [sflag:$0xA] =	stream.linear.gather [hbm4b:s15+s6], $0xF0, $0x38;
	[tilespmem:$0x1E2C0] =	vst v63  }
0x47: {  	_ =	swait.ge [sflag:s25], $0xF0  }
0x48: {  	[sflag:s25] =	ssyncset.done $0x0  }
0x49: {  	s22 =	rddreg [dreg:$0x14];
	[sflag:s25] =	ssyncadd.s32 $0xFFFFFF10;
	s25 =	simm.s32 $0x163E0  }
0x4a: {  	[tilespmem:s25], [sflag:$0x9] =	stream.linear.gather [hbm4b:s22+s6], $0xF0, $0x38;
	[tilespmem:$0x1E2C0] =	vst v63  }
0x4b: {  	s15 =	rddreg [dreg:$0x15]  }
0x4c: {  	[tilespmem:s31], [sflag:$0x9] =	stream.linear.gather [hbm4b:s15+s6], $0xF0, $0x38;
	[tilespmem:$0x1E2C0] =	vst v63  }
0x4d: {  	_ = 	snop  }
0x4e: {  	[tilespmem:s2], [sflag:$0x1] =	stream.indirect.gather [hbm4b:s1+s0], $0x80, s10, s0, $0xb8;
	[tilespmem:$0x1E2C0] =	vst v63  }
0x4f: {  	_ = 	snop  }
0x50: {  	[tilespmem:s8], [sflag:$0x2] =	stream.indirect.gather [hbm4b:s1+s0], $0x80, s23, s0, $0xb8;
	[tilespmem:$0x1E2C0] =	vst v63  }
0x51: {  	[bflag:$0x0] =	sbarrier.arrive $0xFFFF  }
0x52: {  	_ =	swait.ge [sflag:s9], $0x2800  }
0x53: {  	[sflag:s9] =	ssyncset.done $0x0  }
0x54: {  	[sflag:s9] =	ssyncadd.s32 $0xFFFFD800  }
0x55: {  	[spmem:s4] =	stream.indirect.scatter.add.f32 [tilespmem:s2], [sflag:$0x4], $0x80, s28, s0, $0xb8;
	[tilespmem:$0x1E2C0] =	vst v63  }
0x56: {  	_ = 	snop  }
0x57: {  	[spmem:s5] =	stream.indirect.scatter.add.f32 [tilespmem:s24], [sflag:$0x4], $0x10, s28, s0, $0xb8;
	[tilespmem:$0x1E2C0] =	vst v63  }
0x58: {  	_ = 	snop  }
0x59: {  	[tilespmem:s13], [sflag:$0x3] =	stream.indirect.gather [hbm4b:s1+s0], $0x80, s30, s0, $0xb8;
	[tilespmem:$0x1E2C0] =	vst v63  }
0x5a: {  	_ =	swait.ge [sflag:s14], $0x2800  }
0x5b: {  	[sflag:s14] =	ssyncset.done $0x0  }
0x5c: {  	s22 =	simm.s32 $0x16160;
	[sflag:s14] =	ssyncadd.s32 $0xFFFFD800  }
0x5d: {  	[spmem:s4] =	stream.indirect.scatter.add.f32 [tilespmem:s8], [sflag:$0x5], $0x80, s22, s0, $0xb8;
	[tilespmem:$0x1E2C0] =	vst v63  }
0x5e: {  	_ = 	snop  }
0x5f: {  	[spmem:s5] =	stream.indirect.scatter.add.f32 [tilespmem:s24], [sflag:$0x5], $0x10, s22, s0, $0xb8;
	[tilespmem:$0x1E2C0] =	vst v63  }
0x60: {  	_ =	swait.ge [sflag:s16], $0x2800  }
0x61: {  	[sflag:s16] =	ssyncset.done $0x0  }
0x62: {  	[sflag:s16] =	ssyncadd.s32 $0xFFFFD800  }
0x63: {  	_ =	swait.ge [sflag:s16], $0x500  }
0x64: {  	[sflag:s16] =	ssyncset.done $0x0  }
0x65: {  	[sflag:s16] =	ssyncadd.s32 $0xFFFFFB00  }
0x66: {  	[tilespmem:s2], [sflag:$0x1] =	stream.indirect.gather [hbm4b:s1+s0], $0x80, s26, s0, $0xb8;
	[tilespmem:$0x1E2C0] =	vst v63  }
0x67: {  	_ =	swait.ge [sflag:s17], $0x2800  }
0x68: {  	[sflag:s17] =	ssyncset.done $0x0  }
0x69: {  	s25 =	simm.s32 $0x161B0;
	[sflag:s17] =	ssyncadd.s32 $0xFFFFD800  }
0x6a: {  	[spmem:s4] =	stream.indirect.scatter.add.f32 [tilespmem:s13], [sflag:$0x6], $0x80, s25, s0, $0xb8;
	[tilespmem:$0x1E2C0] =	vst v63  }
0x6b: {  	_ = 	snop  }
0x6c: {  	[spmem:s5] =	stream.indirect.scatter.add.f32 [tilespmem:s24], [sflag:$0x6], $0x10, s25, s0, $0xb8;
	[tilespmem:$0x1E2C0] =	vst v63  }
0x6d: {  	_ =	swait.ge [sflag:s19], $0x2800  }
0x6e: {  	[sflag:s19] =	ssyncset.done $0x0  }
0x6f: {  	[sflag:s19] =	ssyncadd.s32 $0xFFFFD800  }
0x70: {  	_ =	swait.ge [sflag:s19], $0x500  }
0x71: {  	[sflag:s19] =	ssyncset.done $0x0  }
0x72: {  	s15 =	simm.s32 $0x16250;
	[sflag:s19] =	ssyncadd.s32 $0xFFFFFB00  }
0x73: {  	[tilespmem:s8], [sflag:$0x2] =	stream.indirect.gather [hbm4b:s1+s0], $0x80, s15, s0, $0xb8;
	[tilespmem:$0x1E2C0] =	vst v63  }
0x74: {  	_ =	swait.ge [sflag:s21], $0xF0  }
0x75: {  	[sflag:s21] =	ssyncset.done $0x0  }
0x76: {  	[sflag:s21] =	ssyncadd.s32 $0xFFFFFF10  }
0x77: {  	_ =	swait.ge [sflag:s21], $0xF0  }
0x78: {  	[sflag:s21] =	ssyncset.done $0x0  }
0x79: {  	[sflag:s21] =	ssyncadd.s32 $0xFFFFFF10  }
0x7a: {  	_ =	swait.ge [sflag:s9], $0x2800  }
0x7b: {  	[sflag:s9] =	ssyncset.done $0x0  }
0x7c: {  	[sflag:s9] =	ssyncadd.s32 $0xFFFFD800  }
0x7d: {  	[spmem:s4] =	stream.indirect.scatter.add.f32 [tilespmem:s2], [sflag:$0x4], $0x80, s29, s0, $0xb8;
	[tilespmem:$0x1E2C0] =	vst v63  }
0x7e: {  	_ = 	snop  }
0x7f: {  	[spmem:s5] =	stream.indirect.scatter.add.f32 [tilespmem:s24], [sflag:$0x4], $0x10, s29, s0, $0xb8;
	[tilespmem:$0x1E2C0] =	vst v63  }
0x80: {  	_ =	swait.ge [sflag:s11], $0x2800  }
0x81: {  	[sflag:s11] =	ssyncset.done $0x0  }
0x82: {  	[sflag:s11] =	ssyncadd.s32 $0xFFFFD800  }
0x83: {  	_ =	swait.ge [sflag:s11], $0x500  }
0x84: {  	[sflag:s11] =	ssyncset.done $0x0;
	s15 =	rddreg [dreg:$0x19]  }
0x85: {  	s22 =	simm.s32 $0x162A0;
	[sflag:s11] =	ssyncadd.s32 $0xFFFFFB00;
	s7 =	sshrl.u32 s15, $0x3  }
0x86: {  	[tilespmem:s13], [sflag:$0x3] =	stream.indirect.gather [hbm4b:s1+s0], $0x80, s22, s0, $0xb8;
	[tilespmem:$0x1E2C0] =	vst v63  }
0x87: {  	s25 =	rddreg [dreg:$0xa];
	s7 =	sadd.s32 s18, s7  }
0x88: {  	[tilespmem:s10], [sflag:$0x7] =	stream.linear.gather [hbm4b:s7+s6], $0xF0, $0x38;
	[tilespmem:$0x1E2C0] =	vst v63  }
0x89: {  	s22 =	sadd.s32 $0x0, s25  }
0x8a: {  	[tilespmem:s28], [sflag:$0x7] =	stream.linear.gather [hbm4b:s22+s6], $0xF0, $0x38;
	[tilespmem:$0x1E2C0] =	vst v63  }
0x8b: {  	_ =	swait.ge [sflag:s14], $0x2800  }
0x8c: {  	[sflag:s14] =	ssyncset.done $0x0  }
0x8d: {  	s25 =	simm.s32 $0x16340;
	[sflag:s14] =	ssyncadd.s32 $0xFFFFD800  }
0x8e: {  	[spmem:s4] =	stream.indirect.scatter.add.f32 [tilespmem:s8], [sflag:$0x5], $0x80, s25, s0, $0xb8;
	[tilespmem:$0x1E2C0] =	vst v63  }
0x8f: {  	_ = 	snop  }
0x90: {  	[spmem:s5] =	stream.indirect.scatter.add.f32 [tilespmem:s24], [sflag:$0x5], $0x10, s25, s0, $0xb8;
	[tilespmem:$0x1E2C0] =	vst v63  }
0x91: {  	_ =	swait.ge [sflag:s16], $0x2800  }
0x92: {  	[sflag:s16] =	ssyncset.done $0x0  }
0x93: {  	[sflag:s16] =	ssyncadd.s32 $0xFFFFD800  }
0x94: {  	_ =	swait.ge [sflag:s16], $0x500  }
0x95: {  	[sflag:s16] =	ssyncset.done $0x0  }
0x96: {  	s3 =	simm.s32 $0x163E0;
	[sflag:s16] =	ssyncadd.s32 $0xFFFFFB00  }
0x97: {  	[tilespmem:s2], [sflag:$0x1] =	stream.indirect.gather [hbm4b:s1+s0], $0x80, s3, s0, $0xb8;
	[tilespmem:$0x1E2C0] =	vst v63  }
0x98: {  	_ =	swait.ge [sflag:s17], $0x2800  }
0x99: {  	[sflag:s17] =	ssyncset.done $0x0  }
0x9a: {  	s3 =	simm.s32 $0x16390;
	[sflag:s17] =	ssyncadd.s32 $0xFFFFD800  }
0x9b: {  	[spmem:s4] =	stream.indirect.scatter.add.f32 [tilespmem:s13], [sflag:$0x6], $0x80, s3, s0, $0xb8;
	[tilespmem:$0x1E2C0] =	vst v63  }
0x9c: {  	_ = 	snop  }
0x9d: {  	[spmem:s5] =	stream.indirect.scatter.add.f32 [tilespmem:s24], [sflag:$0x6], $0x10, s3, s0, $0xb8;
	[tilespmem:$0x1E2C0] =	vst v63  }
0x9e: {  	_ =	swait.ge [sflag:s19], $0x2800  }
0x9f: {  	[sflag:s19] =	ssyncset.done $0x0  }
0xa0: {  	[sflag:s19] =	ssyncadd.s32 $0xFFFFD800  }
0xa1: {  	_ =	swait.ge [sflag:s19], $0x500  }
0xa2: {  	[sflag:s19] =	ssyncset.done $0x0  }
0xa3: {  	s25 =	simm.s32 $0x16430;
	[sflag:s19] =	ssyncadd.s32 $0xFFFFFB00  }
0xa4: {  	[tilespmem:s8], [sflag:$0x2] =	stream.indirect.gather [hbm4b:s1+s0], $0x80, s25, s0, $0xb8;
	[tilespmem:$0x1E2C0] =	vst v63  }
0xa5: {  	_ =	swait.ge [sflag:s12], $0xF0  }
0xa6: {  	[sflag:s12] =	ssyncset.done $0x0  }
0xa7: {  	[sflag:s12] =	ssyncadd.s32 $0xFFFFFF10  }
0xa8: {  	_ =	swait.ge [sflag:s12], $0xF0  }
0xa9: {  	[sflag:s12] =	ssyncset.done $0x0  }
0xaa: {  	[sflag:s12] =	ssyncadd.s32 $0xFFFFFF10  }
0xab: {  	_ =	swait.ge [sflag:s9], $0x2800  }
0xac: {  	[sflag:s9] =	ssyncset.done $0x0  }
0xad: {  	[sflag:s9] =	ssyncadd.s32 $0xFFFFD800  }
0xae: {  	[spmem:s4] =	stream.indirect.scatter.add.f32 [tilespmem:s2], [sflag:$0x4], $0x80, s31, s0, $0xb8;
	[tilespmem:$0x1E2C0] =	vst v63  }
0xaf: {  	_ = 	snop  }
0xb0: {  	[spmem:s5] =	stream.indirect.scatter.add.f32 [tilespmem:s24], [sflag:$0x4], $0x10, s31, s0, $0xb8;
	[tilespmem:$0x1E2C0] =	vst v63  }
0xb1: {  	_ =	swait.ge [sflag:s11], $0x2800  }
0xb2: {  	[sflag:s11] =	ssyncset.done $0x0  }
0xb3: {  	[sflag:s11] =	ssyncadd.s32 $0xFFFFD800  }
0xb4: {  	_ =	swait.ge [sflag:s11], $0x500  }
0xb5: {  	[sflag:s11] =	ssyncset.done $0x0  }
0xb6: {  	s3 =	simm.s32 $0x16480;
	s7 =	rddreg [dreg:$0x9];
	[sflag:s11] =	ssyncadd.s32 $0xFFFFFB00  }
0xb7: {  	[tilespmem:s13], [sflag:$0x3] =	stream.indirect.gather [hbm4b:s1+s0], $0x80, s3, s0, $0xb8;
	[tilespmem:$0x1E2C0] =	vst v63  }
0xb8: {  	s25 =	rddreg [dreg:$0x8];
	s7 =	sadd.s32 $0x0, s7  }
0xb9: {  	[tilespmem:s26], [sflag:$0x8] =	stream.linear.gather [hbm4b:s7+s6], $0xF0, $0x38;
	[tilespmem:$0x1E2C0] =	vst v63  }
0xba: {  	s3 =	sadd.s32 $0x0, s25  }
0xbb: {  	[tilespmem:s29], [sflag:$0x8] =	stream.linear.gather [hbm4b:s3+s6], $0xF0, $0x38;
	[tilespmem:$0x1E2C0] =	vst v63  }
0xbc: {  	_ =	swait.ge [sflag:s14], $0x2800  }
0xbd: {  	[sflag:s14] =	ssyncset.done $0x0  }
0xbe: {  	s7 =	simm.s32 $0x16520;
	[sflag:s14] =	ssyncadd.s32 $0xFFFFD800  }
0xbf: {  	[spmem:s4] =	stream.indirect.scatter.add.f32 [tilespmem:s8], [sflag:$0x5], $0x80, s7, s0, $0xb8;
	[tilespmem:$0x1E2C0] =	vst v63  }
0xc0: {  	_ = 	snop  }
0xc1: {  	[spmem:s5] =	stream.indirect.scatter.add.f32 [tilespmem:s24], [sflag:$0x5], $0x10, s7, s0, $0xb8;
	[tilespmem:$0x1E2C0] =	vst v63  }
0xc2: {  	_ =	swait.ge [sflag:s16], $0x2800  }
0xc3: {  	[sflag:s16] =	ssyncset.done $0x0  }
0xc4: {  	[sflag:s16] =	ssyncadd.s32 $0xFFFFD800  }
0xc5: {  	_ =	swait.ge [sflag:s16], $0x500  }
0xc6: {  	[sflag:s16] =	ssyncset.done $0x0  }
0xc7: {  	[sflag:s16] =	ssyncadd.s32 $0xFFFFFB00  }
0xc8: {  	[tilespmem:s2], [sflag:$0x1] =	stream.indirect.gather [hbm4b:s1+s0], $0x80, s10, s0, $0xb8;
	[tilespmem:$0x1E2C0] =	vst v63  }
0xc9: {  	_ =	swait.ge [sflag:s17], $0x2800  }
0xca: {  	[sflag:s17] =	ssyncset.done $0x0  }
0xcb: {  	s25 =	simm.s32 $0x16570;
	[sflag:s17] =	ssyncadd.s32 $0xFFFFD800  }
0xcc: {  	[spmem:s4] =	stream.indirect.scatter.add.f32 [tilespmem:s13], [sflag:$0x6], $0x80, s25, s0, $0xb8;
	[tilespmem:$0x1E2C0] =	vst v63  }
0xcd: {  	_ = 	snop  }
0xce: {  	[spmem:s5] =	stream.indirect.scatter.add.f32 [tilespmem:s24], [sflag:$0x6], $0x10, s25, s0, $0xb8;
	[tilespmem:$0x1E2C0] =	vst v63  }
0xcf: {  	_ =	swait.ge [sflag:s19], $0x2800  }
0xd0: {  	[sflag:s19] =	ssyncset.done $0x0  }
0xd1: {  	[sflag:s19] =	ssyncadd.s32 $0xFFFFD800  }
0xd2: {  	_ =	swait.ge [sflag:s19], $0x500  }
0xd3: {  	[sflag:s19] =	ssyncset.done $0x0  }
0xd4: {  	[sflag:s19] =	ssyncadd.s32 $0xFFFFFB00  }
0xd5: {  	[tilespmem:s8], [sflag:$0x2] =	stream.indirect.gather [hbm4b:s1+s0], $0x80, s23, s0, $0xb8;
	[tilespmem:$0x1E2C0] =	vst v63  }
0xd6: {  	_ =	swait.ge [sflag:s20], $0xF0  }
0xd7: {  	[sflag:s20] =	ssyncset.done $0x0  }
0xd8: {  	[sflag:s20] =	ssyncadd.s32 $0xFFFFFF10  }
0xd9: {  	_ =	swait.ge [sflag:s20], $0xF0  }
0xda: {  	[sflag:s20] =	ssyncset.done $0x0  }
0xdb: {  	[sflag:s20] =	ssyncadd.s32 $0xFFFFFF10  }
0xdc: {  	_ =	swait.ge [sflag:s9], $0x2800  }
0xdd: {  	[sflag:s9] =	ssyncset.done $0x0  }
0xde: {  	[sflag:s9] =	ssyncadd.s32 $0xFFFFD800  }
0xdf: {  	[spmem:s4] =	stream.indirect.scatter.add.f32 [tilespmem:s2], [sflag:$0x4], $0x80, s28, s0, $0xb8;
	[tilespmem:$0x1E2C0] =	vst v63  }
0xe0: {  	_ = 	snop  }
0xe1: {  	[spmem:s5] =	stream.indirect.scatter.add.f32 [tilespmem:s24], [sflag:$0x4], $0x10, s28, s0, $0xb8;
	[tilespmem:$0x1E2C0] =	vst v63  }
0xe2: {  	_ =	swait.ge [sflag:s11], $0x2800  }
0xe3: {  	[sflag:s11] =	ssyncset.done $0x0  }
0xe4: {  	[sflag:s11] =	ssyncadd.s32 $0xFFFFD800  }
0xe5: {  	_ =	swait.ge [sflag:s11], $0x500  }
0xe6: {  	[sflag:s11] =	ssyncset.done $0x0  }
0xe7: {  	s3 =	rddreg [dreg:$0x7];
	[sflag:s11] =	ssyncadd.s32 $0xFFFFFB00  }
0xe8: {  	[tilespmem:s13], [sflag:$0x3] =	stream.indirect.gather [hbm4b:s1+s0], $0x80, s30, s0, $0xb8;
	[tilespmem:$0x1E2C0] =	vst v63  }
0xe9: {  	s22 =	simm.s32 $0x163E0;
	s10 =	rddreg [dreg:$0x6];
	s7 =	sadd.s32 $0x0, s3  }
0xea: {  	[tilespmem:s22], [sflag:$0x9] =	stream.linear.gather [hbm4b:s7+s6], $0xF0, $0x38;
	[tilespmem:$0x1E2C0] =	vst v63  }
0xeb: {  	s23 =	sadd.s32 $0x0, s10  }
0xec: {  	[tilespmem:s31], [sflag:$0x9] =	stream.linear.gather [hbm4b:s23+s6], $0xF0, $0x38;
	[tilespmem:$0x1E2C0] =	vst v63  }
0xed: {  	_ =	swait.ge [sflag:s14], $0x2800  }
0xee: {  	[sflag:s14] =	ssyncset.done $0x0  }
0xef: {  	s25 =	simm.s32 $0x16160;
	[sflag:s14] =	ssyncadd.s32 $0xFFFFD800  }
0xf0: {  	[spmem:s4] =	stream.indirect.scatter.add.f32 [tilespmem:s8], [sflag:$0x5], $0x80, s25, s0, $0xb8;
	[tilespmem:$0x1E2C0] =	vst v63  }
0xf1: {  	_ = 	snop  }
0xf2: {  	[spmem:s5] =	stream.indirect.scatter.add.f32 [tilespmem:s24], [sflag:$0x5], $0x10, s25, s0, $0xb8;
	[tilespmem:$0x1E2C0] =	vst v63  }
0xf3: {  	_ =	swait.ge [sflag:s16], $0x2800  }
0xf4: {  	[sflag:s16] =	ssyncset.done $0x0  }
0xf5: {  	[sflag:s16] =	ssyncadd.s32 $0xFFFFD800  }
0xf6: {  	_ =	swait.ge [sflag:s16], $0x500  }
0xf7: {  	[sflag:s16] =	ssyncset.done $0x0  }
0xf8: {  	[sflag:s16] =	ssyncadd.s32 $0xFFFFFB00  }
0xf9: {  	[tilespmem:s2], [sflag:$0x1] =	stream.indirect.gather [hbm4b:s1+s0], $0x80, s26, s0, $0xb8;
	[tilespmem:$0x1E2C0] =	vst v63  }
0xfa: {  	_ =	swait.ge [sflag:s17], $0x2800  }
0xfb: {  	[sflag:s17] =	ssyncset.done $0x0  }
0xfc: {  	s30 =	simm.s32 $0x161B0;
	[sflag:s17] =	ssyncadd.s32 $0xFFFFD800  }
0xfd: {  	[spmem:s4] =	stream.indirect.scatter.add.f32 [tilespmem:s13], [sflag:$0x6], $0x80, s30, s0, $0xb8;
	[tilespmem:$0x1E2C0] =	vst v63  }
0xfe: {  	_ = 	snop  }
0xff: {  	[spmem:s5] =	stream.indirect.scatter.add.f32 [tilespmem:s24], [sflag:$0x6], $0x10, s30, s0, $0xb8;
	[tilespmem:$0x1E2C0] =	vst v63  }
0x100: {  	_ =	swait.ge [sflag:s19], $0x2800  }
0x101: {  	[sflag:s19] =	ssyncset.done $0x0  }
0x102: {  	[sflag:s19] =	ssyncadd.s32 $0xFFFFD800  }
0x103: {  	_ =	swait.ge [sflag:s19], $0x500  }
0x104: {  	s10 =	simm.s32 $0x16020;
	[sflag:s19] =	ssyncset.done $0x0  }
0x105: {  	s7 =	simm.s32 $0x5A;
	s25 =	sadd.s32 $0x2D0, s15;
	[sflag:s19] =	ssyncadd.s32 $0xFFFFFB00  }
.LBB2_2:
0x106: {  	s15 =	simm.s32 $0x16250  }
0x107: {  	[tilespmem:s8], [sflag:$0x2] =	stream.indirect.gather [hbm4b:s1+s0], $0x80, s15, s0, $0xb8;
	[tilespmem:$0x1E2C0] =	vst v63  }
0x108: {  	_ =	swait.ge [sflag:s21], $0xF0  }
0x109: {  	[sflag:s21] =	ssyncset.done $0x0  }
0x10a: {  	[sflag:s21] =	ssyncadd.s32 $0xFFFFFF10  }
0x10b: {  	_ =	swait.ge [sflag:s21], $0xF0  }
0x10c: {  	[sflag:s21] =	ssyncset.done $0x0  }
0x10d: {  	[sflag:s21] =	ssyncadd.s32 $0xFFFFFF10  }
0x10e: {  	_ =	swait.ge [sflag:s9], $0x2800  }
0x10f: {  	[sflag:s9] =	ssyncset.done $0x0  }
0x110: {  	[sflag:s9] =	ssyncadd.s32 $0xFFFFD800  }
0x111: {  	[spmem:s4] =	stream.indirect.scatter.add.f32 [tilespmem:s2], [sflag:$0x4], $0x80, s29, s0, $0xb8;
	[tilespmem:$0x1E2C0] =	vst v63  }
0x112: {  	_ = 	snop  }
0x113: {  	[spmem:s5] =	stream.indirect.scatter.add.f32 [tilespmem:s24], [sflag:$0x4], $0x10, s29, s0, $0xb8;
	[tilespmem:$0x1E2C0] =	vst v63  }
0x114: {  	_ =	swait.ge [sflag:s11], $0x2800  }
0x115: {  	[sflag:s11] =	ssyncset.done $0x0  }
0x116: {  	[sflag:s11] =	ssyncadd.s32 $0xFFFFD800  }
0x117: {  	_ =	swait.ge [sflag:s11], $0x500  }
0x118: {  	[sflag:s11] =	ssyncset.done $0x0  }
0x119: {  	s30 =	sshrl.u32 s25, $0x3;
	s22 =	simm.s32 $0x162A0;
	[sflag:s11] =	ssyncadd.s32 $0xFFFFFB00  }
0x11a: {  	[tilespmem:s13], [sflag:$0x3] =	stream.indirect.gather [hbm4b:s1+s0], $0x80, s22, s0, $0xb8;
	[tilespmem:$0x1E2C0] =	vst v63  }
0x11b: {  	s26 =	smov.u32 s7;
	s30 =	sadd.s32 s18, s30;
	s3 =	rddreg [dreg:$0xa]  }
0x11c: {  	[tilespmem:s10], [sflag:$0x7] =	stream.linear.gather [hbm4b:s30+s6], $0xF0, $0x38;
	[tilespmem:$0x1E2C0] =	vst v63  }
0x11d: {  	s15 =	sadd.s32 s26, s3  }
0x11e: {  	[tilespmem:s28], [sflag:$0x7] =	stream.linear.gather [hbm4b:s15+s6], $0xF0, $0x38;
	[tilespmem:$0x1E2C0] =	vst v63  }
0x11f: {  	_ =	swait.ge [sflag:s14], $0x2800  }
0x120: {  	[sflag:s14] =	ssyncset.done $0x0  }
0x121: {  	s30 =	simm.s32 $0x16340;
	[sflag:s14] =	ssyncadd.s32 $0xFFFFD800  }
0x122: {  	[spmem:s4] =	stream.indirect.scatter.add.f32 [tilespmem:s8], [sflag:$0x5], $0x80, s30, s0, $0xb8;
	[tilespmem:$0x1E2C0] =	vst v63  }
0x123: {  	_ = 	snop  }
0x124: {  	[spmem:s5] =	stream.indirect.scatter.add.f32 [tilespmem:s24], [sflag:$0x5], $0x10, s30, s0, $0xb8;
	[tilespmem:$0x1E2C0] =	vst v63  }
0x125: {  	_ =	swait.ge [sflag:s16], $0x2800  }
0x126: {  	[sflag:s16] =	ssyncset.done $0x0  }
0x127: {  	[sflag:s16] =	ssyncadd.s32 $0xFFFFD800  }
0x128: {  	_ =	swait.ge [sflag:s16], $0x500  }
0x129: {  	[sflag:s16] =	ssyncset.done $0x0  }
0x12a: {  	s22 =	simm.s32 $0x163E0;
	[sflag:s16] =	ssyncadd.s32 $0xFFFFFB00  }
0x12b: {  	[tilespmem:s2], [sflag:$0x1] =	stream.indirect.gather [hbm4b:s1+s0], $0x80, s22, s0, $0xb8;
	[tilespmem:$0x1E2C0] =	vst v63  }
0x12c: {  	_ =	swait.ge [sflag:s17], $0x2800  }
0x12d: {  	[sflag:s17] =	ssyncset.done $0x0  }
0x12e: {  	s3 =	simm.s32 $0x16390;
	[sflag:s17] =	ssyncadd.s32 $0xFFFFD800  }
0x12f: {  	[spmem:s4] =	stream.indirect.scatter.add.f32 [tilespmem:s13], [sflag:$0x6], $0x80, s3, s0, $0xb8;
	[tilespmem:$0x1E2C0] =	vst v63  }
0x130: {  	_ = 	snop  }
0x131: {  	[spmem:s5] =	stream.indirect.scatter.add.f32 [tilespmem:s24], [sflag:$0x6], $0x10, s3, s0, $0xb8;
	[tilespmem:$0x1E2C0] =	vst v63  }
0x132: {  	_ =	swait.ge [sflag:s19], $0x2800  }
0x133: {  	[sflag:s19] =	ssyncset.done $0x0  }
0x134: {  	[sflag:s19] =	ssyncadd.s32 $0xFFFFD800  }
0x135: {  	_ =	swait.ge [sflag:s19], $0x500  }
0x136: {  	[sflag:s19] =	ssyncset.done $0x0  }
0x137: {  	s30 =	simm.s32 $0x16430;
	[sflag:s19] =	ssyncadd.s32 $0xFFFFFB00  }
0x138: {  	[tilespmem:s8], [sflag:$0x2] =	stream.indirect.gather [hbm4b:s1+s0], $0x80, s30, s0, $0xb8;
	[tilespmem:$0x1E2C0] =	vst v63  }
0x139: {  	_ =	swait.ge [sflag:s12], $0xF0  }
0x13a: {  	[sflag:s12] =	ssyncset.done $0x0  }
0x13b: {  	[sflag:s12] =	ssyncadd.s32 $0xFFFFFF10  }
0x13c: {  	_ =	swait.ge [sflag:s12], $0xF0  }
0x13d: {  	[sflag:s12] =	ssyncset.done $0x0  }
0x13e: {  	[sflag:s12] =	ssyncadd.s32 $0xFFFFFF10  }
0x13f: {  	_ =	swait.ge [sflag:s9], $0x2800  }
0x140: {  	[sflag:s9] =	ssyncset.done $0x0  }
0x141: {  	[sflag:s9] =	ssyncadd.s32 $0xFFFFD800  }
0x142: {  	[spmem:s4] =	stream.indirect.scatter.add.f32 [tilespmem:s2], [sflag:$0x4], $0x80, s31, s0, $0xb8;
	[tilespmem:$0x1E2C0] =	vst v63  }
0x143: {  	_ = 	snop  }
0x144: {  	[spmem:s5] =	stream.indirect.scatter.add.f32 [tilespmem:s24], [sflag:$0x4], $0x10, s31, s0, $0xb8;
	[tilespmem:$0x1E2C0] =	vst v63  }
0x145: {  	_ =	swait.ge [sflag:s11], $0x2800  }
0x146: {  	[sflag:s11] =	ssyncset.done $0x0  }
0x147: {  	[sflag:s11] =	ssyncadd.s32 $0xFFFFD800  }
0x148: {  	_ =	swait.ge [sflag:s11], $0x500  }
0x149: {  	[sflag:s11] =	ssyncset.done $0x0  }
0x14a: {  	s3 =	simm.s32 $0x16480;
	s15 =	rddreg [dreg:$0x9];
	[sflag:s11] =	ssyncadd.s32 $0xFFFFFB00  }
0x14b: {  	[tilespmem:s13], [sflag:$0x3] =	stream.indirect.gather [hbm4b:s1+s0], $0x80, s3, s0, $0xb8;
	[tilespmem:$0x1E2C0] =	vst v63  }
0x14c: {  	s23 =	simm.s32 $0x16200;
	s30 =	rddreg [dreg:$0x8];
	s15 =	sadd.s32 s26, s15  }
0x14d: {  	[tilespmem:s23], [sflag:$0x8] =	stream.linear.gather [hbm4b:s15+s6], $0xF0, $0x38;
	[tilespmem:$0x1E2C0] =	vst v63  }
0x14e: {  	s3 =	sadd.s32 s26, s30  }
0x14f: {  	[tilespmem:s29], [sflag:$0x8] =	stream.linear.gather [hbm4b:s3+s6], $0xF0, $0x38;
	[tilespmem:$0x1E2C0] =	vst v63  }
0x150: {  	_ =	swait.ge [sflag:s14], $0x2800  }
0x151: {  	[sflag:s14] =	ssyncset.done $0x0  }
0x152: {  	s23 =	simm.s32 $0x16520;
	[sflag:s14] =	ssyncadd.s32 $0xFFFFD800  }
0x153: {  	[spmem:s4] =	stream.indirect.scatter.add.f32 [tilespmem:s8], [sflag:$0x5], $0x80, s23, s0, $0xb8;
	[tilespmem:$0x1E2C0] =	vst v63  }
0x154: {  	_ = 	snop  }
0x155: {  	[spmem:s5] =	stream.indirect.scatter.add.f32 [tilespmem:s24], [sflag:$0x5], $0x10, s23, s0, $0xb8;
	[tilespmem:$0x1E2C0] =	vst v63  }
0x156: {  	_ =	swait.ge [sflag:s16], $0x2800  }
0x157: {  	[sflag:s16] =	ssyncset.done $0x0  }
0x158: {  	[sflag:s16] =	ssyncadd.s32 $0xFFFFD800  }
0x159: {  	_ =	swait.ge [sflag:s16], $0x500  }
0x15a: {  	[sflag:s16] =	ssyncset.done $0x0  }
0x15b: {  	[sflag:s16] =	ssyncadd.s32 $0xFFFFFB00  }
0x15c: {  	[tilespmem:s2], [sflag:$0x1] =	stream.indirect.gather [hbm4b:s1+s0], $0x80, s10, s0, $0xb8;
	[tilespmem:$0x1E2C0] =	vst v63  }
0x15d: {  	_ =	swait.ge [sflag:s17], $0x2800  }
0x15e: {  	[sflag:s17] =	ssyncset.done $0x0  }
0x15f: {  	s30 =	simm.s32 $0x16570;
	[sflag:s17] =	ssyncadd.s32 $0xFFFFD800  }
0x160: {  	[spmem:s4] =	stream.indirect.scatter.add.f32 [tilespmem:s13], [sflag:$0x6], $0x80, s30, s0, $0xb8;
	[tilespmem:$0x1E2C0] =	vst v63  }
0x161: {  	_ = 	snop  }
0x162: {  	[spmem:s5] =	stream.indirect.scatter.add.f32 [tilespmem:s24], [sflag:$0x6], $0x10, s30, s0, $0xb8;
	[tilespmem:$0x1E2C0] =	vst v63  }
0x163: {  	_ =	swait.ge [sflag:s19], $0x2800  }
0x164: {  	[sflag:s19] =	ssyncset.done $0x0  }
0x165: {  	[sflag:s19] =	ssyncadd.s32 $0xFFFFD800  }
0x166: {  	_ =	swait.ge [sflag:s19], $0x500  }
0x167: {  	[sflag:s19] =	ssyncset.done $0x0  }
0x168: {  	s15 =	simm.s32 $0x16070;
	[sflag:s19] =	ssyncadd.s32 $0xFFFFFB00  }
0x169: {  	[tilespmem:s8], [sflag:$0x2] =	stream.indirect.gather [hbm4b:s1+s0], $0x80, s15, s0, $0xb8;
	[tilespmem:$0x1E2C0] =	vst v63  }
0x16a: {  	_ =	swait.ge [sflag:s20], $0xF0  }
0x16b: {  	[sflag:s20] =	ssyncset.done $0x0  }
0x16c: {  	[sflag:s20] =	ssyncadd.s32 $0xFFFFFF10  }
0x16d: {  	_ =	swait.ge [sflag:s20], $0xF0  }
0x16e: {  	[sflag:s20] =	ssyncset.done $0x0  }
0x16f: {  	[sflag:s20] =	ssyncadd.s32 $0xFFFFFF10  }
0x170: {  	_ =	swait.ge [sflag:s9], $0x2800  }
0x171: {  	[sflag:s9] =	ssyncset.done $0x0  }
0x172: {  	[sflag:s9] =	ssyncadd.s32 $0xFFFFD800  }
0x173: {  	[spmem:s4] =	stream.indirect.scatter.add.f32 [tilespmem:s2], [sflag:$0x4], $0x80, s28, s0, $0xb8;
	[tilespmem:$0x1E2C0] =	vst v63  }
0x174: {  	_ = 	snop  }
0x175: {  	[spmem:s5] =	stream.indirect.scatter.add.f32 [tilespmem:s24], [sflag:$0x4], $0x10, s28, s0, $0xb8;
	[tilespmem:$0x1E2C0] =	vst v63  }
0x176: {  	_ =	swait.ge [sflag:s11], $0x2800  }
0x177: {  	[sflag:s11] =	ssyncset.done $0x0  }
0x178: {  	[sflag:s11] =	ssyncadd.s32 $0xFFFFD800  }
0x179: {  	_ =	swait.ge [sflag:s11], $0x500  }
0x17a: {  	[sflag:s11] =	ssyncset.done $0x0  }
0x17b: {  	s23 =	simm.s32 $0x160C0;
	s15 =	rddreg [dreg:$0x7];
	[sflag:s11] =	ssyncadd.s32 $0xFFFFFB00  }
0x17c: {  	[tilespmem:s13], [sflag:$0x3] =	stream.indirect.gather [hbm4b:s1+s0], $0x80, s23, s0, $0xb8;
	[tilespmem:$0x1E2C0] =	vst v63  }
0x17d: {  	s30 =	rddreg [dreg:$0x6];
	s15 =	sadd.s32 s26, s15  }
0x17e: {  	[tilespmem:s22], [sflag:$0x9] =	stream.linear.gather [hbm4b:s15+s6], $0xF0, $0x38;
	[tilespmem:$0x1E2C0] =	vst v63  }
0x17f: {  	s3 =	sadd.s32 s26, s30  }
0x180: {  	[tilespmem:s31], [sflag:$0x9] =	stream.linear.gather [hbm4b:s3+s6], $0xF0, $0x38;
	[tilespmem:$0x1E2C0] =	vst v63  }
0x181: {  	_ =	swait.ge [sflag:s14], $0x2800  }
0x182: {  	[sflag:s14] =	ssyncset.done $0x0  }
0x183: {  	s22 =	simm.s32 $0x16160;
	[sflag:s14] =	ssyncadd.s32 $0xFFFFD800  }
0x184: {  	[spmem:s4] =	stream.indirect.scatter.add.f32 [tilespmem:s8], [sflag:$0x5], $0x80, s22, s0, $0xb8;
	[tilespmem:$0x1E2C0] =	vst v63  }
0x185: {  	_ = 	snop  }
0x186: {  	[spmem:s5] =	stream.indirect.scatter.add.f32 [tilespmem:s24], [sflag:$0x5], $0x10, s22, s0, $0xb8;
	[tilespmem:$0x1E2C0] =	vst v63  }
0x187: {  	_ =	swait.ge [sflag:s16], $0x2800  }
0x188: {  	[sflag:s16] =	ssyncset.done $0x0  }
0x189: {  	[sflag:s16] =	ssyncadd.s32 $0xFFFFD800  }
0x18a: {  	_ =	swait.ge [sflag:s16], $0x500  }
0x18b: {  	[sflag:s16] =	ssyncset.done $0x0  }
0x18c: {  	s26 =	simm.s32 $0x16200;
	[sflag:s16] =	ssyncadd.s32 $0xFFFFFB00  }
0x18d: {  	[tilespmem:s2], [sflag:$0x1] =	stream.indirect.gather [hbm4b:s1+s0], $0x80, s26, s0, $0xb8;
	[tilespmem:$0x1E2C0] =	vst v63  }
0x18e: {  	_ =	swait.ge [sflag:s17], $0x2800  }
0x18f: {  	[sflag:s17] =	ssyncset.done $0x0  }
0x190: {  	s30 =	simm.s32 $0x161B0;
	[sflag:s17] =	ssyncadd.s32 $0xFFFFD800  }
0x191: {  	[spmem:s4] =	stream.indirect.scatter.add.f32 [tilespmem:s13], [sflag:$0x6], $0x80, s30, s0, $0xb8;
	[tilespmem:$0x1E2C0] =	vst v63  }
0x192: {  	_ = 	snop  }
0x193: {  	[spmem:s5] =	stream.indirect.scatter.add.f32 [tilespmem:s24], [sflag:$0x6], $0x10, s30, s0, $0xb8;
	[tilespmem:$0x1E2C0] =	vst v63  }
0x194: {  	p0 =	sne.s32 s7, $0x438;
	_ =	swait.ge [sflag:s19], $0x2800  }
.Ltmp0:
0x195: {  	[sflag:s19] =	ssyncset.done $0x0;
	(pc) =	sbr.rel @p0 .LBB2_2-.Ltmp0, $4  }
0x196: {  	[sflag:s19] =	ssyncadd.s32 $0xFFFFD800  }
0x197: {  	_ =	swait.ge [sflag:s19], $0x500  }
0x198: {  	s7 =	sadd.s32 $0x5A, s7;
	[sflag:s19] =	ssyncset.done $0x0  }
0x199: {  	s25 =	sadd.s32 $0x2D0, s25;
	s23 =	simm.s32 $0x163E0;
	[sflag:s19] =	ssyncadd.s32 $0xFFFFFB00  }
0x19a: {  	s3 =	simm.s32 $0x16250  }
0x19b: {  	[tilespmem:s8], [sflag:$0x2] =	stream.indirect.gather [hbm4b:s1+s0], $0x80, s3, s0, $0xb8;
	[tilespmem:$0x1E2C0] =	vst v63  }
0x19c: {  	_ =	swait.ge [sflag:s21], $0xF0  }
0x19d: {  	[sflag:s21] =	ssyncset.done $0x0  }
0x19e: {  	[sflag:s21] =	ssyncadd.s32 $0xFFFFFF10  }
0x19f: {  	_ =	swait.ge [sflag:s21], $0xF0  }
0x1a0: {  	[sflag:s21] =	ssyncset.done $0x0  }
0x1a1: {  	[sflag:s21] =	ssyncadd.s32 $0xFFFFFF10  }
0x1a2: {  	_ =	swait.ge [sflag:s9], $0x2800  }
0x1a3: {  	[sflag:s9] =	ssyncset.done $0x0  }
0x1a4: {  	[sflag:s9] =	ssyncadd.s32 $0xFFFFD800  }
0x1a5: {  	[spmem:s4] =	stream.indirect.scatter.add.f32 [tilespmem:s2], [sflag:$0x4], $0x80, s29, s0, $0xb8;
	[tilespmem:$0x1E2C0] =	vst v63  }
0x1a6: {  	_ = 	snop  }
0x1a7: {  	[spmem:s5] =	stream.indirect.scatter.add.f32 [tilespmem:s24], [sflag:$0x4], $0x10, s29, s0, $0xb8;
	[tilespmem:$0x1E2C0] =	vst v63  }
0x1a8: {  	_ =	swait.ge [sflag:s11], $0x2800  }
0x1a9: {  	[sflag:s11] =	ssyncset.done $0x0  }
0x1aa: {  	[sflag:s11] =	ssyncadd.s32 $0xFFFFD800  }
0x1ab: {  	_ =	swait.ge [sflag:s11], $0x500  }
0x1ac: {  	[sflag:s11] =	ssyncset.done $0x0  }
0x1ad: {  	s22 =	simm.s32 $0x162A0;
	[sflag:s11] =	ssyncadd.s32 $0xFFFFFB00  }
0x1ae: {  	[tilespmem:s13], [sflag:$0x3] =	stream.indirect.gather [hbm4b:s1+s0], $0x80, s22, s0, $0xb8;
	[tilespmem:$0x1E2C0] =	vst v63  }
0x1af: {  	_ =	swait.ge [sflag:s14], $0x2800  }
0x1b0: {  	[sflag:s14] =	ssyncset.done $0x0  }
0x1b1: {  	s25 =	simm.s32 $0x16340;
	[sflag:s14] =	ssyncadd.s32 $0xFFFFD800  }
0x1b2: {  	[spmem:s4] =	stream.indirect.scatter.add.f32 [tilespmem:s8], [sflag:$0x5], $0x80, s25, s0, $0xb8;
	[tilespmem:$0x1E2C0] =	vst v63  }
0x1b3: {  	_ = 	snop  }
0x1b4: {  	[spmem:s5] =	stream.indirect.scatter.add.f32 [tilespmem:s24], [sflag:$0x5], $0x10, s25, s0, $0xb8;
	[tilespmem:$0x1E2C0] =	vst v63  }
0x1b5: {  	_ =	swait.ge [sflag:s16], $0x2800  }
0x1b6: {  	[sflag:s16] =	ssyncset.done $0x0  }
0x1b7: {  	[sflag:s16] =	ssyncadd.s32 $0xFFFFD800  }
0x1b8: {  	_ =	swait.ge [sflag:s16], $0x500  }
0x1b9: {  	[sflag:s16] =	ssyncset.done $0x0  }
0x1ba: {  	[sflag:s16] =	ssyncadd.s32 $0xFFFFFB00  }
0x1bb: {  	[tilespmem:s2], [sflag:$0x1] =	stream.indirect.gather [hbm4b:s1+s0], $0x80, s23, s0, $0xb8;
	[tilespmem:$0x1E2C0] =	vst v63  }
0x1bc: {  	_ =	swait.ge [sflag:s17], $0x2800  }
0x1bd: {  	[sflag:s17] =	ssyncset.done $0x0  }
0x1be: {  	s7 =	simm.s32 $0x16390;
	[sflag:s17] =	ssyncadd.s32 $0xFFFFD800  }
0x1bf: {  	[spmem:s4] =	stream.indirect.scatter.add.f32 [tilespmem:s13], [sflag:$0x6], $0x80, s7, s0, $0xb8;
	[tilespmem:$0x1E2C0] =	vst v63  }
0x1c0: {  	_ = 	snop  }
0x1c1: {  	[spmem:s5] =	stream.indirect.scatter.add.f32 [tilespmem:s24], [sflag:$0x6], $0x10, s7, s0, $0xb8;
	[tilespmem:$0x1E2C0] =	vst v63  }
0x1c2: {  	_ =	swait.ge [sflag:s19], $0x2800  }
0x1c3: {  	[sflag:s19] =	ssyncset.done $0x0  }
0x1c4: {  	[sflag:s19] =	ssyncadd.s32 $0xFFFFD800  }
0x1c5: {  	_ =	swait.ge [sflag:s19], $0x500  }
0x1c6: {  	[sflag:s19] =	ssyncset.done $0x0  }
0x1c7: {  	s10 =	simm.s32 $0x16430;
	[sflag:s19] =	ssyncadd.s32 $0xFFFFFB00  }
0x1c8: {  	[tilespmem:s8], [sflag:$0x2] =	stream.indirect.gather [hbm4b:s1+s0], $0x80, s10, s0, $0xb8;
	[tilespmem:$0x1E2C0] =	vst v63  }
0x1c9: {  	_ =	swait.ge [sflag:s9], $0x2800  }
0x1ca: {  	[sflag:s9] =	ssyncset.done $0x0  }
0x1cb: {  	[sflag:s9] =	ssyncadd.s32 $0xFFFFD800  }
0x1cc: {  	[spmem:s4] =	stream.indirect.scatter.add.f32 [tilespmem:s2], [sflag:$0x4], $0x80, s31, s0, $0xb8;
	[tilespmem:$0x1E2C0] =	vst v63  }
0x1cd: {  	_ = 	snop  }
0x1ce: {  	[spmem:s5] =	stream.indirect.scatter.add.f32 [tilespmem:s24], [sflag:$0x4], $0x10, s31, s0, $0xb8;
	[tilespmem:$0x1E2C0] =	vst v63  }
0x1cf: {  	_ =	swait.ge [sflag:s11], $0x2800  }
0x1d0: {  	[sflag:s11] =	ssyncset.done $0x0  }
0x1d1: {  	[sflag:s11] =	ssyncadd.s32 $0xFFFFD800  }
0x1d2: {  	_ =	swait.ge [sflag:s11], $0x500  }
0x1d3: {  	[sflag:s11] =	ssyncset.done $0x0  }
0x1d4: {  	s15 =	simm.s32 $0x16480;
	[sflag:s11] =	ssyncadd.s32 $0xFFFFFB00  }
0x1d5: {  	[tilespmem:s13], [sflag:$0x3] =	stream.indirect.gather [hbm4b:s1+s0], $0x80, s15, s0, $0xb8;
	[tilespmem:$0x1E2C0] =	vst v63  }
0x1d6: {  	_ =	swait.ge [sflag:s14], $0x2800  }
0x1d7: {  	[sflag:s14] =	ssyncset.done $0x0  }
0x1d8: {  	s22 =	simm.s32 $0x16520;
	[sflag:s14] =	ssyncadd.s32 $0xFFFFD800  }
0x1d9: {  	[spmem:s4] =	stream.indirect.scatter.add.f32 [tilespmem:s8], [sflag:$0x5], $0x80, s22, s0, $0xb8;
	[tilespmem:$0x1E2C0] =	vst v63  }
0x1da: {  	_ = 	snop  }
0x1db: {  	[spmem:s5] =	stream.indirect.scatter.add.f32 [tilespmem:s24], [sflag:$0x5], $0x10, s22, s0, $0xb8;
	[tilespmem:$0x1E2C0] =	vst v63  }
0x1dc: {  	_ =	swait.ge [sflag:s16], $0x2800  }
0x1dd: {  	[sflag:s16] =	ssyncset.done $0x0  }
0x1de: {  	[sflag:s16] =	ssyncadd.s32 $0xFFFFD800  }
0x1df: {  	_ =	swait.ge [sflag:s16], $0x500  }
0x1e0: {  	[sflag:s16] =	ssyncset.done $0x0  }
0x1e1: {  	[sflag:s16] =	ssyncadd.s32 $0xFFFFFB00  }
0x1e2: {  	_ =	swait.ge [sflag:s17], $0x2800  }
0x1e3: {  	[sflag:s17] =	ssyncset.done $0x0  }
0x1e4: {  	s23 =	simm.s32 $0x16570;
	[sflag:s17] =	ssyncadd.s32 $0xFFFFD800  }
0x1e5: {  	[spmem:s4] =	stream.indirect.scatter.add.f32 [tilespmem:s13], [sflag:$0x6], $0x80, s23, s0, $0xb8;
	[tilespmem:$0x1E2C0] =	vst v63  }
0x1e6: {  	_ = 	snop  }
0x1e7: {  	[spmem:s5] =	stream.indirect.scatter.add.f32 [tilespmem:s24], [sflag:$0x6], $0x10, s23, s0, $0xb8;
	[tilespmem:$0x1E2C0] =	vst v63  }
0x1e8: {  	_ =	swait.ge [sflag:s19], $0x2800  }
0x1e9: {  	[sflag:s19] =	ssyncset.done $0x0  }
0x1ea: {  	[sflag:s19] =	ssyncadd.s32 $0xFFFFD800  }
0x1eb: {  	_ =	swait.ge [sflag:s19], $0x500  }
0x1ec: {  	[sflag:s19] =	ssyncset.done $0x0  }
0x1ed: {  	[sflag:s19] =	ssyncadd.s32 $0xFFFFFB00  }
0x1ee: {  	_ =	swait.ge [sflag:s11], $0x2800  }
0x1ef: {  	[sflag:s11] =	ssyncset.done $0x0  }
0x1f0: {  	[sflag:s11] =	ssyncadd.s32 $0xFFFFD800  }
0x1f1: {  	_ =	swait.ge [sflag:s11], $0x500  }
0x1f2: {  	[sflag:s11] =	ssyncset.done $0x0  }
0x1f3: {  	[sflag:s11] =	ssyncadd.s32 $0xFFFFFB00  }
0x1f4: {  	[bflag:$0x0] =	sbarrier.arrive $0xFFFF  }
0x1f5: {  	s15 =	rddreg [dreg:$0xd]  }
0x1f6: {  	s7 =	rddreg [dreg:$0x16]  }
0x1f7: {  	s25 =	rddreg [dreg:$0x1b]  }
0x1f8: {  	[hbm:s7], [sflag:s15] =	dma.local [spmem:s25], $0x2710  }
0x1f9: {  	s25 =	simm.s32 $0xA  }
0x1fa: {  	_ =	swait.ge [sflag:s25], $0x2710  }
0x1fb: {  	[sflag:s25] =	ssyncset.done $0x0;
	s3 =	rddreg [dreg:$0x17]  }
0x1fc: {  	s10 =	rddreg [dreg:$0x1c];
	[sflag:s25] =	ssyncadd.s32 $0xFFFFD8F0  }
0x1fd: {  	[hbm:s3], [sflag:s15] =	dma.local [spmem:s10], $0x4E2  }
0x1fe: {  	_ =	swait.ge [sflag:s25], $0x4E2  }
0x1ff: {  	s22 =	rddreg [dreg:$0x1a]  }
0x200: {  	s23 =	rddreg [dreg:$0x18];
	s3 =	sadd.s32 $0x1, s22  }
0x201: {  	p0 =	sne.s32 s3, s23  }
.Ltmp1:
0x202: {  	_ = 	snop;
	(pc) =	sbr.rel @p0 .LBB2_1-.Ltmp1, $3  }
0x203: {  	_ =	sdelay $0x1  }
0x204: {  	s30 =	simm.s32 $0x160C0;
	[sflag:s25] =	ssyncset.done $0x0  }
0x205: {  	s10 =	simm.s32 $0x16020;
	[sflag:s25] =	ssyncadd.s32 $0xFFFFFB1E;
	s23 =	simm.s32 $0x16070  }
0x206: {  	_ =	sfence.sel $0x180000  }
0x207: {  	[bflag:$0x0] =	sbarrier.arrive $0xFFFF  }
0x208: {  	_ =	strace $0x90000047  }
0x209: {  	s0 =	stileid.u32;
	[bflag:$0x2] =	sbarrier.arrive $0xFFFF  }
0x20a: {  	p0 =	sne.s32 s0, $0x0;
	s0 =	rddreg [dreg:$0x5]  }
0x20b: {  	s0 =	sadd.s32 @!p0 $0x100000, s0  }
0x20c: {  	[sflag:s0] =	ssyncadd.tile.s32 @!p0 $0x1;
	_ =	shalt  }
.Lfunc_end2:
_tile_overlayer_lowered:
.L_overlay_start_2:
0x20d: {  	(tag) =	ssettag $0x2  }
0x20e: {  	s0 =	rddreg [dreg:$0x0];
	s2 =	stileid.u32  }
0x20f: {  	s1 =	rddreg [dreg:$0x1];
	p0 =	sne.s32 s2, $0x0  }
0x210: {  	s3 =	rddreg [dreg:$0x2];
	[bflag:$0x3] =	sbarrier.arrive $0xFFFF;
	s2 =	simm.s32 @!p0 $0x1C0A  }
0x211: {  	[timem:s3], [sflag:s2] =	dma.local @!p0 [hbm:s0], s1  }
0x212: {  	s0 =	simm.s32 @!p0 $0xA  }
0x213: {  	_ =	swait.ge @!p0 [sflag:s0], s1  }
0x214: {  	s1 =	ssub.s32 @!p0 $0x0, s1;
	[sflag:s0] =	ssyncset.done @!p0 $0x0  }
0x215: {  	[sflag:s0] =	ssyncadd.s32 @!p0 s1  }
0x216: {  	[bflag:$0x3] =	sbarrier.arrive $0xFFFF  }
0x217: {  	_ =	shalt  }

</sc_bundles>
